<compile_context>
chip_gen: v7x
topology: tpu7x:2x2x1
jax: 0.10.2.dev20260603
libtpu: 0.0.44.dev20260713+nightly
codegen_flags: <defaults>
</compile_context>

<pallas_src>
import functools

import jax
import jax.numpy as jnp
from jax import lax
from jax.experimental import pallas as pl
from jax.experimental.pallas import tpu as pltpu, tpu_sc as plsc

NUM_LABELS = 33
EMB = 512
MAX_LEN = 2048
BATCH = 16
TOTAL = 16384

ROWS_PER_W = 1024
CHUNK = 64
NCHUNK = ROWS_PER_W // CHUNK
NBUF = 2
TOK_BUF = 1032
PAD_ID = NUM_LABELS
TAB_ROWS = NUM_LABELS + 1


def _body(tok_hbm, cu_hbm, tab_hbm, x_hbm, mask_hbm, ts_hbm,
          cu_v, tok_v, idx_v, mask_v, ts_v, buf, tab_v, zero_v,
          tsem, ssem0, ssem1):
    cid = lax.axis_index("c")
    sid = lax.axis_index("s")
    b = sid
    p0 = cid * ROWS_PER_W
    rbase = b * MAX_LEN + p0

    tab_cp = pltpu.async_copy(tab_hbm, tab_v, tsem)
    pltpu.sync_copy(cu_hbm, cu_v)

    iot = lax.broadcasted_iota(jnp.int32, (16,), 0)
    starts16 = cu_v[pl.ds(0, 16)]
    ends16 = plsc.load_gather(cu_v, [iot + 1])
    clipped16 = jnp.minimum(ends16 - starts16, MAX_LEN)

    @pl.when(jnp.logical_and(cid == 0, sid == 0))
    def _():
        ts = jnp.max(clipped16)
        ts_v[...] = jnp.broadcast_to(ts, (16,))
        pltpu.sync_copy(ts_v, ts_hbm)

    bvec = jnp.broadcast_to(b, (16,))
    s_splat = plsc.load_gather(cu_v, [bvec])
    e_splat = plsc.load_gather(cu_v, [bvec + 1])
    c_splat = jnp.minimum(e_splat - s_splat, MAX_LEN)
    s_scalar = jnp.max(s_splat)

    start = jnp.minimum(s_scalar + p0, TOTAL - TOK_BUF)
    start_al = pl.multiple_of(jnp.bitwise_and(start, -8), 8)
    pltpu.sync_copy(tok_hbm.at[pl.ds(start_al, TOK_BUF)], tok_v)

    for j in range(ROWS_PER_W // 16):
        p_vec = p0 + j * 16 + iot
        valid = p_vec < c_splat
        t_idx = jnp.clip(s_splat + p_vec - start_al, 0, TOK_BUF - 1)
        tok = plsc.load_gather(tok_v, [t_idx])
        g = jnp.where(valid, tok, PAD_ID)
        idx_v[pl.ds(j * 16, 16)] = g * EMB
        mask_v[pl.ds(j * 16, 16)] = jnp.where(valid, 1.0, 0.0)

    pltpu.sync_copy(mask_v, mask_hbm.at[pl.ds(rbase, ROWS_PER_W)])

    @plsc.parallel_loop(0, CHUNK, unroll=2)
    def zero_body(r):
        z = jnp.zeros((16,), jnp.float32)
        for k in range(EMB // 16):
            zero_v[r, pl.ds(k * 16, 16)] = z

    c_scalar = jnp.max(c_splat)
    nvalid = jnp.clip(c_scalar - p0, 0, ROWS_PER_W)
    tab_cp.wait()

    ssems = (ssem0, ssem1)

    @pl.loop(0, NCHUNK // NBUF)
    def group_body(g):
        c0 = g * NBUF
        for bsel in range(NBUF):
            c = c0 + bsel
            dst = x_hbm.at[pl.ds(rbase + c * CHUNK, CHUNK)]

            @pl.when(g > 0)
            def _(bsel=bsel, dst=dst):
                pltpu.make_async_copy(buf.at[bsel], dst, ssems[bsel]).wait()

            has_data = c * CHUNK < nvalid

            @pl.when(has_data)
            def _(c=c, bsel=bsel, dst=dst):
                @plsc.parallel_loop(0, CHUNK, unroll=2)
                def row_body(r):
                    base = plsc.load_gather(
                        idx_v, [jnp.broadcast_to(c * CHUNK + r, (16,))])
                    for k in range(EMB // 16):
                        v = plsc.load_gather(tab_v, [base + (k * 16) + iot])
                        buf[bsel, r, pl.ds(k * 16, 16)] = v

                pltpu.make_async_copy(buf.at[bsel], dst, ssems[bsel]).start()

            @pl.when(jnp.logical_not(has_data))
            def _(bsel=bsel, dst=dst):
                pltpu.make_async_copy(zero_v, dst, ssems[bsel]).start()

    for bsel in range(NBUF):
        c = NCHUNK - NBUF + bsel
        dst = x_hbm.at[pl.ds(rbase + c * CHUNK, CHUNK)]
        pltpu.make_async_copy(buf.at[bsel], dst, ssems[bsel]).wait()


@jax.jit
def _run(tokens, cu_pad, table_flat):
    mesh = plsc.VectorSubcoreMesh(core_axis_name="c", subcore_axis_name="s",
                                  num_cores=2, num_subcores=16)
    f = pl.kernel(
        _body,
        out_type=(
            jax.ShapeDtypeStruct((BATCH * MAX_LEN, EMB), jnp.float32),
            jax.ShapeDtypeStruct((BATCH * MAX_LEN,), jnp.float32),
            jax.ShapeDtypeStruct((16,), jnp.int32),
        ),
        mesh=mesh,
        compiler_params=pltpu.CompilerParams(needs_layout_passes=False),
        scratch_types=[
            pltpu.VMEM((24,), jnp.int32),
            pltpu.VMEM((TOK_BUF,), jnp.int32),
            pltpu.VMEM((ROWS_PER_W,), jnp.int32),
            pltpu.VMEM((ROWS_PER_W,), jnp.float32),
            pltpu.VMEM((16,), jnp.int32),
            pltpu.VMEM((NBUF, CHUNK, EMB), jnp.float32),
            pltpu.VMEM((TAB_ROWS * EMB,), jnp.float32),
            pltpu.VMEM((CHUNK, EMB), jnp.float32),
            pltpu.SemaphoreType.DMA,
            pltpu.SemaphoreType.DMA,
            pltpu.SemaphoreType.DMA,
        ],
    )
    return f(tokens, cu_pad, table_flat)


def kernel(tokens, cu_seqlens, embeddings):
    cu_pad = jnp.concatenate(
        [cu_seqlens.astype(jnp.int32),
         jnp.zeros((24 - cu_seqlens.shape[0],), jnp.int32)])
    table_flat = jnp.concatenate(
        [embeddings, jnp.zeros((1, EMB), embeddings.dtype)],
        axis=0).reshape(-1)
    x_flat, mask_flat, ts = _run(tokens, cu_pad, table_flat)
    x = x_flat.reshape(BATCH, MAX_LEN, EMB)
    mask = mask_flat.reshape(BATCH, MAX_LEN)
    return x, mask, ts[0]

# --- scband reference (transcript-rebuilt; emitter-appended) ---
"""Pipeline reference for scband-text-input-38577396253205 (READ-ONLY COPY).

The authoritative reference and input builder live on the scoring server;
editing this copy changes nothing except your own understanding.
"""

import jax, jax.numpy as jnp
import numpy as np

NUM_LABELS = 33  # len(token_hash) + 1
EMB = 512
MAX_LEN = 2048
BATCH = 16
TOTAL = 16384


def setup_inputs(seed: int = 0) -> dict:
    key = jax.random.key(seed)
    k1, k2, k3 = jax.random.split(key, 3)
    # tokens are already-hashed integer ids (the TF StaticHashTable string->int
    # lookup is modeled as identity on integer ids in [0, NUM_LABELS))
    tokens = jax.random.randint(k1, (TOTAL,), 0, NUM_LABELS, dtype=jnp.int32)
    interior = jnp.sort(jax.random.randint(k2, (BATCH - 1,), 0, TOTAL, dtype=jnp.int32))
    cu_seqlens = jnp.concatenate([
        jnp.zeros((1,), jnp.int32), interior, jnp.full((1,), TOTAL, jnp.int32)
    ])
    embeddings = jax.random.uniform(k3, (NUM_LABELS, EMB), minval=-1.0, maxval=1.0, dtype=jnp.float32)
    return {"tokens": tokens, "cu_seqlens": cu_seqlens, "embeddings": embeddings}


def reference(tokens, cu_seqlens, embeddings):
    max_len = MAX_LEN
    batch = cu_seqlens.shape[0] - 1
    # row lengths after slicing each ragged row to max_sequence_len
    lengths = cu_seqlens[1:] - cu_seqlens[:-1]
    clipped = jnp.minimum(lengths, max_len)
    total = tokens.shape[0]
    idx = jnp.arange(total, dtype=jnp.int32)
    # segment id (which ragged row) and position within the row
    seg = jnp.searchsorted(cu_seqlens, idx, side='right') - 1
    pos = idx - cu_seqlens[seg]
    valid = pos < max_len  # slicer: drop tokens past max_sequence_len
    # embedding lookup on flat values
    emb = jnp.take(embeddings, tokens, axis=0)
    emb = emb * valid[:, None].astype(emb.dtype)
    pos_c = jnp.minimum(pos, max_len - 1)
    # to_tensor + zero padding out to max_len (scatter-add of masked rows)
    x = jnp.zeros((batch, max_len, embeddings.shape[-1]), jnp.float32).at[seg, pos_c].add(emb)
    mask = (jnp.arange(max_len)[None, :] < clipped[:, None]).astype(jnp.float32)
    time_steps = jnp.max(clipped).astype(jnp.int32)
    return x, mask, time_steps

if __name__ == "__main__":
    import jax
    _d = setup_inputs()
    print(jax.jit(kernel)(*tuple(_d.values())))

</pallas_src>

<mosaic_0001>
#map = affine_map<(d0, d1) -> (0)>
#map1 = affine_map<(d0, d1) -> (0, 0)>
module attributes {stable_mosaic.version = 14 : i64} {
  func.func @_body(%arg0: i32, %arg1: i32, %arg2: memref<16384xi32, #tpu.memory_space<hbm>>, %arg3: memref<24xi32, #tpu.memory_space<hbm>>, %arg4: memref<17408xf32, #tpu.memory_space<hbm>>, %arg5: memref<32768x512xf32, #tpu.memory_space<hbm>>, %arg6: memref<32768xf32, #tpu.memory_space<hbm>>, %arg7: memref<16xi32, #tpu.memory_space<hbm>>, %arg8: memref<24xi32, #tpu.memory_space<vmem>>, %arg9: memref<1032xi32, #tpu.memory_space<vmem>>, %arg10: memref<1024xi32, #tpu.memory_space<vmem>>, %arg11: memref<1024xf32, #tpu.memory_space<vmem>>, %arg12: memref<16xi32, #tpu.memory_space<vmem>>, %arg13: memref<2x64x512xf32, #tpu.memory_space<vmem>>, %arg14: memref<17408xf32, #tpu.memory_space<vmem>>, %arg15: memref<64x512xf32, #tpu.memory_space<vmem>>, %arg16: memref<!tpu.dma_semaphore, #tpu.memory_space<semaphore_mem>>, %arg17: memref<!tpu.dma_semaphore, #tpu.memory_space<semaphore_mem>>, %arg18: memref<!tpu.dma_semaphore, #tpu.memory_space<semaphore_mem>>) attributes {dimension_semantics = [#tpu.dimension_semantics<core_parallel>, #tpu.dimension_semantics<subcore_parallel>], iteration_bounds = array<i64: 2, 16>, scalar_prefetch = 0 : i64, scratch_operands = 11 : i64, tpu.core_type = #tpu.core_type<sc_vector_subcore>, window_params = [{transform_indices = #map}, {transform_indices = #map}, {transform_indices = #map}, {transform_indices = #map1}, {transform_indices = #map}, {transform_indices = #map}]} {
    %mul3A = arith.constant 1024 : i32
    %mul3A_0 = arith.muli %arg0, %mul3A : i32
    %mul3A_1 = arith.constant 2048 : i32
    %mul3A_2 = arith.muli %arg1, %mul3A_1 : i32
    %add3A = arith.addi %mul3A_2, %mul3A_0 : i32
    tpu.enqueue_dma source(%arg4 : memref<17408xf32, #tpu.memory_space<hbm>>) target(%arg14 : memref<17408xf32, #tpu.memory_space<vmem>>) target_semaphore(%arg16 : memref<!tpu.dma_semaphore, #tpu.memory_space<semaphore_mem>>)
    "tpu.region"() ({
      %run_scoped3A = tpu.sem_alloc : memref<!tpu.dma_semaphore, #tpu.memory_space<semaphore_mem>>
      tpu.enqueue_dma source(%arg3 : memref<24xi32, #tpu.memory_space<hbm>>) target(%arg8 : memref<24xi32, #tpu.memory_space<vmem>>) target_semaphore(%run_scoped3A : memref<!tpu.dma_semaphore, #tpu.memory_space<semaphore_mem>>)
      tpu.wait_dma2 semaphore(%run_scoped3A : memref<!tpu.dma_semaphore, #tpu.memory_space<semaphore_mem>>) src(%arg3 : memref<24xi32, #tpu.memory_space<hbm>>) dst(%arg8 : memref<24xi32, #tpu.memory_space<vmem>>)
      tpu.yield
    }) : () -> ()
    %iota3A = tpu.iota {dimensions = array<i32: 0>} : vector<16xi32>
    %get3A = arith.constant 0 : index
    %get3A_3 = tpu.vector_load %arg8[%get3A] {strides = array<i32>} : memref<24xi32, #tpu.memory_space<vmem>>, vector<16xi32>,
    %add3A_4 = arith.constant 1 : i32
    %add3A_5 = vector.broadcast %add3A_4 : i32 to vector<16xi32>
    %add3A_6 = arith.addi %iota3A, %add3A_5 : vector<16xi32>
    %gather3A = tpu.vector_load_idx %arg8[%add3A_6] : memref<24xi32, #tpu.memory_space<vmem>>[vector<16xi32>], vector<16xi32>,
    %sub3A = arith.subi %gather3A, %get3A_3 : vector<16xi32>
    %min3A = arith.constant 2048 : i32
    %min3A_7 = vector.broadcast %min3A : i32 to vector<16xi32>
    %min3A_8 = arith.minsi %sub3A, %min3A_7 : vector<16xi32>
    %eq3A = arith.constant 0 : i32
    %eq3A_9 = arith.cmpi eq, %arg0, %eq3A : i32
    %eq3A_10 = arith.constant 0 : i32
    %eq3A_11 = arith.cmpi eq, %arg1, %eq3A_10 : i32
    %and3A = arith.andi %eq3A_9, %eq3A_11 : i1
    %convert_element_type3A = arith.extui %and3A : i1 to i32
    %cond3A = arith.constant 0 : i32
    %cond3A_12 = arith.cmpi ne, %convert_element_type3A, %cond3A : i32
    scf.if %cond3A_12 {
      %reduce_max3A_1997 = arith.constant true
      %reduce_max3A_1998 = vector.broadcast %reduce_max3A_1997 : i1 to vector<16xi1>
      %reduce_max3A_1999 = arith.constant -2147483648 : i32
      %reduce_max3A_2000 = vector.broadcast %reduce_max3A_1999 : i32 to vector<16xi32>
      %reduce_max3A_2001 = arith.xori %min3A_8, %reduce_max3A_2000 : vector<16xi32>
      %reduce_max3A_2002 = tpu.scan <max>, %reduce_max3A_2001 masked %reduce_max3A_1998 : vector<16xi32>, vector<16xi1> -> vector<16xi32>
      %reduce_max3A_2003 = arith.xori %reduce_max3A_2002, %reduce_max3A_2000 : vector<16xi32>
      %reduce_max3A_2004 = vector.extract %reduce_max3A_2003[15] : i32 from vector<16xi32>
      %broadcast_in_dim3A_2005 = vector.broadcast %reduce_max3A_2004 : i32 to vector<16xi32>
      %swap3A_2006 = arith.constant 0 : index
      %swap3A_2007 = tpu.vector_load %arg12[%swap3A_2006] {strides = array<i32>} : memref<16xi32, #tpu.memory_space<vmem>>, vector<16xi32>,
      tpu.vector_store %arg12[%swap3A_2006], %broadcast_in_dim3A_2005 {strides = array<i32>} : memref<16xi32, #tpu.memory_space<vmem>>, vector<16xi32>,
      "tpu.region"() ({
        %run_scoped3A = tpu.sem_alloc : memref<!tpu.dma_semaphore, #tpu.memory_space<semaphore_mem>>
        tpu.enqueue_dma source(%arg12 : memref<16xi32, #tpu.memory_space<vmem>>) target(%arg7 : memref<16xi32, #tpu.memory_space<hbm>>) target_semaphore(%run_scoped3A : memref<!tpu.dma_semaphore, #tpu.memory_space<semaphore_mem>>)
        tpu.wait_dma2 semaphore(%run_scoped3A : memref<!tpu.dma_semaphore, #tpu.memory_space<semaphore_mem>>) src(%arg12 : memref<16xi32, #tpu.memory_space<vmem>>) dst(%arg7 : memref<16xi32, #tpu.memory_space<hbm>>)
        tpu.yield
      }) : () -> ()
    } else {
    }
    %broadcast_in_dim3A = vector.broadcast %arg1 : i32 to vector<16xi32>
    %gather3A_13 = tpu.vector_load_idx %arg8[%broadcast_in_dim3A] : memref<24xi32, #tpu.memory_space<vmem>>[vector<16xi32>], vector<16xi32>,
    %add3A_14 = arith.constant 1 : i32
    %add3A_15 = vector.broadcast %add3A_14 : i32 to vector<16xi32>
    %add3A_16 = arith.addi %broadcast_in_dim3A, %add3A_15 : vector<16xi32>
    %gather3A_17 = tpu.vector_load_idx %arg8[%add3A_16] : memref<24xi32, #tpu.memory_space<vmem>>[vector<16xi32>], vector<16xi32>,
    %sub3A_18 = arith.subi %gather3A_17, %gather3A_13 : vector<16xi32>
    %min3A_19 = arith.constant 2048 : i32
    %min3A_20 = vector.broadcast %min3A_19 : i32 to vector<16xi32>
    %min3A_21 = arith.minsi %sub3A_18, %min3A_20 : vector<16xi32>
    %reduce_max3A = arith.constant true
    %reduce_max3A_22 = vector.broadcast %reduce_max3A : i1 to vector<16xi1>
    %reduce_max3A_23 = arith.constant -2147483648 : i32
    %reduce_max3A_24 = vector.broadcast %reduce_max3A_23 : i32 to vector<16xi32>
    %reduce_max3A_25 = arith.xori %gather3A_13, %reduce_max3A_24 : vector<16xi32>
    %reduce_max3A_26 = tpu.scan <max>, %reduce_max3A_25 masked %reduce_max3A_22 : vector<16xi32>, vector<16xi1> -> vector<16xi32>
    %reduce_max3A_27 = arith.xori %reduce_max3A_26, %reduce_max3A_24 : vector<16xi32>
    %reduce_max3A_28 = vector.extract %reduce_max3A_27[15] : i32 from vector<16xi32>
    %add3A_29 = arith.addi %reduce_max3A_28, %mul3A_0 : i32
    %min3A_30 = arith.constant 15352 : i32
    %min3A_31 = arith.minsi %add3A_29, %min3A_30 : i32
    %and3A_32 = arith.constant -8 : i32
    %and3A_33 = arith.andi %min3A_31, %and3A_32 : i32
    %multiple_of3A = tpu.assume_multiple %and3A_33, 8 : i32
    "tpu.region"() ({
      %run_scoped3A = tpu.sem_alloc : memref<!tpu.dma_semaphore, #tpu.memory_space<semaphore_mem>>
      %dma_start3A = tpu.memref_slice %arg2[%multiple_of3A] : memref<16384xi32, #tpu.memory_space<hbm>> -> memref<1032xi32, #tpu.memory_space<hbm>>
      %dma_start3A_1997 = tpu.memref_slice %arg2[%multiple_of3A] : memref<16384xi32, #tpu.memory_space<hbm>> -> memref<1032xi32, #tpu.memory_space<hbm>>
      tpu.enqueue_dma source(%dma_start3A_1997 : memref<1032xi32, #tpu.memory_space<hbm>>) target(%arg9 : memref<1032xi32, #tpu.memory_space<vmem>>) target_semaphore(%run_scoped3A : memref<!tpu.dma_semaphore, #tpu.memory_space<semaphore_mem>>)
      %dma_wait3A_1998 = tpu.memref_slice %arg2[%multiple_of3A] : memref<16384xi32, #tpu.memory_space<hbm>> -> memref<1032xi32, #tpu.memory_space<hbm>>
      %dma_wait3A_1999 = tpu.memref_slice %arg2[%multiple_of3A] : memref<16384xi32, #tpu.memory_space<hbm>> -> memref<1032xi32, #tpu.memory_space<hbm>>
      tpu.wait_dma2 semaphore(%run_scoped3A : memref<!tpu.dma_semaphore, #tpu.memory_space<semaphore_mem>>) src(%dma_wait3A_1999 : memref<1032xi32, #tpu.memory_space<hbm>>) dst(%arg9 : memref<1032xi32, #tpu.memory_space<vmem>>)
      tpu.yield
    }) : () -> ()
    %add3A_34 = arith.constant 0 : i32
    %add3A_35 = arith.addi %mul3A_0, %add3A_34 : i32
    %add3A_36 = vector.broadcast %add3A_35 : i32 to vector<16xi32>
    %add3A_37 = arith.addi %add3A_36, %iota3A : vector<16xi32>
    %lt3A = arith.cmpi slt, %add3A_37, %min3A_21 : vector<16xi32>
    %add3A_38 = arith.addi %gather3A_13, %add3A_37 : vector<16xi32>
    %sub3A_39 = vector.broadcast %multiple_of3A : i32 to vector<16xi32>
    %sub3A_40 = arith.subi %add3A_38, %sub3A_39 : vector<16xi32>
    %jit3A = arith.constant 0 : i32
    %jit3A_41 = arith.constant 1031 : i32
    %max3A = vector.broadcast %jit3A : i32 to vector<16xi32>
    %max3A_42 = arith.maxsi %max3A, %sub3A_40 : vector<16xi32>
    %min3A_43 = vector.broadcast %jit3A_41 : i32 to vector<16xi32>
    %min3A_44 = arith.minsi %min3A_43, %max3A_42 : vector<16xi32>
    %gather3A_45 = tpu.vector_load_idx %arg9[%min3A_44] : memref<1032xi32, #tpu.memory_space<vmem>>[vector<16xi32>], vector<16xi32>,
    %jit3A_46 = arith.constant 33 : i32
    %broadcast_in_dim3A_47 = vector.broadcast %jit3A_46 : i32 to vector<16xi32>
    %select_n3A = arith.select %lt3A, %gather3A_45, %broadcast_in_dim3A_47 : vector<16xi1>, vector<16xi32>
    %mul3A_48 = arith.constant 512 : i32
    %mul3A_49 = vector.broadcast %mul3A_48 : i32 to vector<16xi32>
    %mul3A_50 = arith.muli %select_n3A, %mul3A_49 : vector<16xi32>
    %swap3A = arith.constant 0 : index
    %swap3A_51 = tpu.vector_load %arg10[%swap3A] {strides = array<i32>} : memref<1024xi32, #tpu.memory_space<vmem>>, vector<16xi32>,
    tpu.vector_store %arg10[%swap3A], %mul3A_50 {strides = array<i32>} : memref<1024xi32, #tpu.memory_space<vmem>>, vector<16xi32>,
    %jit3A_52 = arith.constant 1.000000e+00 : f32
    %jit3A_53 = arith.constant 0.000000e+00 : f32
    %broadcast_in_dim3A_54 = vector.broadcast %jit3A_52 : f32 to vector<16xf32>
    %broadcast_in_dim3A_55 = vector.broadcast %jit3A_53 : f32 to vector<16xf32>
    %select_n3A_56 = arith.select %lt3A, %broadcast_in_dim3A_54, %broadcast_in_dim3A_55 : vector<16xi1>, vector<16xf32>
    %swap3A_57 = arith.constant 0 : index
    %swap3A_58 = tpu.vector_load %arg11[%swap3A_57] {strides = array<i32>} : memref<1024xf32, #tpu.memory_space<vmem>>, vector<16xf32>,
    tpu.vector_store %arg11[%swap3A_57], %select_n3A_56 {strides = array<i32>} : memref<1024xf32, #tpu.memory_space<vmem>>, vector<16xf32>,
    %add3A_59 = arith.constant 16 : i32
    %add3A_60 = arith.addi %mul3A_0, %add3A_59 : i32
    %add3A_61 = vector.broadcast %add3A_60 : i32 to vector<16xi32>
    %add3A_62 = arith.addi %add3A_61, %iota3A : vector<16xi32>
    %lt3A_63 = arith.cmpi slt, %add3A_62, %min3A_21 : vector<16xi32>
    %add3A_64 = arith.addi %gather3A_13, %add3A_62 : vector<16xi32>
    %sub3A_65 = vector.broadcast %multiple_of3A : i32 to vector<16xi32>
    %sub3A_66 = arith.subi %add3A_64, %sub3A_65 : vector<16xi32>
    %jit3A_67 = arith.constant 0 : i32
    %jit3A_68 = arith.constant 1031 : i32
    %max3A_69 = vector.broadcast %jit3A_67 : i32 to vector<16xi32>
    %max3A_70 = arith.maxsi %max3A_69, %sub3A_66 : vector<16xi32>
    %min3A_71 = vector.broadcast %jit3A_68 : i32 to vector<16xi32>
    %min3A_72 = arith.minsi %min3A_71, %max3A_70 : vector<16xi32>
    %gather3A_73 = tpu.vector_load_idx %arg9[%min3A_72] : memref<1032xi32, #tpu.memory_space<vmem>>[vector<16xi32>], vector<16xi32>,
    %jit3A_74 = arith.constant 33 : i32
    %broadcast_in_dim3A_75 = vector.broadcast %jit3A_74 : i32 to vector<16xi32>
    %select_n3A_76 = arith.select %lt3A_63, %gather3A_73, %broadcast_in_dim3A_75 : vector<16xi1>, vector<16xi32>
    %mul3A_77 = arith.constant 512 : i32
    %mul3A_78 = vector.broadcast %mul3A_77 : i32 to vector<16xi32>
    %mul3A_79 = arith.muli %select_n3A_76, %mul3A_78 : vector<16xi32>
    %swap3A_80 = arith.constant 16 : index
    %swap3A_81 = tpu.vector_load %arg10[%swap3A_80] {strides = array<i32>} : memref<1024xi32, #tpu.memory_space<vmem>>, vector<16xi32>,
    tpu.vector_store %arg10[%swap3A_80], %mul3A_79 {strides = array<i32>} : memref<1024xi32, #tpu.memory_space<vmem>>, vector<16xi32>,
    %jit3A_82 = arith.constant 1.000000e+00 : f32
    %jit3A_83 = arith.constant 0.000000e+00 : f32
    %broadcast_in_dim3A_84 = vector.broadcast %jit3A_82 : f32 to vector<16xf32>
    %broadcast_in_dim3A_85 = vector.broadcast %jit3A_83 : f32 to vector<16xf32>
    %select_n3A_86 = arith.select %lt3A_63, %broadcast_in_dim3A_84, %broadcast_in_dim3A_85 : vector<16xi1>, vector<16xf32>
    %swap3A_87 = arith.constant 16 : index
    %swap3A_88 = tpu.vector_load %arg11[%swap3A_87] {strides = array<i32>} : memref<1024xf32, #tpu.memory_space<vmem>>, vector<16xf32>,
    tpu.vector_store %arg11[%swap3A_87], %select_n3A_86 {strides = array<i32>} : memref<1024xf32, #tpu.memory_space<vmem>>, vector<16xf32>,
    %add3A_89 = arith.constant 32 : i32
    %add3A_90 = arith.addi %mul3A_0, %add3A_89 : i32
    %add3A_91 = vector.broadcast %add3A_90 : i32 to vector<16xi32>
    %add3A_92 = arith.addi %add3A_91, %iota3A : vector<16xi32>
    %lt3A_93 = arith.cmpi slt, %add3A_92, %min3A_21 : vector<16xi32>
    %add3A_94 = arith.addi %gather3A_13, %add3A_92 : vector<16xi32>
    %sub3A_95 = vector.broadcast %multiple_of3A : i32 to vector<16xi32>
    %sub3A_96 = arith.subi %add3A_94, %sub3A_95 : vector<16xi32>
    %jit3A_97 = arith.constant 0 : i32
    %jit3A_98 = arith.constant 1031 : i32
    %max3A_99 = vector.broadcast %jit3A_97 : i32 to vector<16xi32>
    %max3A_100 = arith.maxsi %max3A_99, %sub3A_96 : vector<16xi32>
    %min3A_101 = vector.broadcast %jit3A_98 : i32 to vector<16xi32>
    %min3A_102 = arith.minsi %min3A_101, %max3A_100 : vector<16xi32>
    %gather3A_103 = tpu.vector_load_idx %arg9[%min3A_102] : memref<1032xi32, #tpu.memory_space<vmem>>[vector<16xi32>], vector<16xi32>,
    %jit3A_104 = arith.constant 33 : i32
    %broadcast_in_dim3A_105 = vector.broadcast %jit3A_104 : i32 to vector<16xi32>
    %select_n3A_106 = arith.select %lt3A_93, %gather3A_103, %broadcast_in_dim3A_105 : vector<16xi1>, vector<16xi32>
    %mul3A_107 = arith.constant 512 : i32
    %mul3A_108 = vector.broadcast %mul3A_107 : i32 to vector<16xi32>
    %mul3A_109 = arith.muli %select_n3A_106, %mul3A_108 : vector<16xi32>
    %swap3A_110 = arith.constant 32 : index
    %swap3A_111 = tpu.vector_load %arg10[%swap3A_110] {strides = array<i32>} : memref<1024xi32, #tpu.memory_space<vmem>>, vector<16xi32>,
    tpu.vector_store %arg10[%swap3A_110], %mul3A_109 {strides = array<i32>} : memref<1024xi32, #tpu.memory_space<vmem>>, vector<16xi32>,
    %jit3A_112 = arith.constant 1.000000e+00 : f32
    %jit3A_113 = arith.constant 0.000000e+00 : f32
    %broadcast_in_dim3A_114 = vector.broadcast %jit3A_112 : f32 to vector<16xf32>
    %broadcast_in_dim3A_115 = vector.broadcast %jit3A_113 : f32 to vector<16xf32>
    %select_n3A_116 = arith.select %lt3A_93, %broadcast_in_dim3A_114, %broadcast_in_dim3A_115 : vector<16xi1>, vector<16xf32>
    %swap3A_117 = arith.constant 32 : index
    %swap3A_118 = tpu.vector_load %arg11[%swap3A_117] {strides = array<i32>} : memref<1024xf32, #tpu.memory_space<vmem>>, vector<16xf32>,
    tpu.vector_store %arg11[%swap3A_117], %select_n3A_116 {strides = array<i32>} : memref<1024xf32, #tpu.memory_space<vmem>>, vector<16xf32>,
    %add3A_119 = arith.constant 48 : i32
    %add3A_120 = arith.addi %mul3A_0, %add3A_119 : i32
    %add3A_121 = vector.broadcast %add3A_120 : i32 to vector<16xi32>
    %add3A_122 = arith.addi %add3A_121, %iota3A : vector<16xi32>
    %lt3A_123 = arith.cmpi slt, %add3A_122, %min3A_21 : vector<16xi32>
    %add3A_124 = arith.addi %gather3A_13, %add3A_122 : vector<16xi32>
    %sub3A_125 = vector.broadcast %multiple_of3A : i32 to vector<16xi32>
    %sub3A_126 = arith.subi %add3A_124, %sub3A_125 : vector<16xi32>
    %jit3A_127 = arith.constant 0 : i32
    %jit3A_128 = arith.constant 1031 : i32
    %max3A_129 = vector.broadcast %jit3A_127 : i32 to vector<16xi32>
    %max3A_130 = arith.maxsi %max3A_129, %sub3A_126 : vector<16xi32>
    %min3A_131 = vector.broadcast %jit3A_128 : i32 to vector<16xi32>
    %min3A_132 = arith.minsi %min3A_131, %max3A_130 : vector<16xi32>
    %gather3A_133 = tpu.vector_load_idx %arg9[%min3A_132] : memref<1032xi32, #tpu.memory_space<vmem>>[vector<16xi32>], vector<16xi32>,
    %jit3A_134 = arith.constant 33 : i32
    %broadcast_in_dim3A_135 = vector.broadcast %jit3A_134 : i32 to vector<16xi32>
    %select_n3A_136 = arith.select %lt3A_123, %gather3A_133, %broadcast_in_dim3A_135 : vector<16xi1>, vector<16xi32>
    %mul3A_137 = arith.constant 512 : i32
    %mul3A_138 = vector.broadcast %mul3A_137 : i32 to vector<16xi32>
    %mul3A_139 = arith.muli %select_n3A_136, %mul3A_138 : vector<16xi32>
    %swap3A_140 = arith.constant 48 : index
    %swap3A_141 = tpu.vector_load %arg10[%swap3A_140] {strides = array<i32>} : memref<1024xi32, #tpu.memory_space<vmem>>, vector<16xi32>,
    tpu.vector_store %arg10[%swap3A_140], %mul3A_139 {strides = array<i32>} : memref<1024xi32, #tpu.memory_space<vmem>>, vector<16xi32>,
    %jit3A_142 = arith.constant 1.000000e+00 : f32
    %jit3A_143 = arith.constant 0.000000e+00 : f32
    %broadcast_in_dim3A_144 = vector.broadcast %jit3A_142 : f32 to vector<16xf32>
    %broadcast_in_dim3A_145 = vector.broadcast %jit3A_143 : f32 to vector<16xf32>
    %select_n3A_146 = arith.select %lt3A_123, %broadcast_in_dim3A_144, %broadcast_in_dim3A_145 : vector<16xi1>, vector<16xf32>
    %swap3A_147 = arith.constant 48 : index
    %swap3A_148 = tpu.vector_load %arg11[%swap3A_147] {strides = array<i32>} : memref<1024xf32, #tpu.memory_space<vmem>>, vector<16xf32>,
    tpu.vector_store %arg11[%swap3A_147], %select_n3A_146 {strides = array<i32>} : memref<1024xf32, #tpu.memory_space<vmem>>, vector<16xf32>,
    %add3A_149 = arith.constant 64 : i32
    %add3A_150 = arith.addi %mul3A_0, %add3A_149 : i32
    %add3A_151 = vector.broadcast %add3A_150 : i32 to vector<16xi32>
    %add3A_152 = arith.addi %add3A_151, %iota3A : vector<16xi32>
    %lt3A_153 = arith.cmpi slt, %add3A_152, %min3A_21 : vector<16xi32>
    %add3A_154 = arith.addi %gather3A_13, %add3A_152 : vector<16xi32>
    %sub3A_155 = vector.broadcast %multiple_of3A : i32 to vector<16xi32>
    %sub3A_156 = arith.subi %add3A_154, %sub3A_155 : vector<16xi32>
    %jit3A_157 = arith.constant 0 : i32
    %jit3A_158 = arith.constant 1031 : i32
    %max3A_159 = vector.broadcast %jit3A_157 : i32 to vector<16xi32>
    %max3A_160 = arith.maxsi %max3A_159, %sub3A_156 : vector<16xi32>
    %min3A_161 = vector.broadcast %jit3A_158 : i32 to vector<16xi32>
    %min3A_162 = arith.minsi %min3A_161, %max3A_160 : vector<16xi32>
    %gather3A_163 = tpu.vector_load_idx %arg9[%min3A_162] : memref<1032xi32, #tpu.memory_space<vmem>>[vector<16xi32>], vector<16xi32>,
    %jit3A_164 = arith.constant 33 : i32
    %broadcast_in_dim3A_165 = vector.broadcast %jit3A_164 : i32 to vector<16xi32>
    %select_n3A_166 = arith.select %lt3A_153, %gather3A_163, %broadcast_in_dim3A_165 : vector<16xi1>, vector<16xi32>
    %mul3A_167 = arith.constant 512 : i32
    %mul3A_168 = vector.broadcast %mul3A_167 : i32 to vector<16xi32>
    %mul3A_169 = arith.muli %select_n3A_166, %mul3A_168 : vector<16xi32>
    %swap3A_170 = arith.constant 64 : index
    %swap3A_171 = tpu.vector_load %arg10[%swap3A_170] {strides = array<i32>} : memref<1024xi32, #tpu.memory_space<vmem>>, vector<16xi32>,
    tpu.vector_store %arg10[%swap3A_170], %mul3A_169 {strides = array<i32>} : memref<1024xi32, #tpu.memory_space<vmem>>, vector<16xi32>,
    %jit3A_172 = arith.constant 1.000000e+00 : f32
    %jit3A_173 = arith.constant 0.000000e+00 : f32
    %broadcast_in_dim3A_174 = vector.broadcast %jit3A_172 : f32 to vector<16xf32>
    %broadcast_in_dim3A_175 = vector.broadcast %jit3A_173 : f32 to vector<16xf32>
    %select_n3A_176 = arith.select %lt3A_153, %broadcast_in_dim3A_174, %broadcast_in_dim3A_175 : vector<16xi1>, vector<16xf32>
    %swap3A_177 = arith.constant 64 : index
    %swap3A_178 = tpu.vector_load %arg11[%swap3A_177] {strides = array<i32>} : memref<1024xf32, #tpu.memory_space<vmem>>, vector<16xf32>,
    tpu.vector_store %arg11[%swap3A_177], %select_n3A_176 {strides = array<i32>} : memref<1024xf32, #tpu.memory_space<vmem>>, vector<16xf32>,
    %add3A_179 = arith.constant 80 : i32
    %add3A_180 = arith.addi %mul3A_0, %add3A_179 : i32
    %add3A_181 = vector.broadcast %add3A_180 : i32 to vector<16xi32>
    %add3A_182 = arith.addi %add3A_181, %iota3A : vector<16xi32>
    %lt3A_183 = arith.cmpi slt, %add3A_182, %min3A_21 : vector<16xi32>
    %add3A_184 = arith.addi %gather3A_13, %add3A_182 : vector<16xi32>
    %sub3A_185 = vector.broadcast %multiple_of3A : i32 to vector<16xi32>
    %sub3A_186 = arith.subi %add3A_184, %sub3A_185 : vector<16xi32>
    %jit3A_187 = arith.constant 0 : i32
    %jit3A_188 = arith.constant 1031 : i32
    %max3A_189 = vector.broadcast %jit3A_187 : i32 to vector<16xi32>
    %max3A_190 = arith.maxsi %max3A_189, %sub3A_186 : vector<16xi32>
    %min3A_191 = vector.broadcast %jit3A_188 : i32 to vector<16xi32>
    %min3A_192 = arith.minsi %min3A_191, %max3A_190 : vector<16xi32>
    %gather3A_193 = tpu.vector_load_idx %arg9[%min3A_192] : memref<1032xi32, #tpu.memory_space<vmem>>[vector<16xi32>], vector<16xi32>,
    %jit3A_194 = arith.constant 33 : i32
    %broadcast_in_dim3A_195 = vector.broadcast %jit3A_194 : i32 to vector<16xi32>
    %select_n3A_196 = arith.select %lt3A_183, %gather3A_193, %broadcast_in_dim3A_195 : vector<16xi1>, vector<16xi32>
    %mul3A_197 = arith.constant 512 : i32
    %mul3A_198 = vector.broadcast %mul3A_197 : i32 to vector<16xi32>
    %mul3A_199 = arith.muli %select_n3A_196, %mul3A_198 : vector<16xi32>
    %swap3A_200 = arith.constant 80 : index
    %swap3A_201 = tpu.vector_load %arg10[%swap3A_200] {strides = array<i32>} : memref<1024xi32, #tpu.memory_space<vmem>>, vector<16xi32>,
    tpu.vector_store %arg10[%swap3A_200], %mul3A_199 {strides = array<i32>} : memref<1024xi32, #tpu.memory_space<vmem>>, vector<16xi32>,
    %jit3A_202 = arith.constant 1.000000e+00 : f32
    %jit3A_203 = arith.constant 0.000000e+00 : f32
    %broadcast_in_dim3A_204 = vector.broadcast %jit3A_202 : f32 to vector<16xf32>
    %broadcast_in_dim3A_205 = vector.broadcast %jit3A_203 : f32 to vector<16xf32>
    %select_n3A_206 = arith.select %lt3A_183, %broadcast_in_dim3A_204, %broadcast_in_dim3A_205 : vector<16xi1>, vector<16xf32>
    %swap3A_207 = arith.constant 80 : index
    %swap3A_208 = tpu.vector_load %arg11[%swap3A_207] {strides = array<i32>} : memref<1024xf32, #tpu.memory_space<vmem>>, vector<16xf32>,
    tpu.vector_store %arg11[%swap3A_207], %select_n3A_206 {strides = array<i32>} : memref<1024xf32, #tpu.memory_space<vmem>>, vector<16xf32>,
    %add3A_209 = arith.constant 96 : i32
    %add3A_210 = arith.addi %mul3A_0, %add3A_209 : i32
    %add3A_211 = vector.broadcast %add3A_210 : i32 to vector<16xi32>
    %add3A_212 = arith.addi %add3A_211, %iota3A : vector<16xi32>
    %lt3A_213 = arith.cmpi slt, %add3A_212, %min3A_21 : vector<16xi32>
    %add3A_214 = arith.addi %gather3A_13, %add3A_212 : vector<16xi32>
    %sub3A_215 = vector.broadcast %multiple_of3A : i32 to vector<16xi32>
    %sub3A_216 = arith.subi %add3A_214, %sub3A_215 : vector<16xi32>
    %jit3A_217 = arith.constant 0 : i32
    %jit3A_218 = arith.constant 1031 : i32
    %max3A_219 = vector.broadcast %jit3A_217 : i32 to vector<16xi32>
    %max3A_220 = arith.maxsi %max3A_219, %sub3A_216 : vector<16xi32>
    %min3A_221 = vector.broadcast %jit3A_218 : i32 to vector<16xi32>
    %min3A_222 = arith.minsi %min3A_221, %max3A_220 : vector<16xi32>
    %gather3A_223 = tpu.vector_load_idx %arg9[%min3A_222] : memref<1032xi32, #tpu.memory_space<vmem>>[vector<16xi32>], vector<16xi32>,
    %jit3A_224 = arith.constant 33 : i32
    %broadcast_in_dim3A_225 = vector.broadcast %jit3A_224 : i32 to vector<16xi32>
    %select_n3A_226 = arith.select %lt3A_213, %gather3A_223, %broadcast_in_dim3A_225 : vector<16xi1>, vector<16xi32>
    %mul3A_227 = arith.constant 512 : i32
    %mul3A_228 = vector.broadcast %mul3A_227 : i32 to vector<16xi32>
    %mul3A_229 = arith.muli %select_n3A_226, %mul3A_228 : vector<16xi32>
    %swap3A_230 = arith.constant 96 : index
    %swap3A_231 = tpu.vector_load %arg10[%swap3A_230] {strides = array<i32>} : memref<1024xi32, #tpu.memory_space<vmem>>, vector<16xi32>,
    tpu.vector_store %arg10[%swap3A_230], %mul3A_229 {strides = array<i32>} : memref<1024xi32, #tpu.memory_space<vmem>>, vector<16xi32>,
    %jit3A_232 = arith.constant 1.000000e+00 : f32
    %jit3A_233 = arith.constant 0.000000e+00 : f32
    %broadcast_in_dim3A_234 = vector.broadcast %jit3A_232 : f32 to vector<16xf32>
    %broadcast_in_dim3A_235 = vector.broadcast %jit3A_233 : f32 to vector<16xf32>
    %select_n3A_236 = arith.select %lt3A_213, %broadcast_in_dim3A_234, %broadcast_in_dim3A_235 : vector<16xi1>, vector<16xf32>
    %swap3A_237 = arith.constant 96 : index
    %swap3A_238 = tpu.vector_load %arg11[%swap3A_237] {strides = array<i32>} : memref<1024xf32, #tpu.memory_space<vmem>>, vector<16xf32>,
    tpu.vector_store %arg11[%swap3A_237], %select_n3A_236 {strides = array<i32>} : memref<1024xf32, #tpu.memory_space<vmem>>, vector<16xf32>,
    %add3A_239 = arith.constant 112 : i32
    %add3A_240 = arith.addi %mul3A_0, %add3A_239 : i32
    %add3A_241 = vector.broadcast %add3A_240 : i32 to vector<16xi32>
    %add3A_242 = arith.addi %add3A_241, %iota3A : vector<16xi32>
    %lt3A_243 = arith.cmpi slt, %add3A_242, %min3A_21 : vector<16xi32>
    %add3A_244 = arith.addi %gather3A_13, %add3A_242 : vector<16xi32>
    %sub3A_245 = vector.broadcast %multiple_of3A : i32 to vector<16xi32>
    %sub3A_246 = arith.subi %add3A_244, %sub3A_245 : vector<16xi32>
    %jit3A_247 = arith.constant 0 : i32
    %jit3A_248 = arith.constant 1031 : i32
    %max3A_249 = vector.broadcast %jit3A_247 : i32 to vector<16xi32>
    %max3A_250 = arith.maxsi %max3A_249, %sub3A_246 : vector<16xi32>
    %min3A_251 = vector.broadcast %jit3A_248 : i32 to vector<16xi32>
    %min3A_252 = arith.minsi %min3A_251, %max3A_250 : vector<16xi32>
    %gather3A_253 = tpu.vector_load_idx %arg9[%min3A_252] : memref<1032xi32, #tpu.memory_space<vmem>>[vector<16xi32>], vector<16xi32>,
    %jit3A_254 = arith.constant 33 : i32
    %broadcast_in_dim3A_255 = vector.broadcast %jit3A_254 : i32 to vector<16xi32>
    %select_n3A_256 = arith.select %lt3A_243, %gather3A_253, %broadcast_in_dim3A_255 : vector<16xi1>, vector<16xi32>
    %mul3A_257 = arith.constant 512 : i32
    %mul3A_258 = vector.broadcast %mul3A_257 : i32 to vector<16xi32>
    %mul3A_259 = arith.muli %select_n3A_256, %mul3A_258 : vector<16xi32>
    %swap3A_260 = arith.constant 112 : index
    %swap3A_261 = tpu.vector_load %arg10[%swap3A_260] {strides = array<i32>} : memref<1024xi32, #tpu.memory_space<vmem>>, vector<16xi32>,
    tpu.vector_store %arg10[%swap3A_260], %mul3A_259 {strides = array<i32>} : memref<1024xi32, #tpu.memory_space<vmem>>, vector<16xi32>,
    %jit3A_262 = arith.constant 1.000000e+00 : f32
    %jit3A_263 = arith.constant 0.000000e+00 : f32
    %broadcast_in_dim3A_264 = vector.broadcast %jit3A_262 : f32 to vector<16xf32>
    %broadcast_in_dim3A_265 = vector.broadcast %jit3A_263 : f32 to vector<16xf32>
    %select_n3A_266 = arith.select %lt3A_243, %broadcast_in_dim3A_264, %broadcast_in_dim3A_265 : vector<16xi1>, vector<16xf32>
    %swap3A_267 = arith.constant 112 : index
    %swap3A_268 = tpu.vector_load %arg11[%swap3A_267] {strides = array<i32>} : memref<1024xf32, #tpu.memory_space<vmem>>, vector<16xf32>,
    tpu.vector_store %arg11[%swap3A_267], %select_n3A_266 {strides = array<i32>} : memref<1024xf32, #tpu.memory_space<vmem>>, vector<16xf32>,
    %add3A_269 = arith.constant 128 : i32
    %add3A_270 = arith.addi %mul3A_0, %add3A_269 : i32
    %add3A_271 = vector.broadcast %add3A_270 : i32 to vector<16xi32>
    %add3A_272 = arith.addi %add3A_271, %iota3A : vector<16xi32>
    %lt3A_273 = arith.cmpi slt, %add3A_272, %min3A_21 : vector<16xi32>
    %add3A_274 = arith.addi %gather3A_13, %add3A_272 : vector<16xi32>
    %sub3A_275 = vector.broadcast %multiple_of3A : i32 to vector<16xi32>
    %sub3A_276 = arith.subi %add3A_274, %sub3A_275 : vector<16xi32>
    %jit3A_277 = arith.constant 0 : i32
    %jit3A_278 = arith.constant 1031 : i32
    %max3A_279 = vector.broadcast %jit3A_277 : i32 to vector<16xi32>
    %max3A_280 = arith.maxsi %max3A_279, %sub3A_276 : vector<16xi32>
    %min3A_281 = vector.broadcast %jit3A_278 : i32 to vector<16xi32>
    %min3A_282 = arith.minsi %min3A_281, %max3A_280 : vector<16xi32>
    %gather3A_283 = tpu.vector_load_idx %arg9[%min3A_282] : memref<1032xi32, #tpu.memory_space<vmem>>[vector<16xi32>], vector<16xi32>,
    %jit3A_284 = arith.constant 33 : i32
    %broadcast_in_dim3A_285 = vector.broadcast %jit3A_284 : i32 to vector<16xi32>
    %select_n3A_286 = arith.select %lt3A_273, %gather3A_283, %broadcast_in_dim3A_285 : vector<16xi1>, vector<16xi32>
    %mul3A_287 = arith.constant 512 : i32
    %mul3A_288 = vector.broadcast %mul3A_287 : i32 to vector<16xi32>
    %mul3A_289 = arith.muli %select_n3A_286, %mul3A_288 : vector<16xi32>
    %swap3A_290 = arith.constant 128 : index
    %swap3A_291 = tpu.vector_load %arg10[%swap3A_290] {strides = array<i32>} : memref<1024xi32, #tpu.memory_space<vmem>>, vector<16xi32>,
    tpu.vector_store %arg10[%swap3A_290], %mul3A_289 {strides = array<i32>} : memref<1024xi32, #tpu.memory_space<vmem>>, vector<16xi32>,
    %jit3A_292 = arith.constant 1.000000e+00 : f32
    %jit3A_293 = arith.constant 0.000000e+00 : f32
    %broadcast_in_dim3A_294 = vector.broadcast %jit3A_292 : f32 to vector<16xf32>
    %broadcast_in_dim3A_295 = vector.broadcast %jit3A_293 : f32 to vector<16xf32>
    %select_n3A_296 = arith.select %lt3A_273, %broadcast_in_dim3A_294, %broadcast_in_dim3A_295 : vector<16xi1>, vector<16xf32>
    %swap3A_297 = arith.constant 128 : index
    %swap3A_298 = tpu.vector_load %arg11[%swap3A_297] {strides = array<i32>} : memref<1024xf32, #tpu.memory_space<vmem>>, vector<16xf32>,
    tpu.vector_store %arg11[%swap3A_297], %select_n3A_296 {strides = array<i32>} : memref<1024xf32, #tpu.memory_space<vmem>>, vector<16xf32>,
    %add3A_299 = arith.constant 144 : i32
    %add3A_300 = arith.addi %mul3A_0, %add3A_299 : i32
    %add3A_301 = vector.broadcast %add3A_300 : i32 to vector<16xi32>
    %add3A_302 = arith.addi %add3A_301, %iota3A : vector<16xi32>
    %lt3A_303 = arith.cmpi slt, %add3A_302, %min3A_21 : vector<16xi32>
    %add3A_304 = arith.addi %gather3A_13, %add3A_302 : vector<16xi32>
    %sub3A_305 = vector.broadcast %multiple_of3A : i32 to vector<16xi32>
    %sub3A_306 = arith.subi %add3A_304, %sub3A_305 : vector<16xi32>
    %jit3A_307 = arith.constant 0 : i32
    %jit3A_308 = arith.constant 1031 : i32
    %max3A_309 = vector.broadcast %jit3A_307 : i32 to vector<16xi32>
    %max3A_310 = arith.maxsi %max3A_309, %sub3A_306 : vector<16xi32>
    %min3A_311 = vector.broadcast %jit3A_308 : i32 to vector<16xi32>
    %min3A_312 = arith.minsi %min3A_311, %max3A_310 : vector<16xi32>
    %gather3A_313 = tpu.vector_load_idx %arg9[%min3A_312] : memref<1032xi32, #tpu.memory_space<vmem>>[vector<16xi32>], vector<16xi32>,
    %jit3A_314 = arith.constant 33 : i32
    %broadcast_in_dim3A_315 = vector.broadcast %jit3A_314 : i32 to vector<16xi32>
    %select_n3A_316 = arith.select %lt3A_303, %gather3A_313, %broadcast_in_dim3A_315 : vector<16xi1>, vector<16xi32>
    %mul3A_317 = arith.constant 512 : i32
    %mul3A_318 = vector.broadcast %mul3A_317 : i32 to vector<16xi32>
    %mul3A_319 = arith.muli %select_n3A_316, %mul3A_318 : vector<16xi32>
    %swap3A_320 = arith.constant 144 : index
    %swap3A_321 = tpu.vector_load %arg10[%swap3A_320] {strides = array<i32>} : memref<1024xi32, #tpu.memory_space<vmem>>, vector<16xi32>,
    tpu.vector_store %arg10[%swap3A_320], %mul3A_319 {strides = array<i32>} : memref<1024xi32, #tpu.memory_space<vmem>>, vector<16xi32>,
    %jit3A_322 = arith.constant 1.000000e+00 : f32
    %jit3A_323 = arith.constant 0.000000e+00 : f32
    %broadcast_in_dim3A_324 = vector.broadcast %jit3A_322 : f32 to vector<16xf32>
    %broadcast_in_dim3A_325 = vector.broadcast %jit3A_323 : f32 to vector<16xf32>
    %select_n3A_326 = arith.select %lt3A_303, %broadcast_in_dim3A_324, %broadcast_in_dim3A_325 : vector<16xi1>, vector<16xf32>
    %swap3A_327 = arith.constant 144 : index
    %swap3A_328 = tpu.vector_load %arg11[%swap3A_327] {strides = array<i32>} : memref<1024xf32, #tpu.memory_space<vmem>>, vector<16xf32>,
    tpu.vector_store %arg11[%swap3A_327], %select_n3A_326 {strides = array<i32>} : memref<1024xf32, #tpu.memory_space<vmem>>, vector<16xf32>,
    %add3A_329 = arith.constant 160 : i32
    %add3A_330 = arith.addi %mul3A_0, %add3A_329 : i32
    %add3A_331 = vector.broadcast %add3A_330 : i32 to vector<16xi32>
    %add3A_332 = arith.addi %add3A_331, %iota3A : vector<16xi32>
    %lt3A_333 = arith.cmpi slt, %add3A_332, %min3A_21 : vector<16xi32>
    %add3A_334 = arith.addi %gather3A_13, %add3A_332 : vector<16xi32>
    %sub3A_335 = vector.broadcast %multiple_of3A : i32 to vector<16xi32>
    %sub3A_336 = arith.subi %add3A_334, %sub3A_335 : vector<16xi32>
    %jit3A_337 = arith.constant 0 : i32
    %jit3A_338 = arith.constant 1031 : i32
    %max3A_339 = vector.broadcast %jit3A_337 : i32 to vector<16xi32>
    %max3A_340 = arith.maxsi %max3A_339, %sub3A_336 : vector<16xi32>
    %min3A_341 = vector.broadcast %jit3A_338 : i32 to vector<16xi32>
    %min3A_342 = arith.minsi %min3A_341, %max3A_340 : vector<16xi32>
    %gather3A_343 = tpu.vector_load_idx %arg9[%min3A_342] : memref<1032xi32, #tpu.memory_space<vmem>>[vector<16xi32>], vector<16xi32>,
    %jit3A_344 = arith.constant 33 : i32
    %broadcast_in_dim3A_345 = vector.broadcast %jit3A_344 : i32 to vector<16xi32>
    %select_n3A_346 = arith.select %lt3A_333, %gather3A_343, %broadcast_in_dim3A_345 : vector<16xi1>, vector<16xi32>
    %mul3A_347 = arith.constant 512 : i32
    %mul3A_348 = vector.broadcast %mul3A_347 : i32 to vector<16xi32>
    %mul3A_349 = arith.muli %select_n3A_346, %mul3A_348 : vector<16xi32>
    %swap3A_350 = arith.constant 160 : index
    %swap3A_351 = tpu.vector_load %arg10[%swap3A_350] {strides = array<i32>} : memref<1024xi32, #tpu.memory_space<vmem>>, vector<16xi32>,
    tpu.vector_store %arg10[%swap3A_350], %mul3A_349 {strides = array<i32>} : memref<1024xi32, #tpu.memory_space<vmem>>, vector<16xi32>,
    %jit3A_352 = arith.constant 1.000000e+00 : f32
    %jit3A_353 = arith.constant 0.000000e+00 : f32
    %broadcast_in_dim3A_354 = vector.broadcast %jit3A_352 : f32 to vector<16xf32>
    %broadcast_in_dim3A_355 = vector.broadcast %jit3A_353 : f32 to vector<16xf32>
    %select_n3A_356 = arith.select %lt3A_333, %broadcast_in_dim3A_354, %broadcast_in_dim3A_355 : vector<16xi1>, vector<16xf32>
    %swap3A_357 = arith.constant 160 : index
    %swap3A_358 = tpu.vector_load %arg11[%swap3A_357] {strides = array<i32>} : memref<1024xf32, #tpu.memory_space<vmem>>, vector<16xf32>,
    tpu.vector_store %arg11[%swap3A_357], %select_n3A_356 {strides = array<i32>} : memref<1024xf32, #tpu.memory_space<vmem>>, vector<16xf32>,
    %add3A_359 = arith.constant 176 : i32
    %add3A_360 = arith.addi %mul3A_0, %add3A_359 : i32
    %add3A_361 = vector.broadcast %add3A_360 : i32 to vector<16xi32>
    %add3A_362 = arith.addi %add3A_361, %iota3A : vector<16xi32>
    %lt3A_363 = arith.cmpi slt, %add3A_362, %min3A_21 : vector<16xi32>
    %add3A_364 = arith.addi %gather3A_13, %add3A_362 : vector<16xi32>
    %sub3A_365 = vector.broadcast %multiple_of3A : i32 to vector<16xi32>
    %sub3A_366 = arith.subi %add3A_364, %sub3A_365 : vector<16xi32>
    %jit3A_367 = arith.constant 0 : i32
    %jit3A_368 = arith.constant 1031 : i32
    %max3A_369 = vector.broadcast %jit3A_367 : i32 to vector<16xi32>
    %max3A_370 = arith.maxsi %max3A_369, %sub3A_366 : vector<16xi32>
    %min3A_371 = vector.broadcast %jit3A_368 : i32 to vector<16xi32>
    %min3A_372 = arith.minsi %min3A_371, %max3A_370 : vector<16xi32>
    %gather3A_373 = tpu.vector_load_idx %arg9[%min3A_372] : memref<1032xi32, #tpu.memory_space<vmem>>[vector<16xi32>], vector<16xi32>,
    %jit3A_374 = arith.constant 33 : i32
    %broadcast_in_dim3A_375 = vector.broadcast %jit3A_374 : i32 to vector<16xi32>
    %select_n3A_376 = arith.select %lt3A_363, %gather3A_373, %broadcast_in_dim3A_375 : vector<16xi1>, vector<16xi32>
    %mul3A_377 = arith.constant 512 : i32
    %mul3A_378 = vector.broadcast %mul3A_377 : i32 to vector<16xi32>
    %mul3A_379 = arith.muli %select_n3A_376, %mul3A_378 : vector<16xi32>
    %swap3A_380 = arith.constant 176 : index
    %swap3A_381 = tpu.vector_load %arg10[%swap3A_380] {strides = array<i32>} : memref<1024xi32, #tpu.memory_space<vmem>>, vector<16xi32>,
    tpu.vector_store %arg10[%swap3A_380], %mul3A_379 {strides = array<i32>} : memref<1024xi32, #tpu.memory_space<vmem>>, vector<16xi32>,
    %jit3A_382 = arith.constant 1.000000e+00 : f32
    %jit3A_383 = arith.constant 0.000000e+00 : f32
    %broadcast_in_dim3A_384 = vector.broadcast %jit3A_382 : f32 to vector<16xf32>
    %broadcast_in_dim3A_385 = vector.broadcast %jit3A_383 : f32 to vector<16xf32>
    %select_n3A_386 = arith.select %lt3A_363, %broadcast_in_dim3A_384, %broadcast_in_dim3A_385 : vector<16xi1>, vector<16xf32>
    %swap3A_387 = arith.constant 176 : index
    %swap3A_388 = tpu.vector_load %arg11[%swap3A_387] {strides = array<i32>} : memref<1024xf32, #tpu.memory_space<vmem>>, vector<16xf32>,
    tpu.vector_store %arg11[%swap3A_387], %select_n3A_386 {strides = array<i32>} : memref<1024xf32, #tpu.memory_space<vmem>>, vector<16xf32>,
    %add3A_389 = arith.constant 192 : i32
    %add3A_390 = arith.addi %mul3A_0, %add3A_389 : i32
    %add3A_391 = vector.broadcast %add3A_390 : i32 to vector<16xi32>
    %add3A_392 = arith.addi %add3A_391, %iota3A : vector<16xi32>
    %lt3A_393 = arith.cmpi slt, %add3A_392, %min3A_21 : vector<16xi32>
    %add3A_394 = arith.addi %gather3A_13, %add3A_392 : vector<16xi32>
    %sub3A_395 = vector.broadcast %multiple_of3A : i32 to vector<16xi32>
    %sub3A_396 = arith.subi %add3A_394, %sub3A_395 : vector<16xi32>
    %jit3A_397 = arith.constant 0 : i32
    %jit3A_398 = arith.constant 1031 : i32
    %max3A_399 = vector.broadcast %jit3A_397 : i32 to vector<16xi32>
    %max3A_400 = arith.maxsi %max3A_399, %sub3A_396 : vector<16xi32>
    %min3A_401 = vector.broadcast %jit3A_398 : i32 to vector<16xi32>
    %min3A_402 = arith.minsi %min3A_401, %max3A_400 : vector<16xi32>
    %gather3A_403 = tpu.vector_load_idx %arg9[%min3A_402] : memref<1032xi32, #tpu.memory_space<vmem>>[vector<16xi32>], vector<16xi32>,
    %jit3A_404 = arith.constant 33 : i32
    %broadcast_in_dim3A_405 = vector.broadcast %jit3A_404 : i32 to vector<16xi32>
    %select_n3A_406 = arith.select %lt3A_393, %gather3A_403, %broadcast_in_dim3A_405 : vector<16xi1>, vector<16xi32>
    %mul3A_407 = arith.constant 512 : i32
    %mul3A_408 = vector.broadcast %mul3A_407 : i32 to vector<16xi32>
    %mul3A_409 = arith.muli %select_n3A_406, %mul3A_408 : vector<16xi32>
    %swap3A_410 = arith.constant 192 : index
    %swap3A_411 = tpu.vector_load %arg10[%swap3A_410] {strides = array<i32>} : memref<1024xi32, #tpu.memory_space<vmem>>, vector<16xi32>,
    tpu.vector_store %arg10[%swap3A_410], %mul3A_409 {strides = array<i32>} : memref<1024xi32, #tpu.memory_space<vmem>>, vector<16xi32>,
    %jit3A_412 = arith.constant 1.000000e+00 : f32
    %jit3A_413 = arith.constant 0.000000e+00 : f32
    %broadcast_in_dim3A_414 = vector.broadcast %jit3A_412 : f32 to vector<16xf32>
    %broadcast_in_dim3A_415 = vector.broadcast %jit3A_413 : f32 to vector<16xf32>
    %select_n3A_416 = arith.select %lt3A_393, %broadcast_in_dim3A_414, %broadcast_in_dim3A_415 : vector<16xi1>, vector<16xf32>
    %swap3A_417 = arith.constant 192 : index
    %swap3A_418 = tpu.vector_load %arg11[%swap3A_417] {strides = array<i32>} : memref<1024xf32, #tpu.memory_space<vmem>>, vector<16xf32>,
    tpu.vector_store %arg11[%swap3A_417], %select_n3A_416 {strides = array<i32>} : memref<1024xf32, #tpu.memory_space<vmem>>, vector<16xf32>,
    %add3A_419 = arith.constant 208 : i32
    %add3A_420 = arith.addi %mul3A_0, %add3A_419 : i32
    %add3A_421 = vector.broadcast %add3A_420 : i32 to vector<16xi32>
    %add3A_422 = arith.addi %add3A_421, %iota3A : vector<16xi32>
    %lt3A_423 = arith.cmpi slt, %add3A_422, %min3A_21 : vector<16xi32>
    %add3A_424 = arith.addi %gather3A_13, %add3A_422 : vector<16xi32>
    %sub3A_425 = vector.broadcast %multiple_of3A : i32 to vector<16xi32>
    %sub3A_426 = arith.subi %add3A_424, %sub3A_425 : vector<16xi32>
    %jit3A_427 = arith.constant 0 : i32
    %jit3A_428 = arith.constant 1031 : i32
    %max3A_429 = vector.broadcast %jit3A_427 : i32 to vector<16xi32>
    %max3A_430 = arith.maxsi %max3A_429, %sub3A_426 : vector<16xi32>
    %min3A_431 = vector.broadcast %jit3A_428 : i32 to vector<16xi32>
    %min3A_432 = arith.minsi %min3A_431, %max3A_430 : vector<16xi32>
    %gather3A_433 = tpu.vector_load_idx %arg9[%min3A_432] : memref<1032xi32, #tpu.memory_space<vmem>>[vector<16xi32>], vector<16xi32>,
    %jit3A_434 = arith.constant 33 : i32
    %broadcast_in_dim3A_435 = vector.broadcast %jit3A_434 : i32 to vector<16xi32>
    %select_n3A_436 = arith.select %lt3A_423, %gather3A_433, %broadcast_in_dim3A_435 : vector<16xi1>, vector<16xi32>
    %mul3A_437 = arith.constant 512 : i32
    %mul3A_438 = vector.broadcast %mul3A_437 : i32 to vector<16xi32>
    %mul3A_439 = arith.muli %select_n3A_436, %mul3A_438 : vector<16xi32>
    %swap3A_440 = arith.constant 208 : index
    %swap3A_441 = tpu.vector_load %arg10[%swap3A_440] {strides = array<i32>} : memref<1024xi32, #tpu.memory_space<vmem>>, vector<16xi32>,
    tpu.vector_store %arg10[%swap3A_440], %mul3A_439 {strides = array<i32>} : memref<1024xi32, #tpu.memory_space<vmem>>, vector<16xi32>,
    %jit3A_442 = arith.constant 1.000000e+00 : f32
    %jit3A_443 = arith.constant 0.000000e+00 : f32
    %broadcast_in_dim3A_444 = vector.broadcast %jit3A_442 : f32 to vector<16xf32>
    %broadcast_in_dim3A_445 = vector.broadcast %jit3A_443 : f32 to vector<16xf32>
    %select_n3A_446 = arith.select %lt3A_423, %broadcast_in_dim3A_444, %broadcast_in_dim3A_445 : vector<16xi1>, vector<16xf32>
    %swap3A_447 = arith.constant 208 : index
    %swap3A_448 = tpu.vector_load %arg11[%swap3A_447] {strides = array<i32>} : memref<1024xf32, #tpu.memory_space<vmem>>, vector<16xf32>,
    tpu.vector_store %arg11[%swap3A_447], %select_n3A_446 {strides = array<i32>} : memref<1024xf32, #tpu.memory_space<vmem>>, vector<16xf32>,
    %add3A_449 = arith.constant 224 : i32
    %add3A_450 = arith.addi %mul3A_0, %add3A_449 : i32
    %add3A_451 = vector.broadcast %add3A_450 : i32 to vector<16xi32>
    %add3A_452 = arith.addi %add3A_451, %iota3A : vector<16xi32>
    %lt3A_453 = arith.cmpi slt, %add3A_452, %min3A_21 : vector<16xi32>
    %add3A_454 = arith.addi %gather3A_13, %add3A_452 : vector<16xi32>
    %sub3A_455 = vector.broadcast %multiple_of3A : i32 to vector<16xi32>
    %sub3A_456 = arith.subi %add3A_454, %sub3A_455 : vector<16xi32>
    %jit3A_457 = arith.constant 0 : i32
    %jit3A_458 = arith.constant 1031 : i32
    %max3A_459 = vector.broadcast %jit3A_457 : i32 to vector<16xi32>
    %max3A_460 = arith.maxsi %max3A_459, %sub3A_456 : vector<16xi32>
    %min3A_461 = vector.broadcast %jit3A_458 : i32 to vector<16xi32>
    %min3A_462 = arith.minsi %min3A_461, %max3A_460 : vector<16xi32>
    %gather3A_463 = tpu.vector_load_idx %arg9[%min3A_462] : memref<1032xi32, #tpu.memory_space<vmem>>[vector<16xi32>], vector<16xi32>,
    %jit3A_464 = arith.constant 33 : i32
    %broadcast_in_dim3A_465 = vector.broadcast %jit3A_464 : i32 to vector<16xi32>
    %select_n3A_466 = arith.select %lt3A_453, %gather3A_463, %broadcast_in_dim3A_465 : vector<16xi1>, vector<16xi32>
    %mul3A_467 = arith.constant 512 : i32
    %mul3A_468 = vector.broadcast %mul3A_467 : i32 to vector<16xi32>
    %mul3A_469 = arith.muli %select_n3A_466, %mul3A_468 : vector<16xi32>
    %swap3A_470 = arith.constant 224 : index
    %swap3A_471 = tpu.vector_load %arg10[%swap3A_470] {strides = array<i32>} : memref<1024xi32, #tpu.memory_space<vmem>>, vector<16xi32>,
    tpu.vector_store %arg10[%swap3A_470], %mul3A_469 {strides = array<i32>} : memref<1024xi32, #tpu.memory_space<vmem>>, vector<16xi32>,
    %jit3A_472 = arith.constant 1.000000e+00 : f32
    %jit3A_473 = arith.constant 0.000000e+00 : f32
    %broadcast_in_dim3A_474 = vector.broadcast %jit3A_472 : f32 to vector<16xf32>
    %broadcast_in_dim3A_475 = vector.broadcast %jit3A_473 : f32 to vector<16xf32>
    %select_n3A_476 = arith.select %lt3A_453, %broadcast_in_dim3A_474, %broadcast_in_dim3A_475 : vector<16xi1>, vector<16xf32>
    %swap3A_477 = arith.constant 224 : index
    %swap3A_478 = tpu.vector_load %arg11[%swap3A_477] {strides = array<i32>} : memref<1024xf32, #tpu.memory_space<vmem>>, vector<16xf32>,
    tpu.vector_store %arg11[%swap3A_477], %select_n3A_476 {strides = array<i32>} : memref<1024xf32, #tpu.memory_space<vmem>>, vector<16xf32>,
    %add3A_479 = arith.constant 240 : i32
    %add3A_480 = arith.addi %mul3A_0, %add3A_479 : i32
    %add3A_481 = vector.broadcast %add3A_480 : i32 to vector<16xi32>
    %add3A_482 = arith.addi %add3A_481, %iota3A : vector<16xi32>
    %lt3A_483 = arith.cmpi slt, %add3A_482, %min3A_21 : vector<16xi32>
    %add3A_484 = arith.addi %gather3A_13, %add3A_482 : vector<16xi32>
    %sub3A_485 = vector.broadcast %multiple_of3A : i32 to vector<16xi32>
    %sub3A_486 = arith.subi %add3A_484, %sub3A_485 : vector<16xi32>
    %jit3A_487 = arith.constant 0 : i32
    %jit3A_488 = arith.constant 1031 : i32
    %max3A_489 = vector.broadcast %jit3A_487 : i32 to vector<16xi32>
    %max3A_490 = arith.maxsi %max3A_489, %sub3A_486 : vector<16xi32>
    %min3A_491 = vector.broadcast %jit3A_488 : i32 to vector<16xi32>
    %min3A_492 = arith.minsi %min3A_491, %max3A_490 : vector<16xi32>
    %gather3A_493 = tpu.vector_load_idx %arg9[%min3A_492] : memref<1032xi32, #tpu.memory_space<vmem>>[vector<16xi32>], vector<16xi32>,
    %jit3A_494 = arith.constant 33 : i32
    %broadcast_in_dim3A_495 = vector.broadcast %jit3A_494 : i32 to vector<16xi32>
    %select_n3A_496 = arith.select %lt3A_483, %gather3A_493, %broadcast_in_dim3A_495 : vector<16xi1>, vector<16xi32>
    %mul3A_497 = arith.constant 512 : i32
    %mul3A_498 = vector.broadcast %mul3A_497 : i32 to vector<16xi32>
    %mul3A_499 = arith.muli %select_n3A_496, %mul3A_498 : vector<16xi32>
    %swap3A_500 = arith.constant 240 : index
    %swap3A_501 = tpu.vector_load %arg10[%swap3A_500] {strides = array<i32>} : memref<1024xi32, #tpu.memory_space<vmem>>, vector<16xi32>,
    tpu.vector_store %arg10[%swap3A_500], %mul3A_499 {strides = array<i32>} : memref<1024xi32, #tpu.memory_space<vmem>>, vector<16xi32>,
    %jit3A_502 = arith.constant 1.000000e+00 : f32
    %jit3A_503 = arith.constant 0.000000e+00 : f32
    %broadcast_in_dim3A_504 = vector.broadcast %jit3A_502 : f32 to vector<16xf32>
    %broadcast_in_dim3A_505 = vector.broadcast %jit3A_503 : f32 to vector<16xf32>
    %select_n3A_506 = arith.select %lt3A_483, %broadcast_in_dim3A_504, %broadcast_in_dim3A_505 : vector<16xi1>, vector<16xf32>
    %swap3A_507 = arith.constant 240 : index
    %swap3A_508 = tpu.vector_load %arg11[%swap3A_507] {strides = array<i32>} : memref<1024xf32, #tpu.memory_space<vmem>>, vector<16xf32>,
    tpu.vector_store %arg11[%swap3A_507], %select_n3A_506 {strides = array<i32>} : memref<1024xf32, #tpu.memory_space<vmem>>, vector<16xf32>,
    %add3A_509 = arith.constant 256 : i32
    %add3A_510 = arith.addi %mul3A_0, %add3A_509 : i32
    %add3A_511 = vector.broadcast %add3A_510 : i32 to vector<16xi32>
    %add3A_512 = arith.addi %add3A_511, %iota3A : vector<16xi32>
    %lt3A_513 = arith.cmpi slt, %add3A_512, %min3A_21 : vector<16xi32>
    %add3A_514 = arith.addi %gather3A_13, %add3A_512 : vector<16xi32>
    %sub3A_515 = vector.broadcast %multiple_of3A : i32 to vector<16xi32>
    %sub3A_516 = arith.subi %add3A_514, %sub3A_515 : vector<16xi32>
    %jit3A_517 = arith.constant 0 : i32
    %jit3A_518 = arith.constant 1031 : i32
    %max3A_519 = vector.broadcast %jit3A_517 : i32 to vector<16xi32>
    %max3A_520 = arith.maxsi %max3A_519, %sub3A_516 : vector<16xi32>
    %min3A_521 = vector.broadcast %jit3A_518 : i32 to vector<16xi32>
    %min3A_522 = arith.minsi %min3A_521, %max3A_520 : vector<16xi32>
    %gather3A_523 = tpu.vector_load_idx %arg9[%min3A_522] : memref<1032xi32, #tpu.memory_space<vmem>>[vector<16xi32>], vector<16xi32>,
    %jit3A_524 = arith.constant 33 : i32
    %broadcast_in_dim3A_525 = vector.broadcast %jit3A_524 : i32 to vector<16xi32>
    %select_n3A_526 = arith.select %lt3A_513, %gather3A_523, %broadcast_in_dim3A_525 : vector<16xi1>, vector<16xi32>
    %mul3A_527 = arith.constant 512 : i32
    %mul3A_528 = vector.broadcast %mul3A_527 : i32 to vector<16xi32>
    %mul3A_529 = arith.muli %select_n3A_526, %mul3A_528 : vector<16xi32>
    %swap3A_530 = arith.constant 256 : index
    %swap3A_531 = tpu.vector_load %arg10[%swap3A_530] {strides = array<i32>} : memref<1024xi32, #tpu.memory_space<vmem>>, vector<16xi32>,
    tpu.vector_store %arg10[%swap3A_530], %mul3A_529 {strides = array<i32>} : memref<1024xi32, #tpu.memory_space<vmem>>, vector<16xi32>,
    %jit3A_532 = arith.constant 1.000000e+00 : f32
    %jit3A_533 = arith.constant 0.000000e+00 : f32
    %broadcast_in_dim3A_534 = vector.broadcast %jit3A_532 : f32 to vector<16xf32>
    %broadcast_in_dim3A_535 = vector.broadcast %jit3A_533 : f32 to vector<16xf32>
    %select_n3A_536 = arith.select %lt3A_513, %broadcast_in_dim3A_534, %broadcast_in_dim3A_535 : vector<16xi1>, vector<16xf32>
    %swap3A_537 = arith.constant 256 : index
    %swap3A_538 = tpu.vector_load %arg11[%swap3A_537] {strides = array<i32>} : memref<1024xf32, #tpu.memory_space<vmem>>, vector<16xf32>,
    tpu.vector_store %arg11[%swap3A_537], %select_n3A_536 {strides = array<i32>} : memref<1024xf32, #tpu.memory_space<vmem>>, vector<16xf32>,
    %add3A_539 = arith.constant 272 : i32
    %add3A_540 = arith.addi %mul3A_0, %add3A_539 : i32
    %add3A_541 = vector.broadcast %add3A_540 : i32 to vector<16xi32>
    %add3A_542 = arith.addi %add3A_541, %iota3A : vector<16xi32>
    %lt3A_543 = arith.cmpi slt, %add3A_542, %min3A_21 : vector<16xi32>
    %add3A_544 = arith.addi %gather3A_13, %add3A_542 : vector<16xi32>
    %sub3A_545 = vector.broadcast %multiple_of3A : i32 to vector<16xi32>
    %sub3A_546 = arith.subi %add3A_544, %sub3A_545 : vector<16xi32>
    %jit3A_547 = arith.constant 0 : i32
    %jit3A_548 = arith.constant 1031 : i32
    %max3A_549 = vector.broadcast %jit3A_547 : i32 to vector<16xi32>
    %max3A_550 = arith.maxsi %max3A_549, %sub3A_546 : vector<16xi32>
    %min3A_551 = vector.broadcast %jit3A_548 : i32 to vector<16xi32>
    %min3A_552 = arith.minsi %min3A_551, %max3A_550 : vector<16xi32>
    %gather3A_553 = tpu.vector_load_idx %arg9[%min3A_552] : memref<1032xi32, #tpu.memory_space<vmem>>[vector<16xi32>], vector<16xi32>,
    %jit3A_554 = arith.constant 33 : i32
    %broadcast_in_dim3A_555 = vector.broadcast %jit3A_554 : i32 to vector<16xi32>
    %select_n3A_556 = arith.select %lt3A_543, %gather3A_553, %broadcast_in_dim3A_555 : vector<16xi1>, vector<16xi32>
    %mul3A_557 = arith.constant 512 : i32
    %mul3A_558 = vector.broadcast %mul3A_557 : i32 to vector<16xi32>
    %mul3A_559 = arith.muli %select_n3A_556, %mul3A_558 : vector<16xi32>
    %swap3A_560 = arith.constant 272 : index
    %swap3A_561 = tpu.vector_load %arg10[%swap3A_560] {strides = array<i32>} : memref<1024xi32, #tpu.memory_space<vmem>>, vector<16xi32>,
    tpu.vector_store %arg10[%swap3A_560], %mul3A_559 {strides = array<i32>} : memref<1024xi32, #tpu.memory_space<vmem>>, vector<16xi32>,
    %jit3A_562 = arith.constant 1.000000e+00 : f32
    %jit3A_563 = arith.constant 0.000000e+00 : f32
    %broadcast_in_dim3A_564 = vector.broadcast %jit3A_562 : f32 to vector<16xf32>
    %broadcast_in_dim3A_565 = vector.broadcast %jit3A_563 : f32 to vector<16xf32>
    %select_n3A_566 = arith.select %lt3A_543, %broadcast_in_dim3A_564, %broadcast_in_dim3A_565 : vector<16xi1>, vector<16xf32>
    %swap3A_567 = arith.constant 272 : index
    %swap3A_568 = tpu.vector_load %arg11[%swap3A_567] {strides = array<i32>} : memref<1024xf32, #tpu.memory_space<vmem>>, vector<16xf32>,
    tpu.vector_store %arg11[%swap3A_567], %select_n3A_566 {strides = array<i32>} : memref<1024xf32, #tpu.memory_space<vmem>>, vector<16xf32>,
    %add3A_569 = arith.constant 288 : i32
    %add3A_570 = arith.addi %mul3A_0, %add3A_569 : i32
    %add3A_571 = vector.broadcast %add3A_570 : i32 to vector<16xi32>
    %add3A_572 = arith.addi %add3A_571, %iota3A : vector<16xi32>
    %lt3A_573 = arith.cmpi slt, %add3A_572, %min3A_21 : vector<16xi32>
    %add3A_574 = arith.addi %gather3A_13, %add3A_572 : vector<16xi32>
    %sub3A_575 = vector.broadcast %multiple_of3A : i32 to vector<16xi32>
    %sub3A_576 = arith.subi %add3A_574, %sub3A_575 : vector<16xi32>
    %jit3A_577 = arith.constant 0 : i32
    %jit3A_578 = arith.constant 1031 : i32
    %max3A_579 = vector.broadcast %jit3A_577 : i32 to vector<16xi32>
    %max3A_580 = arith.maxsi %max3A_579, %sub3A_576 : vector<16xi32>
    %min3A_581 = vector.broadcast %jit3A_578 : i32 to vector<16xi32>
    %min3A_582 = arith.minsi %min3A_581, %max3A_580 : vector<16xi32>
    %gather3A_583 = tpu.vector_load_idx %arg9[%min3A_582] : memref<1032xi32, #tpu.memory_space<vmem>>[vector<16xi32>], vector<16xi32>,
    %jit3A_584 = arith.constant 33 : i32
    %broadcast_in_dim3A_585 = vector.broadcast %jit3A_584 : i32 to vector<16xi32>
    %select_n3A_586 = arith.select %lt3A_573, %gather3A_583, %broadcast_in_dim3A_585 : vector<16xi1>, vector<16xi32>
    %mul3A_587 = arith.constant 512 : i32
    %mul3A_588 = vector.broadcast %mul3A_587 : i32 to vector<16xi32>
    %mul3A_589 = arith.muli %select_n3A_586, %mul3A_588 : vector<16xi32>
    %swap3A_590 = arith.constant 288 : index
    %swap3A_591 = tpu.vector_load %arg10[%swap3A_590] {strides = array<i32>} : memref<1024xi32, #tpu.memory_space<vmem>>, vector<16xi32>,
    tpu.vector_store %arg10[%swap3A_590], %mul3A_589 {strides = array<i32>} : memref<1024xi32, #tpu.memory_space<vmem>>, vector<16xi32>,
    %jit3A_592 = arith.constant 1.000000e+00 : f32
    %jit3A_593 = arith.constant 0.000000e+00 : f32
    %broadcast_in_dim3A_594 = vector.broadcast %jit3A_592 : f32 to vector<16xf32>
    %broadcast_in_dim3A_595 = vector.broadcast %jit3A_593 : f32 to vector<16xf32>
    %select_n3A_596 = arith.select %lt3A_573, %broadcast_in_dim3A_594, %broadcast_in_dim3A_595 : vector<16xi1>, vector<16xf32>
    %swap3A_597 = arith.constant 288 : index
    %swap3A_598 = tpu.vector_load %arg11[%swap3A_597] {strides = array<i32>} : memref<1024xf32, #tpu.memory_space<vmem>>, vector<16xf32>,
    tpu.vector_store %arg11[%swap3A_597], %select_n3A_596 {strides = array<i32>} : memref<1024xf32, #tpu.memory_space<vmem>>, vector<16xf32>,
    %add3A_599 = arith.constant 304 : i32
    %add3A_600 = arith.addi %mul3A_0, %add3A_599 : i32
    %add3A_601 = vector.broadcast %add3A_600 : i32 to vector<16xi32>
    %add3A_602 = arith.addi %add3A_601, %iota3A : vector<16xi32>
    %lt3A_603 = arith.cmpi slt, %add3A_602, %min3A_21 : vector<16xi32>
    %add3A_604 = arith.addi %gather3A_13, %add3A_602 : vector<16xi32>
    %sub3A_605 = vector.broadcast %multiple_of3A : i32 to vector<16xi32>
    %sub3A_606 = arith.subi %add3A_604, %sub3A_605 : vector<16xi32>
    %jit3A_607 = arith.constant 0 : i32
    %jit3A_608 = arith.constant 1031 : i32
    %max3A_609 = vector.broadcast %jit3A_607 : i32 to vector<16xi32>
    %max3A_610 = arith.maxsi %max3A_609, %sub3A_606 : vector<16xi32>
    %min3A_611 = vector.broadcast %jit3A_608 : i32 to vector<16xi32>
    %min3A_612 = arith.minsi %min3A_611, %max3A_610 : vector<16xi32>
    %gather3A_613 = tpu.vector_load_idx %arg9[%min3A_612] : memref<1032xi32, #tpu.memory_space<vmem>>[vector<16xi32>], vector<16xi32>,
    %jit3A_614 = arith.constant 33 : i32
    %broadcast_in_dim3A_615 = vector.broadcast %jit3A_614 : i32 to vector<16xi32>
    %select_n3A_616 = arith.select %lt3A_603, %gather3A_613, %broadcast_in_dim3A_615 : vector<16xi1>, vector<16xi32>
    %mul3A_617 = arith.constant 512 : i32
    %mul3A_618 = vector.broadcast %mul3A_617 : i32 to vector<16xi32>
    %mul3A_619 = arith.muli %select_n3A_616, %mul3A_618 : vector<16xi32>
    %swap3A_620 = arith.constant 304 : index
    %swap3A_621 = tpu.vector_load %arg10[%swap3A_620] {strides = array<i32>} : memref<1024xi32, #tpu.memory_space<vmem>>, vector<16xi32>,
    tpu.vector_store %arg10[%swap3A_620], %mul3A_619 {strides = array<i32>} : memref<1024xi32, #tpu.memory_space<vmem>>, vector<16xi32>,
    %jit3A_622 = arith.constant 1.000000e+00 : f32
    %jit3A_623 = arith.constant 0.000000e+00 : f32
    %broadcast_in_dim3A_624 = vector.broadcast %jit3A_622 : f32 to vector<16xf32>
    %broadcast_in_dim3A_625 = vector.broadcast %jit3A_623 : f32 to vector<16xf32>
    %select_n3A_626 = arith.select %lt3A_603, %broadcast_in_dim3A_624, %broadcast_in_dim3A_625 : vector<16xi1>, vector<16xf32>
    %swap3A_627 = arith.constant 304 : index
    %swap3A_628 = tpu.vector_load %arg11[%swap3A_627] {strides = array<i32>} : memref<1024xf32, #tpu.memory_space<vmem>>, vector<16xf32>,
    tpu.vector_store %arg11[%swap3A_627], %select_n3A_626 {strides = array<i32>} : memref<1024xf32, #tpu.memory_space<vmem>>, vector<16xf32>,
    %add3A_629 = arith.constant 320 : i32
    %add3A_630 = arith.addi %mul3A_0, %add3A_629 : i32
    %add3A_631 = vector.broadcast %add3A_630 : i32 to vector<16xi32>
    %add3A_632 = arith.addi %add3A_631, %iota3A : vector<16xi32>
    %lt3A_633 = arith.cmpi slt, %add3A_632, %min3A_21 : vector<16xi32>
    %add3A_634 = arith.addi %gather3A_13, %add3A_632 : vector<16xi32>
    %sub3A_635 = vector.broadcast %multiple_of3A : i32 to vector<16xi32>
    %sub3A_636 = arith.subi %add3A_634, %sub3A_635 : vector<16xi32>
    %jit3A_637 = arith.constant 0 : i32
    %jit3A_638 = arith.constant 1031 : i32
    %max3A_639 = vector.broadcast %jit3A_637 : i32 to vector<16xi32>
    %max3A_640 = arith.maxsi %max3A_639, %sub3A_636 : vector<16xi32>
    %min3A_641 = vector.broadcast %jit3A_638 : i32 to vector<16xi32>
    %min3A_642 = arith.minsi %min3A_641, %max3A_640 : vector<16xi32>
    %gather3A_643 = tpu.vector_load_idx %arg9[%min3A_642] : memref<1032xi32, #tpu.memory_space<vmem>>[vector<16xi32>], vector<16xi32>,
    %jit3A_644 = arith.constant 33 : i32
    %broadcast_in_dim3A_645 = vector.broadcast %jit3A_644 : i32 to vector<16xi32>
    %select_n3A_646 = arith.select %lt3A_633, %gather3A_643, %broadcast_in_dim3A_645 : vector<16xi1>, vector<16xi32>
    %mul3A_647 = arith.constant 512 : i32
    %mul3A_648 = vector.broadcast %mul3A_647 : i32 to vector<16xi32>
    %mul3A_649 = arith.muli %select_n3A_646, %mul3A_648 : vector<16xi32>
    %swap3A_650 = arith.constant 320 : index
    %swap3A_651 = tpu.vector_load %arg10[%swap3A_650] {strides = array<i32>} : memref<1024xi32, #tpu.memory_space<vmem>>, vector<16xi32>,
    tpu.vector_store %arg10[%swap3A_650], %mul3A_649 {strides = array<i32>} : memref<1024xi32, #tpu.memory_space<vmem>>, vector<16xi32>,
    %jit3A_652 = arith.constant 1.000000e+00 : f32
    %jit3A_653 = arith.constant 0.000000e+00 : f32
    %broadcast_in_dim3A_654 = vector.broadcast %jit3A_652 : f32 to vector<16xf32>
    %broadcast_in_dim3A_655 = vector.broadcast %jit3A_653 : f32 to vector<16xf32>
    %select_n3A_656 = arith.select %lt3A_633, %broadcast_in_dim3A_654, %broadcast_in_dim3A_655 : vector<16xi1>, vector<16xf32>
    %swap3A_657 = arith.constant 320 : index
    %swap3A_658 = tpu.vector_load %arg11[%swap3A_657] {strides = array<i32>} : memref<1024xf32, #tpu.memory_space<vmem>>, vector<16xf32>,
    tpu.vector_store %arg11[%swap3A_657], %select_n3A_656 {strides = array<i32>} : memref<1024xf32, #tpu.memory_space<vmem>>, vector<16xf32>,
    %add3A_659 = arith.constant 336 : i32
    %add3A_660 = arith.addi %mul3A_0, %add3A_659 : i32
    %add3A_661 = vector.broadcast %add3A_660 : i32 to vector<16xi32>
    %add3A_662 = arith.addi %add3A_661, %iota3A : vector<16xi32>
    %lt3A_663 = arith.cmpi slt, %add3A_662, %min3A_21 : vector<16xi32>
    %add3A_664 = arith.addi %gather3A_13, %add3A_662 : vector<16xi32>
    %sub3A_665 = vector.broadcast %multiple_of3A : i32 to vector<16xi32>
    %sub3A_666 = arith.subi %add3A_664, %sub3A_665 : vector<16xi32>
    %jit3A_667 = arith.constant 0 : i32
    %jit3A_668 = arith.constant 1031 : i32
    %max3A_669 = vector.broadcast %jit3A_667 : i32 to vector<16xi32>
    %max3A_670 = arith.maxsi %max3A_669, %sub3A_666 : vector<16xi32>
    %min3A_671 = vector.broadcast %jit3A_668 : i32 to vector<16xi32>
    %min3A_672 = arith.minsi %min3A_671, %max3A_670 : vector<16xi32>
    %gather3A_673 = tpu.vector_load_idx %arg9[%min3A_672] : memref<1032xi32, #tpu.memory_space<vmem>>[vector<16xi32>], vector<16xi32>,
    %jit3A_674 = arith.constant 33 : i32
    %broadcast_in_dim3A_675 = vector.broadcast %jit3A_674 : i32 to vector<16xi32>
    %select_n3A_676 = arith.select %lt3A_663, %gather3A_673, %broadcast_in_dim3A_675 : vector<16xi1>, vector<16xi32>
    %mul3A_677 = arith.constant 512 : i32
    %mul3A_678 = vector.broadcast %mul3A_677 : i32 to vector<16xi32>
    %mul3A_679 = arith.muli %select_n3A_676, %mul3A_678 : vector<16xi32>
    %swap3A_680 = arith.constant 336 : index
    %swap3A_681 = tpu.vector_load %arg10[%swap3A_680] {strides = array<i32>} : memref<1024xi32, #tpu.memory_space<vmem>>, vector<16xi32>,
    tpu.vector_store %arg10[%swap3A_680], %mul3A_679 {strides = array<i32>} : memref<1024xi32, #tpu.memory_space<vmem>>, vector<16xi32>,
    %jit3A_682 = arith.constant 1.000000e+00 : f32
    %jit3A_683 = arith.constant 0.000000e+00 : f32
    %broadcast_in_dim3A_684 = vector.broadcast %jit3A_682 : f32 to vector<16xf32>
    %broadcast_in_dim3A_685 = vector.broadcast %jit3A_683 : f32 to vector<16xf32>
    %select_n3A_686 = arith.select %lt3A_663, %broadcast_in_dim3A_684, %broadcast_in_dim3A_685 : vector<16xi1>, vector<16xf32>
    %swap3A_687 = arith.constant 336 : index
    %swap3A_688 = tpu.vector_load %arg11[%swap3A_687] {strides = array<i32>} : memref<1024xf32, #tpu.memory_space<vmem>>, vector<16xf32>,
    tpu.vector_store %arg11[%swap3A_687], %select_n3A_686 {strides = array<i32>} : memref<1024xf32, #tpu.memory_space<vmem>>, vector<16xf32>,
    %add3A_689 = arith.constant 352 : i32
    %add3A_690 = arith.addi %mul3A_0, %add3A_689 : i32
    %add3A_691 = vector.broadcast %add3A_690 : i32 to vector<16xi32>
    %add3A_692 = arith.addi %add3A_691, %iota3A : vector<16xi32>
    %lt3A_693 = arith.cmpi slt, %add3A_692, %min3A_21 : vector<16xi32>
    %add3A_694 = arith.addi %gather3A_13, %add3A_692 : vector<16xi32>
    %sub3A_695 = vector.broadcast %multiple_of3A : i32 to vector<16xi32>
    %sub3A_696 = arith.subi %add3A_694, %sub3A_695 : vector<16xi32>
    %jit3A_697 = arith.constant 0 : i32
    %jit3A_698 = arith.constant 1031 : i32
    %max3A_699 = vector.broadcast %jit3A_697 : i32 to vector<16xi32>
    %max3A_700 = arith.maxsi %max3A_699, %sub3A_696 : vector<16xi32>
    %min3A_701 = vector.broadcast %jit3A_698 : i32 to vector<16xi32>
    %min3A_702 = arith.minsi %min3A_701, %max3A_700 : vector<16xi32>
    %gather3A_703 = tpu.vector_load_idx %arg9[%min3A_702] : memref<1032xi32, #tpu.memory_space<vmem>>[vector<16xi32>], vector<16xi32>,
    %jit3A_704 = arith.constant 33 : i32
    %broadcast_in_dim3A_705 = vector.broadcast %jit3A_704 : i32 to vector<16xi32>
    %select_n3A_706 = arith.select %lt3A_693, %gather3A_703, %broadcast_in_dim3A_705 : vector<16xi1>, vector<16xi32>
    %mul3A_707 = arith.constant 512 : i32
    %mul3A_708 = vector.broadcast %mul3A_707 : i32 to vector<16xi32>
    %mul3A_709 = arith.muli %select_n3A_706, %mul3A_708 : vector<16xi32>
    %swap3A_710 = arith.constant 352 : index
    %swap3A_711 = tpu.vector_load %arg10[%swap3A_710] {strides = array<i32>} : memref<1024xi32, #tpu.memory_space<vmem>>, vector<16xi32>,
    tpu.vector_store %arg10[%swap3A_710], %mul3A_709 {strides = array<i32>} : memref<1024xi32, #tpu.memory_space<vmem>>, vector<16xi32>,
    %jit3A_712 = arith.constant 1.000000e+00 : f32
    %jit3A_713 = arith.constant 0.000000e+00 : f32
    %broadcast_in_dim3A_714 = vector.broadcast %jit3A_712 : f32 to vector<16xf32>
    %broadcast_in_dim3A_715 = vector.broadcast %jit3A_713 : f32 to vector<16xf32>
    %select_n3A_716 = arith.select %lt3A_693, %broadcast_in_dim3A_714, %broadcast_in_dim3A_715 : vector<16xi1>, vector<16xf32>
    %swap3A_717 = arith.constant 352 : index
    %swap3A_718 = tpu.vector_load %arg11[%swap3A_717] {strides = array<i32>} : memref<1024xf32, #tpu.memory_space<vmem>>, vector<16xf32>,
    tpu.vector_store %arg11[%swap3A_717], %select_n3A_716 {strides = array<i32>} : memref<1024xf32, #tpu.memory_space<vmem>>, vector<16xf32>,
    %add3A_719 = arith.constant 368 : i32
    %add3A_720 = arith.addi %mul3A_0, %add3A_719 : i32
    %add3A_721 = vector.broadcast %add3A_720 : i32 to vector<16xi32>
    %add3A_722 = arith.addi %add3A_721, %iota3A : vector<16xi32>
    %lt3A_723 = arith.cmpi slt, %add3A_722, %min3A_21 : vector<16xi32>
    %add3A_724 = arith.addi %gather3A_13, %add3A_722 : vector<16xi32>
    %sub3A_725 = vector.broadcast %multiple_of3A : i32 to vector<16xi32>
    %sub3A_726 = arith.subi %add3A_724, %sub3A_725 : vector<16xi32>
    %jit3A_727 = arith.constant 0 : i32
    %jit3A_728 = arith.constant 1031 : i32
    %max3A_729 = vector.broadcast %jit3A_727 : i32 to vector<16xi32>
    %max3A_730 = arith.maxsi %max3A_729, %sub3A_726 : vector<16xi32>
    %min3A_731 = vector.broadcast %jit3A_728 : i32 to vector<16xi32>
    %min3A_732 = arith.minsi %min3A_731, %max3A_730 : vector<16xi32>
    %gather3A_733 = tpu.vector_load_idx %arg9[%min3A_732] : memref<1032xi32, #tpu.memory_space<vmem>>[vector<16xi32>], vector<16xi32>,
    %jit3A_734 = arith.constant 33 : i32
    %broadcast_in_dim3A_735 = vector.broadcast %jit3A_734 : i32 to vector<16xi32>
    %select_n3A_736 = arith.select %lt3A_723, %gather3A_733, %broadcast_in_dim3A_735 : vector<16xi1>, vector<16xi32>
    %mul3A_737 = arith.constant 512 : i32
    %mul3A_738 = vector.broadcast %mul3A_737 : i32 to vector<16xi32>
    %mul3A_739 = arith.muli %select_n3A_736, %mul3A_738 : vector<16xi32>
    %swap3A_740 = arith.constant 368 : index
    %swap3A_741 = tpu.vector_load %arg10[%swap3A_740] {strides = array<i32>} : memref<1024xi32, #tpu.memory_space<vmem>>, vector<16xi32>,
    tpu.vector_store %arg10[%swap3A_740], %mul3A_739 {strides = array<i32>} : memref<1024xi32, #tpu.memory_space<vmem>>, vector<16xi32>,
    %jit3A_742 = arith.constant 1.000000e+00 : f32
    %jit3A_743 = arith.constant 0.000000e+00 : f32
    %broadcast_in_dim3A_744 = vector.broadcast %jit3A_742 : f32 to vector<16xf32>
    %broadcast_in_dim3A_745 = vector.broadcast %jit3A_743 : f32 to vector<16xf32>
    %select_n3A_746 = arith.select %lt3A_723, %broadcast_in_dim3A_744, %broadcast_in_dim3A_745 : vector<16xi1>, vector<16xf32>
    %swap3A_747 = arith.constant 368 : index
    %swap3A_748 = tpu.vector_load %arg11[%swap3A_747] {strides = array<i32>} : memref<1024xf32, #tpu.memory_space<vmem>>, vector<16xf32>,
    tpu.vector_store %arg11[%swap3A_747], %select_n3A_746 {strides = array<i32>} : memref<1024xf32, #tpu.memory_space<vmem>>, vector<16xf32>,
    %add3A_749 = arith.constant 384 : i32
    %add3A_750 = arith.addi %mul3A_0, %add3A_749 : i32
    %add3A_751 = vector.broadcast %add3A_750 : i32 to vector<16xi32>
    %add3A_752 = arith.addi %add3A_751, %iota3A : vector<16xi32>
    %lt3A_753 = arith.cmpi slt, %add3A_752, %min3A_21 : vector<16xi32>
    %add3A_754 = arith.addi %gather3A_13, %add3A_752 : vector<16xi32>
    %sub3A_755 = vector.broadcast %multiple_of3A : i32 to vector<16xi32>
    %sub3A_756 = arith.subi %add3A_754, %sub3A_755 : vector<16xi32>
    %jit3A_757 = arith.constant 0 : i32
    %jit3A_758 = arith.constant 1031 : i32
    %max3A_759 = vector.broadcast %jit3A_757 : i32 to vector<16xi32>
    %max3A_760 = arith.maxsi %max3A_759, %sub3A_756 : vector<16xi32>
    %min3A_761 = vector.broadcast %jit3A_758 : i32 to vector<16xi32>
    %min3A_762 = arith.minsi %min3A_761, %max3A_760 : vector<16xi32>
    %gather3A_763 = tpu.vector_load_idx %arg9[%min3A_762] : memref<1032xi32, #tpu.memory_space<vmem>>[vector<16xi32>], vector<16xi32>,
    %jit3A_764 = arith.constant 33 : i32
    %broadcast_in_dim3A_765 = vector.broadcast %jit3A_764 : i32 to vector<16xi32>
    %select_n3A_766 = arith.select %lt3A_753, %gather3A_763, %broadcast_in_dim3A_765 : vector<16xi1>, vector<16xi32>
    %mul3A_767 = arith.constant 512 : i32
    %mul3A_768 = vector.broadcast %mul3A_767 : i32 to vector<16xi32>
    %mul3A_769 = arith.muli %select_n3A_766, %mul3A_768 : vector<16xi32>
    %swap3A_770 = arith.constant 384 : index
    %swap3A_771 = tpu.vector_load %arg10[%swap3A_770] {strides = array<i32>} : memref<1024xi32, #tpu.memory_space<vmem>>, vector<16xi32>,
    tpu.vector_store %arg10[%swap3A_770], %mul3A_769 {strides = array<i32>} : memref<1024xi32, #tpu.memory_space<vmem>>, vector<16xi32>,
    %jit3A_772 = arith.constant 1.000000e+00 : f32
    %jit3A_773 = arith.constant 0.000000e+00 : f32
    %broadcast_in_dim3A_774 = vector.broadcast %jit3A_772 : f32 to vector<16xf32>
    %broadcast_in_dim3A_775 = vector.broadcast %jit3A_773 : f32 to vector<16xf32>
    %select_n3A_776 = arith.select %lt3A_753, %broadcast_in_dim3A_774, %broadcast_in_dim3A_775 : vector<16xi1>, vector<16xf32>
    %swap3A_777 = arith.constant 384 : index
    %swap3A_778 = tpu.vector_load %arg11[%swap3A_777] {strides = array<i32>} : memref<1024xf32, #tpu.memory_space<vmem>>, vector<16xf32>,
    tpu.vector_store %arg11[%swap3A_777], %select_n3A_776 {strides = array<i32>} : memref<1024xf32, #tpu.memory_space<vmem>>, vector<16xf32>,
    %add3A_779 = arith.constant 400 : i32
    %add3A_780 = arith.addi %mul3A_0, %add3A_779 : i32
    %add3A_781 = vector.broadcast %add3A_780 : i32 to vector<16xi32>
    %add3A_782 = arith.addi %add3A_781, %iota3A : vector<16xi32>
    %lt3A_783 = arith.cmpi slt, %add3A_782, %min3A_21 : vector<16xi32>
    %add3A_784 = arith.addi %gather3A_13, %add3A_782 : vector<16xi32>
    %sub3A_785 = vector.broadcast %multiple_of3A : i32 to vector<16xi32>
    %sub3A_786 = arith.subi %add3A_784, %sub3A_785 : vector<16xi32>
    %jit3A_787 = arith.constant 0 : i32
    %jit3A_788 = arith.constant 1031 : i32
    %max3A_789 = vector.broadcast %jit3A_787 : i32 to vector<16xi32>
    %max3A_790 = arith.maxsi %max3A_789, %sub3A_786 : vector<16xi32>
    %min3A_791 = vector.broadcast %jit3A_788 : i32 to vector<16xi32>
    %min3A_792 = arith.minsi %min3A_791, %max3A_790 : vector<16xi32>
    %gather3A_793 = tpu.vector_load_idx %arg9[%min3A_792] : memref<1032xi32, #tpu.memory_space<vmem>>[vector<16xi32>], vector<16xi32>,
    %jit3A_794 = arith.constant 33 : i32
    %broadcast_in_dim3A_795 = vector.broadcast %jit3A_794 : i32 to vector<16xi32>
    %select_n3A_796 = arith.select %lt3A_783, %gather3A_793, %broadcast_in_dim3A_795 : vector<16xi1>, vector<16xi32>
    %mul3A_797 = arith.constant 512 : i32
    %mul3A_798 = vector.broadcast %mul3A_797 : i32 to vector<16xi32>
    %mul3A_799 = arith.muli %select_n3A_796, %mul3A_798 : vector<16xi32>
    %swap3A_800 = arith.constant 400 : index
    %swap3A_801 = tpu.vector_load %arg10[%swap3A_800] {strides = array<i32>} : memref<1024xi32, #tpu.memory_space<vmem>>, vector<16xi32>,
    tpu.vector_store %arg10[%swap3A_800], %mul3A_799 {strides = array<i32>} : memref<1024xi32, #tpu.memory_space<vmem>>, vector<16xi32>,
    %jit3A_802 = arith.constant 1.000000e+00 : f32
    %jit3A_803 = arith.constant 0.000000e+00 : f32
    %broadcast_in_dim3A_804 = vector.broadcast %jit3A_802 : f32 to vector<16xf32>
    %broadcast_in_dim3A_805 = vector.broadcast %jit3A_803 : f32 to vector<16xf32>
    %select_n3A_806 = arith.select %lt3A_783, %broadcast_in_dim3A_804, %broadcast_in_dim3A_805 : vector<16xi1>, vector<16xf32>
    %swap3A_807 = arith.constant 400 : index
    %swap3A_808 = tpu.vector_load %arg11[%swap3A_807] {strides = array<i32>} : memref<1024xf32, #tpu.memory_space<vmem>>, vector<16xf32>,
    tpu.vector_store %arg11[%swap3A_807], %select_n3A_806 {strides = array<i32>} : memref<1024xf32, #tpu.memory_space<vmem>>, vector<16xf32>,
    %add3A_809 = arith.constant 416 : i32
    %add3A_810 = arith.addi %mul3A_0, %add3A_809 : i32
    %add3A_811 = vector.broadcast %add3A_810 : i32 to vector<16xi32>
    %add3A_812 = arith.addi %add3A_811, %iota3A : vector<16xi32>
    %lt3A_813 = arith.cmpi slt, %add3A_812, %min3A_21 : vector<16xi32>
    %add3A_814 = arith.addi %gather3A_13, %add3A_812 : vector<16xi32>
    %sub3A_815 = vector.broadcast %multiple_of3A : i32 to vector<16xi32>
    %sub3A_816 = arith.subi %add3A_814, %sub3A_815 : vector<16xi32>
    %jit3A_817 = arith.constant 0 : i32
    %jit3A_818 = arith.constant 1031 : i32
    %max3A_819 = vector.broadcast %jit3A_817 : i32 to vector<16xi32>
    %max3A_820 = arith.maxsi %max3A_819, %sub3A_816 : vector<16xi32>
    %min3A_821 = vector.broadcast %jit3A_818 : i32 to vector<16xi32>
    %min3A_822 = arith.minsi %min3A_821, %max3A_820 : vector<16xi32>
    %gather3A_823 = tpu.vector_load_idx %arg9[%min3A_822] : memref<1032xi32, #tpu.memory_space<vmem>>[vector<16xi32>], vector<16xi32>,
    %jit3A_824 = arith.constant 33 : i32
    %broadcast_in_dim3A_825 = vector.broadcast %jit3A_824 : i32 to vector<16xi32>
    %select_n3A_826 = arith.select %lt3A_813, %gather3A_823, %broadcast_in_dim3A_825 : vector<16xi1>, vector<16xi32>
    %mul3A_827 = arith.constant 512 : i32
    %mul3A_828 = vector.broadcast %mul3A_827 : i32 to vector<16xi32>
    %mul3A_829 = arith.muli %select_n3A_826, %mul3A_828 : vector<16xi32>
    %swap3A_830 = arith.constant 416 : index
    %swap3A_831 = tpu.vector_load %arg10[%swap3A_830] {strides = array<i32>} : memref<1024xi32, #tpu.memory_space<vmem>>, vector<16xi32>,
    tpu.vector_store %arg10[%swap3A_830], %mul3A_829 {strides = array<i32>} : memref<1024xi32, #tpu.memory_space<vmem>>, vector<16xi32>,
    %jit3A_832 = arith.constant 1.000000e+00 : f32
    %jit3A_833 = arith.constant 0.000000e+00 : f32
    %broadcast_in_dim3A_834 = vector.broadcast %jit3A_832 : f32 to vector<16xf32>
    %broadcast_in_dim3A_835 = vector.broadcast %jit3A_833 : f32 to vector<16xf32>
    %select_n3A_836 = arith.select %lt3A_813, %broadcast_in_dim3A_834, %broadcast_in_dim3A_835 : vector<16xi1>, vector<16xf32>
    %swap3A_837 = arith.constant 416 : index
    %swap3A_838 = tpu.vector_load %arg11[%swap3A_837] {strides = array<i32>} : memref<1024xf32, #tpu.memory_space<vmem>>, vector<16xf32>,
    tpu.vector_store %arg11[%swap3A_837], %select_n3A_836 {strides = array<i32>} : memref<1024xf32, #tpu.memory_space<vmem>>, vector<16xf32>,
    %add3A_839 = arith.constant 432 : i32
    %add3A_840 = arith.addi %mul3A_0, %add3A_839 : i32
    %add3A_841 = vector.broadcast %add3A_840 : i32 to vector<16xi32>
    %add3A_842 = arith.addi %add3A_841, %iota3A : vector<16xi32>
    %lt3A_843 = arith.cmpi slt, %add3A_842, %min3A_21 : vector<16xi32>
    %add3A_844 = arith.addi %gather3A_13, %add3A_842 : vector<16xi32>
    %sub3A_845 = vector.broadcast %multiple_of3A : i32 to vector<16xi32>
    %sub3A_846 = arith.subi %add3A_844, %sub3A_845 : vector<16xi32>
    %jit3A_847 = arith.constant 0 : i32
    %jit3A_848 = arith.constant 1031 : i32
    %max3A_849 = vector.broadcast %jit3A_847 : i32 to vector<16xi32>
    %max3A_850 = arith.maxsi %max3A_849, %sub3A_846 : vector<16xi32>
    %min3A_851 = vector.broadcast %jit3A_848 : i32 to vector<16xi32>
    %min3A_852 = arith.minsi %min3A_851, %max3A_850 : vector<16xi32>
    %gather3A_853 = tpu.vector_load_idx %arg9[%min3A_852] : memref<1032xi32, #tpu.memory_space<vmem>>[vector<16xi32>], vector<16xi32>,
    %jit3A_854 = arith.constant 33 : i32
    %broadcast_in_dim3A_855 = vector.broadcast %jit3A_854 : i32 to vector<16xi32>
    %select_n3A_856 = arith.select %lt3A_843, %gather3A_853, %broadcast_in_dim3A_855 : vector<16xi1>, vector<16xi32>
    %mul3A_857 = arith.constant 512 : i32
    %mul3A_858 = vector.broadcast %mul3A_857 : i32 to vector<16xi32>
    %mul3A_859 = arith.muli %select_n3A_856, %mul3A_858 : vector<16xi32>
    %swap3A_860 = arith.constant 432 : index
    %swap3A_861 = tpu.vector_load %arg10[%swap3A_860] {strides = array<i32>} : memref<1024xi32, #tpu.memory_space<vmem>>, vector<16xi32>,
    tpu.vector_store %arg10[%swap3A_860], %mul3A_859 {strides = array<i32>} : memref<1024xi32, #tpu.memory_space<vmem>>, vector<16xi32>,
    %jit3A_862 = arith.constant 1.000000e+00 : f32
    %jit3A_863 = arith.constant 0.000000e+00 : f32
    %broadcast_in_dim3A_864 = vector.broadcast %jit3A_862 : f32 to vector<16xf32>
    %broadcast_in_dim3A_865 = vector.broadcast %jit3A_863 : f32 to vector<16xf32>
    %select_n3A_866 = arith.select %lt3A_843, %broadcast_in_dim3A_864, %broadcast_in_dim3A_865 : vector<16xi1>, vector<16xf32>
    %swap3A_867 = arith.constant 432 : index
    %swap3A_868 = tpu.vector_load %arg11[%swap3A_867] {strides = array<i32>} : memref<1024xf32, #tpu.memory_space<vmem>>, vector<16xf32>,
    tpu.vector_store %arg11[%swap3A_867], %select_n3A_866 {strides = array<i32>} : memref<1024xf32, #tpu.memory_space<vmem>>, vector<16xf32>,
    %add3A_869 = arith.constant 448 : i32
    %add3A_870 = arith.addi %mul3A_0, %add3A_869 : i32
    %add3A_871 = vector.broadcast %add3A_870 : i32 to vector<16xi32>
    %add3A_872 = arith.addi %add3A_871, %iota3A : vector<16xi32>
    %lt3A_873 = arith.cmpi slt, %add3A_872, %min3A_21 : vector<16xi32>
    %add3A_874 = arith.addi %gather3A_13, %add3A_872 : vector<16xi32>
    %sub3A_875 = vector.broadcast %multiple_of3A : i32 to vector<16xi32>
    %sub3A_876 = arith.subi %add3A_874, %sub3A_875 : vector<16xi32>
    %jit3A_877 = arith.constant 0 : i32
    %jit3A_878 = arith.constant 1031 : i32
    %max3A_879 = vector.broadcast %jit3A_877 : i32 to vector<16xi32>
    %max3A_880 = arith.maxsi %max3A_879, %sub3A_876 : vector<16xi32>
    %min3A_881 = vector.broadcast %jit3A_878 : i32 to vector<16xi32>
    %min3A_882 = arith.minsi %min3A_881, %max3A_880 : vector<16xi32>
    %gather3A_883 = tpu.vector_load_idx %arg9[%min3A_882] : memref<1032xi32, #tpu.memory_space<vmem>>[vector<16xi32>], vector<16xi32>,
    %jit3A_884 = arith.constant 33 : i32
    %broadcast_in_dim3A_885 = vector.broadcast %jit3A_884 : i32 to vector<16xi32>
    %select_n3A_886 = arith.select %lt3A_873, %gather3A_883, %broadcast_in_dim3A_885 : vector<16xi1>, vector<16xi32>
    %mul3A_887 = arith.constant 512 : i32
    %mul3A_888 = vector.broadcast %mul3A_887 : i32 to vector<16xi32>
    %mul3A_889 = arith.muli %select_n3A_886, %mul3A_888 : vector<16xi32>
    %swap3A_890 = arith.constant 448 : index
    %swap3A_891 = tpu.vector_load %arg10[%swap3A_890] {strides = array<i32>} : memref<1024xi32, #tpu.memory_space<vmem>>, vector<16xi32>,
    tpu.vector_store %arg10[%swap3A_890], %mul3A_889 {strides = array<i32>} : memref<1024xi32, #tpu.memory_space<vmem>>, vector<16xi32>,
    %jit3A_892 = arith.constant 1.000000e+00 : f32
    %jit3A_893 = arith.constant 0.000000e+00 : f32
    %broadcast_in_dim3A_894 = vector.broadcast %jit3A_892 : f32 to vector<16xf32>
    %broadcast_in_dim3A_895 = vector.broadcast %jit3A_893 : f32 to vector<16xf32>
    %select_n3A_896 = arith.select %lt3A_873, %broadcast_in_dim3A_894, %broadcast_in_dim3A_895 : vector<16xi1>, vector<16xf32>
    %swap3A_897 = arith.constant 448 : index
    %swap3A_898 = tpu.vector_load %arg11[%swap3A_897] {strides = array<i32>} : memref<1024xf32, #tpu.memory_space<vmem>>, vector<16xf32>,
    tpu.vector_store %arg11[%swap3A_897], %select_n3A_896 {strides = array<i32>} : memref<1024xf32, #tpu.memory_space<vmem>>, vector<16xf32>,
    %add3A_899 = arith.constant 464 : i32
    %add3A_900 = arith.addi %mul3A_0, %add3A_899 : i32
    %add3A_901 = vector.broadcast %add3A_900 : i32 to vector<16xi32>
    %add3A_902 = arith.addi %add3A_901, %iota3A : vector<16xi32>
    %lt3A_903 = arith.cmpi slt, %add3A_902, %min3A_21 : vector<16xi32>
    %add3A_904 = arith.addi %gather3A_13, %add3A_902 : vector<16xi32>
    %sub3A_905 = vector.broadcast %multiple_of3A : i32 to vector<16xi32>
    %sub3A_906 = arith.subi %add3A_904, %sub3A_905 : vector<16xi32>
    %jit3A_907 = arith.constant 0 : i32
    %jit3A_908 = arith.constant 1031 : i32
    %max3A_909 = vector.broadcast %jit3A_907 : i32 to vector<16xi32>
    %max3A_910 = arith.maxsi %max3A_909, %sub3A_906 : vector<16xi32>
    %min3A_911 = vector.broadcast %jit3A_908 : i32 to vector<16xi32>
    %min3A_912 = arith.minsi %min3A_911, %max3A_910 : vector<16xi32>
    %gather3A_913 = tpu.vector_load_idx %arg9[%min3A_912] : memref<1032xi32, #tpu.memory_space<vmem>>[vector<16xi32>], vector<16xi32>,
    %jit3A_914 = arith.constant 33 : i32
    %broadcast_in_dim3A_915 = vector.broadcast %jit3A_914 : i32 to vector<16xi32>
    %select_n3A_916 = arith.select %lt3A_903, %gather3A_913, %broadcast_in_dim3A_915 : vector<16xi1>, vector<16xi32>
    %mul3A_917 = arith.constant 512 : i32
    %mul3A_918 = vector.broadcast %mul3A_917 : i32 to vector<16xi32>
    %mul3A_919 = arith.muli %select_n3A_916, %mul3A_918 : vector<16xi32>
    %swap3A_920 = arith.constant 464 : index
    %swap3A_921 = tpu.vector_load %arg10[%swap3A_920] {strides = array<i32>} : memref<1024xi32, #tpu.memory_space<vmem>>, vector<16xi32>,
    tpu.vector_store %arg10[%swap3A_920], %mul3A_919 {strides = array<i32>} : memref<1024xi32, #tpu.memory_space<vmem>>, vector<16xi32>,
    %jit3A_922 = arith.constant 1.000000e+00 : f32
    %jit3A_923 = arith.constant 0.000000e+00 : f32
    %broadcast_in_dim3A_924 = vector.broadcast %jit3A_922 : f32 to vector<16xf32>
    %broadcast_in_dim3A_925 = vector.broadcast %jit3A_923 : f32 to vector<16xf32>
    %select_n3A_926 = arith.select %lt3A_903, %broadcast_in_dim3A_924, %broadcast_in_dim3A_925 : vector<16xi1>, vector<16xf32>
    %swap3A_927 = arith.constant 464 : index
    %swap3A_928 = tpu.vector_load %arg11[%swap3A_927] {strides = array<i32>} : memref<1024xf32, #tpu.memory_space<vmem>>, vector<16xf32>,
    tpu.vector_store %arg11[%swap3A_927], %select_n3A_926 {strides = array<i32>} : memref<1024xf32, #tpu.memory_space<vmem>>, vector<16xf32>,
    %add3A_929 = arith.constant 480 : i32
    %add3A_930 = arith.addi %mul3A_0, %add3A_929 : i32
    %add3A_931 = vector.broadcast %add3A_930 : i32 to vector<16xi32>
    %add3A_932 = arith.addi %add3A_931, %iota3A : vector<16xi32>
    %lt3A_933 = arith.cmpi slt, %add3A_932, %min3A_21 : vector<16xi32>
    %add3A_934 = arith.addi %gather3A_13, %add3A_932 : vector<16xi32>
    %sub3A_935 = vector.broadcast %multiple_of3A : i32 to vector<16xi32>
    %sub3A_936 = arith.subi %add3A_934, %sub3A_935 : vector<16xi32>
    %jit3A_937 = arith.constant 0 : i32
    %jit3A_938 = arith.constant 1031 : i32
    %max3A_939 = vector.broadcast %jit3A_937 : i32 to vector<16xi32>
    %max3A_940 = arith.maxsi %max3A_939, %sub3A_936 : vector<16xi32>
    %min3A_941 = vector.broadcast %jit3A_938 : i32 to vector<16xi32>
    %min3A_942 = arith.minsi %min3A_941, %max3A_940 : vector<16xi32>
    %gather3A_943 = tpu.vector_load_idx %arg9[%min3A_942] : memref<1032xi32, #tpu.memory_space<vmem>>[vector<16xi32>], vector<16xi32>,
    %jit3A_944 = arith.constant 33 : i32
    %broadcast_in_dim3A_945 = vector.broadcast %jit3A_944 : i32 to vector<16xi32>
    %select_n3A_946 = arith.select %lt3A_933, %gather3A_943, %broadcast_in_dim3A_945 : vector<16xi1>, vector<16xi32>
    %mul3A_947 = arith.constant 512 : i32
    %mul3A_948 = vector.broadcast %mul3A_947 : i32 to vector<16xi32>
    %mul3A_949 = arith.muli %select_n3A_946, %mul3A_948 : vector<16xi32>
    %swap3A_950 = arith.constant 480 : index
    %swap3A_951 = tpu.vector_load %arg10[%swap3A_950] {strides = array<i32>} : memref<1024xi32, #tpu.memory_space<vmem>>, vector<16xi32>,
    tpu.vector_store %arg10[%swap3A_950], %mul3A_949 {strides = array<i32>} : memref<1024xi32, #tpu.memory_space<vmem>>, vector<16xi32>,
    %jit3A_952 = arith.constant 1.000000e+00 : f32
    %jit3A_953 = arith.constant 0.000000e+00 : f32
    %broadcast_in_dim3A_954 = vector.broadcast %jit3A_952 : f32 to vector<16xf32>
    %broadcast_in_dim3A_955 = vector.broadcast %jit3A_953 : f32 to vector<16xf32>
    %select_n3A_956 = arith.select %lt3A_933, %broadcast_in_dim3A_954, %broadcast_in_dim3A_955 : vector<16xi1>, vector<16xf32>
    %swap3A_957 = arith.constant 480 : index
    %swap3A_958 = tpu.vector_load %arg11[%swap3A_957] {strides = array<i32>} : memref<1024xf32, #tpu.memory_space<vmem>>, vector<16xf32>,
    tpu.vector_store %arg11[%swap3A_957], %select_n3A_956 {strides = array<i32>} : memref<1024xf32, #tpu.memory_space<vmem>>, vector<16xf32>,
    %add3A_959 = arith.constant 496 : i32
    %add3A_960 = arith.addi %mul3A_0, %add3A_959 : i32
    %add3A_961 = vector.broadcast %add3A_960 : i32 to vector<16xi32>
    %add3A_962 = arith.addi %add3A_961, %iota3A : vector<16xi32>
    %lt3A_963 = arith.cmpi slt, %add3A_962, %min3A_21 : vector<16xi32>
    %add3A_964 = arith.addi %gather3A_13, %add3A_962 : vector<16xi32>
    %sub3A_965 = vector.broadcast %multiple_of3A : i32 to vector<16xi32>
    %sub3A_966 = arith.subi %add3A_964, %sub3A_965 : vector<16xi32>
    %jit3A_967 = arith.constant 0 : i32
    %jit3A_968 = arith.constant 1031 : i32
    %max3A_969 = vector.broadcast %jit3A_967 : i32 to vector<16xi32>
    %max3A_970 = arith.maxsi %max3A_969, %sub3A_966 : vector<16xi32>
    %min3A_971 = vector.broadcast %jit3A_968 : i32 to vector<16xi32>
    %min3A_972 = arith.minsi %min3A_971, %max3A_970 : vector<16xi32>
    %gather3A_973 = tpu.vector_load_idx %arg9[%min3A_972] : memref<1032xi32, #tpu.memory_space<vmem>>[vector<16xi32>], vector<16xi32>,
    %jit3A_974 = arith.constant 33 : i32
    %broadcast_in_dim3A_975 = vector.broadcast %jit3A_974 : i32 to vector<16xi32>
    %select_n3A_976 = arith.select %lt3A_963, %gather3A_973, %broadcast_in_dim3A_975 : vector<16xi1>, vector<16xi32>
    %mul3A_977 = arith.constant 512 : i32
    %mul3A_978 = vector.broadcast %mul3A_977 : i32 to vector<16xi32>
    %mul3A_979 = arith.muli %select_n3A_976, %mul3A_978 : vector<16xi32>
    %swap3A_980 = arith.constant 496 : index
    %swap3A_981 = tpu.vector_load %arg10[%swap3A_980] {strides = array<i32>} : memref<1024xi32, #tpu.memory_space<vmem>>, vector<16xi32>,
    tpu.vector_store %arg10[%swap3A_980], %mul3A_979 {strides = array<i32>} : memref<1024xi32, #tpu.memory_space<vmem>>, vector<16xi32>,
    %jit3A_982 = arith.constant 1.000000e+00 : f32
    %jit3A_983 = arith.constant 0.000000e+00 : f32
    %broadcast_in_dim3A_984 = vector.broadcast %jit3A_982 : f32 to vector<16xf32>
    %broadcast_in_dim3A_985 = vector.broadcast %jit3A_983 : f32 to vector<16xf32>
    %select_n3A_986 = arith.select %lt3A_963, %broadcast_in_dim3A_984, %broadcast_in_dim3A_985 : vector<16xi1>, vector<16xf32>
    %swap3A_987 = arith.constant 496 : index
    %swap3A_988 = tpu.vector_load %arg11[%swap3A_987] {strides = array<i32>} : memref<1024xf32, #tpu.memory_space<vmem>>, vector<16xf32>,
    tpu.vector_store %arg11[%swap3A_987], %select_n3A_986 {strides = array<i32>} : memref<1024xf32, #tpu.memory_space<vmem>>, vector<16xf32>,
    %add3A_989 = arith.constant 512 : i32
    %add3A_990 = arith.addi %mul3A_0, %add3A_989 : i32
    %add3A_991 = vector.broadcast %add3A_990 : i32 to vector<16xi32>
    %add3A_992 = arith.addi %add3A_991, %iota3A : vector<16xi32>
    %lt3A_993 = arith.cmpi slt, %add3A_992, %min3A_21 : vector<16xi32>
    %add3A_994 = arith.addi %gather3A_13, %add3A_992 : vector<16xi32>
    %sub3A_995 = vector.broadcast %multiple_of3A : i32 to vector<16xi32>
    %sub3A_996 = arith.subi %add3A_994, %sub3A_995 : vector<16xi32>
    %jit3A_997 = arith.constant 0 : i32
    %jit3A_998 = arith.constant 1031 : i32
    %max3A_999 = vector.broadcast %jit3A_997 : i32 to vector<16xi32>
    %max3A_1000 = arith.maxsi %max3A_999, %sub3A_996 : vector<16xi32>
    %min3A_1001 = vector.broadcast %jit3A_998 : i32 to vector<16xi32>
    %min3A_1002 = arith.minsi %min3A_1001, %max3A_1000 : vector<16xi32>
    %gather3A_1003 = tpu.vector_load_idx %arg9[%min3A_1002] : memref<1032xi32, #tpu.memory_space<vmem>>[vector<16xi32>], vector<16xi32>,
    %jit3A_1004 = arith.constant 33 : i32
    %broadcast_in_dim3A_1005 = vector.broadcast %jit3A_1004 : i32 to vector<16xi32>
    %select_n3A_1006 = arith.select %lt3A_993, %gather3A_1003, %broadcast_in_dim3A_1005 : vector<16xi1>, vector<16xi32>
    %mul3A_1007 = arith.constant 512 : i32
    %mul3A_1008 = vector.broadcast %mul3A_1007 : i32 to vector<16xi32>
    %mul3A_1009 = arith.muli %select_n3A_1006, %mul3A_1008 : vector<16xi32>
    %swap3A_1010 = arith.constant 512 : index
    %swap3A_1011 = tpu.vector_load %arg10[%swap3A_1010] {strides = array<i32>} : memref<1024xi32, #tpu.memory_space<vmem>>, vector<16xi32>,
    tpu.vector_store %arg10[%swap3A_1010], %mul3A_1009 {strides = array<i32>} : memref<1024xi32, #tpu.memory_space<vmem>>, vector<16xi32>,
    %jit3A_1012 = arith.constant 1.000000e+00 : f32
    %jit3A_1013 = arith.constant 0.000000e+00 : f32
    %broadcast_in_dim3A_1014 = vector.broadcast %jit3A_1012 : f32 to vector<16xf32>
    %broadcast_in_dim3A_1015 = vector.broadcast %jit3A_1013 : f32 to vector<16xf32>
    %select_n3A_1016 = arith.select %lt3A_993, %broadcast_in_dim3A_1014, %broadcast_in_dim3A_1015 : vector<16xi1>, vector<16xf32>
    %swap3A_1017 = arith.constant 512 : index
    %swap3A_1018 = tpu.vector_load %arg11[%swap3A_1017] {strides = array<i32>} : memref<1024xf32, #tpu.memory_space<vmem>>, vector<16xf32>,
    tpu.vector_store %arg11[%swap3A_1017], %select_n3A_1016 {strides = array<i32>} : memref<1024xf32, #tpu.memory_space<vmem>>, vector<16xf32>,
    %add3A_1019 = arith.constant 528 : i32
    %add3A_1020 = arith.addi %mul3A_0, %add3A_1019 : i32
    %add3A_1021 = vector.broadcast %add3A_1020 : i32 to vector<16xi32>
    %add3A_1022 = arith.addi %add3A_1021, %iota3A : vector<16xi32>
    %lt3A_1023 = arith.cmpi slt, %add3A_1022, %min3A_21 : vector<16xi32>
    %add3A_1024 = arith.addi %gather3A_13, %add3A_1022 : vector<16xi32>
    %sub3A_1025 = vector.broadcast %multiple_of3A : i32 to vector<16xi32>
    %sub3A_1026 = arith.subi %add3A_1024, %sub3A_1025 : vector<16xi32>
    %jit3A_1027 = arith.constant 0 : i32
    %jit3A_1028 = arith.constant 1031 : i32
    %max3A_1029 = vector.broadcast %jit3A_1027 : i32 to vector<16xi32>
    %max3A_1030 = arith.maxsi %max3A_1029, %sub3A_1026 : vector<16xi32>
    %min3A_1031 = vector.broadcast %jit3A_1028 : i32 to vector<16xi32>
    %min3A_1032 = arith.minsi %min3A_1031, %max3A_1030 : vector<16xi32>
    %gather3A_1033 = tpu.vector_load_idx %arg9[%min3A_1032] : memref<1032xi32, #tpu.memory_space<vmem>>[vector<16xi32>], vector<16xi32>,
    %jit3A_1034 = arith.constant 33 : i32
    %broadcast_in_dim3A_1035 = vector.broadcast %jit3A_1034 : i32 to vector<16xi32>
    %select_n3A_1036 = arith.select %lt3A_1023, %gather3A_1033, %broadcast_in_dim3A_1035 : vector<16xi1>, vector<16xi32>
    %mul3A_1037 = arith.constant 512 : i32
    %mul3A_1038 = vector.broadcast %mul3A_1037 : i32 to vector<16xi32>
    %mul3A_1039 = arith.muli %select_n3A_1036, %mul3A_1038 : vector<16xi32>
    %swap3A_1040 = arith.constant 528 : index
    %swap3A_1041 = tpu.vector_load %arg10[%swap3A_1040] {strides = array<i32>} : memref<1024xi32, #tpu.memory_space<vmem>>, vector<16xi32>,
    tpu.vector_store %arg10[%swap3A_1040], %mul3A_1039 {strides = array<i32>} : memref<1024xi32, #tpu.memory_space<vmem>>, vector<16xi32>,
    %jit3A_1042 = arith.constant 1.000000e+00 : f32
    %jit3A_1043 = arith.constant 0.000000e+00 : f32
    %broadcast_in_dim3A_1044 = vector.broadcast %jit3A_1042 : f32 to vector<16xf32>
    %broadcast_in_dim3A_1045 = vector.broadcast %jit3A_1043 : f32 to vector<16xf32>
    %select_n3A_1046 = arith.select %lt3A_1023, %broadcast_in_dim3A_1044, %broadcast_in_dim3A_1045 : vector<16xi1>, vector<16xf32>
    %swap3A_1047 = arith.constant 528 : index
    %swap3A_1048 = tpu.vector_load %arg11[%swap3A_1047] {strides = array<i32>} : memref<1024xf32, #tpu.memory_space<vmem>>, vector<16xf32>,
    tpu.vector_store %arg11[%swap3A_1047], %select_n3A_1046 {strides = array<i32>} : memref<1024xf32, #tpu.memory_space<vmem>>, vector<16xf32>,
    %add3A_1049 = arith.constant 544 : i32
    %add3A_1050 = arith.addi %mul3A_0, %add3A_1049 : i32
    %add3A_1051 = vector.broadcast %add3A_1050 : i32 to vector<16xi32>
    %add3A_1052 = arith.addi %add3A_1051, %iota3A : vector<16xi32>
    %lt3A_1053 = arith.cmpi slt, %add3A_1052, %min3A_21 : vector<16xi32>
    %add3A_1054 = arith.addi %gather3A_13, %add3A_1052 : vector<16xi32>
    %sub3A_1055 = vector.broadcast %multiple_of3A : i32 to vector<16xi32>
    %sub3A_1056 = arith.subi %add3A_1054, %sub3A_1055 : vector<16xi32>
    %jit3A_1057 = arith.constant 0 : i32
    %jit3A_1058 = arith.constant 1031 : i32
    %max3A_1059 = vector.broadcast %jit3A_1057 : i32 to vector<16xi32>
    %max3A_1060 = arith.maxsi %max3A_1059, %sub3A_1056 : vector<16xi32>
    %min3A_1061 = vector.broadcast %jit3A_1058 : i32 to vector<16xi32>
    %min3A_1062 = arith.minsi %min3A_1061, %max3A_1060 : vector<16xi32>
    %gather3A_1063 = tpu.vector_load_idx %arg9[%min3A_1062] : memref<1032xi32, #tpu.memory_space<vmem>>[vector<16xi32>], vector<16xi32>,
    %jit3A_1064 = arith.constant 33 : i32
    %broadcast_in_dim3A_1065 = vector.broadcast %jit3A_1064 : i32 to vector<16xi32>
    %select_n3A_1066 = arith.select %lt3A_1053, %gather3A_1063, %broadcast_in_dim3A_1065 : vector<16xi1>, vector<16xi32>
    %mul3A_1067 = arith.constant 512 : i32
    %mul3A_1068 = vector.broadcast %mul3A_1067 : i32 to vector<16xi32>
    %mul3A_1069 = arith.muli %select_n3A_1066, %mul3A_1068 : vector<16xi32>
    %swap3A_1070 = arith.constant 544 : index
    %swap3A_1071 = tpu.vector_load %arg10[%swap3A_1070] {strides = array<i32>} : memref<1024xi32, #tpu.memory_space<vmem>>, vector<16xi32>,
    tpu.vector_store %arg10[%swap3A_1070], %mul3A_1069 {strides = array<i32>} : memref<1024xi32, #tpu.memory_space<vmem>>, vector<16xi32>,
    %jit3A_1072 = arith.constant 1.000000e+00 : f32
    %jit3A_1073 = arith.constant 0.000000e+00 : f32
    %broadcast_in_dim3A_1074 = vector.broadcast %jit3A_1072 : f32 to vector<16xf32>
    %broadcast_in_dim3A_1075 = vector.broadcast %jit3A_1073 : f32 to vector<16xf32>
    %select_n3A_1076 = arith.select %lt3A_1053, %broadcast_in_dim3A_1074, %broadcast_in_dim3A_1075 : vector<16xi1>, vector<16xf32>
    %swap3A_1077 = arith.constant 544 : index
    %swap3A_1078 = tpu.vector_load %arg11[%swap3A_1077] {strides = array<i32>} : memref<1024xf32, #tpu.memory_space<vmem>>, vector<16xf32>,
    tpu.vector_store %arg11[%swap3A_1077], %select_n3A_1076 {strides = array<i32>} : memref<1024xf32, #tpu.memory_space<vmem>>, vector<16xf32>,
    %add3A_1079 = arith.constant 560 : i32
    %add3A_1080 = arith.addi %mul3A_0, %add3A_1079 : i32
    %add3A_1081 = vector.broadcast %add3A_1080 : i32 to vector<16xi32>
    %add3A_1082 = arith.addi %add3A_1081, %iota3A : vector<16xi32>
    %lt3A_1083 = arith.cmpi slt, %add3A_1082, %min3A_21 : vector<16xi32>
    %add3A_1084 = arith.addi %gather3A_13, %add3A_1082 : vector<16xi32>
    %sub3A_1085 = vector.broadcast %multiple_of3A : i32 to vector<16xi32>
    %sub3A_1086 = arith.subi %add3A_1084, %sub3A_1085 : vector<16xi32>
    %jit3A_1087 = arith.constant 0 : i32
    %jit3A_1088 = arith.constant 1031 : i32
    %max3A_1089 = vector.broadcast %jit3A_1087 : i32 to vector<16xi32>
    %max3A_1090 = arith.maxsi %max3A_1089, %sub3A_1086 : vector<16xi32>
    %min3A_1091 = vector.broadcast %jit3A_1088 : i32 to vector<16xi32>
    %min3A_1092 = arith.minsi %min3A_1091, %max3A_1090 : vector<16xi32>
    %gather3A_1093 = tpu.vector_load_idx %arg9[%min3A_1092] : memref<1032xi32, #tpu.memory_space<vmem>>[vector<16xi32>], vector<16xi32>,
    %jit3A_1094 = arith.constant 33 : i32
    %broadcast_in_dim3A_1095 = vector.broadcast %jit3A_1094 : i32 to vector<16xi32>
    %select_n3A_1096 = arith.select %lt3A_1083, %gather3A_1093, %broadcast_in_dim3A_1095 : vector<16xi1>, vector<16xi32>
    %mul3A_1097 = arith.constant 512 : i32
    %mul3A_1098 = vector.broadcast %mul3A_1097 : i32 to vector<16xi32>
    %mul3A_1099 = arith.muli %select_n3A_1096, %mul3A_1098 : vector<16xi32>
    %swap3A_1100 = arith.constant 560 : index
    %swap3A_1101 = tpu.vector_load %arg10[%swap3A_1100] {strides = array<i32>} : memref<1024xi32, #tpu.memory_space<vmem>>, vector<16xi32>,
    tpu.vector_store %arg10[%swap3A_1100], %mul3A_1099 {strides = array<i32>} : memref<1024xi32, #tpu.memory_space<vmem>>, vector<16xi32>,
    %jit3A_1102 = arith.constant 1.000000e+00 : f32
    %jit3A_1103 = arith.constant 0.000000e+00 : f32
    %broadcast_in_dim3A_1104 = vector.broadcast %jit3A_1102 : f32 to vector<16xf32>
    %broadcast_in_dim3A_1105 = vector.broadcast %jit3A_1103 : f32 to vector<16xf32>
    %select_n3A_1106 = arith.select %lt3A_1083, %broadcast_in_dim3A_1104, %broadcast_in_dim3A_1105 : vector<16xi1>, vector<16xf32>
    %swap3A_1107 = arith.constant 560 : index
    %swap3A_1108 = tpu.vector_load %arg11[%swap3A_1107] {strides = array<i32>} : memref<1024xf32, #tpu.memory_space<vmem>>, vector<16xf32>,
    tpu.vector_store %arg11[%swap3A_1107], %select_n3A_1106 {strides = array<i32>} : memref<1024xf32, #tpu.memory_space<vmem>>, vector<16xf32>,
    %add3A_1109 = arith.constant 576 : i32
    %add3A_1110 = arith.addi %mul3A_0, %add3A_1109 : i32
    %add3A_1111 = vector.broadcast %add3A_1110 : i32 to vector<16xi32>
    %add3A_1112 = arith.addi %add3A_1111, %iota3A : vector<16xi32>
    %lt3A_1113 = arith.cmpi slt, %add3A_1112, %min3A_21 : vector<16xi32>
    %add3A_1114 = arith.addi %gather3A_13, %add3A_1112 : vector<16xi32>
    %sub3A_1115 = vector.broadcast %multiple_of3A : i32 to vector<16xi32>
    %sub3A_1116 = arith.subi %add3A_1114, %sub3A_1115 : vector<16xi32>
    %jit3A_1117 = arith.constant 0 : i32
    %jit3A_1118 = arith.constant 1031 : i32
    %max3A_1119 = vector.broadcast %jit3A_1117 : i32 to vector<16xi32>
    %max3A_1120 = arith.maxsi %max3A_1119, %sub3A_1116 : vector<16xi32>
    %min3A_1121 = vector.broadcast %jit3A_1118 : i32 to vector<16xi32>
    %min3A_1122 = arith.minsi %min3A_1121, %max3A_1120 : vector<16xi32>
    %gather3A_1123 = tpu.vector_load_idx %arg9[%min3A_1122] : memref<1032xi32, #tpu.memory_space<vmem>>[vector<16xi32>], vector<16xi32>,
    %jit3A_1124 = arith.constant 33 : i32
    %broadcast_in_dim3A_1125 = vector.broadcast %jit3A_1124 : i32 to vector<16xi32>
    %select_n3A_1126 = arith.select %lt3A_1113, %gather3A_1123, %broadcast_in_dim3A_1125 : vector<16xi1>, vector<16xi32>
    %mul3A_1127 = arith.constant 512 : i32
    %mul3A_1128 = vector.broadcast %mul3A_1127 : i32 to vector<16xi32>
    %mul3A_1129 = arith.muli %select_n3A_1126, %mul3A_1128 : vector<16xi32>
    %swap3A_1130 = arith.constant 576 : index
    %swap3A_1131 = tpu.vector_load %arg10[%swap3A_1130] {strides = array<i32>} : memref<1024xi32, #tpu.memory_space<vmem>>, vector<16xi32>,
    tpu.vector_store %arg10[%swap3A_1130], %mul3A_1129 {strides = array<i32>} : memref<1024xi32, #tpu.memory_space<vmem>>, vector<16xi32>,
    %jit3A_1132 = arith.constant 1.000000e+00 : f32
    %jit3A_1133 = arith.constant 0.000000e+00 : f32
    %broadcast_in_dim3A_1134 = vector.broadcast %jit3A_1132 : f32 to vector<16xf32>
    %broadcast_in_dim3A_1135 = vector.broadcast %jit3A_1133 : f32 to vector<16xf32>
    %select_n3A_1136 = arith.select %lt3A_1113, %broadcast_in_dim3A_1134, %broadcast_in_dim3A_1135 : vector<16xi1>, vector<16xf32>
    %swap3A_1137 = arith.constant 576 : index
    %swap3A_1138 = tpu.vector_load %arg11[%swap3A_1137] {strides = array<i32>} : memref<1024xf32, #tpu.memory_space<vmem>>, vector<16xf32>,
    tpu.vector_store %arg11[%swap3A_1137], %select_n3A_1136 {strides = array<i32>} : memref<1024xf32, #tpu.memory_space<vmem>>, vector<16xf32>,
    %add3A_1139 = arith.constant 592 : i32
    %add3A_1140 = arith.addi %mul3A_0, %add3A_1139 : i32
    %add3A_1141 = vector.broadcast %add3A_1140 : i32 to vector<16xi32>
    %add3A_1142 = arith.addi %add3A_1141, %iota3A : vector<16xi32>
    %lt3A_1143 = arith.cmpi slt, %add3A_1142, %min3A_21 : vector<16xi32>
    %add3A_1144 = arith.addi %gather3A_13, %add3A_1142 : vector<16xi32>
    %sub3A_1145 = vector.broadcast %multiple_of3A : i32 to vector<16xi32>
    %sub3A_1146 = arith.subi %add3A_1144, %sub3A_1145 : vector<16xi32>
    %jit3A_1147 = arith.constant 0 : i32
    %jit3A_1148 = arith.constant 1031 : i32
    %max3A_1149 = vector.broadcast %jit3A_1147 : i32 to vector<16xi32>
    %max3A_1150 = arith.maxsi %max3A_1149, %sub3A_1146 : vector<16xi32>
    %min3A_1151 = vector.broadcast %jit3A_1148 : i32 to vector<16xi32>
    %min3A_1152 = arith.minsi %min3A_1151, %max3A_1150 : vector<16xi32>
    %gather3A_1153 = tpu.vector_load_idx %arg9[%min3A_1152] : memref<1032xi32, #tpu.memory_space<vmem>>[vector<16xi32>], vector<16xi32>,
    %jit3A_1154 = arith.constant 33 : i32
    %broadcast_in_dim3A_1155 = vector.broadcast %jit3A_1154 : i32 to vector<16xi32>
    %select_n3A_1156 = arith.select %lt3A_1143, %gather3A_1153, %broadcast_in_dim3A_1155 : vector<16xi1>, vector<16xi32>
    %mul3A_1157 = arith.constant 512 : i32
    %mul3A_1158 = vector.broadcast %mul3A_1157 : i32 to vector<16xi32>
    %mul3A_1159 = arith.muli %select_n3A_1156, %mul3A_1158 : vector<16xi32>
    %swap3A_1160 = arith.constant 592 : index
    %swap3A_1161 = tpu.vector_load %arg10[%swap3A_1160] {strides = array<i32>} : memref<1024xi32, #tpu.memory_space<vmem>>, vector<16xi32>,
    tpu.vector_store %arg10[%swap3A_1160], %mul3A_1159 {strides = array<i32>} : memref<1024xi32, #tpu.memory_space<vmem>>, vector<16xi32>,
    %jit3A_1162 = arith.constant 1.000000e+00 : f32
    %jit3A_1163 = arith.constant 0.000000e+00 : f32
    %broadcast_in_dim3A_1164 = vector.broadcast %jit3A_1162 : f32 to vector<16xf32>
    %broadcast_in_dim3A_1165 = vector.broadcast %jit3A_1163 : f32 to vector<16xf32>
    %select_n3A_1166 = arith.select %lt3A_1143, %broadcast_in_dim3A_1164, %broadcast_in_dim3A_1165 : vector<16xi1>, vector<16xf32>
    %swap3A_1167 = arith.constant 592 : index
    %swap3A_1168 = tpu.vector_load %arg11[%swap3A_1167] {strides = array<i32>} : memref<1024xf32, #tpu.memory_space<vmem>>, vector<16xf32>,
    tpu.vector_store %arg11[%swap3A_1167], %select_n3A_1166 {strides = array<i32>} : memref<1024xf32, #tpu.memory_space<vmem>>, vector<16xf32>,
    %add3A_1169 = arith.constant 608 : i32
    %add3A_1170 = arith.addi %mul3A_0, %add3A_1169 : i32
    %add3A_1171 = vector.broadcast %add3A_1170 : i32 to vector<16xi32>
    %add3A_1172 = arith.addi %add3A_1171, %iota3A : vector<16xi32>
    %lt3A_1173 = arith.cmpi slt, %add3A_1172, %min3A_21 : vector<16xi32>
    %add3A_1174 = arith.addi %gather3A_13, %add3A_1172 : vector<16xi32>
    %sub3A_1175 = vector.broadcast %multiple_of3A : i32 to vector<16xi32>
    %sub3A_1176 = arith.subi %add3A_1174, %sub3A_1175 : vector<16xi32>
    %jit3A_1177 = arith.constant 0 : i32
    %jit3A_1178 = arith.constant 1031 : i32
    %max3A_1179 = vector.broadcast %jit3A_1177 : i32 to vector<16xi32>
    %max3A_1180 = arith.maxsi %max3A_1179, %sub3A_1176 : vector<16xi32>
    %min3A_1181 = vector.broadcast %jit3A_1178 : i32 to vector<16xi32>
    %min3A_1182 = arith.minsi %min3A_1181, %max3A_1180 : vector<16xi32>
    %gather3A_1183 = tpu.vector_load_idx %arg9[%min3A_1182] : memref<1032xi32, #tpu.memory_space<vmem>>[vector<16xi32>], vector<16xi32>,
    %jit3A_1184 = arith.constant 33 : i32
    %broadcast_in_dim3A_1185 = vector.broadcast %jit3A_1184 : i32 to vector<16xi32>
    %select_n3A_1186 = arith.select %lt3A_1173, %gather3A_1183, %broadcast_in_dim3A_1185 : vector<16xi1>, vector<16xi32>
    %mul3A_1187 = arith.constant 512 : i32
    %mul3A_1188 = vector.broadcast %mul3A_1187 : i32 to vector<16xi32>
    %mul3A_1189 = arith.muli %select_n3A_1186, %mul3A_1188 : vector<16xi32>
    %swap3A_1190 = arith.constant 608 : index
    %swap3A_1191 = tpu.vector_load %arg10[%swap3A_1190] {strides = array<i32>} : memref<1024xi32, #tpu.memory_space<vmem>>, vector<16xi32>,
    tpu.vector_store %arg10[%swap3A_1190], %mul3A_1189 {strides = array<i32>} : memref<1024xi32, #tpu.memory_space<vmem>>, vector<16xi32>,
    %jit3A_1192 = arith.constant 1.000000e+00 : f32
    %jit3A_1193 = arith.constant 0.000000e+00 : f32
    %broadcast_in_dim3A_1194 = vector.broadcast %jit3A_1192 : f32 to vector<16xf32>
    %broadcast_in_dim3A_1195 = vector.broadcast %jit3A_1193 : f32 to vector<16xf32>
    %select_n3A_1196 = arith.select %lt3A_1173, %broadcast_in_dim3A_1194, %broadcast_in_dim3A_1195 : vector<16xi1>, vector<16xf32>
    %swap3A_1197 = arith.constant 608 : index
    %swap3A_1198 = tpu.vector_load %arg11[%swap3A_1197] {strides = array<i32>} : memref<1024xf32, #tpu.memory_space<vmem>>, vector<16xf32>,
    tpu.vector_store %arg11[%swap3A_1197], %select_n3A_1196 {strides = array<i32>} : memref<1024xf32, #tpu.memory_space<vmem>>, vector<16xf32>,
    %add3A_1199 = arith.constant 624 : i32
    %add3A_1200 = arith.addi %mul3A_0, %add3A_1199 : i32
    %add3A_1201 = vector.broadcast %add3A_1200 : i32 to vector<16xi32>
    %add3A_1202 = arith.addi %add3A_1201, %iota3A : vector<16xi32>
    %lt3A_1203 = arith.cmpi slt, %add3A_1202, %min3A_21 : vector<16xi32>
    %add3A_1204 = arith.addi %gather3A_13, %add3A_1202 : vector<16xi32>
    %sub3A_1205 = vector.broadcast %multiple_of3A : i32 to vector<16xi32>
    %sub3A_1206 = arith.subi %add3A_1204, %sub3A_1205 : vector<16xi32>
    %jit3A_1207 = arith.constant 0 : i32
    %jit3A_1208 = arith.constant 1031 : i32
    %max3A_1209 = vector.broadcast %jit3A_1207 : i32 to vector<16xi32>
    %max3A_1210 = arith.maxsi %max3A_1209, %sub3A_1206 : vector<16xi32>
    %min3A_1211 = vector.broadcast %jit3A_1208 : i32 to vector<16xi32>
    %min3A_1212 = arith.minsi %min3A_1211, %max3A_1210 : vector<16xi32>
    %gather3A_1213 = tpu.vector_load_idx %arg9[%min3A_1212] : memref<1032xi32, #tpu.memory_space<vmem>>[vector<16xi32>], vector<16xi32>,
    %jit3A_1214 = arith.constant 33 : i32
    %broadcast_in_dim3A_1215 = vector.broadcast %jit3A_1214 : i32 to vector<16xi32>
    %select_n3A_1216 = arith.select %lt3A_1203, %gather3A_1213, %broadcast_in_dim3A_1215 : vector<16xi1>, vector<16xi32>
    %mul3A_1217 = arith.constant 512 : i32
    %mul3A_1218 = vector.broadcast %mul3A_1217 : i32 to vector<16xi32>
    %mul3A_1219 = arith.muli %select_n3A_1216, %mul3A_1218 : vector<16xi32>
    %swap3A_1220 = arith.constant 624 : index
    %swap3A_1221 = tpu.vector_load %arg10[%swap3A_1220] {strides = array<i32>} : memref<1024xi32, #tpu.memory_space<vmem>>, vector<16xi32>,
    tpu.vector_store %arg10[%swap3A_1220], %mul3A_1219 {strides = array<i32>} : memref<1024xi32, #tpu.memory_space<vmem>>, vector<16xi32>,
    %jit3A_1222 = arith.constant 1.000000e+00 : f32
    %jit3A_1223 = arith.constant 0.000000e+00 : f32
    %broadcast_in_dim3A_1224 = vector.broadcast %jit3A_1222 : f32 to vector<16xf32>
    %broadcast_in_dim3A_1225 = vector.broadcast %jit3A_1223 : f32 to vector<16xf32>
    %select_n3A_1226 = arith.select %lt3A_1203, %broadcast_in_dim3A_1224, %broadcast_in_dim3A_1225 : vector<16xi1>, vector<16xf32>
    %swap3A_1227 = arith.constant 624 : index
    %swap3A_1228 = tpu.vector_load %arg11[%swap3A_1227] {strides = array<i32>} : memref<1024xf32, #tpu.memory_space<vmem>>, vector<16xf32>,
    tpu.vector_store %arg11[%swap3A_1227], %select_n3A_1226 {strides = array<i32>} : memref<1024xf32, #tpu.memory_space<vmem>>, vector<16xf32>,
    %add3A_1229 = arith.constant 640 : i32
    %add3A_1230 = arith.addi %mul3A_0, %add3A_1229 : i32
    %add3A_1231 = vector.broadcast %add3A_1230 : i32 to vector<16xi32>
    %add3A_1232 = arith.addi %add3A_1231, %iota3A : vector<16xi32>
    %lt3A_1233 = arith.cmpi slt, %add3A_1232, %min3A_21 : vector<16xi32>
    %add3A_1234 = arith.addi %gather3A_13, %add3A_1232 : vector<16xi32>
    %sub3A_1235 = vector.broadcast %multiple_of3A : i32 to vector<16xi32>
    %sub3A_1236 = arith.subi %add3A_1234, %sub3A_1235 : vector<16xi32>
    %jit3A_1237 = arith.constant 0 : i32
    %jit3A_1238 = arith.constant 1031 : i32
    %max3A_1239 = vector.broadcast %jit3A_1237 : i32 to vector<16xi32>
    %max3A_1240 = arith.maxsi %max3A_1239, %sub3A_1236 : vector<16xi32>
    %min3A_1241 = vector.broadcast %jit3A_1238 : i32 to vector<16xi32>
    %min3A_1242 = arith.minsi %min3A_1241, %max3A_1240 : vector<16xi32>
    %gather3A_1243 = tpu.vector_load_idx %arg9[%min3A_1242] : memref<1032xi32, #tpu.memory_space<vmem>>[vector<16xi32>], vector<16xi32>,
    %jit3A_1244 = arith.constant 33 : i32
    %broadcast_in_dim3A_1245 = vector.broadcast %jit3A_1244 : i32 to vector<16xi32>
    %select_n3A_1246 = arith.select %lt3A_1233, %gather3A_1243, %broadcast_in_dim3A_1245 : vector<16xi1>, vector<16xi32>
    %mul3A_1247 = arith.constant 512 : i32
    %mul3A_1248 = vector.broadcast %mul3A_1247 : i32 to vector<16xi32>
    %mul3A_1249 = arith.muli %select_n3A_1246, %mul3A_1248 : vector<16xi32>
    %swap3A_1250 = arith.constant 640 : index
    %swap3A_1251 = tpu.vector_load %arg10[%swap3A_1250] {strides = array<i32>} : memref<1024xi32, #tpu.memory_space<vmem>>, vector<16xi32>,
    tpu.vector_store %arg10[%swap3A_1250], %mul3A_1249 {strides = array<i32>} : memref<1024xi32, #tpu.memory_space<vmem>>, vector<16xi32>,
    %jit3A_1252 = arith.constant 1.000000e+00 : f32
    %jit3A_1253 = arith.constant 0.000000e+00 : f32
    %broadcast_in_dim3A_1254 = vector.broadcast %jit3A_1252 : f32 to vector<16xf32>
    %broadcast_in_dim3A_1255 = vector.broadcast %jit3A_1253 : f32 to vector<16xf32>
    %select_n3A_1256 = arith.select %lt3A_1233, %broadcast_in_dim3A_1254, %broadcast_in_dim3A_1255 : vector<16xi1>, vector<16xf32>
    %swap3A_1257 = arith.constant 640 : index
    %swap3A_1258 = tpu.vector_load %arg11[%swap3A_1257] {strides = array<i32>} : memref<1024xf32, #tpu.memory_space<vmem>>, vector<16xf32>,
    tpu.vector_store %arg11[%swap3A_1257], %select_n3A_1256 {strides = array<i32>} : memref<1024xf32, #tpu.memory_space<vmem>>, vector<16xf32>,
    %add3A_1259 = arith.constant 656 : i32
    %add3A_1260 = arith.addi %mul3A_0, %add3A_1259 : i32
    %add3A_1261 = vector.broadcast %add3A_1260 : i32 to vector<16xi32>
    %add3A_1262 = arith.addi %add3A_1261, %iota3A : vector<16xi32>
    %lt3A_1263 = arith.cmpi slt, %add3A_1262, %min3A_21 : vector<16xi32>
    %add3A_1264 = arith.addi %gather3A_13, %add3A_1262 : vector<16xi32>
    %sub3A_1265 = vector.broadcast %multiple_of3A : i32 to vector<16xi32>
    %sub3A_1266 = arith.subi %add3A_1264, %sub3A_1265 : vector<16xi32>
    %jit3A_1267 = arith.constant 0 : i32
    %jit3A_1268 = arith.constant 1031 : i32
    %max3A_1269 = vector.broadcast %jit3A_1267 : i32 to vector<16xi32>
    %max3A_1270 = arith.maxsi %max3A_1269, %sub3A_1266 : vector<16xi32>
    %min3A_1271 = vector.broadcast %jit3A_1268 : i32 to vector<16xi32>
    %min3A_1272 = arith.minsi %min3A_1271, %max3A_1270 : vector<16xi32>
    %gather3A_1273 = tpu.vector_load_idx %arg9[%min3A_1272] : memref<1032xi32, #tpu.memory_space<vmem>>[vector<16xi32>], vector<16xi32>,
    %jit3A_1274 = arith.constant 33 : i32
    %broadcast_in_dim3A_1275 = vector.broadcast %jit3A_1274 : i32 to vector<16xi32>
    %select_n3A_1276 = arith.select %lt3A_1263, %gather3A_1273, %broadcast_in_dim3A_1275 : vector<16xi1>, vector<16xi32>
    %mul3A_1277 = arith.constant 512 : i32
    %mul3A_1278 = vector.broadcast %mul3A_1277 : i32 to vector<16xi32>
    %mul3A_1279 = arith.muli %select_n3A_1276, %mul3A_1278 : vector<16xi32>
    %swap3A_1280 = arith.constant 656 : index
    %swap3A_1281 = tpu.vector_load %arg10[%swap3A_1280] {strides = array<i32>} : memref<1024xi32, #tpu.memory_space<vmem>>, vector<16xi32>,
    tpu.vector_store %arg10[%swap3A_1280], %mul3A_1279 {strides = array<i32>} : memref<1024xi32, #tpu.memory_space<vmem>>, vector<16xi32>,
    %jit3A_1282 = arith.constant 1.000000e+00 : f32
    %jit3A_1283 = arith.constant 0.000000e+00 : f32
    %broadcast_in_dim3A_1284 = vector.broadcast %jit3A_1282 : f32 to vector<16xf32>
    %broadcast_in_dim3A_1285 = vector.broadcast %jit3A_1283 : f32 to vector<16xf32>
    %select_n3A_1286 = arith.select %lt3A_1263, %broadcast_in_dim3A_1284, %broadcast_in_dim3A_1285 : vector<16xi1>, vector<16xf32>
    %swap3A_1287 = arith.constant 656 : index
    %swap3A_1288 = tpu.vector_load %arg11[%swap3A_1287] {strides = array<i32>} : memref<1024xf32, #tpu.memory_space<vmem>>, vector<16xf32>,
    tpu.vector_store %arg11[%swap3A_1287], %select_n3A_1286 {strides = array<i32>} : memref<1024xf32, #tpu.memory_space<vmem>>, vector<16xf32>,
    %add3A_1289 = arith.constant 672 : i32
    %add3A_1290 = arith.addi %mul3A_0, %add3A_1289 : i32
    %add3A_1291 = vector.broadcast %add3A_1290 : i32 to vector<16xi32>
    %add3A_1292 = arith.addi %add3A_1291, %iota3A : vector<16xi32>
    %lt3A_1293 = arith.cmpi slt, %add3A_1292, %min3A_21 : vector<16xi32>
    %add3A_1294 = arith.addi %gather3A_13, %add3A_1292 : vector<16xi32>
    %sub3A_1295 = vector.broadcast %multiple_of3A : i32 to vector<16xi32>
    %sub3A_1296 = arith.subi %add3A_1294, %sub3A_1295 : vector<16xi32>
    %jit3A_1297 = arith.constant 0 : i32
    %jit3A_1298 = arith.constant 1031 : i32
    %max3A_1299 = vector.broadcast %jit3A_1297 : i32 to vector<16xi32>
    %max3A_1300 = arith.maxsi %max3A_1299, %sub3A_1296 : vector<16xi32>
    %min3A_1301 = vector.broadcast %jit3A_1298 : i32 to vector<16xi32>
    %min3A_1302 = arith.minsi %min3A_1301, %max3A_1300 : vector<16xi32>
    %gather3A_1303 = tpu.vector_load_idx %arg9[%min3A_1302] : memref<1032xi32, #tpu.memory_space<vmem>>[vector<16xi32>], vector<16xi32>,
    %jit3A_1304 = arith.constant 33 : i32
    %broadcast_in_dim3A_1305 = vector.broadcast %jit3A_1304 : i32 to vector<16xi32>
    %select_n3A_1306 = arith.select %lt3A_1293, %gather3A_1303, %broadcast_in_dim3A_1305 : vector<16xi1>, vector<16xi32>
    %mul3A_1307 = arith.constant 512 : i32
    %mul3A_1308 = vector.broadcast %mul3A_1307 : i32 to vector<16xi32>
    %mul3A_1309 = arith.muli %select_n3A_1306, %mul3A_1308 : vector<16xi32>
    %swap3A_1310 = arith.constant 672 : index
    %swap3A_1311 = tpu.vector_load %arg10[%swap3A_1310] {strides = array<i32>} : memref<1024xi32, #tpu.memory_space<vmem>>, vector<16xi32>,
    tpu.vector_store %arg10[%swap3A_1310], %mul3A_1309 {strides = array<i32>} : memref<1024xi32, #tpu.memory_space<vmem>>, vector<16xi32>,
    %jit3A_1312 = arith.constant 1.000000e+00 : f32
    %jit3A_1313 = arith.constant 0.000000e+00 : f32
    %broadcast_in_dim3A_1314 = vector.broadcast %jit3A_1312 : f32 to vector<16xf32>
    %broadcast_in_dim3A_1315 = vector.broadcast %jit3A_1313 : f32 to vector<16xf32>
    %select_n3A_1316 = arith.select %lt3A_1293, %broadcast_in_dim3A_1314, %broadcast_in_dim3A_1315 : vector<16xi1>, vector<16xf32>
    %swap3A_1317 = arith.constant 672 : index
    %swap3A_1318 = tpu.vector_load %arg11[%swap3A_1317] {strides = array<i32>} : memref<1024xf32, #tpu.memory_space<vmem>>, vector<16xf32>,
    tpu.vector_store %arg11[%swap3A_1317], %select_n3A_1316 {strides = array<i32>} : memref<1024xf32, #tpu.memory_space<vmem>>, vector<16xf32>,
    %add3A_1319 = arith.constant 688 : i32
    %add3A_1320 = arith.addi %mul3A_0, %add3A_1319 : i32
    %add3A_1321 = vector.broadcast %add3A_1320 : i32 to vector<16xi32>
    %add3A_1322 = arith.addi %add3A_1321, %iota3A : vector<16xi32>
    %lt3A_1323 = arith.cmpi slt, %add3A_1322, %min3A_21 : vector<16xi32>
    %add3A_1324 = arith.addi %gather3A_13, %add3A_1322 : vector<16xi32>
    %sub3A_1325 = vector.broadcast %multiple_of3A : i32 to vector<16xi32>
    %sub3A_1326 = arith.subi %add3A_1324, %sub3A_1325 : vector<16xi32>
    %jit3A_1327 = arith.constant 0 : i32
    %jit3A_1328 = arith.constant 1031 : i32
    %max3A_1329 = vector.broadcast %jit3A_1327 : i32 to vector<16xi32>
    %max3A_1330 = arith.maxsi %max3A_1329, %sub3A_1326 : vector<16xi32>
    %min3A_1331 = vector.broadcast %jit3A_1328 : i32 to vector<16xi32>
    %min3A_1332 = arith.minsi %min3A_1331, %max3A_1330 : vector<16xi32>
    %gather3A_1333 = tpu.vector_load_idx %arg9[%min3A_1332] : memref<1032xi32, #tpu.memory_space<vmem>>[vector<16xi32>], vector<16xi32>,
    %jit3A_1334 = arith.constant 33 : i32
    %broadcast_in_dim3A_1335 = vector.broadcast %jit3A_1334 : i32 to vector<16xi32>
    %select_n3A_1336 = arith.select %lt3A_1323, %gather3A_1333, %broadcast_in_dim3A_1335 : vector<16xi1>, vector<16xi32>
    %mul3A_1337 = arith.constant 512 : i32
    %mul3A_1338 = vector.broadcast %mul3A_1337 : i32 to vector<16xi32>
    %mul3A_1339 = arith.muli %select_n3A_1336, %mul3A_1338 : vector<16xi32>
    %swap3A_1340 = arith.constant 688 : index
    %swap3A_1341 = tpu.vector_load %arg10[%swap3A_1340] {strides = array<i32>} : memref<1024xi32, #tpu.memory_space<vmem>>, vector<16xi32>,
    tpu.vector_store %arg10[%swap3A_1340], %mul3A_1339 {strides = array<i32>} : memref<1024xi32, #tpu.memory_space<vmem>>, vector<16xi32>,
    %jit3A_1342 = arith.constant 1.000000e+00 : f32
    %jit3A_1343 = arith.constant 0.000000e+00 : f32
    %broadcast_in_dim3A_1344 = vector.broadcast %jit3A_1342 : f32 to vector<16xf32>
    %broadcast_in_dim3A_1345 = vector.broadcast %jit3A_1343 : f32 to vector<16xf32>
    %select_n3A_1346 = arith.select %lt3A_1323, %broadcast_in_dim3A_1344, %broadcast_in_dim3A_1345 : vector<16xi1>, vector<16xf32>
    %swap3A_1347 = arith.constant 688 : index
    %swap3A_1348 = tpu.vector_load %arg11[%swap3A_1347] {strides = array<i32>} : memref<1024xf32, #tpu.memory_space<vmem>>, vector<16xf32>,
    tpu.vector_store %arg11[%swap3A_1347], %select_n3A_1346 {strides = array<i32>} : memref<1024xf32, #tpu.memory_space<vmem>>, vector<16xf32>,
    %add3A_1349 = arith.constant 704 : i32
    %add3A_1350 = arith.addi %mul3A_0, %add3A_1349 : i32
    %add3A_1351 = vector.broadcast %add3A_1350 : i32 to vector<16xi32>
    %add3A_1352 = arith.addi %add3A_1351, %iota3A : vector<16xi32>
    %lt3A_1353 = arith.cmpi slt, %add3A_1352, %min3A_21 : vector<16xi32>
    %add3A_1354 = arith.addi %gather3A_13, %add3A_1352 : vector<16xi32>
    %sub3A_1355 = vector.broadcast %multiple_of3A : i32 to vector<16xi32>
    %sub3A_1356 = arith.subi %add3A_1354, %sub3A_1355 : vector<16xi32>
    %jit3A_1357 = arith.constant 0 : i32
    %jit3A_1358 = arith.constant 1031 : i32
    %max3A_1359 = vector.broadcast %jit3A_1357 : i32 to vector<16xi32>
    %max3A_1360 = arith.maxsi %max3A_1359, %sub3A_1356 : vector<16xi32>
    %min3A_1361 = vector.broadcast %jit3A_1358 : i32 to vector<16xi32>
    %min3A_1362 = arith.minsi %min3A_1361, %max3A_1360 : vector<16xi32>
    %gather3A_1363 = tpu.vector_load_idx %arg9[%min3A_1362] : memref<1032xi32, #tpu.memory_space<vmem>>[vector<16xi32>], vector<16xi32>,
    %jit3A_1364 = arith.constant 33 : i32
    %broadcast_in_dim3A_1365 = vector.broadcast %jit3A_1364 : i32 to vector<16xi32>
    %select_n3A_1366 = arith.select %lt3A_1353, %gather3A_1363, %broadcast_in_dim3A_1365 : vector<16xi1>, vector<16xi32>
    %mul3A_1367 = arith.constant 512 : i32
    %mul3A_1368 = vector.broadcast %mul3A_1367 : i32 to vector<16xi32>
    %mul3A_1369 = arith.muli %select_n3A_1366, %mul3A_1368 : vector<16xi32>
    %swap3A_1370 = arith.constant 704 : index
    %swap3A_1371 = tpu.vector_load %arg10[%swap3A_1370] {strides = array<i32>} : memref<1024xi32, #tpu.memory_space<vmem>>, vector<16xi32>,
    tpu.vector_store %arg10[%swap3A_1370], %mul3A_1369 {strides = array<i32>} : memref<1024xi32, #tpu.memory_space<vmem>>, vector<16xi32>,
    %jit3A_1372 = arith.constant 1.000000e+00 : f32
    %jit3A_1373 = arith.constant 0.000000e+00 : f32
    %broadcast_in_dim3A_1374 = vector.broadcast %jit3A_1372 : f32 to vector<16xf32>
    %broadcast_in_dim3A_1375 = vector.broadcast %jit3A_1373 : f32 to vector<16xf32>
    %select_n3A_1376 = arith.select %lt3A_1353, %broadcast_in_dim3A_1374, %broadcast_in_dim3A_1375 : vector<16xi1>, vector<16xf32>
    %swap3A_1377 = arith.constant 704 : index
    %swap3A_1378 = tpu.vector_load %arg11[%swap3A_1377] {strides = array<i32>} : memref<1024xf32, #tpu.memory_space<vmem>>, vector<16xf32>,
    tpu.vector_store %arg11[%swap3A_1377], %select_n3A_1376 {strides = array<i32>} : memref<1024xf32, #tpu.memory_space<vmem>>, vector<16xf32>,
    %add3A_1379 = arith.constant 720 : i32
    %add3A_1380 = arith.addi %mul3A_0, %add3A_1379 : i32
    %add3A_1381 = vector.broadcast %add3A_1380 : i32 to vector<16xi32>
    %add3A_1382 = arith.addi %add3A_1381, %iota3A : vector<16xi32>
    %lt3A_1383 = arith.cmpi slt, %add3A_1382, %min3A_21 : vector<16xi32>
    %add3A_1384 = arith.addi %gather3A_13, %add3A_1382 : vector<16xi32>
    %sub3A_1385 = vector.broadcast %multiple_of3A : i32 to vector<16xi32>
    %sub3A_1386 = arith.subi %add3A_1384, %sub3A_1385 : vector<16xi32>
    %jit3A_1387 = arith.constant 0 : i32
    %jit3A_1388 = arith.constant 1031 : i32
    %max3A_1389 = vector.broadcast %jit3A_1387 : i32 to vector<16xi32>
    %max3A_1390 = arith.maxsi %max3A_1389, %sub3A_1386 : vector<16xi32>
    %min3A_1391 = vector.broadcast %jit3A_1388 : i32 to vector<16xi32>
    %min3A_1392 = arith.minsi %min3A_1391, %max3A_1390 : vector<16xi32>
    %gather3A_1393 = tpu.vector_load_idx %arg9[%min3A_1392] : memref<1032xi32, #tpu.memory_space<vmem>>[vector<16xi32>], vector<16xi32>,
    %jit3A_1394 = arith.constant 33 : i32
    %broadcast_in_dim3A_1395 = vector.broadcast %jit3A_1394 : i32 to vector<16xi32>
    %select_n3A_1396 = arith.select %lt3A_1383, %gather3A_1393, %broadcast_in_dim3A_1395 : vector<16xi1>, vector<16xi32>
    %mul3A_1397 = arith.constant 512 : i32
    %mul3A_1398 = vector.broadcast %mul3A_1397 : i32 to vector<16xi32>
    %mul3A_1399 = arith.muli %select_n3A_1396, %mul3A_1398 : vector<16xi32>
    %swap3A_1400 = arith.constant 720 : index
    %swap3A_1401 = tpu.vector_load %arg10[%swap3A_1400] {strides = array<i32>} : memref<1024xi32, #tpu.memory_space<vmem>>, vector<16xi32>,
    tpu.vector_store %arg10[%swap3A_1400], %mul3A_1399 {strides = array<i32>} : memref<1024xi32, #tpu.memory_space<vmem>>, vector<16xi32>,
    %jit3A_1402 = arith.constant 1.000000e+00 : f32
    %jit3A_1403 = arith.constant 0.000000e+00 : f32
    %broadcast_in_dim3A_1404 = vector.broadcast %jit3A_1402 : f32 to vector<16xf32>
    %broadcast_in_dim3A_1405 = vector.broadcast %jit3A_1403 : f32 to vector<16xf32>
    %select_n3A_1406 = arith.select %lt3A_1383, %broadcast_in_dim3A_1404, %broadcast_in_dim3A_1405 : vector<16xi1>, vector<16xf32>
    %swap3A_1407 = arith.constant 720 : index
    %swap3A_1408 = tpu.vector_load %arg11[%swap3A_1407] {strides = array<i32>} : memref<1024xf32, #tpu.memory_space<vmem>>, vector<16xf32>,
    tpu.vector_store %arg11[%swap3A_1407], %select_n3A_1406 {strides = array<i32>} : memref<1024xf32, #tpu.memory_space<vmem>>, vector<16xf32>,
    %add3A_1409 = arith.constant 736 : i32
    %add3A_1410 = arith.addi %mul3A_0, %add3A_1409 : i32
    %add3A_1411 = vector.broadcast %add3A_1410 : i32 to vector<16xi32>
    %add3A_1412 = arith.addi %add3A_1411, %iota3A : vector<16xi32>
    %lt3A_1413 = arith.cmpi slt, %add3A_1412, %min3A_21 : vector<16xi32>
    %add3A_1414 = arith.addi %gather3A_13, %add3A_1412 : vector<16xi32>
    %sub3A_1415 = vector.broadcast %multiple_of3A : i32 to vector<16xi32>
    %sub3A_1416 = arith.subi %add3A_1414, %sub3A_1415 : vector<16xi32>
    %jit3A_1417 = arith.constant 0 : i32
    %jit3A_1418 = arith.constant 1031 : i32
    %max3A_1419 = vector.broadcast %jit3A_1417 : i32 to vector<16xi32>
    %max3A_1420 = arith.maxsi %max3A_1419, %sub3A_1416 : vector<16xi32>
    %min3A_1421 = vector.broadcast %jit3A_1418 : i32 to vector<16xi32>
    %min3A_1422 = arith.minsi %min3A_1421, %max3A_1420 : vector<16xi32>
    %gather3A_1423 = tpu.vector_load_idx %arg9[%min3A_1422] : memref<1032xi32, #tpu.memory_space<vmem>>[vector<16xi32>], vector<16xi32>,
    %jit3A_1424 = arith.constant 33 : i32
    %broadcast_in_dim3A_1425 = vector.broadcast %jit3A_1424 : i32 to vector<16xi32>
    %select_n3A_1426 = arith.select %lt3A_1413, %gather3A_1423, %broadcast_in_dim3A_1425 : vector<16xi1>, vector<16xi32>
    %mul3A_1427 = arith.constant 512 : i32
    %mul3A_1428 = vector.broadcast %mul3A_1427 : i32 to vector<16xi32>
    %mul3A_1429 = arith.muli %select_n3A_1426, %mul3A_1428 : vector<16xi32>
    %swap3A_1430 = arith.constant 736 : index
    %swap3A_1431 = tpu.vector_load %arg10[%swap3A_1430] {strides = array<i32>} : memref<1024xi32, #tpu.memory_space<vmem>>, vector<16xi32>,
    tpu.vector_store %arg10[%swap3A_1430], %mul3A_1429 {strides = array<i32>} : memref<1024xi32, #tpu.memory_space<vmem>>, vector<16xi32>,
    %jit3A_1432 = arith.constant 1.000000e+00 : f32
    %jit3A_1433 = arith.constant 0.000000e+00 : f32
    %broadcast_in_dim3A_1434 = vector.broadcast %jit3A_1432 : f32 to vector<16xf32>
    %broadcast_in_dim3A_1435 = vector.broadcast %jit3A_1433 : f32 to vector<16xf32>
    %select_n3A_1436 = arith.select %lt3A_1413, %broadcast_in_dim3A_1434, %broadcast_in_dim3A_1435 : vector<16xi1>, vector<16xf32>
    %swap3A_1437 = arith.constant 736 : index
    %swap3A_1438 = tpu.vector_load %arg11[%swap3A_1437] {strides = array<i32>} : memref<1024xf32, #tpu.memory_space<vmem>>, vector<16xf32>,
    tpu.vector_store %arg11[%swap3A_1437], %select_n3A_1436 {strides = array<i32>} : memref<1024xf32, #tpu.memory_space<vmem>>, vector<16xf32>,
    %add3A_1439 = arith.constant 752 : i32
    %add3A_1440 = arith.addi %mul3A_0, %add3A_1439 : i32
    %add3A_1441 = vector.broadcast %add3A_1440 : i32 to vector<16xi32>
    %add3A_1442 = arith.addi %add3A_1441, %iota3A : vector<16xi32>
    %lt3A_1443 = arith.cmpi slt, %add3A_1442, %min3A_21 : vector<16xi32>
    %add3A_1444 = arith.addi %gather3A_13, %add3A_1442 : vector<16xi32>
    %sub3A_1445 = vector.broadcast %multiple_of3A : i32 to vector<16xi32>
    %sub3A_1446 = arith.subi %add3A_1444, %sub3A_1445 : vector<16xi32>
    %jit3A_1447 = arith.constant 0 : i32
    %jit3A_1448 = arith.constant 1031 : i32
    %max3A_1449 = vector.broadcast %jit3A_1447 : i32 to vector<16xi32>
    %max3A_1450 = arith.maxsi %max3A_1449, %sub3A_1446 : vector<16xi32>
    %min3A_1451 = vector.broadcast %jit3A_1448 : i32 to vector<16xi32>
    %min3A_1452 = arith.minsi %min3A_1451, %max3A_1450 : vector<16xi32>
    %gather3A_1453 = tpu.vector_load_idx %arg9[%min3A_1452] : memref<1032xi32, #tpu.memory_space<vmem>>[vector<16xi32>], vector<16xi32>,
    %jit3A_1454 = arith.constant 33 : i32
    %broadcast_in_dim3A_1455 = vector.broadcast %jit3A_1454 : i32 to vector<16xi32>
    %select_n3A_1456 = arith.select %lt3A_1443, %gather3A_1453, %broadcast_in_dim3A_1455 : vector<16xi1>, vector<16xi32>
    %mul3A_1457 = arith.constant 512 : i32
    %mul3A_1458 = vector.broadcast %mul3A_1457 : i32 to vector<16xi32>
    %mul3A_1459 = arith.muli %select_n3A_1456, %mul3A_1458 : vector<16xi32>
    %swap3A_1460 = arith.constant 752 : index
    %swap3A_1461 = tpu.vector_load %arg10[%swap3A_1460] {strides = array<i32>} : memref<1024xi32, #tpu.memory_space<vmem>>, vector<16xi32>,
    tpu.vector_store %arg10[%swap3A_1460], %mul3A_1459 {strides = array<i32>} : memref<1024xi32, #tpu.memory_space<vmem>>, vector<16xi32>,
    %jit3A_1462 = arith.constant 1.000000e+00 : f32
    %jit3A_1463 = arith.constant 0.000000e+00 : f32
    %broadcast_in_dim3A_1464 = vector.broadcast %jit3A_1462 : f32 to vector<16xf32>
    %broadcast_in_dim3A_1465 = vector.broadcast %jit3A_1463 : f32 to vector<16xf32>
    %select_n3A_1466 = arith.select %lt3A_1443, %broadcast_in_dim3A_1464, %broadcast_in_dim3A_1465 : vector<16xi1>, vector<16xf32>
    %swap3A_1467 = arith.constant 752 : index
    %swap3A_1468 = tpu.vector_load %arg11[%swap3A_1467] {strides = array<i32>} : memref<1024xf32, #tpu.memory_space<vmem>>, vector<16xf32>,
    tpu.vector_store %arg11[%swap3A_1467], %select_n3A_1466 {strides = array<i32>} : memref<1024xf32, #tpu.memory_space<vmem>>, vector<16xf32>,
    %add3A_1469 = arith.constant 768 : i32
    %add3A_1470 = arith.addi %mul3A_0, %add3A_1469 : i32
    %add3A_1471 = vector.broadcast %add3A_1470 : i32 to vector<16xi32>
    %add3A_1472 = arith.addi %add3A_1471, %iota3A : vector<16xi32>
    %lt3A_1473 = arith.cmpi slt, %add3A_1472, %min3A_21 : vector<16xi32>
    %add3A_1474 = arith.addi %gather3A_13, %add3A_1472 : vector<16xi32>
    %sub3A_1475 = vector.broadcast %multiple_of3A : i32 to vector<16xi32>
    %sub3A_1476 = arith.subi %add3A_1474, %sub3A_1475 : vector<16xi32>
    %jit3A_1477 = arith.constant 0 : i32
    %jit3A_1478 = arith.constant 1031 : i32
    %max3A_1479 = vector.broadcast %jit3A_1477 : i32 to vector<16xi32>
    %max3A_1480 = arith.maxsi %max3A_1479, %sub3A_1476 : vector<16xi32>
    %min3A_1481 = vector.broadcast %jit3A_1478 : i32 to vector<16xi32>
    %min3A_1482 = arith.minsi %min3A_1481, %max3A_1480 : vector<16xi32>
    %gather3A_1483 = tpu.vector_load_idx %arg9[%min3A_1482] : memref<1032xi32, #tpu.memory_space<vmem>>[vector<16xi32>], vector<16xi32>,
    %jit3A_1484 = arith.constant 33 : i32
    %broadcast_in_dim3A_1485 = vector.broadcast %jit3A_1484 : i32 to vector<16xi32>
    %select_n3A_1486 = arith.select %lt3A_1473, %gather3A_1483, %broadcast_in_dim3A_1485 : vector<16xi1>, vector<16xi32>
    %mul3A_1487 = arith.constant 512 : i32
    %mul3A_1488 = vector.broadcast %mul3A_1487 : i32 to vector<16xi32>
    %mul3A_1489 = arith.muli %select_n3A_1486, %mul3A_1488 : vector<16xi32>
    %swap3A_1490 = arith.constant 768 : index
    %swap3A_1491 = tpu.vector_load %arg10[%swap3A_1490] {strides = array<i32>} : memref<1024xi32, #tpu.memory_space<vmem>>, vector<16xi32>,
    tpu.vector_store %arg10[%swap3A_1490], %mul3A_1489 {strides = array<i32>} : memref<1024xi32, #tpu.memory_space<vmem>>, vector<16xi32>,
    %jit3A_1492 = arith.constant 1.000000e+00 : f32
    %jit3A_1493 = arith.constant 0.000000e+00 : f32
    %broadcast_in_dim3A_1494 = vector.broadcast %jit3A_1492 : f32 to vector<16xf32>
    %broadcast_in_dim3A_1495 = vector.broadcast %jit3A_1493 : f32 to vector<16xf32>
    %select_n3A_1496 = arith.select %lt3A_1473, %broadcast_in_dim3A_1494, %broadcast_in_dim3A_1495 : vector<16xi1>, vector<16xf32>
    %swap3A_1497 = arith.constant 768 : index
    %swap3A_1498 = tpu.vector_load %arg11[%swap3A_1497] {strides = array<i32>} : memref<1024xf32, #tpu.memory_space<vmem>>, vector<16xf32>,
    tpu.vector_store %arg11[%swap3A_1497], %select_n3A_1496 {strides = array<i32>} : memref<1024xf32, #tpu.memory_space<vmem>>, vector<16xf32>,
    %add3A_1499 = arith.constant 784 : i32
    %add3A_1500 = arith.addi %mul3A_0, %add3A_1499 : i32
    %add3A_1501 = vector.broadcast %add3A_1500 : i32 to vector<16xi32>
    %add3A_1502 = arith.addi %add3A_1501, %iota3A : vector<16xi32>
    %lt3A_1503 = arith.cmpi slt, %add3A_1502, %min3A_21 : vector<16xi32>
    %add3A_1504 = arith.addi %gather3A_13, %add3A_1502 : vector<16xi32>
    %sub3A_1505 = vector.broadcast %multiple_of3A : i32 to vector<16xi32>
    %sub3A_1506 = arith.subi %add3A_1504, %sub3A_1505 : vector<16xi32>
    %jit3A_1507 = arith.constant 0 : i32
    %jit3A_1508 = arith.constant 1031 : i32
    %max3A_1509 = vector.broadcast %jit3A_1507 : i32 to vector<16xi32>
    %max3A_1510 = arith.maxsi %max3A_1509, %sub3A_1506 : vector<16xi32>
    %min3A_1511 = vector.broadcast %jit3A_1508 : i32 to vector<16xi32>
    %min3A_1512 = arith.minsi %min3A_1511, %max3A_1510 : vector<16xi32>
    %gather3A_1513 = tpu.vector_load_idx %arg9[%min3A_1512] : memref<1032xi32, #tpu.memory_space<vmem>>[vector<16xi32>], vector<16xi32>,
    %jit3A_1514 = arith.constant 33 : i32
    %broadcast_in_dim3A_1515 = vector.broadcast %jit3A_1514 : i32 to vector<16xi32>
    %select_n3A_1516 = arith.select %lt3A_1503, %gather3A_1513, %broadcast_in_dim3A_1515 : vector<16xi1>, vector<16xi32>
    %mul3A_1517 = arith.constant 512 : i32
    %mul3A_1518 = vector.broadcast %mul3A_1517 : i32 to vector<16xi32>
    %mul3A_1519 = arith.muli %select_n3A_1516, %mul3A_1518 : vector<16xi32>
    %swap3A_1520 = arith.constant 784 : index
    %swap3A_1521 = tpu.vector_load %arg10[%swap3A_1520] {strides = array<i32>} : memref<1024xi32, #tpu.memory_space<vmem>>, vector<16xi32>,
    tpu.vector_store %arg10[%swap3A_1520], %mul3A_1519 {strides = array<i32>} : memref<1024xi32, #tpu.memory_space<vmem>>, vector<16xi32>,
    %jit3A_1522 = arith.constant 1.000000e+00 : f32
    %jit3A_1523 = arith.constant 0.000000e+00 : f32
    %broadcast_in_dim3A_1524 = vector.broadcast %jit3A_1522 : f32 to vector<16xf32>
    %broadcast_in_dim3A_1525 = vector.broadcast %jit3A_1523 : f32 to vector<16xf32>
    %select_n3A_1526 = arith.select %lt3A_1503, %broadcast_in_dim3A_1524, %broadcast_in_dim3A_1525 : vector<16xi1>, vector<16xf32>
    %swap3A_1527 = arith.constant 784 : index
    %swap3A_1528 = tpu.vector_load %arg11[%swap3A_1527] {strides = array<i32>} : memref<1024xf32, #tpu.memory_space<vmem>>, vector<16xf32>,
    tpu.vector_store %arg11[%swap3A_1527], %select_n3A_1526 {strides = array<i32>} : memref<1024xf32, #tpu.memory_space<vmem>>, vector<16xf32>,
    %add3A_1529 = arith.constant 800 : i32
    %add3A_1530 = arith.addi %mul3A_0, %add3A_1529 : i32
    %add3A_1531 = vector.broadcast %add3A_1530 : i32 to vector<16xi32>
    %add3A_1532 = arith.addi %add3A_1531, %iota3A : vector<16xi32>
    %lt3A_1533 = arith.cmpi slt, %add3A_1532, %min3A_21 : vector<16xi32>
    %add3A_1534 = arith.addi %gather3A_13, %add3A_1532 : vector<16xi32>
    %sub3A_1535 = vector.broadcast %multiple_of3A : i32 to vector<16xi32>
    %sub3A_1536 = arith.subi %add3A_1534, %sub3A_1535 : vector<16xi32>
    %jit3A_1537 = arith.constant 0 : i32
    %jit3A_1538 = arith.constant 1031 : i32
    %max3A_1539 = vector.broadcast %jit3A_1537 : i32 to vector<16xi32>
    %max3A_1540 = arith.maxsi %max3A_1539, %sub3A_1536 : vector<16xi32>
    %min3A_1541 = vector.broadcast %jit3A_1538 : i32 to vector<16xi32>
    %min3A_1542 = arith.minsi %min3A_1541, %max3A_1540 : vector<16xi32>
    %gather3A_1543 = tpu.vector_load_idx %arg9[%min3A_1542] : memref<1032xi32, #tpu.memory_space<vmem>>[vector<16xi32>], vector<16xi32>,
    %jit3A_1544 = arith.constant 33 : i32
    %broadcast_in_dim3A_1545 = vector.broadcast %jit3A_1544 : i32 to vector<16xi32>
    %select_n3A_1546 = arith.select %lt3A_1533, %gather3A_1543, %broadcast_in_dim3A_1545 : vector<16xi1>, vector<16xi32>
    %mul3A_1547 = arith.constant 512 : i32
    %mul3A_1548 = vector.broadcast %mul3A_1547 : i32 to vector<16xi32>
    %mul3A_1549 = arith.muli %select_n3A_1546, %mul3A_1548 : vector<16xi32>
    %swap3A_1550 = arith.constant 800 : index
    %swap3A_1551 = tpu.vector_load %arg10[%swap3A_1550] {strides = array<i32>} : memref<1024xi32, #tpu.memory_space<vmem>>, vector<16xi32>,
    tpu.vector_store %arg10[%swap3A_1550], %mul3A_1549 {strides = array<i32>} : memref<1024xi32, #tpu.memory_space<vmem>>, vector<16xi32>,
    %jit3A_1552 = arith.constant 1.000000e+00 : f32
    %jit3A_1553 = arith.constant 0.000000e+00 : f32
    %broadcast_in_dim3A_1554 = vector.broadcast %jit3A_1552 : f32 to vector<16xf32>
    %broadcast_in_dim3A_1555 = vector.broadcast %jit3A_1553 : f32 to vector<16xf32>
    %select_n3A_1556 = arith.select %lt3A_1533, %broadcast_in_dim3A_1554, %broadcast_in_dim3A_1555 : vector<16xi1>, vector<16xf32>
    %swap3A_1557 = arith.constant 800 : index
    %swap3A_1558 = tpu.vector_load %arg11[%swap3A_1557] {strides = array<i32>} : memref<1024xf32, #tpu.memory_space<vmem>>, vector<16xf32>,
    tpu.vector_store %arg11[%swap3A_1557], %select_n3A_1556 {strides = array<i32>} : memref<1024xf32, #tpu.memory_space<vmem>>, vector<16xf32>,
    %add3A_1559 = arith.constant 816 : i32
    %add3A_1560 = arith.addi %mul3A_0, %add3A_1559 : i32
    %add3A_1561 = vector.broadcast %add3A_1560 : i32 to vector<16xi32>
    %add3A_1562 = arith.addi %add3A_1561, %iota3A : vector<16xi32>
    %lt3A_1563 = arith.cmpi slt, %add3A_1562, %min3A_21 : vector<16xi32>
    %add3A_1564 = arith.addi %gather3A_13, %add3A_1562 : vector<16xi32>
    %sub3A_1565 = vector.broadcast %multiple_of3A : i32 to vector<16xi32>
    %sub3A_1566 = arith.subi %add3A_1564, %sub3A_1565 : vector<16xi32>
    %jit3A_1567 = arith.constant 0 : i32
    %jit3A_1568 = arith.constant 1031 : i32
    %max3A_1569 = vector.broadcast %jit3A_1567 : i32 to vector<16xi32>
    %max3A_1570 = arith.maxsi %max3A_1569, %sub3A_1566 : vector<16xi32>
    %min3A_1571 = vector.broadcast %jit3A_1568 : i32 to vector<16xi32>
    %min3A_1572 = arith.minsi %min3A_1571, %max3A_1570 : vector<16xi32>
    %gather3A_1573 = tpu.vector_load_idx %arg9[%min3A_1572] : memref<1032xi32, #tpu.memory_space<vmem>>[vector<16xi32>], vector<16xi32>,
    %jit3A_1574 = arith.constant 33 : i32
    %broadcast_in_dim3A_1575 = vector.broadcast %jit3A_1574 : i32 to vector<16xi32>
    %select_n3A_1576 = arith.select %lt3A_1563, %gather3A_1573, %broadcast_in_dim3A_1575 : vector<16xi1>, vector<16xi32>
    %mul3A_1577 = arith.constant 512 : i32
    %mul3A_1578 = vector.broadcast %mul3A_1577 : i32 to vector<16xi32>
    %mul3A_1579 = arith.muli %select_n3A_1576, %mul3A_1578 : vector<16xi32>
    %swap3A_1580 = arith.constant 816 : index
    %swap3A_1581 = tpu.vector_load %arg10[%swap3A_1580] {strides = array<i32>} : memref<1024xi32, #tpu.memory_space<vmem>>, vector<16xi32>,
    tpu.vector_store %arg10[%swap3A_1580], %mul3A_1579 {strides = array<i32>} : memref<1024xi32, #tpu.memory_space<vmem>>, vector<16xi32>,
    %jit3A_1582 = arith.constant 1.000000e+00 : f32
    %jit3A_1583 = arith.constant 0.000000e+00 : f32
    %broadcast_in_dim3A_1584 = vector.broadcast %jit3A_1582 : f32 to vector<16xf32>
    %broadcast_in_dim3A_1585 = vector.broadcast %jit3A_1583 : f32 to vector<16xf32>
    %select_n3A_1586 = arith.select %lt3A_1563, %broadcast_in_dim3A_1584, %broadcast_in_dim3A_1585 : vector<16xi1>, vector<16xf32>
    %swap3A_1587 = arith.constant 816 : index
    %swap3A_1588 = tpu.vector_load %arg11[%swap3A_1587] {strides = array<i32>} : memref<1024xf32, #tpu.memory_space<vmem>>, vector<16xf32>,
    tpu.vector_store %arg11[%swap3A_1587], %select_n3A_1586 {strides = array<i32>} : memref<1024xf32, #tpu.memory_space<vmem>>, vector<16xf32>,
    %add3A_1589 = arith.constant 832 : i32
    %add3A_1590 = arith.addi %mul3A_0, %add3A_1589 : i32
    %add3A_1591 = vector.broadcast %add3A_1590 : i32 to vector<16xi32>
    %add3A_1592 = arith.addi %add3A_1591, %iota3A : vector<16xi32>
    %lt3A_1593 = arith.cmpi slt, %add3A_1592, %min3A_21 : vector<16xi32>
    %add3A_1594 = arith.addi %gather3A_13, %add3A_1592 : vector<16xi32>
    %sub3A_1595 = vector.broadcast %multiple_of3A : i32 to vector<16xi32>
    %sub3A_1596 = arith.subi %add3A_1594, %sub3A_1595 : vector<16xi32>
    %jit3A_1597 = arith.constant 0 : i32
    %jit3A_1598 = arith.constant 1031 : i32
    %max3A_1599 = vector.broadcast %jit3A_1597 : i32 to vector<16xi32>
    %max3A_1600 = arith.maxsi %max3A_1599, %sub3A_1596 : vector<16xi32>
    %min3A_1601 = vector.broadcast %jit3A_1598 : i32 to vector<16xi32>
    %min3A_1602 = arith.minsi %min3A_1601, %max3A_1600 : vector<16xi32>
    %gather3A_1603 = tpu.vector_load_idx %arg9[%min3A_1602] : memref<1032xi32, #tpu.memory_space<vmem>>[vector<16xi32>], vector<16xi32>,
    %jit3A_1604 = arith.constant 33 : i32
    %broadcast_in_dim3A_1605 = vector.broadcast %jit3A_1604 : i32 to vector<16xi32>
    %select_n3A_1606 = arith.select %lt3A_1593, %gather3A_1603, %broadcast_in_dim3A_1605 : vector<16xi1>, vector<16xi32>
    %mul3A_1607 = arith.constant 512 : i32
    %mul3A_1608 = vector.broadcast %mul3A_1607 : i32 to vector<16xi32>
    %mul3A_1609 = arith.muli %select_n3A_1606, %mul3A_1608 : vector<16xi32>
    %swap3A_1610 = arith.constant 832 : index
    %swap3A_1611 = tpu.vector_load %arg10[%swap3A_1610] {strides = array<i32>} : memref<1024xi32, #tpu.memory_space<vmem>>, vector<16xi32>,
    tpu.vector_store %arg10[%swap3A_1610], %mul3A_1609 {strides = array<i32>} : memref<1024xi32, #tpu.memory_space<vmem>>, vector<16xi32>,
    %jit3A_1612 = arith.constant 1.000000e+00 : f32
    %jit3A_1613 = arith.constant 0.000000e+00 : f32
    %broadcast_in_dim3A_1614 = vector.broadcast %jit3A_1612 : f32 to vector<16xf32>
    %broadcast_in_dim3A_1615 = vector.broadcast %jit3A_1613 : f32 to vector<16xf32>
    %select_n3A_1616 = arith.select %lt3A_1593, %broadcast_in_dim3A_1614, %broadcast_in_dim3A_1615 : vector<16xi1>, vector<16xf32>
    %swap3A_1617 = arith.constant 832 : index
    %swap3A_1618 = tpu.vector_load %arg11[%swap3A_1617] {strides = array<i32>} : memref<1024xf32, #tpu.memory_space<vmem>>, vector<16xf32>,
    tpu.vector_store %arg11[%swap3A_1617], %select_n3A_1616 {strides = array<i32>} : memref<1024xf32, #tpu.memory_space<vmem>>, vector<16xf32>,
    %add3A_1619 = arith.constant 848 : i32
    %add3A_1620 = arith.addi %mul3A_0, %add3A_1619 : i32
    %add3A_1621 = vector.broadcast %add3A_1620 : i32 to vector<16xi32>
    %add3A_1622 = arith.addi %add3A_1621, %iota3A : vector<16xi32>
    %lt3A_1623 = arith.cmpi slt, %add3A_1622, %min3A_21 : vector<16xi32>
    %add3A_1624 = arith.addi %gather3A_13, %add3A_1622 : vector<16xi32>
    %sub3A_1625 = vector.broadcast %multiple_of3A : i32 to vector<16xi32>
    %sub3A_1626 = arith.subi %add3A_1624, %sub3A_1625 : vector<16xi32>
    %jit3A_1627 = arith.constant 0 : i32
    %jit3A_1628 = arith.constant 1031 : i32
    %max3A_1629 = vector.broadcast %jit3A_1627 : i32 to vector<16xi32>
    %max3A_1630 = arith.maxsi %max3A_1629, %sub3A_1626 : vector<16xi32>
    %min3A_1631 = vector.broadcast %jit3A_1628 : i32 to vector<16xi32>
    %min3A_1632 = arith.minsi %min3A_1631, %max3A_1630 : vector<16xi32>
    %gather3A_1633 = tpu.vector_load_idx %arg9[%min3A_1632] : memref<1032xi32, #tpu.memory_space<vmem>>[vector<16xi32>], vector<16xi32>,
    %jit3A_1634 = arith.constant 33 : i32
    %broadcast_in_dim3A_1635 = vector.broadcast %jit3A_1634 : i32 to vector<16xi32>
    %select_n3A_1636 = arith.select %lt3A_1623, %gather3A_1633, %broadcast_in_dim3A_1635 : vector<16xi1>, vector<16xi32>
    %mul3A_1637 = arith.constant 512 : i32
    %mul3A_1638 = vector.broadcast %mul3A_1637 : i32 to vector<16xi32>
    %mul3A_1639 = arith.muli %select_n3A_1636, %mul3A_1638 : vector<16xi32>
    %swap3A_1640 = arith.constant 848 : index
    %swap3A_1641 = tpu.vector_load %arg10[%swap3A_1640] {strides = array<i32>} : memref<1024xi32, #tpu.memory_space<vmem>>, vector<16xi32>,
    tpu.vector_store %arg10[%swap3A_1640], %mul3A_1639 {strides = array<i32>} : memref<1024xi32, #tpu.memory_space<vmem>>, vector<16xi32>,
    %jit3A_1642 = arith.constant 1.000000e+00 : f32
    %jit3A_1643 = arith.constant 0.000000e+00 : f32
    %broadcast_in_dim3A_1644 = vector.broadcast %jit3A_1642 : f32 to vector<16xf32>
    %broadcast_in_dim3A_1645 = vector.broadcast %jit3A_1643 : f32 to vector<16xf32>
    %select_n3A_1646 = arith.select %lt3A_1623, %broadcast_in_dim3A_1644, %broadcast_in_dim3A_1645 : vector<16xi1>, vector<16xf32>
    %swap3A_1647 = arith.constant 848 : index
    %swap3A_1648 = tpu.vector_load %arg11[%swap3A_1647] {strides = array<i32>} : memref<1024xf32, #tpu.memory_space<vmem>>, vector<16xf32>,
    tpu.vector_store %arg11[%swap3A_1647], %select_n3A_1646 {strides = array<i32>} : memref<1024xf32, #tpu.memory_space<vmem>>, vector<16xf32>,
    %add3A_1649 = arith.constant 864 : i32
    %add3A_1650 = arith.addi %mul3A_0, %add3A_1649 : i32
    %add3A_1651 = vector.broadcast %add3A_1650 : i32 to vector<16xi32>
    %add3A_1652 = arith.addi %add3A_1651, %iota3A : vector<16xi32>
    %lt3A_1653 = arith.cmpi slt, %add3A_1652, %min3A_21 : vector<16xi32>
    %add3A_1654 = arith.addi %gather3A_13, %add3A_1652 : vector<16xi32>
    %sub3A_1655 = vector.broadcast %multiple_of3A : i32 to vector<16xi32>
    %sub3A_1656 = arith.subi %add3A_1654, %sub3A_1655 : vector<16xi32>
    %jit3A_1657 = arith.constant 0 : i32
    %jit3A_1658 = arith.constant 1031 : i32
    %max3A_1659 = vector.broadcast %jit3A_1657 : i32 to vector<16xi32>
    %max3A_1660 = arith.maxsi %max3A_1659, %sub3A_1656 : vector<16xi32>
    %min3A_1661 = vector.broadcast %jit3A_1658 : i32 to vector<16xi32>
    %min3A_1662 = arith.minsi %min3A_1661, %max3A_1660 : vector<16xi32>
    %gather3A_1663 = tpu.vector_load_idx %arg9[%min3A_1662] : memref<1032xi32, #tpu.memory_space<vmem>>[vector<16xi32>], vector<16xi32>,
    %jit3A_1664 = arith.constant 33 : i32
    %broadcast_in_dim3A_1665 = vector.broadcast %jit3A_1664 : i32 to vector<16xi32>
    %select_n3A_1666 = arith.select %lt3A_1653, %gather3A_1663, %broadcast_in_dim3A_1665 : vector<16xi1>, vector<16xi32>
    %mul3A_1667 = arith.constant 512 : i32
    %mul3A_1668 = vector.broadcast %mul3A_1667 : i32 to vector<16xi32>
    %mul3A_1669 = arith.muli %select_n3A_1666, %mul3A_1668 : vector<16xi32>
    %swap3A_1670 = arith.constant 864 : index
    %swap3A_1671 = tpu.vector_load %arg10[%swap3A_1670] {strides = array<i32>} : memref<1024xi32, #tpu.memory_space<vmem>>, vector<16xi32>,
    tpu.vector_store %arg10[%swap3A_1670], %mul3A_1669 {strides = array<i32>} : memref<1024xi32, #tpu.memory_space<vmem>>, vector<16xi32>,
    %jit3A_1672 = arith.constant 1.000000e+00 : f32
    %jit3A_1673 = arith.constant 0.000000e+00 : f32
    %broadcast_in_dim3A_1674 = vector.broadcast %jit3A_1672 : f32 to vector<16xf32>
    %broadcast_in_dim3A_1675 = vector.broadcast %jit3A_1673 : f32 to vector<16xf32>
    %select_n3A_1676 = arith.select %lt3A_1653, %broadcast_in_dim3A_1674, %broadcast_in_dim3A_1675 : vector<16xi1>, vector<16xf32>
    %swap3A_1677 = arith.constant 864 : index
    %swap3A_1678 = tpu.vector_load %arg11[%swap3A_1677] {strides = array<i32>} : memref<1024xf32, #tpu.memory_space<vmem>>, vector<16xf32>,
    tpu.vector_store %arg11[%swap3A_1677], %select_n3A_1676 {strides = array<i32>} : memref<1024xf32, #tpu.memory_space<vmem>>, vector<16xf32>,
    %add3A_1679 = arith.constant 880 : i32
    %add3A_1680 = arith.addi %mul3A_0, %add3A_1679 : i32
    %add3A_1681 = vector.broadcast %add3A_1680 : i32 to vector<16xi32>
    %add3A_1682 = arith.addi %add3A_1681, %iota3A : vector<16xi32>
    %lt3A_1683 = arith.cmpi slt, %add3A_1682, %min3A_21 : vector<16xi32>
    %add3A_1684 = arith.addi %gather3A_13, %add3A_1682 : vector<16xi32>
    %sub3A_1685 = vector.broadcast %multiple_of3A : i32 to vector<16xi32>
    %sub3A_1686 = arith.subi %add3A_1684, %sub3A_1685 : vector<16xi32>
    %jit3A_1687 = arith.constant 0 : i32
    %jit3A_1688 = arith.constant 1031 : i32
    %max3A_1689 = vector.broadcast %jit3A_1687 : i32 to vector<16xi32>
    %max3A_1690 = arith.maxsi %max3A_1689, %sub3A_1686 : vector<16xi32>
    %min3A_1691 = vector.broadcast %jit3A_1688 : i32 to vector<16xi32>
    %min3A_1692 = arith.minsi %min3A_1691, %max3A_1690 : vector<16xi32>
    %gather3A_1693 = tpu.vector_load_idx %arg9[%min3A_1692] : memref<1032xi32, #tpu.memory_space<vmem>>[vector<16xi32>], vector<16xi32>,
    %jit3A_1694 = arith.constant 33 : i32
    %broadcast_in_dim3A_1695 = vector.broadcast %jit3A_1694 : i32 to vector<16xi32>
    %select_n3A_1696 = arith.select %lt3A_1683, %gather3A_1693, %broadcast_in_dim3A_1695 : vector<16xi1>, vector<16xi32>
    %mul3A_1697 = arith.constant 512 : i32
    %mul3A_1698 = vector.broadcast %mul3A_1697 : i32 to vector<16xi32>
    %mul3A_1699 = arith.muli %select_n3A_1696, %mul3A_1698 : vector<16xi32>
    %swap3A_1700 = arith.constant 880 : index
    %swap3A_1701 = tpu.vector_load %arg10[%swap3A_1700] {strides = array<i32>} : memref<1024xi32, #tpu.memory_space<vmem>>, vector<16xi32>,
    tpu.vector_store %arg10[%swap3A_1700], %mul3A_1699 {strides = array<i32>} : memref<1024xi32, #tpu.memory_space<vmem>>, vector<16xi32>,
    %jit3A_1702 = arith.constant 1.000000e+00 : f32
    %jit3A_1703 = arith.constant 0.000000e+00 : f32
    %broadcast_in_dim3A_1704 = vector.broadcast %jit3A_1702 : f32 to vector<16xf32>
    %broadcast_in_dim3A_1705 = vector.broadcast %jit3A_1703 : f32 to vector<16xf32>
    %select_n3A_1706 = arith.select %lt3A_1683, %broadcast_in_dim3A_1704, %broadcast_in_dim3A_1705 : vector<16xi1>, vector<16xf32>
    %swap3A_1707 = arith.constant 880 : index
    %swap3A_1708 = tpu.vector_load %arg11[%swap3A_1707] {strides = array<i32>} : memref<1024xf32, #tpu.memory_space<vmem>>, vector<16xf32>,
    tpu.vector_store %arg11[%swap3A_1707], %select_n3A_1706 {strides = array<i32>} : memref<1024xf32, #tpu.memory_space<vmem>>, vector<16xf32>,
    %add3A_1709 = arith.constant 896 : i32
    %add3A_1710 = arith.addi %mul3A_0, %add3A_1709 : i32
    %add3A_1711 = vector.broadcast %add3A_1710 : i32 to vector<16xi32>
    %add3A_1712 = arith.addi %add3A_1711, %iota3A : vector<16xi32>
    %lt3A_1713 = arith.cmpi slt, %add3A_1712, %min3A_21 : vector<16xi32>
    %add3A_1714 = arith.addi %gather3A_13, %add3A_1712 : vector<16xi32>
    %sub3A_1715 = vector.broadcast %multiple_of3A : i32 to vector<16xi32>
    %sub3A_1716 = arith.subi %add3A_1714, %sub3A_1715 : vector<16xi32>
    %jit3A_1717 = arith.constant 0 : i32
    %jit3A_1718 = arith.constant 1031 : i32
    %max3A_1719 = vector.broadcast %jit3A_1717 : i32 to vector<16xi32>
    %max3A_1720 = arith.maxsi %max3A_1719, %sub3A_1716 : vector<16xi32>
    %min3A_1721 = vector.broadcast %jit3A_1718 : i32 to vector<16xi32>
    %min3A_1722 = arith.minsi %min3A_1721, %max3A_1720 : vector<16xi32>
    %gather3A_1723 = tpu.vector_load_idx %arg9[%min3A_1722] : memref<1032xi32, #tpu.memory_space<vmem>>[vector<16xi32>], vector<16xi32>,
    %jit3A_1724 = arith.constant 33 : i32
    %broadcast_in_dim3A_1725 = vector.broadcast %jit3A_1724 : i32 to vector<16xi32>
    %select_n3A_1726 = arith.select %lt3A_1713, %gather3A_1723, %broadcast_in_dim3A_1725 : vector<16xi1>, vector<16xi32>
    %mul3A_1727 = arith.constant 512 : i32
    %mul3A_1728 = vector.broadcast %mul3A_1727 : i32 to vector<16xi32>
    %mul3A_1729 = arith.muli %select_n3A_1726, %mul3A_1728 : vector<16xi32>
    %swap3A_1730 = arith.constant 896 : index
    %swap3A_1731 = tpu.vector_load %arg10[%swap3A_1730] {strides = array<i32>} : memref<1024xi32, #tpu.memory_space<vmem>>, vector<16xi32>,
    tpu.vector_store %arg10[%swap3A_1730], %mul3A_1729 {strides = array<i32>} : memref<1024xi32, #tpu.memory_space<vmem>>, vector<16xi32>,
    %jit3A_1732 = arith.constant 1.000000e+00 : f32
    %jit3A_1733 = arith.constant 0.000000e+00 : f32
    %broadcast_in_dim3A_1734 = vector.broadcast %jit3A_1732 : f32 to vector<16xf32>
    %broadcast_in_dim3A_1735 = vector.broadcast %jit3A_1733 : f32 to vector<16xf32>
    %select_n3A_1736 = arith.select %lt3A_1713, %broadcast_in_dim3A_1734, %broadcast_in_dim3A_1735 : vector<16xi1>, vector<16xf32>
    %swap3A_1737 = arith.constant 896 : index
    %swap3A_1738 = tpu.vector_load %arg11[%swap3A_1737] {strides = array<i32>} : memref<1024xf32, #tpu.memory_space<vmem>>, vector<16xf32>,
    tpu.vector_store %arg11[%swap3A_1737], %select_n3A_1736 {strides = array<i32>} : memref<1024xf32, #tpu.memory_space<vmem>>, vector<16xf32>,
    %add3A_1739 = arith.constant 912 : i32
    %add3A_1740 = arith.addi %mul3A_0, %add3A_1739 : i32
    %add3A_1741 = vector.broadcast %add3A_1740 : i32 to vector<16xi32>
    %add3A_1742 = arith.addi %add3A_1741, %iota3A : vector<16xi32>
    %lt3A_1743 = arith.cmpi slt, %add3A_1742, %min3A_21 : vector<16xi32>
    %add3A_1744 = arith.addi %gather3A_13, %add3A_1742 : vector<16xi32>
    %sub3A_1745 = vector.broadcast %multiple_of3A : i32 to vector<16xi32>
    %sub3A_1746 = arith.subi %add3A_1744, %sub3A_1745 : vector<16xi32>
    %jit3A_1747 = arith.constant 0 : i32
    %jit3A_1748 = arith.constant 1031 : i32
    %max3A_1749 = vector.broadcast %jit3A_1747 : i32 to vector<16xi32>
    %max3A_1750 = arith.maxsi %max3A_1749, %sub3A_1746 : vector<16xi32>
    %min3A_1751 = vector.broadcast %jit3A_1748 : i32 to vector<16xi32>
    %min3A_1752 = arith.minsi %min3A_1751, %max3A_1750 : vector<16xi32>
    %gather3A_1753 = tpu.vector_load_idx %arg9[%min3A_1752] : memref<1032xi32, #tpu.memory_space<vmem>>[vector<16xi32>], vector<16xi32>,
    %jit3A_1754 = arith.constant 33 : i32
    %broadcast_in_dim3A_1755 = vector.broadcast %jit3A_1754 : i32 to vector<16xi32>
    %select_n3A_1756 = arith.select %lt3A_1743, %gather3A_1753, %broadcast_in_dim3A_1755 : vector<16xi1>, vector<16xi32>
    %mul3A_1757 = arith.constant 512 : i32
    %mul3A_1758 = vector.broadcast %mul3A_1757 : i32 to vector<16xi32>
    %mul3A_1759 = arith.muli %select_n3A_1756, %mul3A_1758 : vector<16xi32>
    %swap3A_1760 = arith.constant 912 : index
    %swap3A_1761 = tpu.vector_load %arg10[%swap3A_1760] {strides = array<i32>} : memref<1024xi32, #tpu.memory_space<vmem>>, vector<16xi32>,
    tpu.vector_store %arg10[%swap3A_1760], %mul3A_1759 {strides = array<i32>} : memref<1024xi32, #tpu.memory_space<vmem>>, vector<16xi32>,
    %jit3A_1762 = arith.constant 1.000000e+00 : f32
    %jit3A_1763 = arith.constant 0.000000e+00 : f32
    %broadcast_in_dim3A_1764 = vector.broadcast %jit3A_1762 : f32 to vector<16xf32>
    %broadcast_in_dim3A_1765 = vector.broadcast %jit3A_1763 : f32 to vector<16xf32>
    %select_n3A_1766 = arith.select %lt3A_1743, %broadcast_in_dim3A_1764, %broadcast_in_dim3A_1765 : vector<16xi1>, vector<16xf32>
    %swap3A_1767 = arith.constant 912 : index
    %swap3A_1768 = tpu.vector_load %arg11[%swap3A_1767] {strides = array<i32>} : memref<1024xf32, #tpu.memory_space<vmem>>, vector<16xf32>,
    tpu.vector_store %arg11[%swap3A_1767], %select_n3A_1766 {strides = array<i32>} : memref<1024xf32, #tpu.memory_space<vmem>>, vector<16xf32>,
    %add3A_1769 = arith.constant 928 : i32
    %add3A_1770 = arith.addi %mul3A_0, %add3A_1769 : i32
    %add3A_1771 = vector.broadcast %add3A_1770 : i32 to vector<16xi32>
    %add3A_1772 = arith.addi %add3A_1771, %iota3A : vector<16xi32>
    %lt3A_1773 = arith.cmpi slt, %add3A_1772, %min3A_21 : vector<16xi32>
    %add3A_1774 = arith.addi %gather3A_13, %add3A_1772 : vector<16xi32>
    %sub3A_1775 = vector.broadcast %multiple_of3A : i32 to vector<16xi32>
    %sub3A_1776 = arith.subi %add3A_1774, %sub3A_1775 : vector<16xi32>
    %jit3A_1777 = arith.constant 0 : i32
    %jit3A_1778 = arith.constant 1031 : i32
    %max3A_1779 = vector.broadcast %jit3A_1777 : i32 to vector<16xi32>
    %max3A_1780 = arith.maxsi %max3A_1779, %sub3A_1776 : vector<16xi32>
    %min3A_1781 = vector.broadcast %jit3A_1778 : i32 to vector<16xi32>
    %min3A_1782 = arith.minsi %min3A_1781, %max3A_1780 : vector<16xi32>
    %gather3A_1783 = tpu.vector_load_idx %arg9[%min3A_1782] : memref<1032xi32, #tpu.memory_space<vmem>>[vector<16xi32>], vector<16xi32>,
    %jit3A_1784 = arith.constant 33 : i32
    %broadcast_in_dim3A_1785 = vector.broadcast %jit3A_1784 : i32 to vector<16xi32>
    %select_n3A_1786 = arith.select %lt3A_1773, %gather3A_1783, %broadcast_in_dim3A_1785 : vector<16xi1>, vector<16xi32>
    %mul3A_1787 = arith.constant 512 : i32
    %mul3A_1788 = vector.broadcast %mul3A_1787 : i32 to vector<16xi32>
    %mul3A_1789 = arith.muli %select_n3A_1786, %mul3A_1788 : vector<16xi32>
    %swap3A_1790 = arith.constant 928 : index
    %swap3A_1791 = tpu.vector_load %arg10[%swap3A_1790] {strides = array<i32>} : memref<1024xi32, #tpu.memory_space<vmem>>, vector<16xi32>,
    tpu.vector_store %arg10[%swap3A_1790], %mul3A_1789 {strides = array<i32>} : memref<1024xi32, #tpu.memory_space<vmem>>, vector<16xi32>,
    %jit3A_1792 = arith.constant 1.000000e+00 : f32
    %jit3A_1793 = arith.constant 0.000000e+00 : f32
    %broadcast_in_dim3A_1794 = vector.broadcast %jit3A_1792 : f32 to vector<16xf32>
    %broadcast_in_dim3A_1795 = vector.broadcast %jit3A_1793 : f32 to vector<16xf32>
    %select_n3A_1796 = arith.select %lt3A_1773, %broadcast_in_dim3A_1794, %broadcast_in_dim3A_1795 : vector<16xi1>, vector<16xf32>
    %swap3A_1797 = arith.constant 928 : index
    %swap3A_1798 = tpu.vector_load %arg11[%swap3A_1797] {strides = array<i32>} : memref<1024xf32, #tpu.memory_space<vmem>>, vector<16xf32>,
    tpu.vector_store %arg11[%swap3A_1797], %select_n3A_1796 {strides = array<i32>} : memref<1024xf32, #tpu.memory_space<vmem>>, vector<16xf32>,
    %add3A_1799 = arith.constant 944 : i32
    %add3A_1800 = arith.addi %mul3A_0, %add3A_1799 : i32
    %add3A_1801 = vector.broadcast %add3A_1800 : i32 to vector<16xi32>
    %add3A_1802 = arith.addi %add3A_1801, %iota3A : vector<16xi32>
    %lt3A_1803 = arith.cmpi slt, %add3A_1802, %min3A_21 : vector<16xi32>
    %add3A_1804 = arith.addi %gather3A_13, %add3A_1802 : vector<16xi32>
    %sub3A_1805 = vector.broadcast %multiple_of3A : i32 to vector<16xi32>
    %sub3A_1806 = arith.subi %add3A_1804, %sub3A_1805 : vector<16xi32>
    %jit3A_1807 = arith.constant 0 : i32
    %jit3A_1808 = arith.constant 1031 : i32
    %max3A_1809 = vector.broadcast %jit3A_1807 : i32 to vector<16xi32>
    %max3A_1810 = arith.maxsi %max3A_1809, %sub3A_1806 : vector<16xi32>
    %min3A_1811 = vector.broadcast %jit3A_1808 : i32 to vector<16xi32>
    %min3A_1812 = arith.minsi %min3A_1811, %max3A_1810 : vector<16xi32>
    %gather3A_1813 = tpu.vector_load_idx %arg9[%min3A_1812] : memref<1032xi32, #tpu.memory_space<vmem>>[vector<16xi32>], vector<16xi32>,
    %jit3A_1814 = arith.constant 33 : i32
    %broadcast_in_dim3A_1815 = vector.broadcast %jit3A_1814 : i32 to vector<16xi32>
    %select_n3A_1816 = arith.select %lt3A_1803, %gather3A_1813, %broadcast_in_dim3A_1815 : vector<16xi1>, vector<16xi32>
    %mul3A_1817 = arith.constant 512 : i32
    %mul3A_1818 = vector.broadcast %mul3A_1817 : i32 to vector<16xi32>
    %mul3A_1819 = arith.muli %select_n3A_1816, %mul3A_1818 : vector<16xi32>
    %swap3A_1820 = arith.constant 944 : index
    %swap3A_1821 = tpu.vector_load %arg10[%swap3A_1820] {strides = array<i32>} : memref<1024xi32, #tpu.memory_space<vmem>>, vector<16xi32>,
    tpu.vector_store %arg10[%swap3A_1820], %mul3A_1819 {strides = array<i32>} : memref<1024xi32, #tpu.memory_space<vmem>>, vector<16xi32>,
    %jit3A_1822 = arith.constant 1.000000e+00 : f32
    %jit3A_1823 = arith.constant 0.000000e+00 : f32
    %broadcast_in_dim3A_1824 = vector.broadcast %jit3A_1822 : f32 to vector<16xf32>
    %broadcast_in_dim3A_1825 = vector.broadcast %jit3A_1823 : f32 to vector<16xf32>
    %select_n3A_1826 = arith.select %lt3A_1803, %broadcast_in_dim3A_1824, %broadcast_in_dim3A_1825 : vector<16xi1>, vector<16xf32>
    %swap3A_1827 = arith.constant 944 : index
    %swap3A_1828 = tpu.vector_load %arg11[%swap3A_1827] {strides = array<i32>} : memref<1024xf32, #tpu.memory_space<vmem>>, vector<16xf32>,
    tpu.vector_store %arg11[%swap3A_1827], %select_n3A_1826 {strides = array<i32>} : memref<1024xf32, #tpu.memory_space<vmem>>, vector<16xf32>,
    %add3A_1829 = arith.constant 960 : i32
    %add3A_1830 = arith.addi %mul3A_0, %add3A_1829 : i32
    %add3A_1831 = vector.broadcast %add3A_1830 : i32 to vector<16xi32>
    %add3A_1832 = arith.addi %add3A_1831, %iota3A : vector<16xi32>
    %lt3A_1833 = arith.cmpi slt, %add3A_1832, %min3A_21 : vector<16xi32>
    %add3A_1834 = arith.addi %gather3A_13, %add3A_1832 : vector<16xi32>
    %sub3A_1835 = vector.broadcast %multiple_of3A : i32 to vector<16xi32>
    %sub3A_1836 = arith.subi %add3A_1834, %sub3A_1835 : vector<16xi32>
    %jit3A_1837 = arith.constant 0 : i32
    %jit3A_1838 = arith.constant 1031 : i32
    %max3A_1839 = vector.broadcast %jit3A_1837 : i32 to vector<16xi32>
    %max3A_1840 = arith.maxsi %max3A_1839, %sub3A_1836 : vector<16xi32>
    %min3A_1841 = vector.broadcast %jit3A_1838 : i32 to vector<16xi32>
    %min3A_1842 = arith.minsi %min3A_1841, %max3A_1840 : vector<16xi32>
    %gather3A_1843 = tpu.vector_load_idx %arg9[%min3A_1842] : memref<1032xi32, #tpu.memory_space<vmem>>[vector<16xi32>], vector<16xi32>,
    %jit3A_1844 = arith.constant 33 : i32
    %broadcast_in_dim3A_1845 = vector.broadcast %jit3A_1844 : i32 to vector<16xi32>
    %select_n3A_1846 = arith.select %lt3A_1833, %gather3A_1843, %broadcast_in_dim3A_1845 : vector<16xi1>, vector<16xi32>
    %mul3A_1847 = arith.constant 512 : i32
    %mul3A_1848 = vector.broadcast %mul3A_1847 : i32 to vector<16xi32>
    %mul3A_1849 = arith.muli %select_n3A_1846, %mul3A_1848 : vector<16xi32>
    %swap3A_1850 = arith.constant 960 : index
    %swap3A_1851 = tpu.vector_load %arg10[%swap3A_1850] {strides = array<i32>} : memref<1024xi32, #tpu.memory_space<vmem>>, vector<16xi32>,
    tpu.vector_store %arg10[%swap3A_1850], %mul3A_1849 {strides = array<i32>} : memref<1024xi32, #tpu.memory_space<vmem>>, vector<16xi32>,
    %jit3A_1852 = arith.constant 1.000000e+00 : f32
    %jit3A_1853 = arith.constant 0.000000e+00 : f32
    %broadcast_in_dim3A_1854 = vector.broadcast %jit3A_1852 : f32 to vector<16xf32>
    %broadcast_in_dim3A_1855 = vector.broadcast %jit3A_1853 : f32 to vector<16xf32>
    %select_n3A_1856 = arith.select %lt3A_1833, %broadcast_in_dim3A_1854, %broadcast_in_dim3A_1855 : vector<16xi1>, vector<16xf32>
    %swap3A_1857 = arith.constant 960 : index
    %swap3A_1858 = tpu.vector_load %arg11[%swap3A_1857] {strides = array<i32>} : memref<1024xf32, #tpu.memory_space<vmem>>, vector<16xf32>,
    tpu.vector_store %arg11[%swap3A_1857], %select_n3A_1856 {strides = array<i32>} : memref<1024xf32, #tpu.memory_space<vmem>>, vector<16xf32>,
    %add3A_1859 = arith.constant 976 : i32
    %add3A_1860 = arith.addi %mul3A_0, %add3A_1859 : i32
    %add3A_1861 = vector.broadcast %add3A_1860 : i32 to vector<16xi32>
    %add3A_1862 = arith.addi %add3A_1861, %iota3A : vector<16xi32>
    %lt3A_1863 = arith.cmpi slt, %add3A_1862, %min3A_21 : vector<16xi32>
    %add3A_1864 = arith.addi %gather3A_13, %add3A_1862 : vector<16xi32>
    %sub3A_1865 = vector.broadcast %multiple_of3A : i32 to vector<16xi32>
    %sub3A_1866 = arith.subi %add3A_1864, %sub3A_1865 : vector<16xi32>
    %jit3A_1867 = arith.constant 0 : i32
    %jit3A_1868 = arith.constant 1031 : i32
    %max3A_1869 = vector.broadcast %jit3A_1867 : i32 to vector<16xi32>
    %max3A_1870 = arith.maxsi %max3A_1869, %sub3A_1866 : vector<16xi32>
    %min3A_1871 = vector.broadcast %jit3A_1868 : i32 to vector<16xi32>
    %min3A_1872 = arith.minsi %min3A_1871, %max3A_1870 : vector<16xi32>
    %gather3A_1873 = tpu.vector_load_idx %arg9[%min3A_1872] : memref<1032xi32, #tpu.memory_space<vmem>>[vector<16xi32>], vector<16xi32>,
    %jit3A_1874 = arith.constant 33 : i32
    %broadcast_in_dim3A_1875 = vector.broadcast %jit3A_1874 : i32 to vector<16xi32>
    %select_n3A_1876 = arith.select %lt3A_1863, %gather3A_1873, %broadcast_in_dim3A_1875 : vector<16xi1>, vector<16xi32>
    %mul3A_1877 = arith.constant 512 : i32
    %mul3A_1878 = vector.broadcast %mul3A_1877 : i32 to vector<16xi32>
    %mul3A_1879 = arith.muli %select_n3A_1876, %mul3A_1878 : vector<16xi32>
    %swap3A_1880 = arith.constant 976 : index
    %swap3A_1881 = tpu.vector_load %arg10[%swap3A_1880] {strides = array<i32>} : memref<1024xi32, #tpu.memory_space<vmem>>, vector<16xi32>,
    tpu.vector_store %arg10[%swap3A_1880], %mul3A_1879 {strides = array<i32>} : memref<1024xi32, #tpu.memory_space<vmem>>, vector<16xi32>,
    %jit3A_1882 = arith.constant 1.000000e+00 : f32
    %jit3A_1883 = arith.constant 0.000000e+00 : f32
    %broadcast_in_dim3A_1884 = vector.broadcast %jit3A_1882 : f32 to vector<16xf32>
    %broadcast_in_dim3A_1885 = vector.broadcast %jit3A_1883 : f32 to vector<16xf32>
    %select_n3A_1886 = arith.select %lt3A_1863, %broadcast_in_dim3A_1884, %broadcast_in_dim3A_1885 : vector<16xi1>, vector<16xf32>
    %swap3A_1887 = arith.constant 976 : index
    %swap3A_1888 = tpu.vector_load %arg11[%swap3A_1887] {strides = array<i32>} : memref<1024xf32, #tpu.memory_space<vmem>>, vector<16xf32>,
    tpu.vector_store %arg11[%swap3A_1887], %select_n3A_1886 {strides = array<i32>} : memref<1024xf32, #tpu.memory_space<vmem>>, vector<16xf32>,
    %add3A_1889 = arith.constant 992 : i32
    %add3A_1890 = arith.addi %mul3A_0, %add3A_1889 : i32
    %add3A_1891 = vector.broadcast %add3A_1890 : i32 to vector<16xi32>
    %add3A_1892 = arith.addi %add3A_1891, %iota3A : vector<16xi32>
    %lt3A_1893 = arith.cmpi slt, %add3A_1892, %min3A_21 : vector<16xi32>
    %add3A_1894 = arith.addi %gather3A_13, %add3A_1892 : vector<16xi32>
    %sub3A_1895 = vector.broadcast %multiple_of3A : i32 to vector<16xi32>
    %sub3A_1896 = arith.subi %add3A_1894, %sub3A_1895 : vector<16xi32>
    %jit3A_1897 = arith.constant 0 : i32
    %jit3A_1898 = arith.constant 1031 : i32
    %max3A_1899 = vector.broadcast %jit3A_1897 : i32 to vector<16xi32>
    %max3A_1900 = arith.maxsi %max3A_1899, %sub3A_1896 : vector<16xi32>
    %min3A_1901 = vector.broadcast %jit3A_1898 : i32 to vector<16xi32>
    %min3A_1902 = arith.minsi %min3A_1901, %max3A_1900 : vector<16xi32>
    %gather3A_1903 = tpu.vector_load_idx %arg9[%min3A_1902] : memref<1032xi32, #tpu.memory_space<vmem>>[vector<16xi32>], vector<16xi32>,
    %jit3A_1904 = arith.constant 33 : i32
    %broadcast_in_dim3A_1905 = vector.broadcast %jit3A_1904 : i32 to vector<16xi32>
    %select_n3A_1906 = arith.select %lt3A_1893, %gather3A_1903, %broadcast_in_dim3A_1905 : vector<16xi1>, vector<16xi32>
    %mul3A_1907 = arith.constant 512 : i32
    %mul3A_1908 = vector.broadcast %mul3A_1907 : i32 to vector<16xi32>
    %mul3A_1909 = arith.muli %select_n3A_1906, %mul3A_1908 : vector<16xi32>
    %swap3A_1910 = arith.constant 992 : index
    %swap3A_1911 = tpu.vector_load %arg10[%swap3A_1910] {strides = array<i32>} : memref<1024xi32, #tpu.memory_space<vmem>>, vector<16xi32>,
    tpu.vector_store %arg10[%swap3A_1910], %mul3A_1909 {strides = array<i32>} : memref<1024xi32, #tpu.memory_space<vmem>>, vector<16xi32>,
    %jit3A_1912 = arith.constant 1.000000e+00 : f32
    %jit3A_1913 = arith.constant 0.000000e+00 : f32
    %broadcast_in_dim3A_1914 = vector.broadcast %jit3A_1912 : f32 to vector<16xf32>
    %broadcast_in_dim3A_1915 = vector.broadcast %jit3A_1913 : f32 to vector<16xf32>
    %select_n3A_1916 = arith.select %lt3A_1893, %broadcast_in_dim3A_1914, %broadcast_in_dim3A_1915 : vector<16xi1>, vector<16xf32>
    %swap3A_1917 = arith.constant 992 : index
    %swap3A_1918 = tpu.vector_load %arg11[%swap3A_1917] {strides = array<i32>} : memref<1024xf32, #tpu.memory_space<vmem>>, vector<16xf32>,
    tpu.vector_store %arg11[%swap3A_1917], %select_n3A_1916 {strides = array<i32>} : memref<1024xf32, #tpu.memory_space<vmem>>, vector<16xf32>,
    %add3A_1919 = arith.constant 1008 : i32
    %add3A_1920 = arith.addi %mul3A_0, %add3A_1919 : i32
    %add3A_1921 = vector.broadcast %add3A_1920 : i32 to vector<16xi32>
    %add3A_1922 = arith.addi %add3A_1921, %iota3A : vector<16xi32>
    %lt3A_1923 = arith.cmpi slt, %add3A_1922, %min3A_21 : vector<16xi32>
    %add3A_1924 = arith.addi %gather3A_13, %add3A_1922 : vector<16xi32>
    %sub3A_1925 = vector.broadcast %multiple_of3A : i32 to vector<16xi32>
    %sub3A_1926 = arith.subi %add3A_1924, %sub3A_1925 : vector<16xi32>
    %jit3A_1927 = arith.constant 0 : i32
    %jit3A_1928 = arith.constant 1031 : i32
    %max3A_1929 = vector.broadcast %jit3A_1927 : i32 to vector<16xi32>
    %max3A_1930 = arith.maxsi %max3A_1929, %sub3A_1926 : vector<16xi32>
    %min3A_1931 = vector.broadcast %jit3A_1928 : i32 to vector<16xi32>
    %min3A_1932 = arith.minsi %min3A_1931, %max3A_1930 : vector<16xi32>
    %gather3A_1933 = tpu.vector_load_idx %arg9[%min3A_1932] : memref<1032xi32, #tpu.memory_space<vmem>>[vector<16xi32>], vector<16xi32>,
    %jit3A_1934 = arith.constant 33 : i32
    %broadcast_in_dim3A_1935 = vector.broadcast %jit3A_1934 : i32 to vector<16xi32>
    %select_n3A_1936 = arith.select %lt3A_1923, %gather3A_1933, %broadcast_in_dim3A_1935 : vector<16xi1>, vector<16xi32>
    %mul3A_1937 = arith.constant 512 : i32
    %mul3A_1938 = vector.broadcast %mul3A_1937 : i32 to vector<16xi32>
    %mul3A_1939 = arith.muli %select_n3A_1936, %mul3A_1938 : vector<16xi32>
    %swap3A_1940 = arith.constant 1008 : index
    %swap3A_1941 = tpu.vector_load %arg10[%swap3A_1940] {strides = array<i32>} : memref<1024xi32, #tpu.memory_space<vmem>>, vector<16xi32>,
    tpu.vector_store %arg10[%swap3A_1940], %mul3A_1939 {strides = array<i32>} : memref<1024xi32, #tpu.memory_space<vmem>>, vector<16xi32>,
    %jit3A_1942 = arith.constant 1.000000e+00 : f32
    %jit3A_1943 = arith.constant 0.000000e+00 : f32
    %broadcast_in_dim3A_1944 = vector.broadcast %jit3A_1942 : f32 to vector<16xf32>
    %broadcast_in_dim3A_1945 = vector.broadcast %jit3A_1943 : f32 to vector<16xf32>
    %select_n3A_1946 = arith.select %lt3A_1923, %broadcast_in_dim3A_1944, %broadcast_in_dim3A_1945 : vector<16xi1>, vector<16xf32>
    %swap3A_1947 = arith.constant 1008 : index
    %swap3A_1948 = tpu.vector_load %arg11[%swap3A_1947] {strides = array<i32>} : memref<1024xf32, #tpu.memory_space<vmem>>, vector<16xf32>,
    tpu.vector_store %arg11[%swap3A_1947], %select_n3A_1946 {strides = array<i32>} : memref<1024xf32, #tpu.memory_space<vmem>>, vector<16xf32>,
    "tpu.region"() ({
      %run_scoped3A = tpu.sem_alloc : memref<!tpu.dma_semaphore, #tpu.memory_space<semaphore_mem>>
      %dma_start3A = tpu.memref_slice %arg6[%add3A] : memref<32768xf32, #tpu.memory_space<hbm>> -> memref<1024xf32, #tpu.memory_space<hbm>>
      %dma_start3A_1997 = tpu.memref_slice %arg6[%add3A] : memref<32768xf32, #tpu.memory_space<hbm>> -> memref<1024xf32, #tpu.memory_space<hbm>>
      tpu.enqueue_dma source(%arg11 : memref<1024xf32, #tpu.memory_space<vmem>>) target(%dma_start3A_1997 : memref<1024xf32, #tpu.memory_space<hbm>>) target_semaphore(%run_scoped3A : memref<!tpu.dma_semaphore, #tpu.memory_space<semaphore_mem>>)
      %dma_wait3A_1998 = tpu.memref_slice %arg6[%add3A] : memref<32768xf32, #tpu.memory_space<hbm>> -> memref<1024xf32, #tpu.memory_space<hbm>>
      %dma_wait3A_1999 = tpu.memref_slice %arg6[%add3A] : memref<32768xf32, #tpu.memory_space<hbm>> -> memref<1024xf32, #tpu.memory_space<hbm>>
      tpu.wait_dma2 semaphore(%run_scoped3A : memref<!tpu.dma_semaphore, #tpu.memory_space<semaphore_mem>>) src(%arg11 : memref<1024xf32, #tpu.memory_space<vmem>>) dst(%dma_wait3A_1999 : memref<1024xf32, #tpu.memory_space<hbm>>)
      tpu.yield
    }) : () -> ()
    %parallel_loop3A = arith.constant 0 : i32
    %parallel_loop3A_1949 = arith.constant 64 : i32
    %parallel_loop3A_1950 = arith.constant 1 : i32
    scf.for %parallel_loop3A_1997 = %parallel_loop3A to %parallel_loop3A_1949 step %parallel_loop3A_1950  : i32 {
      %parallel_loop3A_1998 = arith.constant 0.000000e+00 : f32
      %parallel_loop3A_1999 = vector.broadcast %parallel_loop3A_1998 : f32 to vector<16xf32>
      %parallel_loop3A_2000 = arith.index_cast %parallel_loop3A_1997 : i32 to index
      %parallel_loop3A_2001 = arith.constant 0 : index
      %parallel_loop3A_2002 = tpu.vector_load %arg15[%parallel_loop3A_2000, %parallel_loop3A_2001] {strides = array<i32>} : memref<64x512xf32, #tpu.memory_space<vmem>>, vector<16xf32>,
      tpu.vector_store %arg15[%parallel_loop3A_2000, %parallel_loop3A_2001], %parallel_loop3A_1999 {strides = array<i32>} : memref<64x512xf32, #tpu.memory_space<vmem>>, vector<16xf32>,
      %parallel_loop3A_2003 = arith.index_cast %parallel_loop3A_1997 : i32 to index
      %parallel_loop3A_2004 = arith.constant 16 : index
      %parallel_loop3A_2005 = tpu.vector_load %arg15[%parallel_loop3A_2003, %parallel_loop3A_2004] {strides = array<i32>} : memref<64x512xf32, #tpu.memory_space<vmem>>, vector<16xf32>,
      tpu.vector_store %arg15[%parallel_loop3A_2003, %parallel_loop3A_2004], %parallel_loop3A_1999 {strides = array<i32>} : memref<64x512xf32, #tpu.memory_space<vmem>>, vector<16xf32>,
      %parallel_loop3A_2006 = arith.index_cast %parallel_loop3A_1997 : i32 to index
      %parallel_loop3A_2007 = arith.constant 32 : index
      %parallel_loop3A_2008 = tpu.vector_load %arg15[%parallel_loop3A_2006, %parallel_loop3A_2007] {strides = array<i32>} : memref<64x512xf32, #tpu.memory_space<vmem>>, vector<16xf32>,
      tpu.vector_store %arg15[%parallel_loop3A_2006, %parallel_loop3A_2007], %parallel_loop3A_1999 {strides = array<i32>} : memref<64x512xf32, #tpu.memory_space<vmem>>, vector<16xf32>,
      %parallel_loop3A_2009 = arith.index_cast %parallel_loop3A_1997 : i32 to index
      %parallel_loop3A_2010 = arith.constant 48 : index
      %parallel_loop3A_2011 = tpu.vector_load %arg15[%parallel_loop3A_2009, %parallel_loop3A_2010] {strides = array<i32>} : memref<64x512xf32, #tpu.memory_space<vmem>>, vector<16xf32>,
      tpu.vector_store %arg15[%parallel_loop3A_2009, %parallel_loop3A_2010], %parallel_loop3A_1999 {strides = array<i32>} : memref<64x512xf32, #tpu.memory_space<vmem>>, vector<16xf32>,
      %parallel_loop3A_2012 = arith.index_cast %parallel_loop3A_1997 : i32 to index
      %parallel_loop3A_2013 = arith.constant 64 : index
      %parallel_loop3A_2014 = tpu.vector_load %arg15[%parallel_loop3A_2012, %parallel_loop3A_2013] {strides = array<i32>} : memref<64x512xf32, #tpu.memory_space<vmem>>, vector<16xf32>,
      tpu.vector_store %arg15[%parallel_loop3A_2012, %parallel_loop3A_2013], %parallel_loop3A_1999 {strides = array<i32>} : memref<64x512xf32, #tpu.memory_space<vmem>>, vector<16xf32>,
      %parallel_loop3A_2015 = arith.index_cast %parallel_loop3A_1997 : i32 to index
      %parallel_loop3A_2016 = arith.constant 80 : index
      %parallel_loop3A_2017 = tpu.vector_load %arg15[%parallel_loop3A_2015, %parallel_loop3A_2016] {strides = array<i32>} : memref<64x512xf32, #tpu.memory_space<vmem>>, vector<16xf32>,
      tpu.vector_store %arg15[%parallel_loop3A_2015, %parallel_loop3A_2016], %parallel_loop3A_1999 {strides = array<i32>} : memref<64x512xf32, #tpu.memory_space<vmem>>, vector<16xf32>,
      %parallel_loop3A_2018 = arith.index_cast %parallel_loop3A_1997 : i32 to index
      %parallel_loop3A_2019 = arith.constant 96 : index
      %parallel_loop3A_2020 = tpu.vector_load %arg15[%parallel_loop3A_2018, %parallel_loop3A_2019] {strides = array<i32>} : memref<64x512xf32, #tpu.memory_space<vmem>>, vector<16xf32>,
      tpu.vector_store %arg15[%parallel_loop3A_2018, %parallel_loop3A_2019], %parallel_loop3A_1999 {strides = array<i32>} : memref<64x512xf32, #tpu.memory_space<vmem>>, vector<16xf32>,
      %parallel_loop3A_2021 = arith.index_cast %parallel_loop3A_1997 : i32 to index
      %parallel_loop3A_2022 = arith.constant 112 : index
      %parallel_loop3A_2023 = tpu.vector_load %arg15[%parallel_loop3A_2021, %parallel_loop3A_2022] {strides = array<i32>} : memref<64x512xf32, #tpu.memory_space<vmem>>, vector<16xf32>,
      tpu.vector_store %arg15[%parallel_loop3A_2021, %parallel_loop3A_2022], %parallel_loop3A_1999 {strides = array<i32>} : memref<64x512xf32, #tpu.memory_space<vmem>>, vector<16xf32>,
      %parallel_loop3A_2024 = arith.index_cast %parallel_loop3A_1997 : i32 to index
      %parallel_loop3A_2025 = arith.constant 128 : index
      %parallel_loop3A_2026 = tpu.vector_load %arg15[%parallel_loop3A_2024, %parallel_loop3A_2025] {strides = array<i32>} : memref<64x512xf32, #tpu.memory_space<vmem>>, vector<16xf32>,
      tpu.vector_store %arg15[%parallel_loop3A_2024, %parallel_loop3A_2025], %parallel_loop3A_1999 {strides = array<i32>} : memref<64x512xf32, #tpu.memory_space<vmem>>, vector<16xf32>,
      %parallel_loop3A_2027 = arith.index_cast %parallel_loop3A_1997 : i32 to index
      %parallel_loop3A_2028 = arith.constant 144 : index
      %parallel_loop3A_2029 = tpu.vector_load %arg15[%parallel_loop3A_2027, %parallel_loop3A_2028] {strides = array<i32>} : memref<64x512xf32, #tpu.memory_space<vmem>>, vector<16xf32>,
      tpu.vector_store %arg15[%parallel_loop3A_2027, %parallel_loop3A_2028], %parallel_loop3A_1999 {strides = array<i32>} : memref<64x512xf32, #tpu.memory_space<vmem>>, vector<16xf32>,
      %parallel_loop3A_2030 = arith.index_cast %parallel_loop3A_1997 : i32 to index
      %parallel_loop3A_2031 = arith.constant 160 : index
      %parallel_loop3A_2032 = tpu.vector_load %arg15[%parallel_loop3A_2030, %parallel_loop3A_2031] {strides = array<i32>} : memref<64x512xf32, #tpu.memory_space<vmem>>, vector<16xf32>,
      tpu.vector_store %arg15[%parallel_loop3A_2030, %parallel_loop3A_2031], %parallel_loop3A_1999 {strides = array<i32>} : memref<64x512xf32, #tpu.memory_space<vmem>>, vector<16xf32>,
      %parallel_loop3A_2033 = arith.index_cast %parallel_loop3A_1997 : i32 to index
      %parallel_loop3A_2034 = arith.constant 176 : index
      %parallel_loop3A_2035 = tpu.vector_load %arg15[%parallel_loop3A_2033, %parallel_loop3A_2034] {strides = array<i32>} : memref<64x512xf32, #tpu.memory_space<vmem>>, vector<16xf32>,
      tpu.vector_store %arg15[%parallel_loop3A_2033, %parallel_loop3A_2034], %parallel_loop3A_1999 {strides = array<i32>} : memref<64x512xf32, #tpu.memory_space<vmem>>, vector<16xf32>,
      %parallel_loop3A_2036 = arith.index_cast %parallel_loop3A_1997 : i32 to index
      %parallel_loop3A_2037 = arith.constant 192 : index
      %parallel_loop3A_2038 = tpu.vector_load %arg15[%parallel_loop3A_2036, %parallel_loop3A_2037] {strides = array<i32>} : memref<64x512xf32, #tpu.memory_space<vmem>>, vector<16xf32>,
      tpu.vector_store %arg15[%parallel_loop3A_2036, %parallel_loop3A_2037], %parallel_loop3A_1999 {strides = array<i32>} : memref<64x512xf32, #tpu.memory_space<vmem>>, vector<16xf32>,
      %parallel_loop3A_2039 = arith.index_cast %parallel_loop3A_1997 : i32 to index
      %parallel_loop3A_2040 = arith.constant 208 : index
      %parallel_loop3A_2041 = tpu.vector_load %arg15[%parallel_loop3A_2039, %parallel_loop3A_2040] {strides = array<i32>} : memref<64x512xf32, #tpu.memory_space<vmem>>, vector<16xf32>,
      tpu.vector_store %arg15[%parallel_loop3A_2039, %parallel_loop3A_2040], %parallel_loop3A_1999 {strides = array<i32>} : memref<64x512xf32, #tpu.memory_space<vmem>>, vector<16xf32>,
      %parallel_loop3A_2042 = arith.index_cast %parallel_loop3A_1997 : i32 to index
      %parallel_loop3A_2043 = arith.constant 224 : index
      %parallel_loop3A_2044 = tpu.vector_load %arg15[%parallel_loop3A_2042, %parallel_loop3A_2043] {strides = array<i32>} : memref<64x512xf32, #tpu.memory_space<vmem>>, vector<16xf32>,
      tpu.vector_store %arg15[%parallel_loop3A_2042, %parallel_loop3A_2043], %parallel_loop3A_1999 {strides = array<i32>} : memref<64x512xf32, #tpu.memory_space<vmem>>, vector<16xf32>,
      %parallel_loop3A_2045 = arith.index_cast %parallel_loop3A_1997 : i32 to index
      %parallel_loop3A_2046 = arith.constant 240 : index
      %parallel_loop3A_2047 = tpu.vector_load %arg15[%parallel_loop3A_2045, %parallel_loop3A_2046] {strides = array<i32>} : memref<64x512xf32, #tpu.memory_space<vmem>>, vector<16xf32>,
      tpu.vector_store %arg15[%parallel_loop3A_2045, %parallel_loop3A_2046], %parallel_loop3A_1999 {strides = array<i32>} : memref<64x512xf32, #tpu.memory_space<vmem>>, vector<16xf32>,
      %parallel_loop3A_2048 = arith.index_cast %parallel_loop3A_1997 : i32 to index
      %parallel_loop3A_2049 = arith.constant 256 : index
      %parallel_loop3A_2050 = tpu.vector_load %arg15[%parallel_loop3A_2048, %parallel_loop3A_2049] {strides = array<i32>} : memref<64x512xf32, #tpu.memory_space<vmem>>, vector<16xf32>,
      tpu.vector_store %arg15[%parallel_loop3A_2048, %parallel_loop3A_2049], %parallel_loop3A_1999 {strides = array<i32>} : memref<64x512xf32, #tpu.memory_space<vmem>>, vector<16xf32>,
      %parallel_loop3A_2051 = arith.index_cast %parallel_loop3A_1997 : i32 to index
      %parallel_loop3A_2052 = arith.constant 272 : index
      %parallel_loop3A_2053 = tpu.vector_load %arg15[%parallel_loop3A_2051, %parallel_loop3A_2052] {strides = array<i32>} : memref<64x512xf32, #tpu.memory_space<vmem>>, vector<16xf32>,
      tpu.vector_store %arg15[%parallel_loop3A_2051, %parallel_loop3A_2052], %parallel_loop3A_1999 {strides = array<i32>} : memref<64x512xf32, #tpu.memory_space<vmem>>, vector<16xf32>,
      %parallel_loop3A_2054 = arith.index_cast %parallel_loop3A_1997 : i32 to index
      %parallel_loop3A_2055 = arith.constant 288 : index
      %parallel_loop3A_2056 = tpu.vector_load %arg15[%parallel_loop3A_2054, %parallel_loop3A_2055] {strides = array<i32>} : memref<64x512xf32, #tpu.memory_space<vmem>>, vector<16xf32>,
      tpu.vector_store %arg15[%parallel_loop3A_2054, %parallel_loop3A_2055], %parallel_loop3A_1999 {strides = array<i32>} : memref<64x512xf32, #tpu.memory_space<vmem>>, vector<16xf32>,
      %parallel_loop3A_2057 = arith.index_cast %parallel_loop3A_1997 : i32 to index
      %parallel_loop3A_2058 = arith.constant 304 : index
      %parallel_loop3A_2059 = tpu.vector_load %arg15[%parallel_loop3A_2057, %parallel_loop3A_2058] {strides = array<i32>} : memref<64x512xf32, #tpu.memory_space<vmem>>, vector<16xf32>,
      tpu.vector_store %arg15[%parallel_loop3A_2057, %parallel_loop3A_2058], %parallel_loop3A_1999 {strides = array<i32>} : memref<64x512xf32, #tpu.memory_space<vmem>>, vector<16xf32>,
      %parallel_loop3A_2060 = arith.index_cast %parallel_loop3A_1997 : i32 to index
      %parallel_loop3A_2061 = arith.constant 320 : index
      %parallel_loop3A_2062 = tpu.vector_load %arg15[%parallel_loop3A_2060, %parallel_loop3A_2061] {strides = array<i32>} : memref<64x512xf32, #tpu.memory_space<vmem>>, vector<16xf32>,
      tpu.vector_store %arg15[%parallel_loop3A_2060, %parallel_loop3A_2061], %parallel_loop3A_1999 {strides = array<i32>} : memref<64x512xf32, #tpu.memory_space<vmem>>, vector<16xf32>,
      %parallel_loop3A_2063 = arith.index_cast %parallel_loop3A_1997 : i32 to index
      %parallel_loop3A_2064 = arith.constant 336 : index
      %parallel_loop3A_2065 = tpu.vector_load %arg15[%parallel_loop3A_2063, %parallel_loop3A_2064] {strides = array<i32>} : memref<64x512xf32, #tpu.memory_space<vmem>>, vector<16xf32>,
      tpu.vector_store %arg15[%parallel_loop3A_2063, %parallel_loop3A_2064], %parallel_loop3A_1999 {strides = array<i32>} : memref<64x512xf32, #tpu.memory_space<vmem>>, vector<16xf32>,
      %parallel_loop3A_2066 = arith.index_cast %parallel_loop3A_1997 : i32 to index
      %parallel_loop3A_2067 = arith.constant 352 : index
      %parallel_loop3A_2068 = tpu.vector_load %arg15[%parallel_loop3A_2066, %parallel_loop3A_2067] {strides = array<i32>} : memref<64x512xf32, #tpu.memory_space<vmem>>, vector<16xf32>,
      tpu.vector_store %arg15[%parallel_loop3A_2066, %parallel_loop3A_2067], %parallel_loop3A_1999 {strides = array<i32>} : memref<64x512xf32, #tpu.memory_space<vmem>>, vector<16xf32>,
      %parallel_loop3A_2069 = arith.index_cast %parallel_loop3A_1997 : i32 to index
      %parallel_loop3A_2070 = arith.constant 368 : index
      %parallel_loop3A_2071 = tpu.vector_load %arg15[%parallel_loop3A_2069, %parallel_loop3A_2070] {strides = array<i32>} : memref<64x512xf32, #tpu.memory_space<vmem>>, vector<16xf32>,
      tpu.vector_store %arg15[%parallel_loop3A_2069, %parallel_loop3A_2070], %parallel_loop3A_1999 {strides = array<i32>} : memref<64x512xf32, #tpu.memory_space<vmem>>, vector<16xf32>,
      %parallel_loop3A_2072 = arith.index_cast %parallel_loop3A_1997 : i32 to index
      %parallel_loop3A_2073 = arith.constant 384 : index
      %parallel_loop3A_2074 = tpu.vector_load %arg15[%parallel_loop3A_2072, %parallel_loop3A_2073] {strides = array<i32>} : memref<64x512xf32, #tpu.memory_space<vmem>>, vector<16xf32>,
      tpu.vector_store %arg15[%parallel_loop3A_2072, %parallel_loop3A_2073], %parallel_loop3A_1999 {strides = array<i32>} : memref<64x512xf32, #tpu.memory_space<vmem>>, vector<16xf32>,
      %parallel_loop3A_2075 = arith.index_cast %parallel_loop3A_1997 : i32 to index
      %parallel_loop3A_2076 = arith.constant 400 : index
      %parallel_loop3A_2077 = tpu.vector_load %arg15[%parallel_loop3A_2075, %parallel_loop3A_2076] {strides = array<i32>} : memref<64x512xf32, #tpu.memory_space<vmem>>, vector<16xf32>,
      tpu.vector_store %arg15[%parallel_loop3A_2075, %parallel_loop3A_2076], %parallel_loop3A_1999 {strides = array<i32>} : memref<64x512xf32, #tpu.memory_space<vmem>>, vector<16xf32>,
      %parallel_loop3A_2078 = arith.index_cast %parallel_loop3A_1997 : i32 to index
      %parallel_loop3A_2079 = arith.constant 416 : index
      %parallel_loop3A_2080 = tpu.vector_load %arg15[%parallel_loop3A_2078, %parallel_loop3A_2079] {strides = array<i32>} : memref<64x512xf32, #tpu.memory_space<vmem>>, vector<16xf32>,
      tpu.vector_store %arg15[%parallel_loop3A_2078, %parallel_loop3A_2079], %parallel_loop3A_1999 {strides = array<i32>} : memref<64x512xf32, #tpu.memory_space<vmem>>, vector<16xf32>,
      %parallel_loop3A_2081 = arith.index_cast %parallel_loop3A_1997 : i32 to index
      %parallel_loop3A_2082 = arith.constant 432 : index
      %parallel_loop3A_2083 = tpu.vector_load %arg15[%parallel_loop3A_2081, %parallel_loop3A_2082] {strides = array<i32>} : memref<64x512xf32, #tpu.memory_space<vmem>>, vector<16xf32>,
      tpu.vector_store %arg15[%parallel_loop3A_2081, %parallel_loop3A_2082], %parallel_loop3A_1999 {strides = array<i32>} : memref<64x512xf32, #tpu.memory_space<vmem>>, vector<16xf32>,
      %parallel_loop3A_2084 = arith.index_cast %parallel_loop3A_1997 : i32 to index
      %parallel_loop3A_2085 = arith.constant 448 : index
      %parallel_loop3A_2086 = tpu.vector_load %arg15[%parallel_loop3A_2084, %parallel_loop3A_2085] {strides = array<i32>} : memref<64x512xf32, #tpu.memory_space<vmem>>, vector<16xf32>,
      tpu.vector_store %arg15[%parallel_loop3A_2084, %parallel_loop3A_2085], %parallel_loop3A_1999 {strides = array<i32>} : memref<64x512xf32, #tpu.memory_space<vmem>>, vector<16xf32>,
      %parallel_loop3A_2087 = arith.index_cast %parallel_loop3A_1997 : i32 to index
      %parallel_loop3A_2088 = arith.constant 464 : index
      %parallel_loop3A_2089 = tpu.vector_load %arg15[%parallel_loop3A_2087, %parallel_loop3A_2088] {strides = array<i32>} : memref<64x512xf32, #tpu.memory_space<vmem>>, vector<16xf32>,
      tpu.vector_store %arg15[%parallel_loop3A_2087, %parallel_loop3A_2088], %parallel_loop3A_1999 {strides = array<i32>} : memref<64x512xf32, #tpu.memory_space<vmem>>, vector<16xf32>,
      %parallel_loop3A_2090 = arith.index_cast %parallel_loop3A_1997 : i32 to index
      %parallel_loop3A_2091 = arith.constant 480 : index
      %parallel_loop3A_2092 = tpu.vector_load %arg15[%parallel_loop3A_2090, %parallel_loop3A_2091] {strides = array<i32>} : memref<64x512xf32, #tpu.memory_space<vmem>>, vector<16xf32>,
      tpu.vector_store %arg15[%parallel_loop3A_2090, %parallel_loop3A_2091], %parallel_loop3A_1999 {strides = array<i32>} : memref<64x512xf32, #tpu.memory_space<vmem>>, vector<16xf32>,
      %parallel_loop3A_2093 = arith.index_cast %parallel_loop3A_1997 : i32 to index
      %parallel_loop3A_2094 = arith.constant 496 : index
      %parallel_loop3A_2095 = tpu.vector_load %arg15[%parallel_loop3A_2093, %parallel_loop3A_2094] {strides = array<i32>} : memref<64x512xf32, #tpu.memory_space<vmem>>, vector<16xf32>,
      tpu.vector_store %arg15[%parallel_loop3A_2093, %parallel_loop3A_2094], %parallel_loop3A_1999 {strides = array<i32>} : memref<64x512xf32, #tpu.memory_space<vmem>>, vector<16xf32>,
    } {sc.loop_unroll_factor = 2 : i64, sc.parallel_access}
    %reduce_max3A_1951 = arith.constant true
    %reduce_max3A_1952 = vector.broadcast %reduce_max3A_1951 : i1 to vector<16xi1>
    %reduce_max3A_1953 = arith.constant -2147483648 : i32
    %reduce_max3A_1954 = vector.broadcast %reduce_max3A_1953 : i32 to vector<16xi32>
    %reduce_max3A_1955 = arith.xori %min3A_21, %reduce_max3A_1954 : vector<16xi32>
    %reduce_max3A_1956 = tpu.scan <max>, %reduce_max3A_1955 masked %reduce_max3A_1952 : vector<16xi32>, vector<16xi1> -> vector<16xi32>
    %reduce_max3A_1957 = arith.xori %reduce_max3A_1956, %reduce_max3A_1954 : vector<16xi32>
    %reduce_max3A_1958 = vector.extract %reduce_max3A_1957[15] : i32 from vector<16xi32>
    %sub3A_1959 = arith.subi %reduce_max3A_1958, %mul3A_0 : i32
    %jit3A_1960 = arith.constant 0 : i32
    %jit3A_1961 = arith.constant 1024 : i32
    %max3A_1962 = arith.maxsi %jit3A_1960, %sub3A_1959 : i32
    %min3A_1963 = arith.minsi %jit3A_1961, %max3A_1962 : i32
    tpu.wait_dma2 semaphore(%arg16 : memref<!tpu.dma_semaphore, #tpu.memory_space<semaphore_mem>>) src(%arg4 : memref<17408xf32, #tpu.memory_space<hbm>>) dst(%arg14 : memref<17408xf32, #tpu.memory_space<vmem>>)
    %scan3A = arith.constant 0 : i32
    %scan3A_1964 = arith.constant 8 : i32
    %scan3A_1965 = arith.addi %scan3A, %scan3A_1964 : i32
    %scan3A_1966 = arith.constant 1 : i32
    scf.for %scan3A_1997 = %scan3A to %scan3A_1965 step %scan3A_1966  : i32 {
      %mul3A_1998 = arith.constant 1 : i32
      %mul3A_1999 = arith.muli %scan3A_1997, %mul3A_1998 : i32
      %add3A_2000 = arith.constant 0 : i32
      %add3A_2001 = arith.addi %add3A_2000, %mul3A_1999 : i32
      %mul3A_2002 = arith.constant 2 : i32
      %mul3A_2003 = arith.muli %add3A_2001, %mul3A_2002 : i32
      %add3A_2004 = arith.constant 0 : i32
      %add3A_2005 = arith.addi %mul3A_2003, %add3A_2004 : i32
      %mul3A_2006 = arith.constant 64 : i32
      %mul3A_2007 = arith.muli %add3A_2005, %mul3A_2006 : i32
      %add3A_2008 = arith.addi %add3A, %mul3A_2007 : i32
      %gt3A = arith.constant 0 : i32
      %gt3A_2009 = arith.cmpi sgt, %add3A_2001, %gt3A : i32
      %convert_element_type3A_2010 = arith.extui %gt3A_2009 : i1 to i32
      %cond3A_2011 = arith.constant 0 : i32
      %cond3A_2012 = arith.cmpi ne, %convert_element_type3A_2010, %cond3A_2011 : i32
      scf.if %cond3A_2012 {
        %dma_wait3A_2044 = arith.constant 0 : i32
        %dma_wait3A_2045 = arith.constant 0 : i32
        %dma_wait3A_2046 = arith.constant 0 : i32
        %dma_wait3A_2047 = tpu.memref_slice %arg13[%dma_wait3A_2044, %dma_wait3A_2045, %dma_wait3A_2046] : memref<2x64x512xf32, #tpu.memory_space<vmem>> -> memref<1x64x512xf32, #tpu.memory_space<vmem>>
        %dma_wait3A_2048 = tpu.memref_squeeze %dma_wait3A_2047 : memref<1x64x512xf32, #tpu.memory_space<vmem>> -> memref<64x512xf32, #tpu.memory_space<vmem>>
        %dma_wait3A_2049 = arith.constant 0 : i32
        %dma_wait3A_2050 = tpu.memref_slice %arg5[%add3A_2008, %dma_wait3A_2049] : memref<32768x512xf32, #tpu.memory_space<hbm>> -> memref<64x512xf32, #tpu.memory_space<hbm>>
        %dma_wait3A_2051 = arith.constant 0 : i32
        %dma_wait3A_2052 = tpu.memref_slice %arg5[%add3A_2008, %dma_wait3A_2051] : memref<32768x512xf32, #tpu.memory_space<hbm>> -> memref<64x512xf32, #tpu.memory_space<hbm>>
        %dma_wait3A_2053 = arith.constant 0 : i32
        %dma_wait3A_2054 = arith.constant 0 : i32
        %dma_wait3A_2055 = tpu.memref_slice %arg13[%dma_wait3A_2044, %dma_wait3A_2053, %dma_wait3A_2054] : memref<2x64x512xf32, #tpu.memory_space<vmem>> -> memref<1x64x512xf32, #tpu.memory_space<vmem>>
        %dma_wait3A_2056 = tpu.memref_squeeze %dma_wait3A_2055 : memref<1x64x512xf32, #tpu.memory_space<vmem>> -> memref<64x512xf32, #tpu.memory_space<vmem>>
        tpu.wait_dma2 semaphore(%arg17 : memref<!tpu.dma_semaphore, #tpu.memory_space<semaphore_mem>>) src(%dma_wait3A_2056 : memref<64x512xf32, #tpu.memory_space<vmem>>) dst(%dma_wait3A_2052 : memref<64x512xf32, #tpu.memory_space<hbm>>)
      } else {
      }
      %mul3A_2013 = arith.constant 64 : i32
      %mul3A_2014 = arith.muli %add3A_2005, %mul3A_2013 : i32
      %lt3A_2015 = arith.cmpi slt, %mul3A_2014, %min3A_1963 : i32
      %convert_element_type3A_2016 = arith.extui %lt3A_2015 : i1 to i32
      %cond3A_2017 = arith.constant 0 : i32
      %cond3A_2018 = arith.cmpi ne, %convert_element_type3A_2016, %cond3A_2017 : i32
      scf.if %cond3A_2018 {
        %parallel_loop3A_2044 = arith.constant 0 : i32
        %parallel_loop3A_2045 = arith.constant 64 : i32
        %parallel_loop3A_2046 = arith.constant 1 : i32
        scf.for %parallel_loop3A_2059 = %parallel_loop3A_2044 to %parallel_loop3A_2045 step %parallel_loop3A_2046  : i32 {
          %parallel_loop3A_2060 = arith.constant 64 : i32
          %parallel_loop3A_2061 = arith.muli %add3A_2005, %parallel_loop3A_2060 : i32
          %parallel_loop3A_2062 = arith.addi %parallel_loop3A_2061, %parallel_loop3A_2059 : i32
          %parallel_loop3A_2063 = vector.broadcast %parallel_loop3A_2062 : i32 to vector<16xi32>
          %parallel_loop3A_2064 = tpu.vector_load_idx %arg10[%parallel_loop3A_2063] : memref<1024xi32, #tpu.memory_space<vmem>>[vector<16xi32>], vector<16xi32>,
          %parallel_loop3A_2065 = arith.constant 0 : i32
          %parallel_loop3A_2066 = vector.broadcast %parallel_loop3A_2065 : i32 to vector<16xi32>
          %parallel_loop3A_2067 = arith.addi %parallel_loop3A_2064, %parallel_loop3A_2066 : vector<16xi32>
          %parallel_loop3A_2068 = arith.addi %parallel_loop3A_2067, %iota3A : vector<16xi32>
          %parallel_loop3A_2069 = tpu.vector_load_idx %arg14[%parallel_loop3A_2068] : memref<17408xf32, #tpu.memory_space<vmem>>[vector<16xi32>], vector<16xf32>,
          %parallel_loop3A_2070 = arith.constant 0 : i32
          %parallel_loop3A_2071 = arith.index_cast %parallel_loop3A_2070 : i32 to index
          %parallel_loop3A_2072 = arith.index_cast %parallel_loop3A_2059 : i32 to index
          %parallel_loop3A_2073 = arith.constant 0 : index
          %parallel_loop3A_2074 = tpu.vector_load %arg13[%parallel_loop3A_2071, %parallel_loop3A_2072, %parallel_loop3A_2073] {strides = array<i32>} : memref<2x64x512xf32, #tpu.memory_space<vmem>>, vector<16xf32>,
          tpu.vector_store %arg13[%parallel_loop3A_2071, %parallel_loop3A_2072, %parallel_loop3A_2073], %parallel_loop3A_2069 {strides = array<i32>} : memref<2x64x512xf32, #tpu.memory_space<vmem>>, vector<16xf32>,
          %parallel_loop3A_2075 = arith.constant 16 : i32
          %parallel_loop3A_2076 = vector.broadcast %parallel_loop3A_2075 : i32 to vector<16xi32>
          %parallel_loop3A_2077 = arith.addi %parallel_loop3A_2064, %parallel_loop3A_2076 : vector<16xi32>
          %parallel_loop3A_2078 = arith.addi %parallel_loop3A_2077, %iota3A : vector<16xi32>
          %parallel_loop3A_2079 = tpu.vector_load_idx %arg14[%parallel_loop3A_2078] : memref<17408xf32, #tpu.memory_space<vmem>>[vector<16xi32>], vector<16xf32>,
          %parallel_loop3A_2080 = arith.constant 0 : i32
          %parallel_loop3A_2081 = arith.index_cast %parallel_loop3A_2080 : i32 to index
          %parallel_loop3A_2082 = arith.index_cast %parallel_loop3A_2059 : i32 to index
          %parallel_loop3A_2083 = arith.constant 16 : index
          %parallel_loop3A_2084 = tpu.vector_load %arg13[%parallel_loop3A_2081, %parallel_loop3A_2082, %parallel_loop3A_2083] {strides = array<i32>} : memref<2x64x512xf32, #tpu.memory_space<vmem>>, vector<16xf32>,
          tpu.vector_store %arg13[%parallel_loop3A_2081, %parallel_loop3A_2082, %parallel_loop3A_2083], %parallel_loop3A_2079 {strides = array<i32>} : memref<2x64x512xf32, #tpu.memory_space<vmem>>, vector<16xf32>,
          %parallel_loop3A_2085 = arith.constant 32 : i32
          %parallel_loop3A_2086 = vector.broadcast %parallel_loop3A_2085 : i32 to vector<16xi32>
          %parallel_loop3A_2087 = arith.addi %parallel_loop3A_2064, %parallel_loop3A_2086 : vector<16xi32>
          %parallel_loop3A_2088 = arith.addi %parallel_loop3A_2087, %iota3A : vector<16xi32>
          %parallel_loop3A_2089 = tpu.vector_load_idx %arg14[%parallel_loop3A_2088] : memref<17408xf32, #tpu.memory_space<vmem>>[vector<16xi32>], vector<16xf32>,
          %parallel_loop3A_2090 = arith.constant 0 : i32
          %parallel_loop3A_2091 = arith.index_cast %parallel_loop3A_2090 : i32 to index
          %parallel_loop3A_2092 = arith.index_cast %parallel_loop3A_2059 : i32 to index
          %parallel_loop3A_2093 = arith.constant 32 : index
          %parallel_loop3A_2094 = tpu.vector_load %arg13[%parallel_loop3A_2091, %parallel_loop3A_2092, %parallel_loop3A_2093] {strides = array<i32>} : memref<2x64x512xf32, #tpu.memory_space<vmem>>, vector<16xf32>,
          tpu.vector_store %arg13[%parallel_loop3A_2091, %parallel_loop3A_2092, %parallel_loop3A_2093], %parallel_loop3A_2089 {strides = array<i32>} : memref<2x64x512xf32, #tpu.memory_space<vmem>>, vector<16xf32>,
          %parallel_loop3A_2095 = arith.constant 48 : i32
          %parallel_loop3A_2096 = vector.broadcast %parallel_loop3A_2095 : i32 to vector<16xi32>
          %parallel_loop3A_2097 = arith.addi %parallel_loop3A_2064, %parallel_loop3A_2096 : vector<16xi32>
          %parallel_loop3A_2098 = arith.addi %parallel_loop3A_2097, %iota3A : vector<16xi32>
          %parallel_loop3A_2099 = tpu.vector_load_idx %arg14[%parallel_loop3A_2098] : memref<17408xf32, #tpu.memory_space<vmem>>[vector<16xi32>], vector<16xf32>,
          %parallel_loop3A_2100 = arith.constant 0 : i32
          %parallel_loop3A_2101 = arith.index_cast %parallel_loop3A_2100 : i32 to index
          %parallel_loop3A_2102 = arith.index_cast %parallel_loop3A_2059 : i32 to index
          %parallel_loop3A_2103 = arith.constant 48 : index
          %parallel_loop3A_2104 = tpu.vector_load %arg13[%parallel_loop3A_2101, %parallel_loop3A_2102, %parallel_loop3A_2103] {strides = array<i32>} : memref<2x64x512xf32, #tpu.memory_space<vmem>>, vector<16xf32>,
          tpu.vector_store %arg13[%parallel_loop3A_2101, %parallel_loop3A_2102, %parallel_loop3A_2103], %parallel_loop3A_2099 {strides = array<i32>} : memref<2x64x512xf32, #tpu.memory_space<vmem>>, vector<16xf32>,
          %parallel_loop3A_2105 = arith.constant 64 : i32
          %parallel_loop3A_2106 = vector.broadcast %parallel_loop3A_2105 : i32 to vector<16xi32>
          %parallel_loop3A_2107 = arith.addi %parallel_loop3A_2064, %parallel_loop3A_2106 : vector<16xi32>
          %parallel_loop3A_2108 = arith.addi %parallel_loop3A_2107, %iota3A : vector<16xi32>
          %parallel_loop3A_2109 = tpu.vector_load_idx %arg14[%parallel_loop3A_2108] : memref<17408xf32, #tpu.memory_space<vmem>>[vector<16xi32>], vector<16xf32>,
          %parallel_loop3A_2110 = arith.constant 0 : i32
          %parallel_loop3A_2111 = arith.index_cast %parallel_loop3A_2110 : i32 to index
          %parallel_loop3A_2112 = arith.index_cast %parallel_loop3A_2059 : i32 to index
          %parallel_loop3A_2113 = arith.constant 64 : index
          %parallel_loop3A_2114 = tpu.vector_load %arg13[%parallel_loop3A_2111, %parallel_loop3A_2112, %parallel_loop3A_2113] {strides = array<i32>} : memref<2x64x512xf32, #tpu.memory_space<vmem>>, vector<16xf32>,
          tpu.vector_store %arg13[%parallel_loop3A_2111, %parallel_loop3A_2112, %parallel_loop3A_2113], %parallel_loop3A_2109 {strides = array<i32>} : memref<2x64x512xf32, #tpu.memory_space<vmem>>, vector<16xf32>,
          %parallel_loop3A_2115 = arith.constant 80 : i32
          %parallel_loop3A_2116 = vector.broadcast %parallel_loop3A_2115 : i32 to vector<16xi32>
          %parallel_loop3A_2117 = arith.addi %parallel_loop3A_2064, %parallel_loop3A_2116 : vector<16xi32>
          %parallel_loop3A_2118 = arith.addi %parallel_loop3A_2117, %iota3A : vector<16xi32>
          %parallel_loop3A_2119 = tpu.vector_load_idx %arg14[%parallel_loop3A_2118] : memref<17408xf32, #tpu.memory_space<vmem>>[vector<16xi32>], vector<16xf32>,
          %parallel_loop3A_2120 = arith.constant 0 : i32
          %parallel_loop3A_2121 = arith.index_cast %parallel_loop3A_2120 : i32 to index
          %parallel_loop3A_2122 = arith.index_cast %parallel_loop3A_2059 : i32 to index
          %parallel_loop3A_2123 = arith.constant 80 : index
          %parallel_loop3A_2124 = tpu.vector_load %arg13[%parallel_loop3A_2121, %parallel_loop3A_2122, %parallel_loop3A_2123] {strides = array<i32>} : memref<2x64x512xf32, #tpu.memory_space<vmem>>, vector<16xf32>,
          tpu.vector_store %arg13[%parallel_loop3A_2121, %parallel_loop3A_2122, %parallel_loop3A_2123], %parallel_loop3A_2119 {strides = array<i32>} : memref<2x64x512xf32, #tpu.memory_space<vmem>>, vector<16xf32>,
          %parallel_loop3A_2125 = arith.constant 96 : i32
          %parallel_loop3A_2126 = vector.broadcast %parallel_loop3A_2125 : i32 to vector<16xi32>
          %parallel_loop3A_2127 = arith.addi %parallel_loop3A_2064, %parallel_loop3A_2126 : vector<16xi32>
          %parallel_loop3A_2128 = arith.addi %parallel_loop3A_2127, %iota3A : vector<16xi32>
          %parallel_loop3A_2129 = tpu.vector_load_idx %arg14[%parallel_loop3A_2128] : memref<17408xf32, #tpu.memory_space<vmem>>[vector<16xi32>], vector<16xf32>,
          %parallel_loop3A_2130 = arith.constant 0 : i32
          %parallel_loop3A_2131 = arith.index_cast %parallel_loop3A_2130 : i32 to index
          %parallel_loop3A_2132 = arith.index_cast %parallel_loop3A_2059 : i32 to index
          %parallel_loop3A_2133 = arith.constant 96 : index
          %parallel_loop3A_2134 = tpu.vector_load %arg13[%parallel_loop3A_2131, %parallel_loop3A_2132, %parallel_loop3A_2133] {strides = array<i32>} : memref<2x64x512xf32, #tpu.memory_space<vmem>>, vector<16xf32>,
          tpu.vector_store %arg13[%parallel_loop3A_2131, %parallel_loop3A_2132, %parallel_loop3A_2133], %parallel_loop3A_2129 {strides = array<i32>} : memref<2x64x512xf32, #tpu.memory_space<vmem>>, vector<16xf32>,
          %parallel_loop3A_2135 = arith.constant 112 : i32
          %parallel_loop3A_2136 = vector.broadcast %parallel_loop3A_2135 : i32 to vector<16xi32>
          %parallel_loop3A_2137 = arith.addi %parallel_loop3A_2064, %parallel_loop3A_2136 : vector<16xi32>
          %parallel_loop3A_2138 = arith.addi %parallel_loop3A_2137, %iota3A : vector<16xi32>
          %parallel_loop3A_2139 = tpu.vector_load_idx %arg14[%parallel_loop3A_2138] : memref<17408xf32, #tpu.memory_space<vmem>>[vector<16xi32>], vector<16xf32>,
          %parallel_loop3A_2140 = arith.constant 0 : i32
          %parallel_loop3A_2141 = arith.index_cast %parallel_loop3A_2140 : i32 to index
          %parallel_loop3A_2142 = arith.index_cast %parallel_loop3A_2059 : i32 to index
          %parallel_loop3A_2143 = arith.constant 112 : index
          %parallel_loop3A_2144 = tpu.vector_load %arg13[%parallel_loop3A_2141, %parallel_loop3A_2142, %parallel_loop3A_2143] {strides = array<i32>} : memref<2x64x512xf32, #tpu.memory_space<vmem>>, vector<16xf32>,
          tpu.vector_store %arg13[%parallel_loop3A_2141, %parallel_loop3A_2142, %parallel_loop3A_2143], %parallel_loop3A_2139 {strides = array<i32>} : memref<2x64x512xf32, #tpu.memory_space<vmem>>, vector<16xf32>,
          %parallel_loop3A_2145 = arith.constant 128 : i32
          %parallel_loop3A_2146 = vector.broadcast %parallel_loop3A_2145 : i32 to vector<16xi32>
          %parallel_loop3A_2147 = arith.addi %parallel_loop3A_2064, %parallel_loop3A_2146 : vector<16xi32>
          %parallel_loop3A_2148 = arith.addi %parallel_loop3A_2147, %iota3A : vector<16xi32>
          %parallel_loop3A_2149 = tpu.vector_load_idx %arg14[%parallel_loop3A_2148] : memref<17408xf32, #tpu.memory_space<vmem>>[vector<16xi32>], vector<16xf32>,
          %parallel_loop3A_2150 = arith.constant 0 : i32
          %parallel_loop3A_2151 = arith.index_cast %parallel_loop3A_2150 : i32 to index
          %parallel_loop3A_2152 = arith.index_cast %parallel_loop3A_2059 : i32 to index
          %parallel_loop3A_2153 = arith.constant 128 : index
          %parallel_loop3A_2154 = tpu.vector_load %arg13[%parallel_loop3A_2151, %parallel_loop3A_2152, %parallel_loop3A_2153] {strides = array<i32>} : memref<2x64x512xf32, #tpu.memory_space<vmem>>, vector<16xf32>,
          tpu.vector_store %arg13[%parallel_loop3A_2151, %parallel_loop3A_2152, %parallel_loop3A_2153], %parallel_loop3A_2149 {strides = array<i32>} : memref<2x64x512xf32, #tpu.memory_space<vmem>>, vector<16xf32>,
          %parallel_loop3A_2155 = arith.constant 144 : i32
          %parallel_loop3A_2156 = vector.broadcast %parallel_loop3A_2155 : i32 to vector<16xi32>
          %parallel_loop3A_2157 = arith.addi %parallel_loop3A_2064, %parallel_loop3A_2156 : vector<16xi32>
          %parallel_loop3A_2158 = arith.addi %parallel_loop3A_2157, %iota3A : vector<16xi32>
          %parallel_loop3A_2159 = tpu.vector_load_idx %arg14[%parallel_loop3A_2158] : memref<17408xf32, #tpu.memory_space<vmem>>[vector<16xi32>], vector<16xf32>,
          %parallel_loop3A_2160 = arith.constant 0 : i32
          %parallel_loop3A_2161 = arith.index_cast %parallel_loop3A_2160 : i32 to index
          %parallel_loop3A_2162 = arith.index_cast %parallel_loop3A_2059 : i32 to index
          %parallel_loop3A_2163 = arith.constant 144 : index
          %parallel_loop3A_2164 = tpu.vector_load %arg13[%parallel_loop3A_2161, %parallel_loop3A_2162, %parallel_loop3A_2163] {strides = array<i32>} : memref<2x64x512xf32, #tpu.memory_space<vmem>>, vector<16xf32>,
          tpu.vector_store %arg13[%parallel_loop3A_2161, %parallel_loop3A_2162, %parallel_loop3A_2163], %parallel_loop3A_2159 {strides = array<i32>} : memref<2x64x512xf32, #tpu.memory_space<vmem>>, vector<16xf32>,
          %parallel_loop3A_2165 = arith.constant 160 : i32
          %parallel_loop3A_2166 = vector.broadcast %parallel_loop3A_2165 : i32 to vector<16xi32>
          %parallel_loop3A_2167 = arith.addi %parallel_loop3A_2064, %parallel_loop3A_2166 : vector<16xi32>
          %parallel_loop3A_2168 = arith.addi %parallel_loop3A_2167, %iota3A : vector<16xi32>
          %parallel_loop3A_2169 = tpu.vector_load_idx %arg14[%parallel_loop3A_2168] : memref<17408xf32, #tpu.memory_space<vmem>>[vector<16xi32>], vector<16xf32>,
          %parallel_loop3A_2170 = arith.constant 0 : i32
          %parallel_loop3A_2171 = arith.index_cast %parallel_loop3A_2170 : i32 to index
          %parallel_loop3A_2172 = arith.index_cast %parallel_loop3A_2059 : i32 to index
          %parallel_loop3A_2173 = arith.constant 160 : index
          %parallel_loop3A_2174 = tpu.vector_load %arg13[%parallel_loop3A_2171, %parallel_loop3A_2172, %parallel_loop3A_2173] {strides = array<i32>} : memref<2x64x512xf32, #tpu.memory_space<vmem>>, vector<16xf32>,
          tpu.vector_store %arg13[%parallel_loop3A_2171, %parallel_loop3A_2172, %parallel_loop3A_2173], %parallel_loop3A_2169 {strides = array<i32>} : memref<2x64x512xf32, #tpu.memory_space<vmem>>, vector<16xf32>,
          %parallel_loop3A_2175 = arith.constant 176 : i32
          %parallel_loop3A_2176 = vector.broadcast %parallel_loop3A_2175 : i32 to vector<16xi32>
          %parallel_loop3A_2177 = arith.addi %parallel_loop3A_2064, %parallel_loop3A_2176 : vector<16xi32>
          %parallel_loop3A_2178 = arith.addi %parallel_loop3A_2177, %iota3A : vector<16xi32>
          %parallel_loop3A_2179 = tpu.vector_load_idx %arg14[%parallel_loop3A_2178] : memref<17408xf32, #tpu.memory_space<vmem>>[vector<16xi32>], vector<16xf32>,
          %parallel_loop3A_2180 = arith.constant 0 : i32
          %parallel_loop3A_2181 = arith.index_cast %parallel_loop3A_2180 : i32 to index
          %parallel_loop3A_2182 = arith.index_cast %parallel_loop3A_2059 : i32 to index
          %parallel_loop3A_2183 = arith.constant 176 : index
          %parallel_loop3A_2184 = tpu.vector_load %arg13[%parallel_loop3A_2181, %parallel_loop3A_2182, %parallel_loop3A_2183] {strides = array<i32>} : memref<2x64x512xf32, #tpu.memory_space<vmem>>, vector<16xf32>,
          tpu.vector_store %arg13[%parallel_loop3A_2181, %parallel_loop3A_2182, %parallel_loop3A_2183], %parallel_loop3A_2179 {strides = array<i32>} : memref<2x64x512xf32, #tpu.memory_space<vmem>>, vector<16xf32>,
          %parallel_loop3A_2185 = arith.constant 192 : i32
          %parallel_loop3A_2186 = vector.broadcast %parallel_loop3A_2185 : i32 to vector<16xi32>
          %parallel_loop3A_2187 = arith.addi %parallel_loop3A_2064, %parallel_loop3A_2186 : vector<16xi32>
          %parallel_loop3A_2188 = arith.addi %parallel_loop3A_2187, %iota3A : vector<16xi32>
          %parallel_loop3A_2189 = tpu.vector_load_idx %arg14[%parallel_loop3A_2188] : memref<17408xf32, #tpu.memory_space<vmem>>[vector<16xi32>], vector<16xf32>,
          %parallel_loop3A_2190 = arith.constant 0 : i32
          %parallel_loop3A_2191 = arith.index_cast %parallel_loop3A_2190 : i32 to index
          %parallel_loop3A_2192 = arith.index_cast %parallel_loop3A_2059 : i32 to index
          %parallel_loop3A_2193 = arith.constant 192 : index
          %parallel_loop3A_2194 = tpu.vector_load %arg13[%parallel_loop3A_2191, %parallel_loop3A_2192, %parallel_loop3A_2193] {strides = array<i32>} : memref<2x64x512xf32, #tpu.memory_space<vmem>>, vector<16xf32>,
          tpu.vector_store %arg13[%parallel_loop3A_2191, %parallel_loop3A_2192, %parallel_loop3A_2193], %parallel_loop3A_2189 {strides = array<i32>} : memref<2x64x512xf32, #tpu.memory_space<vmem>>, vector<16xf32>,
          %parallel_loop3A_2195 = arith.constant 208 : i32
          %parallel_loop3A_2196 = vector.broadcast %parallel_loop3A_2195 : i32 to vector<16xi32>
          %parallel_loop3A_2197 = arith.addi %parallel_loop3A_2064, %parallel_loop3A_2196 : vector<16xi32>
          %parallel_loop3A_2198 = arith.addi %parallel_loop3A_2197, %iota3A : vector<16xi32>
          %parallel_loop3A_2199 = tpu.vector_load_idx %arg14[%parallel_loop3A_2198] : memref<17408xf32, #tpu.memory_space<vmem>>[vector<16xi32>], vector<16xf32>,
          %parallel_loop3A_2200 = arith.constant 0 : i32
          %parallel_loop3A_2201 = arith.index_cast %parallel_loop3A_2200 : i32 to index
          %parallel_loop3A_2202 = arith.index_cast %parallel_loop3A_2059 : i32 to index
          %parallel_loop3A_2203 = arith.constant 208 : index
          %parallel_loop3A_2204 = tpu.vector_load %arg13[%parallel_loop3A_2201, %parallel_loop3A_2202, %parallel_loop3A_2203] {strides = array<i32>} : memref<2x64x512xf32, #tpu.memory_space<vmem>>, vector<16xf32>,
          tpu.vector_store %arg13[%parallel_loop3A_2201, %parallel_loop3A_2202, %parallel_loop3A_2203], %parallel_loop3A_2199 {strides = array<i32>} : memref<2x64x512xf32, #tpu.memory_space<vmem>>, vector<16xf32>,
          %parallel_loop3A_2205 = arith.constant 224 : i32
          %parallel_loop3A_2206 = vector.broadcast %parallel_loop3A_2205 : i32 to vector<16xi32>
          %parallel_loop3A_2207 = arith.addi %parallel_loop3A_2064, %parallel_loop3A_2206 : vector<16xi32>
          %parallel_loop3A_2208 = arith.addi %parallel_loop3A_2207, %iota3A : vector<16xi32>
          %parallel_loop3A_2209 = tpu.vector_load_idx %arg14[%parallel_loop3A_2208] : memref<17408xf32, #tpu.memory_space<vmem>>[vector<16xi32>], vector<16xf32>,
          %parallel_loop3A_2210 = arith.constant 0 : i32
          %parallel_loop3A_2211 = arith.index_cast %parallel_loop3A_2210 : i32 to index
          %parallel_loop3A_2212 = arith.index_cast %parallel_loop3A_2059 : i32 to index
          %parallel_loop3A_2213 = arith.constant 224 : index
          %parallel_loop3A_2214 = tpu.vector_load %arg13[%parallel_loop3A_2211, %parallel_loop3A_2212, %parallel_loop3A_2213] {strides = array<i32>} : memref<2x64x512xf32, #tpu.memory_space<vmem>>, vector<16xf32>,
          tpu.vector_store %arg13[%parallel_loop3A_2211, %parallel_loop3A_2212, %parallel_loop3A_2213], %parallel_loop3A_2209 {strides = array<i32>} : memref<2x64x512xf32, #tpu.memory_space<vmem>>, vector<16xf32>,
          %parallel_loop3A_2215 = arith.constant 240 : i32
          %parallel_loop3A_2216 = vector.broadcast %parallel_loop3A_2215 : i32 to vector<16xi32>
          %parallel_loop3A_2217 = arith.addi %parallel_loop3A_2064, %parallel_loop3A_2216 : vector<16xi32>
          %parallel_loop3A_2218 = arith.addi %parallel_loop3A_2217, %iota3A : vector<16xi32>
          %parallel_loop3A_2219 = tpu.vector_load_idx %arg14[%parallel_loop3A_2218] : memref<17408xf32, #tpu.memory_space<vmem>>[vector<16xi32>], vector<16xf32>,
          %parallel_loop3A_2220 = arith.constant 0 : i32
          %parallel_loop3A_2221 = arith.index_cast %parallel_loop3A_2220 : i32 to index
          %parallel_loop3A_2222 = arith.index_cast %parallel_loop3A_2059 : i32 to index
          %parallel_loop3A_2223 = arith.constant 240 : index
          %parallel_loop3A_2224 = tpu.vector_load %arg13[%parallel_loop3A_2221, %parallel_loop3A_2222, %parallel_loop3A_2223] {strides = array<i32>} : memref<2x64x512xf32, #tpu.memory_space<vmem>>, vector<16xf32>,
          tpu.vector_store %arg13[%parallel_loop3A_2221, %parallel_loop3A_2222, %parallel_loop3A_2223], %parallel_loop3A_2219 {strides = array<i32>} : memref<2x64x512xf32, #tpu.memory_space<vmem>>, vector<16xf32>,
          %parallel_loop3A_2225 = arith.constant 256 : i32
          %parallel_loop3A_2226 = vector.broadcast %parallel_loop3A_2225 : i32 to vector<16xi32>
          %parallel_loop3A_2227 = arith.addi %parallel_loop3A_2064, %parallel_loop3A_2226 : vector<16xi32>
          %parallel_loop3A_2228 = arith.addi %parallel_loop3A_2227, %iota3A : vector<16xi32>
          %parallel_loop3A_2229 = tpu.vector_load_idx %arg14[%parallel_loop3A_2228] : memref<17408xf32, #tpu.memory_space<vmem>>[vector<16xi32>], vector<16xf32>,
          %parallel_loop3A_2230 = arith.constant 0 : i32
          %parallel_loop3A_2231 = arith.index_cast %parallel_loop3A_2230 : i32 to index
          %parallel_loop3A_2232 = arith.index_cast %parallel_loop3A_2059 : i32 to index
          %parallel_loop3A_2233 = arith.constant 256 : index
          %parallel_loop3A_2234 = tpu.vector_load %arg13[%parallel_loop3A_2231, %parallel_loop3A_2232, %parallel_loop3A_2233] {strides = array<i32>} : memref<2x64x512xf32, #tpu.memory_space<vmem>>, vector<16xf32>,
          tpu.vector_store %arg13[%parallel_loop3A_2231, %parallel_loop3A_2232, %parallel_loop3A_2233], %parallel_loop3A_2229 {strides = array<i32>} : memref<2x64x512xf32, #tpu.memory_space<vmem>>, vector<16xf32>,
          %parallel_loop3A_2235 = arith.constant 272 : i32
          %parallel_loop3A_2236 = vector.broadcast %parallel_loop3A_2235 : i32 to vector<16xi32>
          %parallel_loop3A_2237 = arith.addi %parallel_loop3A_2064, %parallel_loop3A_2236 : vector<16xi32>
          %parallel_loop3A_2238 = arith.addi %parallel_loop3A_2237, %iota3A : vector<16xi32>
          %parallel_loop3A_2239 = tpu.vector_load_idx %arg14[%parallel_loop3A_2238] : memref<17408xf32, #tpu.memory_space<vmem>>[vector<16xi32>], vector<16xf32>,
          %parallel_loop3A_2240 = arith.constant 0 : i32
          %parallel_loop3A_2241 = arith.index_cast %parallel_loop3A_2240 : i32 to index
          %parallel_loop3A_2242 = arith.index_cast %parallel_loop3A_2059 : i32 to index
          %parallel_loop3A_2243 = arith.constant 272 : index
          %parallel_loop3A_2244 = tpu.vector_load %arg13[%parallel_loop3A_2241, %parallel_loop3A_2242, %parallel_loop3A_2243] {strides = array<i32>} : memref<2x64x512xf32, #tpu.memory_space<vmem>>, vector<16xf32>,
          tpu.vector_store %arg13[%parallel_loop3A_2241, %parallel_loop3A_2242, %parallel_loop3A_2243], %parallel_loop3A_2239 {strides = array<i32>} : memref<2x64x512xf32, #tpu.memory_space<vmem>>, vector<16xf32>,
          %parallel_loop3A_2245 = arith.constant 288 : i32
          %parallel_loop3A_2246 = vector.broadcast %parallel_loop3A_2245 : i32 to vector<16xi32>
          %parallel_loop3A_2247 = arith.addi %parallel_loop3A_2064, %parallel_loop3A_2246 : vector<16xi32>
          %parallel_loop3A_2248 = arith.addi %parallel_loop3A_2247, %iota3A : vector<16xi32>
          %parallel_loop3A_2249 = tpu.vector_load_idx %arg14[%parallel_loop3A_2248] : memref<17408xf32, #tpu.memory_space<vmem>>[vector<16xi32>], vector<16xf32>,
          %parallel_loop3A_2250 = arith.constant 0 : i32
          %parallel_loop3A_2251 = arith.index_cast %parallel_loop3A_2250 : i32 to index
          %parallel_loop3A_2252 = arith.index_cast %parallel_loop3A_2059 : i32 to index
          %parallel_loop3A_2253 = arith.constant 288 : index
          %parallel_loop3A_2254 = tpu.vector_load %arg13[%parallel_loop3A_2251, %parallel_loop3A_2252, %parallel_loop3A_2253] {strides = array<i32>} : memref<2x64x512xf32, #tpu.memory_space<vmem>>, vector<16xf32>,
          tpu.vector_store %arg13[%parallel_loop3A_2251, %parallel_loop3A_2252, %parallel_loop3A_2253], %parallel_loop3A_2249 {strides = array<i32>} : memref<2x64x512xf32, #tpu.memory_space<vmem>>, vector<16xf32>,
          %parallel_loop3A_2255 = arith.constant 304 : i32
          %parallel_loop3A_2256 = vector.broadcast %parallel_loop3A_2255 : i32 to vector<16xi32>
          %parallel_loop3A_2257 = arith.addi %parallel_loop3A_2064, %parallel_loop3A_2256 : vector<16xi32>
          %parallel_loop3A_2258 = arith.addi %parallel_loop3A_2257, %iota3A : vector<16xi32>
          %parallel_loop3A_2259 = tpu.vector_load_idx %arg14[%parallel_loop3A_2258] : memref<17408xf32, #tpu.memory_space<vmem>>[vector<16xi32>], vector<16xf32>,
          %parallel_loop3A_2260 = arith.constant 0 : i32
          %parallel_loop3A_2261 = arith.index_cast %parallel_loop3A_2260 : i32 to index
          %parallel_loop3A_2262 = arith.index_cast %parallel_loop3A_2059 : i32 to index
          %parallel_loop3A_2263 = arith.constant 304 : index
          %parallel_loop3A_2264 = tpu.vector_load %arg13[%parallel_loop3A_2261, %parallel_loop3A_2262, %parallel_loop3A_2263] {strides = array<i32>} : memref<2x64x512xf32, #tpu.memory_space<vmem>>, vector<16xf32>,
          tpu.vector_store %arg13[%parallel_loop3A_2261, %parallel_loop3A_2262, %parallel_loop3A_2263], %parallel_loop3A_2259 {strides = array<i32>} : memref<2x64x512xf32, #tpu.memory_space<vmem>>, vector<16xf32>,
          %parallel_loop3A_2265 = arith.constant 320 : i32
          %parallel_loop3A_2266 = vector.broadcast %parallel_loop3A_2265 : i32 to vector<16xi32>
          %parallel_loop3A_2267 = arith.addi %parallel_loop3A_2064, %parallel_loop3A_2266 : vector<16xi32>
          %parallel_loop3A_2268 = arith.addi %parallel_loop3A_2267, %iota3A : vector<16xi32>
          %parallel_loop3A_2269 = tpu.vector_load_idx %arg14[%parallel_loop3A_2268] : memref<17408xf32, #tpu.memory_space<vmem>>[vector<16xi32>], vector<16xf32>,
          %parallel_loop3A_2270 = arith.constant 0 : i32
          %parallel_loop3A_2271 = arith.index_cast %parallel_loop3A_2270 : i32 to index
          %parallel_loop3A_2272 = arith.index_cast %parallel_loop3A_2059 : i32 to index
          %parallel_loop3A_2273 = arith.constant 320 : index
          %parallel_loop3A_2274 = tpu.vector_load %arg13[%parallel_loop3A_2271, %parallel_loop3A_2272, %parallel_loop3A_2273] {strides = array<i32>} : memref<2x64x512xf32, #tpu.memory_space<vmem>>, vector<16xf32>,
          tpu.vector_store %arg13[%parallel_loop3A_2271, %parallel_loop3A_2272, %parallel_loop3A_2273], %parallel_loop3A_2269 {strides = array<i32>} : memref<2x64x512xf32, #tpu.memory_space<vmem>>, vector<16xf32>,
          %parallel_loop3A_2275 = arith.constant 336 : i32
          %parallel_loop3A_2276 = vector.broadcast %parallel_loop3A_2275 : i32 to vector<16xi32>
          %parallel_loop3A_2277 = arith.addi %parallel_loop3A_2064, %parallel_loop3A_2276 : vector<16xi32>
          %parallel_loop3A_2278 = arith.addi %parallel_loop3A_2277, %iota3A : vector<16xi32>
          %parallel_loop3A_2279 = tpu.vector_load_idx %arg14[%parallel_loop3A_2278] : memref<17408xf32, #tpu.memory_space<vmem>>[vector<16xi32>], vector<16xf32>,
          %parallel_loop3A_2280 = arith.constant 0 : i32
          %parallel_loop3A_2281 = arith.index_cast %parallel_loop3A_2280 : i32 to index
          %parallel_loop3A_2282 = arith.index_cast %parallel_loop3A_2059 : i32 to index
          %parallel_loop3A_2283 = arith.constant 336 : index
          %parallel_loop3A_2284 = tpu.vector_load %arg13[%parallel_loop3A_2281, %parallel_loop3A_2282, %parallel_loop3A_2283] {strides = array<i32>} : memref<2x64x512xf32, #tpu.memory_space<vmem>>, vector<16xf32>,
          tpu.vector_store %arg13[%parallel_loop3A_2281, %parallel_loop3A_2282, %parallel_loop3A_2283], %parallel_loop3A_2279 {strides = array<i32>} : memref<2x64x512xf32, #tpu.memory_space<vmem>>, vector<16xf32>,
          %parallel_loop3A_2285 = arith.constant 352 : i32
          %parallel_loop3A_2286 = vector.broadcast %parallel_loop3A_2285 : i32 to vector<16xi32>
          %parallel_loop3A_2287 = arith.addi %parallel_loop3A_2064, %parallel_loop3A_2286 : vector<16xi32>
          %parallel_loop3A_2288 = arith.addi %parallel_loop3A_2287, %iota3A : vector<16xi32>
          %parallel_loop3A_2289 = tpu.vector_load_idx %arg14[%parallel_loop3A_2288] : memref<17408xf32, #tpu.memory_space<vmem>>[vector<16xi32>], vector<16xf32>,
          %parallel_loop3A_2290 = arith.constant 0 : i32
          %parallel_loop3A_2291 = arith.index_cast %parallel_loop3A_2290 : i32 to index
          %parallel_loop3A_2292 = arith.index_cast %parallel_loop3A_2059 : i32 to index
          %parallel_loop3A_2293 = arith.constant 352 : index
          %parallel_loop3A_2294 = tpu.vector_load %arg13[%parallel_loop3A_2291, %parallel_loop3A_2292, %parallel_loop3A_2293] {strides = array<i32>} : memref<2x64x512xf32, #tpu.memory_space<vmem>>, vector<16xf32>,
          tpu.vector_store %arg13[%parallel_loop3A_2291, %parallel_loop3A_2292, %parallel_loop3A_2293], %parallel_loop3A_2289 {strides = array<i32>} : memref<2x64x512xf32, #tpu.memory_space<vmem>>, vector<16xf32>,
          %parallel_loop3A_2295 = arith.constant 368 : i32
          %parallel_loop3A_2296 = vector.broadcast %parallel_loop3A_2295 : i32 to vector<16xi32>
          %parallel_loop3A_2297 = arith.addi %parallel_loop3A_2064, %parallel_loop3A_2296 : vector<16xi32>
          %parallel_loop3A_2298 = arith.addi %parallel_loop3A_2297, %iota3A : vector<16xi32>
          %parallel_loop3A_2299 = tpu.vector_load_idx %arg14[%parallel_loop3A_2298] : memref<17408xf32, #tpu.memory_space<vmem>>[vector<16xi32>], vector<16xf32>,
          %parallel_loop3A_2300 = arith.constant 0 : i32
          %parallel_loop3A_2301 = arith.index_cast %parallel_loop3A_2300 : i32 to index
          %parallel_loop3A_2302 = arith.index_cast %parallel_loop3A_2059 : i32 to index
          %parallel_loop3A_2303 = arith.constant 368 : index
          %parallel_loop3A_2304 = tpu.vector_load %arg13[%parallel_loop3A_2301, %parallel_loop3A_2302, %parallel_loop3A_2303] {strides = array<i32>} : memref<2x64x512xf32, #tpu.memory_space<vmem>>, vector<16xf32>,
          tpu.vector_store %arg13[%parallel_loop3A_2301, %parallel_loop3A_2302, %parallel_loop3A_2303], %parallel_loop3A_2299 {strides = array<i32>} : memref<2x64x512xf32, #tpu.memory_space<vmem>>, vector<16xf32>,
          %parallel_loop3A_2305 = arith.constant 384 : i32
          %parallel_loop3A_2306 = vector.broadcast %parallel_loop3A_2305 : i32 to vector<16xi32>
          %parallel_loop3A_2307 = arith.addi %parallel_loop3A_2064, %parallel_loop3A_2306 : vector<16xi32>
          %parallel_loop3A_2308 = arith.addi %parallel_loop3A_2307, %iota3A : vector<16xi32>
          %parallel_loop3A_2309 = tpu.vector_load_idx %arg14[%parallel_loop3A_2308] : memref<17408xf32, #tpu.memory_space<vmem>>[vector<16xi32>], vector<16xf32>,
          %parallel_loop3A_2310 = arith.constant 0 : i32
          %parallel_loop3A_2311 = arith.index_cast %parallel_loop3A_2310 : i32 to index
          %parallel_loop3A_2312 = arith.index_cast %parallel_loop3A_2059 : i32 to index
          %parallel_loop3A_2313 = arith.constant 384 : index
          %parallel_loop3A_2314 = tpu.vector_load %arg13[%parallel_loop3A_2311, %parallel_loop3A_2312, %parallel_loop3A_2313] {strides = array<i32>} : memref<2x64x512xf32, #tpu.memory_space<vmem>>, vector<16xf32>,
          tpu.vector_store %arg13[%parallel_loop3A_2311, %parallel_loop3A_2312, %parallel_loop3A_2313], %parallel_loop3A_2309 {strides = array<i32>} : memref<2x64x512xf32, #tpu.memory_space<vmem>>, vector<16xf32>,
          %parallel_loop3A_2315 = arith.constant 400 : i32
          %parallel_loop3A_2316 = vector.broadcast %parallel_loop3A_2315 : i32 to vector<16xi32>
          %parallel_loop3A_2317 = arith.addi %parallel_loop3A_2064, %parallel_loop3A_2316 : vector<16xi32>
          %parallel_loop3A_2318 = arith.addi %parallel_loop3A_2317, %iota3A : vector<16xi32>
          %parallel_loop3A_2319 = tpu.vector_load_idx %arg14[%parallel_loop3A_2318] : memref<17408xf32, #tpu.memory_space<vmem>>[vector<16xi32>], vector<16xf32>,
          %parallel_loop3A_2320 = arith.constant 0 : i32
          %parallel_loop3A_2321 = arith.index_cast %parallel_loop3A_2320 : i32 to index
          %parallel_loop3A_2322 = arith.index_cast %parallel_loop3A_2059 : i32 to index
          %parallel_loop3A_2323 = arith.constant 400 : index
          %parallel_loop3A_2324 = tpu.vector_load %arg13[%parallel_loop3A_2321, %parallel_loop3A_2322, %parallel_loop3A_2323] {strides = array<i32>} : memref<2x64x512xf32, #tpu.memory_space<vmem>>, vector<16xf32>,
          tpu.vector_store %arg13[%parallel_loop3A_2321, %parallel_loop3A_2322, %parallel_loop3A_2323], %parallel_loop3A_2319 {strides = array<i32>} : memref<2x64x512xf32, #tpu.memory_space<vmem>>, vector<16xf32>,
          %parallel_loop3A_2325 = arith.constant 416 : i32
          %parallel_loop3A_2326 = vector.broadcast %parallel_loop3A_2325 : i32 to vector<16xi32>
          %parallel_loop3A_2327 = arith.addi %parallel_loop3A_2064, %parallel_loop3A_2326 : vector<16xi32>
          %parallel_loop3A_2328 = arith.addi %parallel_loop3A_2327, %iota3A : vector<16xi32>
          %parallel_loop3A_2329 = tpu.vector_load_idx %arg14[%parallel_loop3A_2328] : memref<17408xf32, #tpu.memory_space<vmem>>[vector<16xi32>], vector<16xf32>,
          %parallel_loop3A_2330 = arith.constant 0 : i32
          %parallel_loop3A_2331 = arith.index_cast %parallel_loop3A_2330 : i32 to index
          %parallel_loop3A_2332 = arith.index_cast %parallel_loop3A_2059 : i32 to index
          %parallel_loop3A_2333 = arith.constant 416 : index
          %parallel_loop3A_2334 = tpu.vector_load %arg13[%parallel_loop3A_2331, %parallel_loop3A_2332, %parallel_loop3A_2333] {strides = array<i32>} : memref<2x64x512xf32, #tpu.memory_space<vmem>>, vector<16xf32>,
          tpu.vector_store %arg13[%parallel_loop3A_2331, %parallel_loop3A_2332, %parallel_loop3A_2333], %parallel_loop3A_2329 {strides = array<i32>} : memref<2x64x512xf32, #tpu.memory_space<vmem>>, vector<16xf32>,
          %parallel_loop3A_2335 = arith.constant 432 : i32
          %parallel_loop3A_2336 = vector.broadcast %parallel_loop3A_2335 : i32 to vector<16xi32>
          %parallel_loop3A_2337 = arith.addi %parallel_loop3A_2064, %parallel_loop3A_2336 : vector<16xi32>
          %parallel_loop3A_2338 = arith.addi %parallel_loop3A_2337, %iota3A : vector<16xi32>
          %parallel_loop3A_2339 = tpu.vector_load_idx %arg14[%parallel_loop3A_2338] : memref<17408xf32, #tpu.memory_space<vmem>>[vector<16xi32>], vector<16xf32>,
          %parallel_loop3A_2340 = arith.constant 0 : i32
          %parallel_loop3A_2341 = arith.index_cast %parallel_loop3A_2340 : i32 to index
          %parallel_loop3A_2342 = arith.index_cast %parallel_loop3A_2059 : i32 to index
          %parallel_loop3A_2343 = arith.constant 432 : index
          %parallel_loop3A_2344 = tpu.vector_load %arg13[%parallel_loop3A_2341, %parallel_loop3A_2342, %parallel_loop3A_2343] {strides = array<i32>} : memref<2x64x512xf32, #tpu.memory_space<vmem>>, vector<16xf32>,
          tpu.vector_store %arg13[%parallel_loop3A_2341, %parallel_loop3A_2342, %parallel_loop3A_2343], %parallel_loop3A_2339 {strides = array<i32>} : memref<2x64x512xf32, #tpu.memory_space<vmem>>, vector<16xf32>,
          %parallel_loop3A_2345 = arith.constant 448 : i32
          %parallel_loop3A_2346 = vector.broadcast %parallel_loop3A_2345 : i32 to vector<16xi32>
          %parallel_loop3A_2347 = arith.addi %parallel_loop3A_2064, %parallel_loop3A_2346 : vector<16xi32>
          %parallel_loop3A_2348 = arith.addi %parallel_loop3A_2347, %iota3A : vector<16xi32>
          %parallel_loop3A_2349 = tpu.vector_load_idx %arg14[%parallel_loop3A_2348] : memref<17408xf32, #tpu.memory_space<vmem>>[vector<16xi32>], vector<16xf32>,
          %parallel_loop3A_2350 = arith.constant 0 : i32
          %parallel_loop3A_2351 = arith.index_cast %parallel_loop3A_2350 : i32 to index
          %parallel_loop3A_2352 = arith.index_cast %parallel_loop3A_2059 : i32 to index
          %parallel_loop3A_2353 = arith.constant 448 : index
          %parallel_loop3A_2354 = tpu.vector_load %arg13[%parallel_loop3A_2351, %parallel_loop3A_2352, %parallel_loop3A_2353] {strides = array<i32>} : memref<2x64x512xf32, #tpu.memory_space<vmem>>, vector<16xf32>,
          tpu.vector_store %arg13[%parallel_loop3A_2351, %parallel_loop3A_2352, %parallel_loop3A_2353], %parallel_loop3A_2349 {strides = array<i32>} : memref<2x64x512xf32, #tpu.memory_space<vmem>>, vector<16xf32>,
          %parallel_loop3A_2355 = arith.constant 464 : i32
          %parallel_loop3A_2356 = vector.broadcast %parallel_loop3A_2355 : i32 to vector<16xi32>
          %parallel_loop3A_2357 = arith.addi %parallel_loop3A_2064, %parallel_loop3A_2356 : vector<16xi32>
          %parallel_loop3A_2358 = arith.addi %parallel_loop3A_2357, %iota3A : vector<16xi32>
          %parallel_loop3A_2359 = tpu.vector_load_idx %arg14[%parallel_loop3A_2358] : memref<17408xf32, #tpu.memory_space<vmem>>[vector<16xi32>], vector<16xf32>,
          %parallel_loop3A_2360 = arith.constant 0 : i32
          %parallel_loop3A_2361 = arith.index_cast %parallel_loop3A_2360 : i32 to index
          %parallel_loop3A_2362 = arith.index_cast %parallel_loop3A_2059 : i32 to index
          %parallel_loop3A_2363 = arith.constant 464 : index
          %parallel_loop3A_2364 = tpu.vector_load %arg13[%parallel_loop3A_2361, %parallel_loop3A_2362, %parallel_loop3A_2363] {strides = array<i32>} : memref<2x64x512xf32, #tpu.memory_space<vmem>>, vector<16xf32>,
          tpu.vector_store %arg13[%parallel_loop3A_2361, %parallel_loop3A_2362, %parallel_loop3A_2363], %parallel_loop3A_2359 {strides = array<i32>} : memref<2x64x512xf32, #tpu.memory_space<vmem>>, vector<16xf32>,
          %parallel_loop3A_2365 = arith.constant 480 : i32
          %parallel_loop3A_2366 = vector.broadcast %parallel_loop3A_2365 : i32 to vector<16xi32>
          %parallel_loop3A_2367 = arith.addi %parallel_loop3A_2064, %parallel_loop3A_2366 : vector<16xi32>
          %parallel_loop3A_2368 = arith.addi %parallel_loop3A_2367, %iota3A : vector<16xi32>
          %parallel_loop3A_2369 = tpu.vector_load_idx %arg14[%parallel_loop3A_2368] : memref<17408xf32, #tpu.memory_space<vmem>>[vector<16xi32>], vector<16xf32>,
          %parallel_loop3A_2370 = arith.constant 0 : i32
          %parallel_loop3A_2371 = arith.index_cast %parallel_loop3A_2370 : i32 to index
          %parallel_loop3A_2372 = arith.index_cast %parallel_loop3A_2059 : i32 to index
          %parallel_loop3A_2373 = arith.constant 480 : index
          %parallel_loop3A_2374 = tpu.vector_load %arg13[%parallel_loop3A_2371, %parallel_loop3A_2372, %parallel_loop3A_2373] {strides = array<i32>} : memref<2x64x512xf32, #tpu.memory_space<vmem>>, vector<16xf32>,
          tpu.vector_store %arg13[%parallel_loop3A_2371, %parallel_loop3A_2372, %parallel_loop3A_2373], %parallel_loop3A_2369 {strides = array<i32>} : memref<2x64x512xf32, #tpu.memory_space<vmem>>, vector<16xf32>,
          %parallel_loop3A_2375 = arith.constant 496 : i32
          %parallel_loop3A_2376 = vector.broadcast %parallel_loop3A_2375 : i32 to vector<16xi32>
          %parallel_loop3A_2377 = arith.addi %parallel_loop3A_2064, %parallel_loop3A_2376 : vector<16xi32>
          %parallel_loop3A_2378 = arith.addi %parallel_loop3A_2377, %iota3A : vector<16xi32>
          %parallel_loop3A_2379 = tpu.vector_load_idx %arg14[%parallel_loop3A_2378] : memref<17408xf32, #tpu.memory_space<vmem>>[vector<16xi32>], vector<16xf32>,
          %parallel_loop3A_2380 = arith.constant 0 : i32
          %parallel_loop3A_2381 = arith.index_cast %parallel_loop3A_2380 : i32 to index
          %parallel_loop3A_2382 = arith.index_cast %parallel_loop3A_2059 : i32 to index
          %parallel_loop3A_2383 = arith.constant 496 : index
          %parallel_loop3A_2384 = tpu.vector_load %arg13[%parallel_loop3A_2381, %parallel_loop3A_2382, %parallel_loop3A_2383] {strides = array<i32>} : memref<2x64x512xf32, #tpu.memory_space<vmem>>, vector<16xf32>,
          tpu.vector_store %arg13[%parallel_loop3A_2381, %parallel_loop3A_2382, %parallel_loop3A_2383], %parallel_loop3A_2379 {strides = array<i32>} : memref<2x64x512xf32, #tpu.memory_space<vmem>>, vector<16xf32>,
        } {sc.loop_unroll_factor = 2 : i64, sc.parallel_access}
        %dma_start3A = arith.constant 0 : i32
        %dma_start3A_2047 = arith.constant 0 : i32
        %dma_start3A_2048 = arith.constant 0 : i32
        %dma_start3A_2049 = tpu.memref_slice %arg13[%dma_start3A, %dma_start3A_2047, %dma_start3A_2048] : memref<2x64x512xf32, #tpu.memory_space<vmem>> -> memref<1x64x512xf32, #tpu.memory_space<vmem>>
        %dma_start3A_2050 = tpu.memref_squeeze %dma_start3A_2049 : memref<1x64x512xf32, #tpu.memory_space<vmem>> -> memref<64x512xf32, #tpu.memory_space<vmem>>
        %dma_start3A_2051 = arith.constant 0 : i32
        %dma_start3A_2052 = tpu.memref_slice %arg5[%add3A_2008, %dma_start3A_2051] : memref<32768x512xf32, #tpu.memory_space<hbm>> -> memref<64x512xf32, #tpu.memory_space<hbm>>
        %dma_start3A_2053 = arith.constant 0 : i32
        %dma_start3A_2054 = tpu.memref_slice %arg5[%add3A_2008, %dma_start3A_2053] : memref<32768x512xf32, #tpu.memory_space<hbm>> -> memref<64x512xf32, #tpu.memory_space<hbm>>
        %dma_start3A_2055 = arith.constant 0 : i32
        %dma_start3A_2056 = arith.constant 0 : i32
        %dma_start3A_2057 = tpu.memref_slice %arg13[%dma_start3A, %dma_start3A_2055, %dma_start3A_2056] : memref<2x64x512xf32, #tpu.memory_space<vmem>> -> memref<1x64x512xf32, #tpu.memory_space<vmem>>
        %dma_start3A_2058 = tpu.memref_squeeze %dma_start3A_2057 : memref<1x64x512xf32, #tpu.memory_space<vmem>> -> memref<64x512xf32, #tpu.memory_space<vmem>>
        tpu.enqueue_dma source(%dma_start3A_2058 : memref<64x512xf32, #tpu.memory_space<vmem>>) target(%dma_start3A_2054 : memref<64x512xf32, #tpu.memory_space<hbm>>) target_semaphore(%arg17 : memref<!tpu.dma_semaphore, #tpu.memory_space<semaphore_mem>>)
      } else {
      }
      %not3A = arith.constant true
      %not3A_2019 = arith.xori %lt3A_2015, %not3A : i1
      %convert_element_type3A_2020 = arith.extui %not3A_2019 : i1 to i32
      %cond3A_2021 = arith.constant 0 : i32
      %cond3A_2022 = arith.cmpi ne, %convert_element_type3A_2020, %cond3A_2021 : i32
      scf.if %cond3A_2022 {
        %dma_start3A = arith.constant 0 : i32
        %dma_start3A_2044 = tpu.memref_slice %arg5[%add3A_2008, %dma_start3A] : memref<32768x512xf32, #tpu.memory_space<hbm>> -> memref<64x512xf32, #tpu.memory_space<hbm>>
        %dma_start3A_2045 = arith.constant 0 : i32
        %dma_start3A_2046 = tpu.memref_slice %arg5[%add3A_2008, %dma_start3A_2045] : memref<32768x512xf32, #tpu.memory_space<hbm>> -> memref<64x512xf32, #tpu.memory_space<hbm>>
        tpu.enqueue_dma source(%arg15 : memref<64x512xf32, #tpu.memory_space<vmem>>) target(%dma_start3A_2046 : memref<64x512xf32, #tpu.memory_space<hbm>>) target_semaphore(%arg17 : memref<!tpu.dma_semaphore, #tpu.memory_space<semaphore_mem>>)
      } else {
      }
      %add3A_2023 = arith.constant 1 : i32
      %add3A_2024 = arith.addi %mul3A_2003, %add3A_2023 : i32
      %mul3A_2025 = arith.constant 64 : i32
      %mul3A_2026 = arith.muli %add3A_2024, %mul3A_2025 : i32
      %add3A_2027 = arith.addi %add3A, %mul3A_2026 : i32
      %gt3A_2028 = arith.constant 0 : i32
      %gt3A_2029 = arith.cmpi sgt, %add3A_2001, %gt3A_2028 : i32
      %convert_element_type3A_2030 = arith.extui %gt3A_2029 : i1 to i32
      %cond3A_2031 = arith.constant 0 : i32
      %cond3A_2032 = arith.cmpi ne, %convert_element_type3A_2030, %cond3A_2031 : i32
      scf.if %cond3A_2032 {
        %dma_wait3A_2044 = arith.constant 1 : i32
        %dma_wait3A_2045 = arith.constant 0 : i32
        %dma_wait3A_2046 = arith.constant 0 : i32
        %dma_wait3A_2047 = tpu.memref_slice %arg13[%dma_wait3A_2044, %dma_wait3A_2045, %dma_wait3A_2046] : memref<2x64x512xf32, #tpu.memory_space<vmem>> -> memref<1x64x512xf32, #tpu.memory_space<vmem>>
        %dma_wait3A_2048 = tpu.memref_squeeze %dma_wait3A_2047 : memref<1x64x512xf32, #tpu.memory_space<vmem>> -> memref<64x512xf32, #tpu.memory_space<vmem>>
        %dma_wait3A_2049 = arith.constant 0 : i32
        %dma_wait3A_2050 = tpu.memref_slice %arg5[%add3A_2027, %dma_wait3A_2049] : memref<32768x512xf32, #tpu.memory_space<hbm>> -> memref<64x512xf32, #tpu.memory_space<hbm>>
        %dma_wait3A_2051 = arith.constant 0 : i32
        %dma_wait3A_2052 = tpu.memref_slice %arg5[%add3A_2027, %dma_wait3A_2051] : memref<32768x512xf32, #tpu.memory_space<hbm>> -> memref<64x512xf32, #tpu.memory_space<hbm>>
        %dma_wait3A_2053 = arith.constant 0 : i32
        %dma_wait3A_2054 = arith.constant 0 : i32
        %dma_wait3A_2055 = tpu.memref_slice %arg13[%dma_wait3A_2044, %dma_wait3A_2053, %dma_wait3A_2054] : memref<2x64x512xf32, #tpu.memory_space<vmem>> -> memref<1x64x512xf32, #tpu.memory_space<vmem>>
        %dma_wait3A_2056 = tpu.memref_squeeze %dma_wait3A_2055 : memref<1x64x512xf32, #tpu.memory_space<vmem>> -> memref<64x512xf32, #tpu.memory_space<vmem>>
        tpu.wait_dma2 semaphore(%arg18 : memref<!tpu.dma_semaphore, #tpu.memory_space<semaphore_mem>>) src(%dma_wait3A_2056 : memref<64x512xf32, #tpu.memory_space<vmem>>) dst(%dma_wait3A_2052 : memref<64x512xf32, #tpu.memory_space<hbm>>)
      } else {
      }
      %mul3A_2033 = arith.constant 64 : i32
      %mul3A_2034 = arith.muli %add3A_2024, %mul3A_2033 : i32
      %lt3A_2035 = arith.cmpi slt, %mul3A_2034, %min3A_1963 : i32
      %convert_element_type3A_2036 = arith.extui %lt3A_2035 : i1 to i32
      %cond3A_2037 = arith.constant 0 : i32
      %cond3A_2038 = arith.cmpi ne, %convert_element_type3A_2036, %cond3A_2037 : i32
      scf.if %cond3A_2038 {
        %parallel_loop3A_2044 = arith.constant 0 : i32
        %parallel_loop3A_2045 = arith.constant 64 : i32
        %parallel_loop3A_2046 = arith.constant 1 : i32
        scf.for %parallel_loop3A_2059 = %parallel_loop3A_2044 to %parallel_loop3A_2045 step %parallel_loop3A_2046  : i32 {
          %parallel_loop3A_2060 = arith.constant 64 : i32
          %parallel_loop3A_2061 = arith.muli %add3A_2024, %parallel_loop3A_2060 : i32
          %parallel_loop3A_2062 = arith.addi %parallel_loop3A_2061, %parallel_loop3A_2059 : i32
          %parallel_loop3A_2063 = vector.broadcast %parallel_loop3A_2062 : i32 to vector<16xi32>
          %parallel_loop3A_2064 = tpu.vector_load_idx %arg10[%parallel_loop3A_2063] : memref<1024xi32, #tpu.memory_space<vmem>>[vector<16xi32>], vector<16xi32>,
          %parallel_loop3A_2065 = arith.constant 0 : i32
          %parallel_loop3A_2066 = vector.broadcast %parallel_loop3A_2065 : i32 to vector<16xi32>
          %parallel_loop3A_2067 = arith.addi %parallel_loop3A_2064, %parallel_loop3A_2066 : vector<16xi32>
          %parallel_loop3A_2068 = arith.addi %parallel_loop3A_2067, %iota3A : vector<16xi32>
          %parallel_loop3A_2069 = tpu.vector_load_idx %arg14[%parallel_loop3A_2068] : memref<17408xf32, #tpu.memory_space<vmem>>[vector<16xi32>], vector<16xf32>,
          %parallel_loop3A_2070 = arith.constant 1 : i32
          %parallel_loop3A_2071 = arith.index_cast %parallel_loop3A_2070 : i32 to index
          %parallel_loop3A_2072 = arith.index_cast %parallel_loop3A_2059 : i32 to index
          %parallel_loop3A_2073 = arith.constant 0 : index
          %parallel_loop3A_2074 = tpu.vector_load %arg13[%parallel_loop3A_2071, %parallel_loop3A_2072, %parallel_loop3A_2073] {strides = array<i32>} : memref<2x64x512xf32, #tpu.memory_space<vmem>>, vector<16xf32>,
          tpu.vector_store %arg13[%parallel_loop3A_2071, %parallel_loop3A_2072, %parallel_loop3A_2073], %parallel_loop3A_2069 {strides = array<i32>} : memref<2x64x512xf32, #tpu.memory_space<vmem>>, vector<16xf32>,
          %parallel_loop3A_2075 = arith.constant 16 : i32
          %parallel_loop3A_2076 = vector.broadcast %parallel_loop3A_2075 : i32 to vector<16xi32>
          %parallel_loop3A_2077 = arith.addi %parallel_loop3A_2064, %parallel_loop3A_2076 : vector<16xi32>
          %parallel_loop3A_2078 = arith.addi %parallel_loop3A_2077, %iota3A : vector<16xi32>
          %parallel_loop3A_2079 = tpu.vector_load_idx %arg14[%parallel_loop3A_2078] : memref<17408xf32, #tpu.memory_space<vmem>>[vector<16xi32>], vector<16xf32>,
          %parallel_loop3A_2080 = arith.constant 1 : i32
          %parallel_loop3A_2081 = arith.index_cast %parallel_loop3A_2080 : i32 to index
          %parallel_loop3A_2082 = arith.index_cast %parallel_loop3A_2059 : i32 to index
          %parallel_loop3A_2083 = arith.constant 16 : index
          %parallel_loop3A_2084 = tpu.vector_load %arg13[%parallel_loop3A_2081, %parallel_loop3A_2082, %parallel_loop3A_2083] {strides = array<i32>} : memref<2x64x512xf32, #tpu.memory_space<vmem>>, vector<16xf32>,
          tpu.vector_store %arg13[%parallel_loop3A_2081, %parallel_loop3A_2082, %parallel_loop3A_2083], %parallel_loop3A_2079 {strides = array<i32>} : memref<2x64x512xf32, #tpu.memory_space<vmem>>, vector<16xf32>,
          %parallel_loop3A_2085 = arith.constant 32 : i32
          %parallel_loop3A_2086 = vector.broadcast %parallel_loop3A_2085 : i32 to vector<16xi32>
          %parallel_loop3A_2087 = arith.addi %parallel_loop3A_2064, %parallel_loop3A_2086 : vector<16xi32>
          %parallel_loop3A_2088 = arith.addi %parallel_loop3A_2087, %iota3A : vector<16xi32>
          %parallel_loop3A_2089 = tpu.vector_load_idx %arg14[%parallel_loop3A_2088] : memref<17408xf32, #tpu.memory_space<vmem>>[vector<16xi32>], vector<16xf32>,
          %parallel_loop3A_2090 = arith.constant 1 : i32
          %parallel_loop3A_2091 = arith.index_cast %parallel_loop3A_2090 : i32 to index
          %parallel_loop3A_2092 = arith.index_cast %parallel_loop3A_2059 : i32 to index
          %parallel_loop3A_2093 = arith.constant 32 : index
          %parallel_loop3A_2094 = tpu.vector_load %arg13[%parallel_loop3A_2091, %parallel_loop3A_2092, %parallel_loop3A_2093] {strides = array<i32>} : memref<2x64x512xf32, #tpu.memory_space<vmem>>, vector<16xf32>,
          tpu.vector_store %arg13[%parallel_loop3A_2091, %parallel_loop3A_2092, %parallel_loop3A_2093], %parallel_loop3A_2089 {strides = array<i32>} : memref<2x64x512xf32, #tpu.memory_space<vmem>>, vector<16xf32>,
          %parallel_loop3A_2095 = arith.constant 48 : i32
          %parallel_loop3A_2096 = vector.broadcast %parallel_loop3A_2095 : i32 to vector<16xi32>
          %parallel_loop3A_2097 = arith.addi %parallel_loop3A_2064, %parallel_loop3A_2096 : vector<16xi32>
          %parallel_loop3A_2098 = arith.addi %parallel_loop3A_2097, %iota3A : vector<16xi32>
          %parallel_loop3A_2099 = tpu.vector_load_idx %arg14[%parallel_loop3A_2098] : memref<17408xf32, #tpu.memory_space<vmem>>[vector<16xi32>], vector<16xf32>,
          %parallel_loop3A_2100 = arith.constant 1 : i32
          %parallel_loop3A_2101 = arith.index_cast %parallel_loop3A_2100 : i32 to index
          %parallel_loop3A_2102 = arith.index_cast %parallel_loop3A_2059 : i32 to index
          %parallel_loop3A_2103 = arith.constant 48 : index
          %parallel_loop3A_2104 = tpu.vector_load %arg13[%parallel_loop3A_2101, %parallel_loop3A_2102, %parallel_loop3A_2103] {strides = array<i32>} : memref<2x64x512xf32, #tpu.memory_space<vmem>>, vector<16xf32>,
          tpu.vector_store %arg13[%parallel_loop3A_2101, %parallel_loop3A_2102, %parallel_loop3A_2103], %parallel_loop3A_2099 {strides = array<i32>} : memref<2x64x512xf32, #tpu.memory_space<vmem>>, vector<16xf32>,
          %parallel_loop3A_2105 = arith.constant 64 : i32
          %parallel_loop3A_2106 = vector.broadcast %parallel_loop3A_2105 : i32 to vector<16xi32>
          %parallel_loop3A_2107 = arith.addi %parallel_loop3A_2064, %parallel_loop3A_2106 : vector<16xi32>
          %parallel_loop3A_2108 = arith.addi %parallel_loop3A_2107, %iota3A : vector<16xi32>
          %parallel_loop3A_2109 = tpu.vector_load_idx %arg14[%parallel_loop3A_2108] : memref<17408xf32, #tpu.memory_space<vmem>>[vector<16xi32>], vector<16xf32>,
          %parallel_loop3A_2110 = arith.constant 1 : i32
          %parallel_loop3A_2111 = arith.index_cast %parallel_loop3A_2110 : i32 to index
          %parallel_loop3A_2112 = arith.index_cast %parallel_loop3A_2059 : i32 to index
          %parallel_loop3A_2113 = arith.constant 64 : index
          %parallel_loop3A_2114 = tpu.vector_load %arg13[%parallel_loop3A_2111, %parallel_loop3A_2112, %parallel_loop3A_2113] {strides = array<i32>} : memref<2x64x512xf32, #tpu.memory_space<vmem>>, vector<16xf32>,
          tpu.vector_store %arg13[%parallel_loop3A_2111, %parallel_loop3A_2112, %parallel_loop3A_2113], %parallel_loop3A_2109 {strides = array<i32>} : memref<2x64x512xf32, #tpu.memory_space<vmem>>, vector<16xf32>,
          %parallel_loop3A_2115 = arith.constant 80 : i32
          %parallel_loop3A_2116 = vector.broadcast %parallel_loop3A_2115 : i32 to vector<16xi32>
          %parallel_loop3A_2117 = arith.addi %parallel_loop3A_2064, %parallel_loop3A_2116 : vector<16xi32>
          %parallel_loop3A_2118 = arith.addi %parallel_loop3A_2117, %iota3A : vector<16xi32>
          %parallel_loop3A_2119 = tpu.vector_load_idx %arg14[%parallel_loop3A_2118] : memref<17408xf32, #tpu.memory_space<vmem>>[vector<16xi32>], vector<16xf32>,
          %parallel_loop3A_2120 = arith.constant 1 : i32
          %parallel_loop3A_2121 = arith.index_cast %parallel_loop3A_2120 : i32 to index
          %parallel_loop3A_2122 = arith.index_cast %parallel_loop3A_2059 : i32 to index
          %parallel_loop3A_2123 = arith.constant 80 : index
          %parallel_loop3A_2124 = tpu.vector_load %arg13[%parallel_loop3A_2121, %parallel_loop3A_2122, %parallel_loop3A_2123] {strides = array<i32>} : memref<2x64x512xf32, #tpu.memory_space<vmem>>, vector<16xf32>,
          tpu.vector_store %arg13[%parallel_loop3A_2121, %parallel_loop3A_2122, %parallel_loop3A_2123], %parallel_loop3A_2119 {strides = array<i32>} : memref<2x64x512xf32, #tpu.memory_space<vmem>>, vector<16xf32>,
          %parallel_loop3A_2125 = arith.constant 96 : i32
          %parallel_loop3A_2126 = vector.broadcast %parallel_loop3A_2125 : i32 to vector<16xi32>
          %parallel_loop3A_2127 = arith.addi %parallel_loop3A_2064, %parallel_loop3A_2126 : vector<16xi32>
          %parallel_loop3A_2128 = arith.addi %parallel_loop3A_2127, %iota3A : vector<16xi32>
          %parallel_loop3A_2129 = tpu.vector_load_idx %arg14[%parallel_loop3A_2128] : memref<17408xf32, #tpu.memory_space<vmem>>[vector<16xi32>], vector<16xf32>,
          %parallel_loop3A_2130 = arith.constant 1 : i32
          %parallel_loop3A_2131 = arith.index_cast %parallel_loop3A_2130 : i32 to index
          %parallel_loop3A_2132 = arith.index_cast %parallel_loop3A_2059 : i32 to index
          %parallel_loop3A_2133 = arith.constant 96 : index
          %parallel_loop3A_2134 = tpu.vector_load %arg13[%parallel_loop3A_2131, %parallel_loop3A_2132, %parallel_loop3A_2133] {strides = array<i32>} : memref<2x64x512xf32, #tpu.memory_space<vmem>>, vector<16xf32>,
          tpu.vector_store %arg13[%parallel_loop3A_2131, %parallel_loop3A_2132, %parallel_loop3A_2133], %parallel_loop3A_2129 {strides = array<i32>} : memref<2x64x512xf32, #tpu.memory_space<vmem>>, vector<16xf32>,
          %parallel_loop3A_2135 = arith.constant 112 : i32
          %parallel_loop3A_2136 = vector.broadcast %parallel_loop3A_2135 : i32 to vector<16xi32>
          %parallel_loop3A_2137 = arith.addi %parallel_loop3A_2064, %parallel_loop3A_2136 : vector<16xi32>
          %parallel_loop3A_2138 = arith.addi %parallel_loop3A_2137, %iota3A : vector<16xi32>
          %parallel_loop3A_2139 = tpu.vector_load_idx %arg14[%parallel_loop3A_2138] : memref<17408xf32, #tpu.memory_space<vmem>>[vector<16xi32>], vector<16xf32>,
          %parallel_loop3A_2140 = arith.constant 1 : i32
          %parallel_loop3A_2141 = arith.index_cast %parallel_loop3A_2140 : i32 to index
          %parallel_loop3A_2142 = arith.index_cast %parallel_loop3A_2059 : i32 to index
          %parallel_loop3A_2143 = arith.constant 112 : index
          %parallel_loop3A_2144 = tpu.vector_load %arg13[%parallel_loop3A_2141, %parallel_loop3A_2142, %parallel_loop3A_2143] {strides = array<i32>} : memref<2x64x512xf32, #tpu.memory_space<vmem>>, vector<16xf32>,
          tpu.vector_store %arg13[%parallel_loop3A_2141, %parallel_loop3A_2142, %parallel_loop3A_2143], %parallel_loop3A_2139 {strides = array<i32>} : memref<2x64x512xf32, #tpu.memory_space<vmem>>, vector<16xf32>,
          %parallel_loop3A_2145 = arith.constant 128 : i32
          %parallel_loop3A_2146 = vector.broadcast %parallel_loop3A_2145 : i32 to vector<16xi32>
          %parallel_loop3A_2147 = arith.addi %parallel_loop3A_2064, %parallel_loop3A_2146 : vector<16xi32>
          %parallel_loop3A_2148 = arith.addi %parallel_loop3A_2147, %iota3A : vector<16xi32>
          %parallel_loop3A_2149 = tpu.vector_load_idx %arg14[%parallel_loop3A_2148] : memref<17408xf32, #tpu.memory_space<vmem>>[vector<16xi32>], vector<16xf32>,
          %parallel_loop3A_2150 = arith.constant 1 : i32
          %parallel_loop3A_2151 = arith.index_cast %parallel_loop3A_2150 : i32 to index
          %parallel_loop3A_2152 = arith.index_cast %parallel_loop3A_2059 : i32 to index
          %parallel_loop3A_2153 = arith.constant 128 : index
          %parallel_loop3A_2154 = tpu.vector_load %arg13[%parallel_loop3A_2151, %parallel_loop3A_2152, %parallel_loop3A_2153] {strides = array<i32>} : memref<2x64x512xf32, #tpu.memory_space<vmem>>, vector<16xf32>,
          tpu.vector_store %arg13[%parallel_loop3A_2151, %parallel_loop3A_2152, %parallel_loop3A_2153], %parallel_loop3A_2149 {strides = array<i32>} : memref<2x64x512xf32, #tpu.memory_space<vmem>>, vector<16xf32>,
          %parallel_loop3A_2155 = arith.constant 144 : i32
          %parallel_loop3A_2156 = vector.broadcast %parallel_loop3A_2155 : i32 to vector<16xi32>
          %parallel_loop3A_2157 = arith.addi %parallel_loop3A_2064, %parallel_loop3A_2156 : vector<16xi32>
          %parallel_loop3A_2158 = arith.addi %parallel_loop3A_2157, %iota3A : vector<16xi32>
          %parallel_loop3A_2159 = tpu.vector_load_idx %arg14[%parallel_loop3A_2158] : memref<17408xf32, #tpu.memory_space<vmem>>[vector<16xi32>], vector<16xf32>,
          %parallel_loop3A_2160 = arith.constant 1 : i32
          %parallel_loop3A_2161 = arith.index_cast %parallel_loop3A_2160 : i32 to index
          %parallel_loop3A_2162 = arith.index_cast %parallel_loop3A_2059 : i32 to index
          %parallel_loop3A_2163 = arith.constant 144 : index
          %parallel_loop3A_2164 = tpu.vector_load %arg13[%parallel_loop3A_2161, %parallel_loop3A_2162, %parallel_loop3A_2163] {strides = array<i32>} : memref<2x64x512xf32, #tpu.memory_space<vmem>>, vector<16xf32>,
          tpu.vector_store %arg13[%parallel_loop3A_2161, %parallel_loop3A_2162, %parallel_loop3A_2163], %parallel_loop3A_2159 {strides = array<i32>} : memref<2x64x512xf32, #tpu.memory_space<vmem>>, vector<16xf32>,
          %parallel_loop3A_2165 = arith.constant 160 : i32
          %parallel_loop3A_2166 = vector.broadcast %parallel_loop3A_2165 : i32 to vector<16xi32>
          %parallel_loop3A_2167 = arith.addi %parallel_loop3A_2064, %parallel_loop3A_2166 : vector<16xi32>
          %parallel_loop3A_2168 = arith.addi %parallel_loop3A_2167, %iota3A : vector<16xi32>
          %parallel_loop3A_2169 = tpu.vector_load_idx %arg14[%parallel_loop3A_2168] : memref<17408xf32, #tpu.memory_space<vmem>>[vector<16xi32>], vector<16xf32>,
          %parallel_loop3A_2170 = arith.constant 1 : i32
          %parallel_loop3A_2171 = arith.index_cast %parallel_loop3A_2170 : i32 to index
          %parallel_loop3A_2172 = arith.index_cast %parallel_loop3A_2059 : i32 to index
          %parallel_loop3A_2173 = arith.constant 160 : index
          %parallel_loop3A_2174 = tpu.vector_load %arg13[%parallel_loop3A_2171, %parallel_loop3A_2172, %parallel_loop3A_2173] {strides = array<i32>} : memref<2x64x512xf32, #tpu.memory_space<vmem>>, vector<16xf32>,
          tpu.vector_store %arg13[%parallel_loop3A_2171, %parallel_loop3A_2172, %parallel_loop3A_2173], %parallel_loop3A_2169 {strides = array<i32>} : memref<2x64x512xf32, #tpu.memory_space<vmem>>, vector<16xf32>,
          %parallel_loop3A_2175 = arith.constant 176 : i32
          %parallel_loop3A_2176 = vector.broadcast %parallel_loop3A_2175 : i32 to vector<16xi32>
          %parallel_loop3A_2177 = arith.addi %parallel_loop3A_2064, %parallel_loop3A_2176 : vector<16xi32>
          %parallel_loop3A_2178 = arith.addi %parallel_loop3A_2177, %iota3A : vector<16xi32>
          %parallel_loop3A_2179 = tpu.vector_load_idx %arg14[%parallel_loop3A_2178] : memref<17408xf32, #tpu.memory_space<vmem>>[vector<16xi32>], vector<16xf32>,
          %parallel_loop3A_2180 = arith.constant 1 : i32
          %parallel_loop3A_2181 = arith.index_cast %parallel_loop3A_2180 : i32 to index
          %parallel_loop3A_2182 = arith.index_cast %parallel_loop3A_2059 : i32 to index
          %parallel_loop3A_2183 = arith.constant 176 : index
          %parallel_loop3A_2184 = tpu.vector_load %arg13[%parallel_loop3A_2181, %parallel_loop3A_2182, %parallel_loop3A_2183] {strides = array<i32>} : memref<2x64x512xf32, #tpu.memory_space<vmem>>, vector<16xf32>,
          tpu.vector_store %arg13[%parallel_loop3A_2181, %parallel_loop3A_2182, %parallel_loop3A_2183], %parallel_loop3A_2179 {strides = array<i32>} : memref<2x64x512xf32, #tpu.memory_space<vmem>>, vector<16xf32>,
          %parallel_loop3A_2185 = arith.constant 192 : i32
          %parallel_loop3A_2186 = vector.broadcast %parallel_loop3A_2185 : i32 to vector<16xi32>
          %parallel_loop3A_2187 = arith.addi %parallel_loop3A_2064, %parallel_loop3A_2186 : vector<16xi32>
          %parallel_loop3A_2188 = arith.addi %parallel_loop3A_2187, %iota3A : vector<16xi32>
          %parallel_loop3A_2189 = tpu.vector_load_idx %arg14[%parallel_loop3A_2188] : memref<17408xf32, #tpu.memory_space<vmem>>[vector<16xi32>], vector<16xf32>,
          %parallel_loop3A_2190 = arith.constant 1 : i32
          %parallel_loop3A_2191 = arith.index_cast %parallel_loop3A_2190 : i32 to index
          %parallel_loop3A_2192 = arith.index_cast %parallel_loop3A_2059 : i32 to index
          %parallel_loop3A_2193 = arith.constant 192 : index
          %parallel_loop3A_2194 = tpu.vector_load %arg13[%parallel_loop3A_2191, %parallel_loop3A_2192, %parallel_loop3A_2193] {strides = array<i32>} : memref<2x64x512xf32, #tpu.memory_space<vmem>>, vector<16xf32>,
          tpu.vector_store %arg13[%parallel_loop3A_2191, %parallel_loop3A_2192, %parallel_loop3A_2193], %parallel_loop3A_2189 {strides = array<i32>} : memref<2x64x512xf32, #tpu.memory_space<vmem>>, vector<16xf32>,
          %parallel_loop3A_2195 = arith.constant 208 : i32
          %parallel_loop3A_2196 = vector.broadcast %parallel_loop3A_2195 : i32 to vector<16xi32>
          %parallel_loop3A_2197 = arith.addi %parallel_loop3A_2064, %parallel_loop3A_2196 : vector<16xi32>
          %parallel_loop3A_2198 = arith.addi %parallel_loop3A_2197, %iota3A : vector<16xi32>
          %parallel_loop3A_2199 = tpu.vector_load_idx %arg14[%parallel_loop3A_2198] : memref<17408xf32, #tpu.memory_space<vmem>>[vector<16xi32>], vector<16xf32>,
          %parallel_loop3A_2200 = arith.constant 1 : i32
          %parallel_loop3A_2201 = arith.index_cast %parallel_loop3A_2200 : i32 to index
          %parallel_loop3A_2202 = arith.index_cast %parallel_loop3A_2059 : i32 to index
          %parallel_loop3A_2203 = arith.constant 208 : index
          %parallel_loop3A_2204 = tpu.vector_load %arg13[%parallel_loop3A_2201, %parallel_loop3A_2202, %parallel_loop3A_2203] {strides = array<i32>} : memref<2x64x512xf32, #tpu.memory_space<vmem>>, vector<16xf32>,
          tpu.vector_store %arg13[%parallel_loop3A_2201, %parallel_loop3A_2202, %parallel_loop3A_2203], %parallel_loop3A_2199 {strides = array<i32>} : memref<2x64x512xf32, #tpu.memory_space<vmem>>, vector<16xf32>,
          %parallel_loop3A_2205 = arith.constant 224 : i32
          %parallel_loop3A_2206 = vector.broadcast %parallel_loop3A_2205 : i32 to vector<16xi32>
          %parallel_loop3A_2207 = arith.addi %parallel_loop3A_2064, %parallel_loop3A_2206 : vector<16xi32>
          %parallel_loop3A_2208 = arith.addi %parallel_loop3A_2207, %iota3A : vector<16xi32>
          %parallel_loop3A_2209 = tpu.vector_load_idx %arg14[%parallel_loop3A_2208] : memref<17408xf32, #tpu.memory_space<vmem>>[vector<16xi32>], vector<16xf32>,
          %parallel_loop3A_2210 = arith.constant 1 : i32
          %parallel_loop3A_2211 = arith.index_cast %parallel_loop3A_2210 : i32 to index
          %parallel_loop3A_2212 = arith.index_cast %parallel_loop3A_2059 : i32 to index
          %parallel_loop3A_2213 = arith.constant 224 : index
          %parallel_loop3A_2214 = tpu.vector_load %arg13[%parallel_loop3A_2211, %parallel_loop3A_2212, %parallel_loop3A_2213] {strides = array<i32>} : memref<2x64x512xf32, #tpu.memory_space<vmem>>, vector<16xf32>,
          tpu.vector_store %arg13[%parallel_loop3A_2211, %parallel_loop3A_2212, %parallel_loop3A_2213], %parallel_loop3A_2209 {strides = array<i32>} : memref<2x64x512xf32, #tpu.memory_space<vmem>>, vector<16xf32>,
          %parallel_loop3A_2215 = arith.constant 240 : i32
          %parallel_loop3A_2216 = vector.broadcast %parallel_loop3A_2215 : i32 to vector<16xi32>
          %parallel_loop3A_2217 = arith.addi %parallel_loop3A_2064, %parallel_loop3A_2216 : vector<16xi32>
          %parallel_loop3A_2218 = arith.addi %parallel_loop3A_2217, %iota3A : vector<16xi32>
          %parallel_loop3A_2219 = tpu.vector_load_idx %arg14[%parallel_loop3A_2218] : memref<17408xf32, #tpu.memory_space<vmem>>[vector<16xi32>], vector<16xf32>,
          %parallel_loop3A_2220 = arith.constant 1 : i32
          %parallel_loop3A_2221 = arith.index_cast %parallel_loop3A_2220 : i32 to index
          %parallel_loop3A_2222 = arith.index_cast %parallel_loop3A_2059 : i32 to index
          %parallel_loop3A_2223 = arith.constant 240 : index
          %parallel_loop3A_2224 = tpu.vector_load %arg13[%parallel_loop3A_2221, %parallel_loop3A_2222, %parallel_loop3A_2223] {strides = array<i32>} : memref<2x64x512xf32, #tpu.memory_space<vmem>>, vector<16xf32>,
          tpu.vector_store %arg13[%parallel_loop3A_2221, %parallel_loop3A_2222, %parallel_loop3A_2223], %parallel_loop3A_2219 {strides = array<i32>} : memref<2x64x512xf32, #tpu.memory_space<vmem>>, vector<16xf32>,
          %parallel_loop3A_2225 = arith.constant 256 : i32
          %parallel_loop3A_2226 = vector.broadcast %parallel_loop3A_2225 : i32 to vector<16xi32>
          %parallel_loop3A_2227 = arith.addi %parallel_loop3A_2064, %parallel_loop3A_2226 : vector<16xi32>
          %parallel_loop3A_2228 = arith.addi %parallel_loop3A_2227, %iota3A : vector<16xi32>
          %parallel_loop3A_2229 = tpu.vector_load_idx %arg14[%parallel_loop3A_2228] : memref<17408xf32, #tpu.memory_space<vmem>>[vector<16xi32>], vector<16xf32>,
          %parallel_loop3A_2230 = arith.constant 1 : i32
          %parallel_loop3A_2231 = arith.index_cast %parallel_loop3A_2230 : i32 to index
          %parallel_loop3A_2232 = arith.index_cast %parallel_loop3A_2059 : i32 to index
          %parallel_loop3A_2233 = arith.constant 256 : index
          %parallel_loop3A_2234 = tpu.vector_load %arg13[%parallel_loop3A_2231, %parallel_loop3A_2232, %parallel_loop3A_2233] {strides = array<i32>} : memref<2x64x512xf32, #tpu.memory_space<vmem>>, vector<16xf32>,
          tpu.vector_store %arg13[%parallel_loop3A_2231, %parallel_loop3A_2232, %parallel_loop3A_2233], %parallel_loop3A_2229 {strides = array<i32>} : memref<2x64x512xf32, #tpu.memory_space<vmem>>, vector<16xf32>,
          %parallel_loop3A_2235 = arith.constant 272 : i32
          %parallel_loop3A_2236 = vector.broadcast %parallel_loop3A_2235 : i32 to vector<16xi32>
          %parallel_loop3A_2237 = arith.addi %parallel_loop3A_2064, %parallel_loop3A_2236 : vector<16xi32>
          %parallel_loop3A_2238 = arith.addi %parallel_loop3A_2237, %iota3A : vector<16xi32>
          %parallel_loop3A_2239 = tpu.vector_load_idx %arg14[%parallel_loop3A_2238] : memref<17408xf32, #tpu.memory_space<vmem>>[vector<16xi32>], vector<16xf32>,
          %parallel_loop3A_2240 = arith.constant 1 : i32
          %parallel_loop3A_2241 = arith.index_cast %parallel_loop3A_2240 : i32 to index
          %parallel_loop3A_2242 = arith.index_cast %parallel_loop3A_2059 : i32 to index
          %parallel_loop3A_2243 = arith.constant 272 : index
          %parallel_loop3A_2244 = tpu.vector_load %arg13[%parallel_loop3A_2241, %parallel_loop3A_2242, %parallel_loop3A_2243] {strides = array<i32>} : memref<2x64x512xf32, #tpu.memory_space<vmem>>, vector<16xf32>,
          tpu.vector_store %arg13[%parallel_loop3A_2241, %parallel_loop3A_2242, %parallel_loop3A_2243], %parallel_loop3A_2239 {strides = array<i32>} : memref<2x64x512xf32, #tpu.memory_space<vmem>>, vector<16xf32>,
          %parallel_loop3A_2245 = arith.constant 288 : i32
          %parallel_loop3A_2246 = vector.broadcast %parallel_loop3A_2245 : i32 to vector<16xi32>
          %parallel_loop3A_2247 = arith.addi %parallel_loop3A_2064, %parallel_loop3A_2246 : vector<16xi32>
          %parallel_loop3A_2248 = arith.addi %parallel_loop3A_2247, %iota3A : vector<16xi32>
          %parallel_loop3A_2249 = tpu.vector_load_idx %arg14[%parallel_loop3A_2248] : memref<17408xf32, #tpu.memory_space<vmem>>[vector<16xi32>], vector<16xf32>,
          %parallel_loop3A_2250 = arith.constant 1 : i32
          %parallel_loop3A_2251 = arith.index_cast %parallel_loop3A_2250 : i32 to index
          %parallel_loop3A_2252 = arith.index_cast %parallel_loop3A_2059 : i32 to index
          %parallel_loop3A_2253 = arith.constant 288 : index
          %parallel_loop3A_2254 = tpu.vector_load %arg13[%parallel_loop3A_2251, %parallel_loop3A_2252, %parallel_loop3A_2253] {strides = array<i32>} : memref<2x64x512xf32, #tpu.memory_space<vmem>>, vector<16xf32>,
          tpu.vector_store %arg13[%parallel_loop3A_2251, %parallel_loop3A_2252, %parallel_loop3A_2253], %parallel_loop3A_2249 {strides = array<i32>} : memref<2x64x512xf32, #tpu.memory_space<vmem>>, vector<16xf32>,
          %parallel_loop3A_2255 = arith.constant 304 : i32
          %parallel_loop3A_2256 = vector.broadcast %parallel_loop3A_2255 : i32 to vector<16xi32>
          %parallel_loop3A_2257 = arith.addi %parallel_loop3A_2064, %parallel_loop3A_2256 : vector<16xi32>
          %parallel_loop3A_2258 = arith.addi %parallel_loop3A_2257, %iota3A : vector<16xi32>
          %parallel_loop3A_2259 = tpu.vector_load_idx %arg14[%parallel_loop3A_2258] : memref<17408xf32, #tpu.memory_space<vmem>>[vector<16xi32>], vector<16xf32>,
          %parallel_loop3A_2260 = arith.constant 1 : i32
          %parallel_loop3A_2261 = arith.index_cast %parallel_loop3A_2260 : i32 to index
          %parallel_loop3A_2262 = arith.index_cast %parallel_loop3A_2059 : i32 to index
          %parallel_loop3A_2263 = arith.constant 304 : index
          %parallel_loop3A_2264 = tpu.vector_load %arg13[%parallel_loop3A_2261, %parallel_loop3A_2262, %parallel_loop3A_2263] {strides = array<i32>} : memref<2x64x512xf32, #tpu.memory_space<vmem>>, vector<16xf32>,
          tpu.vector_store %arg13[%parallel_loop3A_2261, %parallel_loop3A_2262, %parallel_loop3A_2263], %parallel_loop3A_2259 {strides = array<i32>} : memref<2x64x512xf32, #tpu.memory_space<vmem>>, vector<16xf32>,
          %parallel_loop3A_2265 = arith.constant 320 : i32
          %parallel_loop3A_2266 = vector.broadcast %parallel_loop3A_2265 : i32 to vector<16xi32>
          %parallel_loop3A_2267 = arith.addi %parallel_loop3A_2064, %parallel_loop3A_2266 : vector<16xi32>
          %parallel_loop3A_2268 = arith.addi %parallel_loop3A_2267, %iota3A : vector<16xi32>
          %parallel_loop3A_2269 = tpu.vector_load_idx %arg14[%parallel_loop3A_2268] : memref<17408xf32, #tpu.memory_space<vmem>>[vector<16xi32>], vector<16xf32>,
          %parallel_loop3A_2270 = arith.constant 1 : i32
          %parallel_loop3A_2271 = arith.index_cast %parallel_loop3A_2270 : i32 to index
          %parallel_loop3A_2272 = arith.index_cast %parallel_loop3A_2059 : i32 to index
          %parallel_loop3A_2273 = arith.constant 320 : index
          %parallel_loop3A_2274 = tpu.vector_load %arg13[%parallel_loop3A_2271, %parallel_loop3A_2272, %parallel_loop3A_2273] {strides = array<i32>} : memref<2x64x512xf32, #tpu.memory_space<vmem>>, vector<16xf32>,
          tpu.vector_store %arg13[%parallel_loop3A_2271, %parallel_loop3A_2272, %parallel_loop3A_2273], %parallel_loop3A_2269 {strides = array<i32>} : memref<2x64x512xf32, #tpu.memory_space<vmem>>, vector<16xf32>,
          %parallel_loop3A_2275 = arith.constant 336 : i32
          %parallel_loop3A_2276 = vector.broadcast %parallel_loop3A_2275 : i32 to vector<16xi32>
          %parallel_loop3A_2277 = arith.addi %parallel_loop3A_2064, %parallel_loop3A_2276 : vector<16xi32>
          %parallel_loop3A_2278 = arith.addi %parallel_loop3A_2277, %iota3A : vector<16xi32>
          %parallel_loop3A_2279 = tpu.vector_load_idx %arg14[%parallel_loop3A_2278] : memref<17408xf32, #tpu.memory_space<vmem>>[vector<16xi32>], vector<16xf32>,
          %parallel_loop3A_2280 = arith.constant 1 : i32
          %parallel_loop3A_2281 = arith.index_cast %parallel_loop3A_2280 : i32 to index
          %parallel_loop3A_2282 = arith.index_cast %parallel_loop3A_2059 : i32 to index
          %parallel_loop3A_2283 = arith.constant 336 : index
          %parallel_loop3A_2284 = tpu.vector_load %arg13[%parallel_loop3A_2281, %parallel_loop3A_2282, %parallel_loop3A_2283] {strides = array<i32>} : memref<2x64x512xf32, #tpu.memory_space<vmem>>, vector<16xf32>,
          tpu.vector_store %arg13[%parallel_loop3A_2281, %parallel_loop3A_2282, %parallel_loop3A_2283], %parallel_loop3A_2279 {strides = array<i32>} : memref<2x64x512xf32, #tpu.memory_space<vmem>>, vector<16xf32>,
          %parallel_loop3A_2285 = arith.constant 352 : i32
          %parallel_loop3A_2286 = vector.broadcast %parallel_loop3A_2285 : i32 to vector<16xi32>
          %parallel_loop3A_2287 = arith.addi %parallel_loop3A_2064, %parallel_loop3A_2286 : vector<16xi32>
          %parallel_loop3A_2288 = arith.addi %parallel_loop3A_2287, %iota3A : vector<16xi32>
          %parallel_loop3A_2289 = tpu.vector_load_idx %arg14[%parallel_loop3A_2288] : memref<17408xf32, #tpu.memory_space<vmem>>[vector<16xi32>], vector<16xf32>,
          %parallel_loop3A_2290 = arith.constant 1 : i32
          %parallel_loop3A_2291 = arith.index_cast %parallel_loop3A_2290 : i32 to index
          %parallel_loop3A_2292 = arith.index_cast %parallel_loop3A_2059 : i32 to index
          %parallel_loop3A_2293 = arith.constant 352 : index
          %parallel_loop3A_2294 = tpu.vector_load %arg13[%parallel_loop3A_2291, %parallel_loop3A_2292, %parallel_loop3A_2293] {strides = array<i32>} : memref<2x64x512xf32, #tpu.memory_space<vmem>>, vector<16xf32>,
          tpu.vector_store %arg13[%parallel_loop3A_2291, %parallel_loop3A_2292, %parallel_loop3A_2293], %parallel_loop3A_2289 {strides = array<i32>} : memref<2x64x512xf32, #tpu.memory_space<vmem>>, vector<16xf32>,
          %parallel_loop3A_2295 = arith.constant 368 : i32
          %parallel_loop3A_2296 = vector.broadcast %parallel_loop3A_2295 : i32 to vector<16xi32>
          %parallel_loop3A_2297 = arith.addi %parallel_loop3A_2064, %parallel_loop3A_2296 : vector<16xi32>
          %parallel_loop3A_2298 = arith.addi %parallel_loop3A_2297, %iota3A : vector<16xi32>
          %parallel_loop3A_2299 = tpu.vector_load_idx %arg14[%parallel_loop3A_2298] : memref<17408xf32, #tpu.memory_space<vmem>>[vector<16xi32>], vector<16xf32>,
          %parallel_loop3A_2300 = arith.constant 1 : i32
          %parallel_loop3A_2301 = arith.index_cast %parallel_loop3A_2300 : i32 to index
          %parallel_loop3A_2302 = arith.index_cast %parallel_loop3A_2059 : i32 to index
          %parallel_loop3A_2303 = arith.constant 368 : index
          %parallel_loop3A_2304 = tpu.vector_load %arg13[%parallel_loop3A_2301, %parallel_loop3A_2302, %parallel_loop3A_2303] {strides = array<i32>} : memref<2x64x512xf32, #tpu.memory_space<vmem>>, vector<16xf32>,
          tpu.vector_store %arg13[%parallel_loop3A_2301, %parallel_loop3A_2302, %parallel_loop3A_2303], %parallel_loop3A_2299 {strides = array<i32>} : memref<2x64x512xf32, #tpu.memory_space<vmem>>, vector<16xf32>,
          %parallel_loop3A_2305 = arith.constant 384 : i32
          %parallel_loop3A_2306 = vector.broadcast %parallel_loop3A_2305 : i32 to vector<16xi32>
          %parallel_loop3A_2307 = arith.addi %parallel_loop3A_2064, %parallel_loop3A_2306 : vector<16xi32>
          %parallel_loop3A_2308 = arith.addi %parallel_loop3A_2307, %iota3A : vector<16xi32>
          %parallel_loop3A_2309 = tpu.vector_load_idx %arg14[%parallel_loop3A_2308] : memref<17408xf32, #tpu.memory_space<vmem>>[vector<16xi32>], vector<16xf32>,
          %parallel_loop3A_2310 = arith.constant 1 : i32
          %parallel_loop3A_2311 = arith.index_cast %parallel_loop3A_2310 : i32 to index
          %parallel_loop3A_2312 = arith.index_cast %parallel_loop3A_2059 : i32 to index
          %parallel_loop3A_2313 = arith.constant 384 : index
          %parallel_loop3A_2314 = tpu.vector_load %arg13[%parallel_loop3A_2311, %parallel_loop3A_2312, %parallel_loop3A_2313] {strides = array<i32>} : memref<2x64x512xf32, #tpu.memory_space<vmem>>, vector<16xf32>,
          tpu.vector_store %arg13[%parallel_loop3A_2311, %parallel_loop3A_2312, %parallel_loop3A_2313], %parallel_loop3A_2309 {strides = array<i32>} : memref<2x64x512xf32, #tpu.memory_space<vmem>>, vector<16xf32>,
          %parallel_loop3A_2315 = arith.constant 400 : i32
          %parallel_loop3A_2316 = vector.broadcast %parallel_loop3A_2315 : i32 to vector<16xi32>
          %parallel_loop3A_2317 = arith.addi %parallel_loop3A_2064, %parallel_loop3A_2316 : vector<16xi32>
          %parallel_loop3A_2318 = arith.addi %parallel_loop3A_2317, %iota3A : vector<16xi32>
          %parallel_loop3A_2319 = tpu.vector_load_idx %arg14[%parallel_loop3A_2318] : memref<17408xf32, #tpu.memory_space<vmem>>[vector<16xi32>], vector<16xf32>,
          %parallel_loop3A_2320 = arith.constant 1 : i32
          %parallel_loop3A_2321 = arith.index_cast %parallel_loop3A_2320 : i32 to index
          %parallel_loop3A_2322 = arith.index_cast %parallel_loop3A_2059 : i32 to index
          %parallel_loop3A_2323 = arith.constant 400 : index
          %parallel_loop3A_2324 = tpu.vector_load %arg13[%parallel_loop3A_2321, %parallel_loop3A_2322, %parallel_loop3A_2323] {strides = array<i32>} : memref<2x64x512xf32, #tpu.memory_space<vmem>>, vector<16xf32>,
          tpu.vector_store %arg13[%parallel_loop3A_2321, %parallel_loop3A_2322, %parallel_loop3A_2323], %parallel_loop3A_2319 {strides = array<i32>} : memref<2x64x512xf32, #tpu.memory_space<vmem>>, vector<16xf32>,
          %parallel_loop3A_2325 = arith.constant 416 : i32
          %parallel_loop3A_2326 = vector.broadcast %parallel_loop3A_2325 : i32 to vector<16xi32>
          %parallel_loop3A_2327 = arith.addi %parallel_loop3A_2064, %parallel_loop3A_2326 : vector<16xi32>
          %parallel_loop3A_2328 = arith.addi %parallel_loop3A_2327, %iota3A : vector<16xi32>
          %parallel_loop3A_2329 = tpu.vector_load_idx %arg14[%parallel_loop3A_2328] : memref<17408xf32, #tpu.memory_space<vmem>>[vector<16xi32>], vector<16xf32>,
          %parallel_loop3A_2330 = arith.constant 1 : i32
          %parallel_loop3A_2331 = arith.index_cast %parallel_loop3A_2330 : i32 to index
          %parallel_loop3A_2332 = arith.index_cast %parallel_loop3A_2059 : i32 to index
          %parallel_loop3A_2333 = arith.constant 416 : index
          %parallel_loop3A_2334 = tpu.vector_load %arg13[%parallel_loop3A_2331, %parallel_loop3A_2332, %parallel_loop3A_2333] {strides = array<i32>} : memref<2x64x512xf32, #tpu.memory_space<vmem>>, vector<16xf32>,
          tpu.vector_store %arg13[%parallel_loop3A_2331, %parallel_loop3A_2332, %parallel_loop3A_2333], %parallel_loop3A_2329 {strides = array<i32>} : memref<2x64x512xf32, #tpu.memory_space<vmem>>, vector<16xf32>,
          %parallel_loop3A_2335 = arith.constant 432 : i32
          %parallel_loop3A_2336 = vector.broadcast %parallel_loop3A_2335 : i32 to vector<16xi32>
          %parallel_loop3A_2337 = arith.addi %parallel_loop3A_2064, %parallel_loop3A_2336 : vector<16xi32>
          %parallel_loop3A_2338 = arith.addi %parallel_loop3A_2337, %iota3A : vector<16xi32>
          %parallel_loop3A_2339 = tpu.vector_load_idx %arg14[%parallel_loop3A_2338] : memref<17408xf32, #tpu.memory_space<vmem>>[vector<16xi32>], vector<16xf32>,
          %parallel_loop3A_2340 = arith.constant 1 : i32
          %parallel_loop3A_2341 = arith.index_cast %parallel_loop3A_2340 : i32 to index
          %parallel_loop3A_2342 = arith.index_cast %parallel_loop3A_2059 : i32 to index
          %parallel_loop3A_2343 = arith.constant 432 : index
          %parallel_loop3A_2344 = tpu.vector_load %arg13[%parallel_loop3A_2341, %parallel_loop3A_2342, %parallel_loop3A_2343] {strides = array<i32>} : memref<2x64x512xf32, #tpu.memory_space<vmem>>, vector<16xf32>,
          tpu.vector_store %arg13[%parallel_loop3A_2341, %parallel_loop3A_2342, %parallel_loop3A_2343], %parallel_loop3A_2339 {strides = array<i32>} : memref<2x64x512xf32, #tpu.memory_space<vmem>>, vector<16xf32>,
          %parallel_loop3A_2345 = arith.constant 448 : i32
          %parallel_loop3A_2346 = vector.broadcast %parallel_loop3A_2345 : i32 to vector<16xi32>
          %parallel_loop3A_2347 = arith.addi %parallel_loop3A_2064, %parallel_loop3A_2346 : vector<16xi32>
          %parallel_loop3A_2348 = arith.addi %parallel_loop3A_2347, %iota3A : vector<16xi32>
          %parallel_loop3A_2349 = tpu.vector_load_idx %arg14[%parallel_loop3A_2348] : memref<17408xf32, #tpu.memory_space<vmem>>[vector<16xi32>], vector<16xf32>,
          %parallel_loop3A_2350 = arith.constant 1 : i32
          %parallel_loop3A_2351 = arith.index_cast %parallel_loop3A_2350 : i32 to index
          %parallel_loop3A_2352 = arith.index_cast %parallel_loop3A_2059 : i32 to index
          %parallel_loop3A_2353 = arith.constant 448 : index
          %parallel_loop3A_2354 = tpu.vector_load %arg13[%parallel_loop3A_2351, %parallel_loop3A_2352, %parallel_loop3A_2353] {strides = array<i32>} : memref<2x64x512xf32, #tpu.memory_space<vmem>>, vector<16xf32>,
          tpu.vector_store %arg13[%parallel_loop3A_2351, %parallel_loop3A_2352, %parallel_loop3A_2353], %parallel_loop3A_2349 {strides = array<i32>} : memref<2x64x512xf32, #tpu.memory_space<vmem>>, vector<16xf32>,
          %parallel_loop3A_2355 = arith.constant 464 : i32
          %parallel_loop3A_2356 = vector.broadcast %parallel_loop3A_2355 : i32 to vector<16xi32>
          %parallel_loop3A_2357 = arith.addi %parallel_loop3A_2064, %parallel_loop3A_2356 : vector<16xi32>
          %parallel_loop3A_2358 = arith.addi %parallel_loop3A_2357, %iota3A : vector<16xi32>
          %parallel_loop3A_2359 = tpu.vector_load_idx %arg14[%parallel_loop3A_2358] : memref<17408xf32, #tpu.memory_space<vmem>>[vector<16xi32>], vector<16xf32>,
          %parallel_loop3A_2360 = arith.constant 1 : i32
          %parallel_loop3A_2361 = arith.index_cast %parallel_loop3A_2360 : i32 to index
          %parallel_loop3A_2362 = arith.index_cast %parallel_loop3A_2059 : i32 to index
          %parallel_loop3A_2363 = arith.constant 464 : index
          %parallel_loop3A_2364 = tpu.vector_load %arg13[%parallel_loop3A_2361, %parallel_loop3A_2362, %parallel_loop3A_2363] {strides = array<i32>} : memref<2x64x512xf32, #tpu.memory_space<vmem>>, vector<16xf32>,
          tpu.vector_store %arg13[%parallel_loop3A_2361, %parallel_loop3A_2362, %parallel_loop3A_2363], %parallel_loop3A_2359 {strides = array<i32>} : memref<2x64x512xf32, #tpu.memory_space<vmem>>, vector<16xf32>,
          %parallel_loop3A_2365 = arith.constant 480 : i32
          %parallel_loop3A_2366 = vector.broadcast %parallel_loop3A_2365 : i32 to vector<16xi32>
          %parallel_loop3A_2367 = arith.addi %parallel_loop3A_2064, %parallel_loop3A_2366 : vector<16xi32>
          %parallel_loop3A_2368 = arith.addi %parallel_loop3A_2367, %iota3A : vector<16xi32>
          %parallel_loop3A_2369 = tpu.vector_load_idx %arg14[%parallel_loop3A_2368] : memref<17408xf32, #tpu.memory_space<vmem>>[vector<16xi32>], vector<16xf32>,
          %parallel_loop3A_2370 = arith.constant 1 : i32
          %parallel_loop3A_2371 = arith.index_cast %parallel_loop3A_2370 : i32 to index
          %parallel_loop3A_2372 = arith.index_cast %parallel_loop3A_2059 : i32 to index
          %parallel_loop3A_2373 = arith.constant 480 : index
          %parallel_loop3A_2374 = tpu.vector_load %arg13[%parallel_loop3A_2371, %parallel_loop3A_2372, %parallel_loop3A_2373] {strides = array<i32>} : memref<2x64x512xf32, #tpu.memory_space<vmem>>, vector<16xf32>,
          tpu.vector_store %arg13[%parallel_loop3A_2371, %parallel_loop3A_2372, %parallel_loop3A_2373], %parallel_loop3A_2369 {strides = array<i32>} : memref<2x64x512xf32, #tpu.memory_space<vmem>>, vector<16xf32>,
          %parallel_loop3A_2375 = arith.constant 496 : i32
          %parallel_loop3A_2376 = vector.broadcast %parallel_loop3A_2375 : i32 to vector<16xi32>
          %parallel_loop3A_2377 = arith.addi %parallel_loop3A_2064, %parallel_loop3A_2376 : vector<16xi32>
          %parallel_loop3A_2378 = arith.addi %parallel_loop3A_2377, %iota3A : vector<16xi32>
          %parallel_loop3A_2379 = tpu.vector_load_idx %arg14[%parallel_loop3A_2378] : memref<17408xf32, #tpu.memory_space<vmem>>[vector<16xi32>], vector<16xf32>,
          %parallel_loop3A_2380 = arith.constant 1 : i32
          %parallel_loop3A_2381 = arith.index_cast %parallel_loop3A_2380 : i32 to index
          %parallel_loop3A_2382 = arith.index_cast %parallel_loop3A_2059 : i32 to index
          %parallel_loop3A_2383 = arith.constant 496 : index
          %parallel_loop3A_2384 = tpu.vector_load %arg13[%parallel_loop3A_2381, %parallel_loop3A_2382, %parallel_loop3A_2383] {strides = array<i32>} : memref<2x64x512xf32, #tpu.memory_space<vmem>>, vector<16xf32>,
          tpu.vector_store %arg13[%parallel_loop3A_2381, %parallel_loop3A_2382, %parallel_loop3A_2383], %parallel_loop3A_2379 {strides = array<i32>} : memref<2x64x512xf32, #tpu.memory_space<vmem>>, vector<16xf32>,
        } {sc.loop_unroll_factor = 2 : i64, sc.parallel_access}
        %dma_start3A = arith.constant 1 : i32
        %dma_start3A_2047 = arith.constant 0 : i32
        %dma_start3A_2048 = arith.constant 0 : i32
        %dma_start3A_2049 = tpu.memref_slice %arg13[%dma_start3A, %dma_start3A_2047, %dma_start3A_2048] : memref<2x64x512xf32, #tpu.memory_space<vmem>> -> memref<1x64x512xf32, #tpu.memory_space<vmem>>
        %dma_start3A_2050 = tpu.memref_squeeze %dma_start3A_2049 : memref<1x64x512xf32, #tpu.memory_space<vmem>> -> memref<64x512xf32, #tpu.memory_space<vmem>>
        %dma_start3A_2051 = arith.constant 0 : i32
        %dma_start3A_2052 = tpu.memref_slice %arg5[%add3A_2027, %dma_start3A_2051] : memref<32768x512xf32, #tpu.memory_space<hbm>> -> memref<64x512xf32, #tpu.memory_space<hbm>>
        %dma_start3A_2053 = arith.constant 0 : i32
        %dma_start3A_2054 = tpu.memref_slice %arg5[%add3A_2027, %dma_start3A_2053] : memref<32768x512xf32, #tpu.memory_space<hbm>> -> memref<64x512xf32, #tpu.memory_space<hbm>>
        %dma_start3A_2055 = arith.constant 0 : i32
        %dma_start3A_2056 = arith.constant 0 : i32
        %dma_start3A_2057 = tpu.memref_slice %arg13[%dma_start3A, %dma_start3A_2055, %dma_start3A_2056] : memref<2x64x512xf32, #tpu.memory_space<vmem>> -> memref<1x64x512xf32, #tpu.memory_space<vmem>>
        %dma_start3A_2058 = tpu.memref_squeeze %dma_start3A_2057 : memref<1x64x512xf32, #tpu.memory_space<vmem>> -> memref<64x512xf32, #tpu.memory_space<vmem>>
        tpu.enqueue_dma source(%dma_start3A_2058 : memref<64x512xf32, #tpu.memory_space<vmem>>) target(%dma_start3A_2054 : memref<64x512xf32, #tpu.memory_space<hbm>>) target_semaphore(%arg18 : memref<!tpu.dma_semaphore, #tpu.memory_space<semaphore_mem>>)
      } else {
      }
      %not3A_2039 = arith.constant true
      %not3A_2040 = arith.xori %lt3A_2035, %not3A_2039 : i1
      %convert_element_type3A_2041 = arith.extui %not3A_2040 : i1 to i32
      %cond3A_2042 = arith.constant 0 : i32
      %cond3A_2043 = arith.cmpi ne, %convert_element_type3A_2041, %cond3A_2042 : i32
      scf.if %cond3A_2043 {
        %dma_start3A = arith.constant 0 : i32
        %dma_start3A_2044 = tpu.memref_slice %arg5[%add3A_2027, %dma_start3A] : memref<32768x512xf32, #tpu.memory_space<hbm>> -> memref<64x512xf32, #tpu.memory_space<hbm>>
        %dma_start3A_2045 = arith.constant 0 : i32
        %dma_start3A_2046 = tpu.memref_slice %arg5[%add3A_2027, %dma_start3A_2045] : memref<32768x512xf32, #tpu.memory_space<hbm>> -> memref<64x512xf32, #tpu.memory_space<hbm>>
        tpu.enqueue_dma source(%arg15 : memref<64x512xf32, #tpu.memory_space<vmem>>) target(%dma_start3A_2046 : memref<64x512xf32, #tpu.memory_space<hbm>>) target_semaphore(%arg18 : memref<!tpu.dma_semaphore, #tpu.memory_space<semaphore_mem>>)
      } else {
      }
    }
    %scan3A_1967 = arith.constant 8 : i32
    %add3A_1968 = arith.constant 896 : i32
    %add3A_1969 = arith.addi %add3A, %add3A_1968 : i32
    %dma_wait3A = arith.constant 0 : i32
    %dma_wait3A_1970 = arith.constant 0 : i32
    %dma_wait3A_1971 = arith.constant 0 : i32
    %dma_wait3A_1972 = tpu.memref_slice %arg13[%dma_wait3A, %dma_wait3A_1970, %dma_wait3A_1971] : memref<2x64x512xf32, #tpu.memory_space<vmem>> -> memref<1x64x512xf32, #tpu.memory_space<vmem>>
    %dma_wait3A_1973 = tpu.memref_squeeze %dma_wait3A_1972 : memref<1x64x512xf32, #tpu.memory_space<vmem>> -> memref<64x512xf32, #tpu.memory_space<vmem>>
    %dma_wait3A_1974 = arith.constant 0 : i32
    %dma_wait3A_1975 = tpu.memref_slice %arg5[%add3A_1969, %dma_wait3A_1974] : memref<32768x512xf32, #tpu.memory_space<hbm>> -> memref<64x512xf32, #tpu.memory_space<hbm>>
    %dma_wait3A_1976 = arith.constant 0 : i32
    %dma_wait3A_1977 = tpu.memref_slice %arg5[%add3A_1969, %dma_wait3A_1976] : memref<32768x512xf32, #tpu.memory_space<hbm>> -> memref<64x512xf32, #tpu.memory_space<hbm>>
    %dma_wait3A_1978 = arith.constant 0 : i32
    %dma_wait3A_1979 = arith.constant 0 : i32
    %dma_wait3A_1980 = tpu.memref_slice %arg13[%dma_wait3A, %dma_wait3A_1978, %dma_wait3A_1979] : memref<2x64x512xf32, #tpu.memory_space<vmem>> -> memref<1x64x512xf32, #tpu.memory_space<vmem>>
    %dma_wait3A_1981 = tpu.memref_squeeze %dma_wait3A_1980 : memref<1x64x512xf32, #tpu.memory_space<vmem>> -> memref<64x512xf32, #tpu.memory_space<vmem>>
    tpu.wait_dma2 semaphore(%arg17 : memref<!tpu.dma_semaphore, #tpu.memory_space<semaphore_mem>>) src(%dma_wait3A_1981 : memref<64x512xf32, #tpu.memory_space<vmem>>) dst(%dma_wait3A_1977 : memref<64x512xf32, #tpu.memory_space<hbm>>)
    %add3A_1982 = arith.constant 960 : i32
    %add3A_1983 = arith.addi %add3A, %add3A_1982 : i32
    %dma_wait3A_1984 = arith.constant 1 : i32
    %dma_wait3A_1985 = arith.constant 0 : i32
    %dma_wait3A_1986 = arith.constant 0 : i32
    %dma_wait3A_1987 = tpu.memref_slice %arg13[%dma_wait3A_1984, %dma_wait3A_1985, %dma_wait3A_1986] : memref<2x64x512xf32, #tpu.memory_space<vmem>> -> memref<1x64x512xf32, #tpu.memory_space<vmem>>
    %dma_wait3A_1988 = tpu.memref_squeeze %dma_wait3A_1987 : memref<1x64x512xf32, #tpu.memory_space<vmem>> -> memref<64x512xf32, #tpu.memory_space<vmem>>
    %dma_wait3A_1989 = arith.constant 0 : i32
    %dma_wait3A_1990 = tpu.memref_slice %arg5[%add3A_1983, %dma_wait3A_1989] : memref<32768x512xf32, #tpu.memory_space<hbm>> -> memref<64x512xf32, #tpu.memory_space<hbm>>
    %dma_wait3A_1991 = arith.constant 0 : i32
    %dma_wait3A_1992 = tpu.memref_slice %arg5[%add3A_1983, %dma_wait3A_1991] : memref<32768x512xf32, #tpu.memory_space<hbm>> -> memref<64x512xf32, #tpu.memory_space<hbm>>
    %dma_wait3A_1993 = arith.constant 0 : i32
    %dma_wait3A_1994 = arith.constant 0 : i32
    %dma_wait3A_1995 = tpu.memref_slice %arg13[%dma_wait3A_1984, %dma_wait3A_1993, %dma_wait3A_1994] : memref<2x64x512xf32, #tpu.memory_space<vmem>> -> memref<1x64x512xf32, #tpu.memory_space<vmem>>
    %dma_wait3A_1996 = tpu.memref_squeeze %dma_wait3A_1995 : memref<1x64x512xf32, #tpu.memory_space<vmem>> -> memref<64x512xf32, #tpu.memory_space<vmem>>
    tpu.wait_dma2 semaphore(%arg18 : memref<!tpu.dma_semaphore, #tpu.memory_space<semaphore_mem>>) src(%dma_wait3A_1996 : memref<64x512xf32, #tpu.memory_space<vmem>>) dst(%dma_wait3A_1992 : memref<64x512xf32, #tpu.memory_space<hbm>>)
    return
  }
}

</mosaic_0001>

<sc_bundles>
// kernel: _run.3.cloned.1.call-start
scs
__scs_entry_jumppad:
0x0: {  	(pc) =	sbr.rel $0x88, $3  }
0x1: {  	(tag) =	ssettag $0x0;
	lr =	simm.s32 $0x1  }
0x2: {  	[smem:$0x3F9E] =	sst lr;
	_ =	strace $0xD0000000  }
0x3: {  	_ = 	snop  }
0x4: {  	_ = 	snop  }
0x5: {  	_ = 	snop  }
0x6: {  	_ = 	snop  }
0x7: {  	_ = 	snop  }
__scs_overlays_trampoline_lowered:
0x8: {  	[smem:$0x3FAD] =	sst s0  }
0x9: {  	[smem:$0x3FAE] =	sst s1  }
0xa: {  	[smem:$0x3FAF] =	sst s2  }
0xb: {  	[smem:$0x3FB0] =	sst s3  }
0xc: {  	[smem:$0x3FB1] =	sst s4  }
0xd: {  	[smem:$0x3FB2] =	sst s5  }
0xe: {  	[smem:$0x3FB3] =	sst s6  }
0xf: {  	[smem:$0x3FB4] =	sst s7  }
0x10: {  	[smem:$0x3FB5] =	sst s8  }
0x11: {  	[smem:$0x3FB6] =	sst s9;
	s0 =	simm.s32 @!p0 $0x0  }
0x12: {  	s1 =	sld [smem:$0x3F9C];
	s0 =	simm.s32 @p0 $0x1  }
0x13: {  	[smem:$0x3FB7] =	sst s0;
	s0 =	simm.s32 @!p1 $0x0  }
0x14: {  	s2 =	sld [smem:$0x3F9B];
	s0 =	simm.s32 @p1 $0x1  }
0x15: {  	[smem:$0x3FB8] =	sst s0;
	s0 =	simm.s32 @!p2 $0x0  }
0x16: {  	s3 =	sld [smem:$0x3FDB];
	s0 =	simm.s32 @p2 $0x1  }
0x17: {  	s4 =	simm.s32 $0x1BF5;
	[smem:$0x3FBA] =	sst s0  }
0x18: {  	s0 =	sld [smem:$0x3F9D];
	_ =	swait.ge [sflag:s4], $0x0  }
0x19: {  	s7 =	sld [smem:$0x3F9E]  }
0x1a: {  	s8 =	sadd.s32 $0xFFFFE003, lr  }
0x1b: {  	s9 =	sadd.s32 $0xFFFFFEF7, lr;
	s5 =	simm.s32 $0xFFFFFFFF;
	p2 =	slt.u32 s8, $0xFFFFF086  }
0x1c: {  	p1 =	slt.u32 s9, $0xF7A;
	s5 =	simm.s32 @!p2 $0x0  }
0x1d: {  	s5 =	simm.s32 @p1 $0x1;
	p0 =	seq.s32 s7, s2  }
0x1e: {  	s7 =	smul.u32 @!p0 $0xF7A, s2;
	p2 =	seq.s32 @!p0 s5, $0x0  }
0x1f: {  	s9 =	smul.u32 $0xF7A, s1;
	s8 =	simm.s32 @!p0 $0x1BF5;
	p2 =	por !p2, p0  }
0x20: {  	[sflag:s8] =	ssyncset.s32 @!p0 $0xFFFFF086;
	s6 =	sadd.s32 @!p0 s3, s7;
	s7 =	simm.s32 @!p0 $0x108  }
0x21: {  	s3 =	sadd.s32 s3, s9;
	s6 =	sadd.s32 @!p0 $0x88, s6;
	s7 =	simm.s32 @p2 $0x1082  }
0x22: {  	[simem:s7], [sflag:s8] =	dma.local @!p0 [hbm:s6], $0xF7A  }
0x23: {  	s9 =	sor.u32 $0xD0000000, s2;
	s6 =	simm.s32 $0x108;
	_ =	swait.ge @!p0 [sflag:s8], $0x0  }
0x24: {  	s3 =	sadd.s32 $0x88, s3;
	s6 =	simm.s32 @!p1 $0x1082;
	[sflag:s4] =	ssyncset.s32 $0xFFFFF086  }
0x25: {  	[simem:s6], [sflag:s4] =	dma.local [hbm:s3], $0xF7A  }
0x26: {  	[smem:$0x3F9E] =	sst s1;
	(tag) =	ssettag s2;
	_ =	strace s9  }
0x27: {  	s1 =	sld [smem:$0x3FAE]  }
0x28: {  	s2 =	sld [smem:$0x3FAF]  }
0x29: {  	s4 =	sld [smem:$0x3FB1]  }
0x2a: {  	p0 =	seq.s32 s5, $0x0;
	s5 =	sld [smem:$0x3FB2]  }
0x2b: {  	s6 =	sld [smem:$0x3FB3]  }
0x2c: {  	s7 =	sld [smem:$0x3FB4]  }
0x2d: {  	s3 =	simm.s32 $0x108;
	s8 =	sld [smem:$0x3FB5]  }
0x2e: {  	s3 =	simm.s32 @!p0 $0x1082;
	s9 =	sld [smem:$0x3FB6]  }
0x2f: {  	lr =	sadd.s32 s0, s3;
	s0 =	sld [smem:$0x3FAD]  }
0x30: {  	s3 =	sld [smem:$0x3FB0]  }
0x31: {  	[smem:$0x3FB9] =	sst s10  }
0x32: {  	s10 =	sld [smem:$0x3FB7];
	_ =	sdelay $0x3  }
0x33: {  	p0 =	seq.s32 s10, $0x1;
	s10 =	sld [smem:$0x3FB9];
	_ =	sdelay $0x3  }
0x34: {  	[smem:$0x3FB9] =	sst s10  }
0x35: {  	s10 =	sld [smem:$0x3FB8];
	_ =	sdelay $0x3  }
0x36: {  	p1 =	seq.s32 s10, $0x1;
	s10 =	sld [smem:$0x3FB9];
	_ =	sdelay $0x3  }
0x37: {  	[smem:$0x3FB9] =	sst s10  }
0x38: {  	s10 =	sld [smem:$0x3FBA]  }
0x39: {  	_ = 	snop;
	(pc) =	sbr.ind lr, $3  }
0x3a: {  	_ = 	snop  }
0x3b: {  	_ = 	snop  }
0x3c: {  	p2 =	seq.s32 s10, $0x1;
	s10 =	sld [smem:$0x3FB9]  }
0x3d: {  	_ =	shalt  }
0x3e: {  	_ =	shalt  }
0x3f: {  	_ =	shalt  }
0x40: {  	_ =	shalt  }
0x41: {  	_ =	shalt  }
0x42: {  	_ =	shalt  }
0x43: {  	_ =	shalt  }
0x44: {  	_ =	shalt  }
0x45: {  	_ =	shalt  }
0x46: {  	_ =	shalt  }
0x47: {  	_ =	shalt  }
0x48: {  	_ =	shalt  }
0x49: {  	_ =	shalt  }
0x4a: {  	_ =	shalt  }
0x4b: {  	_ =	shalt  }
0x4c: {  	_ =	shalt  }
0x4d: {  	_ =	shalt  }
0x4e: {  	_ =	shalt  }
0x4f: {  	_ =	shalt  }
0x50: {  	_ =	shalt  }
0x51: {  	_ =	shalt  }
0x52: {  	_ =	shalt  }
0x53: {  	_ =	shalt  }
0x54: {  	_ =	shalt  }
0x55: {  	_ =	shalt  }
0x56: {  	_ =	shalt  }
0x57: {  	_ =	shalt  }
0x58: {  	_ =	shalt  }
0x59: {  	_ =	shalt  }
0x5a: {  	_ =	shalt  }
0x5b: {  	_ =	shalt  }
0x5c: {  	_ =	shalt  }
0x5d: {  	_ =	shalt  }
0x5e: {  	_ =	shalt  }
0x5f: {  	_ =	shalt  }
0x60: {  	_ =	shalt  }
0x61: {  	_ =	shalt  }
0x62: {  	_ =	shalt  }
0x63: {  	_ =	shalt  }
0x64: {  	_ =	shalt  }
0x65: {  	_ =	shalt  }
0x66: {  	_ =	shalt  }
0x67: {  	_ =	shalt  }
0x68: {  	_ =	shalt  }
0x69: {  	_ =	shalt  }
0x6a: {  	_ =	shalt  }
0x6b: {  	_ =	shalt  }
0x6c: {  	_ =	shalt  }
0x6d: {  	_ =	shalt  }
0x6e: {  	_ =	shalt  }
0x6f: {  	_ =	shalt  }
0x70: {  	_ =	shalt  }
0x71: {  	_ =	shalt  }
0x72: {  	_ =	shalt  }
0x73: {  	_ =	shalt  }
0x74: {  	_ =	shalt  }
0x75: {  	_ =	shalt  }
0x76: {  	_ =	shalt  }
0x77: {  	_ =	shalt  }
0x78: {  	_ =	shalt  }
0x79: {  	_ =	shalt  }
0x7a: {  	_ =	shalt  }
0x7b: {  	_ =	shalt  }
0x7c: {  	_ =	shalt  }
0x7d: {  	_ =	shalt  }
0x7e: {  	_ =	shalt  }
0x7f: {  	_ =	shalt  }
0x80: {  	_ =	shalt  }
0x81: {  	_ =	shalt  }
0x82: {  	_ =	shalt  }
0x83: {  	_ =	shalt  }
0x84: {  	_ =	shalt  }
0x85: {  	_ =	shalt  }
0x86: {  	_ =	shalt  }
0x87: {  	_ =	shalt  }
.Lfunc_end0:
.L_simem_size_0:
called_computation_lowered:
.L_overlay_start_0:
0x88: {  	s2 =	sld [smem:$0x3FD9]  }
0x89: {  	s3 =	sld [smem:$0x3FFE];
	_ =	sdelay $0x1  }
0x8a: {  	s1 =	srdreg.scid  }
0x8b: {  	s0 =	sand.u32 $0x1, s1  }
0x8c: {  	s15 =	sshll.u32 s0, $0xA;
	s2 =	sadd.s32 s3, s2  }
0x8d: {  	s2 =	sadd.s32 s2, s15  }
0x8e: {  	[smem:$0x3FC5] =	sst s2  }
0x8f: {  	_ = 	snop  }
0x90: {  	s2 =	sld [smem:$0x3FD0]  }
0x91: {  	s16 =	sld [smem:$0x3FC9]  }
0x92: {  	s4 =	sld [smem:$0x3FC8]  }
0x93: {  	s6 =	simm.s32 $0xA;
	s7 =	simm.s32 $0x10;
	s5 =	sld [smem:$0x3FC7]  }
0x94: {  	[smem:s7], [sflag:s6] =	dma.local [hbm:s2], $0x1  }
0x95: {  	_ =	swait.eq [sflag:s6], $0x1  }
0x96: {  	s17 =	sld [smem:$0x10];
	[sflag:s6] =	ssyncset.done $0x0  }
0x97: {  	s18 =	sld [smem:$0x11];
	[sflag:s6] =	ssyncadd.s32 $0xFFFFFFFF  }
0x98: {  	s19 =	sld [smem:$0x12];
	(tm) =	ssettm $0x1  }
0x99: {  	s8 =	sld [smem:$0x3FFB];
	_ =	sdelay $0x3  }
0x9a: {  	_ =	strace s8  }
0x9b: {  	s8 =	sld [smem:$0x3FFC];
	_ =	sdelay $0x3  }
0x9c: {  	_ =	strace s8  }
0x9d: {  	s8 =	sld [smem:$0x3FFD];
	_ =	sdelay $0x3  }
0x9e: {  	_ =	strace s8  }
0x9f: {  	_ =	strace $0x8FFFFFFF  }
0xa0: {  	s20 =	sld [smem:$0x3FDB];
	_ =	sdelay $0x1  }
0xa1: {  	s9 =	simm.s32 $_scs_section_size  }
0xa2: {  	s10 =	simm.s32 $_size__tile_overlayer_lowered;
	s11 =	simm.s32 $_tile_overlayer_lowered  }
0xa3: {  	s23 =	simm.s32 $0x1BFF;
	s22 =	sshll.u32 s11, $0x1;
	s8 =	sadd.s32 s9, s20  }
0xa4: {  	s12 =	simm.s32 $0x0;
	s21 =	sshll.u32 s10, $0x1;
	s10 =	sadd.s32 s22, s8  }
0xa5: {  	[timem:s12], [sflag:s23] =	dma.local [hbm:s10], s21  }
0xa6: {  	_ =	swait.ge [sflag:s23], s21  }
0xa7: {  	s9 =	ssub.s32 $0x0, s21;
	[sflag:s23] =	ssyncset.done $0x0  }
0xa8: {  	[sflag:s23] =	ssyncadd.s32 s9;
	_ =	sdelay $0x1  }
0xa9: {  	s24 =	simm.s32 $0x1B8B  }
0xaa: {  	_ =	swait.ge [sflag:s24], $0x1  }
0xab: {  	[sflag:s24] =	ssyncset.done $0x0  }
0xac: {  	s25 =	simm.s32 $0x1B8E;
	[sflag:s24] =	ssyncadd.s32 $0xFFFFFFFF  }
0xad: {  	s26 =	simm.s32 $execute0_lowered;
	[smem:$0x3FD2] =	sst s25  }
0xae: {  	s9 =	sshll.u32 s26, $0x1;
	_ =	strace $0x80000046;
	[dreg:$0x1] =	wrdreg $0xFFFFFFFF  }
0xaf: {  	s28 =	simm.s32 $_size_execute0_lowered;
	s8 =	sadd.s32 s8, s9;
	[dreg:$0x0] =	wrdreg $0x0  }
0xb0: {  	s9 =	sshll.u32 s28, $0x1;
	[dreg:$0x2] =	wrdreg s8  }
0xb1: {  	[dreg:$0x3] =	wrdreg s9  }
0xb2: {  	[dreg:$0x4] =	wrdreg $0xC0  }
0xb3: {  	_ =	task [dreg:s12], $0x5FFFF  }
0xb4: {  	[dreg:$0x1] =	wrdreg $0xFFFFFFFF  }
0xb5: {  	[dreg:$0x0] =	wrdreg $0x60  }
0xb6: {  	[dreg:$0x2] =	wrdreg s16  }
0xb7: {  	[dreg:$0x3] =	wrdreg s4  }
0xb8: {  	[dreg:$0x4] =	wrdreg s5  }
0xb9: {  	[dreg:$0x5] =	wrdreg s17  }
0xba: {  	[dreg:$0x6] =	wrdreg s18  }
0xbb: {  	[dreg:$0x7] =	wrdreg s19  }
0xbc: {  	[dreg:$0x8] =	wrdreg $0x9  }
0xbd: {  	_ =	task.clear_ibuf [dreg:s12], $0x9FFFF;
	_ =	strace $0x90000046  }
0xbe: {  	s29 =	simm.s32 $0x9;
	_ =	strace $0x80000048  }
0xbf: {  	_ =	swait.ge [sflag:s29], $0x1  }
0xc0: {  	[sflag:s29] =	ssyncadd.s32 $0xFFFFFFFF  }
0xc1: {  	_ =	strace $0x90000048  }
0xc2: {  	_ =	sfence  }
0xc3: {  	s30 =	sld [smem:$0x0];
	_ =	sdelay $0x2  }
0xc4: {  	s31 =	sshll.u32 s1, $0xD;
	s1 =	sshrl.u32 s1, $0x2  }
0xc5: {  	s3 =	sand.u32 $0x4000, s31;
	s1 =	sadd.s32 s1, s30  }
0xc6: {  	s0 =	sor.u32 s3, s0;
	s1 =	sshll.u32 s1, $0x11  }
0xc7: {  	s0 =	sor.u32 s1, s0  }
0xc8: {  	s0 =	sadd.s32 $0x8F2B, s0  }
0xc9: {  	[sflag:s0] =	ssyncadd.remote.s32 $0x1  }
0xca: {  	_ =	sfence.sel $0xFFFF  }
0xcb: {  	[dreg:$0x0] =	wrdreg $0xFFFFFFFF;
	(pc) =	sbr.abs _section_cstart, $3  }
0xcc: {  	[dreg:$0x1] =	wrdreg $0xFFFFFFFF  }
0xcd: {  	_ =	task.clear_ibuf [dreg:s12], $0x2FFFF;
	_ =	strace $0x9FFFFFFF  }
0xce: {  	(tm) =	ssettm $0x7FFFFFFF  }
0xcf: {  	_ =	shalt  }
tec
execute0_lowered:
.L_overlay_start_1:
0x0: {  	(tag) =	ssettag $0x1  }
0x1: {  	s1 =	srdreg.scid  }
0x2: {  	s2 =	sand.u32 $0x1, s1  }
0x3: {  	s20 =	sshll.u32 s2, $0xA  }
0x4: {  	s4 =	rddreg [dreg:$0x3];
	s6 =	simm.s32 $0x0;
	v0 =	vlaneseq.u32;
	s19 =	sor.u32 $0x10, s20  }
0x5: {  	[smem:$0x7FF] =	sst s6;
	s5 =	sor.u32 $0x20, s20;
	v1 =	vor.u32 s19, v0  }
0x6: {  	s0 =	rddreg [dreg:$0x4];
	_ =	strace $0x80000047;
	s7 =	sor.u32 $0x30, s20;
	[tilespmem:$0x1FC00] =	vst v1;
	v1 =	vor.u32 s5, v0  }
0x7: {  	s8 =	sor.u32 $0x40, s20;
	[tilespmem:$0x1FC10] =	vst v1;
	v1 =	vor.u32 s7, v0  }
0x8: {  	s10 =	sor.u32 $0x50, s20;
	[tilespmem:$0x1FC20] =	vst v1;
	v1 =	vor.u32 s8, v0  }
0x9: {  	s11 =	sor.u32 $0x60, s20;
	[tilespmem:$0x1FC30] =	vst v1;
	v1 =	vor.u32 s10, v0  }
0xa: {  	s12 =	sor.u32 $0x70, s20;
	[tilespmem:$0x1FC40] =	vst v1;
	v1 =	vor.u32 s11, v0  }
0xb: {  	s21 =	sor.u32 $0x80, s20;
	[tilespmem:$0x1FC50] =	vst v1;
	v1 =	vor.u32 s12, v0  }
0xc: {  	s13 =	sor.u32 $0x90, s20;
	[tilespmem:$0x1FC60] =	vst v1;
	v1 =	vor.u32 s21, v0  }
0xd: {  	s14 =	sor.u32 $0xA0, s20;
	[tilespmem:$0x1FC70] =	vst v1;
	v1 =	vor.u32 s13, v0  }
0xe: {  	s22 =	sor.u32 $0xB0, s20;
	[tilespmem:$0x1FC80] =	vst v1;
	v1 =	vor.u32 s14, v0  }
0xf: {  	s23 =	sor.u32 $0xC0, s20;
	[tilespmem:$0x1FC90] =	vst v1;
	v1 =	vor.u32 s22, v0  }
0x10: {  	s24 =	sor.u32 $0xD0, s20;
	[tilespmem:$0x1FCA0] =	vst v1;
	v1 =	vor.u32 s23, v0  }
0x11: {  	s25 =	sor.u32 $0xE0, s20;
	[tilespmem:$0x1FCB0] =	vst v1;
	v1 =	vor.u32 s24, v0  }
0x12: {  	s26 =	sor.u32 $0xF0, s20;
	[tilespmem:$0x1FCC0] =	vst v1;
	v1 =	vor.u32 s25, v0  }
0x13: {  	s28 =	sor.u32 $0x100, s20;
	[tilespmem:$0x1FCD0] =	vst v1;
	v1 =	vor.u32 s26, v0  }
0x14: {  	s29 =	sor.u32 $0x110, s20;
	[tilespmem:$0x1FCE0] =	vst v1;
	v1 =	vor.u32 s28, v0  }
0x15: {  	s30 =	sor.u32 $0x120, s20;
	[tilespmem:$0x1FCF0] =	vst v1;
	v1 =	vor.u32 s29, v0  }
0x16: {  	s31 =	sor.u32 $0x130, s20;
	[tilespmem:$0x1FD00] =	vst v1;
	v1 =	vor.u32 s30, v0  }
0x17: {  	s8 =	sor.u32 $0x140, s20;
	[tilespmem:$0x1FD10] =	vst v1;
	v1 =	vor.u32 s31, v0  }
0x18: {  	s17 =	stileid.u32;
	s15 =	sor.u32 $0x150, s20;
	[tilespmem:$0x1FD20] =	vst v1;
	v1 =	vor.u32 s8, v0  }
0x19: {  	s18 =	sshll.u32 s17, $0xB;
	s16 =	sor.u32 $0x160, s20;
	[tilespmem:$0x1FD30] =	vst v1;
	v1 =	vor.u32 s15, v0  }
0x1a: {  	s9 =	sor.u32 s20, s18;
	s18 =	sor.u32 $0x170, s20;
	[tilespmem:$0x1FD40] =	vst v1;
	v1 =	vor.u32 s16, v0  }
0x1b: {  	s19 =	sor.u32 $0x180, s20;
	[tilespmem:$0x1FD50] =	vst v1;
	v1 =	vor.u32 s18, v0  }
0x1c: {  	s21 =	sor.u32 $0x190, s20;
	[tilespmem:$0x1FD60] =	vst v1;
	v1 =	vor.u32 s19, v0  }
0x1d: {  	s22 =	sor.u32 $0x1A0, s20;
	[tilespmem:$0x1FD70] =	vst v1;
	v1 =	vor.u32 s21, v0  }
0x1e: {  	s23 =	sor.u32 $0x1B0, s20;
	[tilespmem:$0x1FD80] =	vst v1;
	v1 =	vor.u32 s22, v0  }
0x1f: {  	s24 =	sor.u32 $0x1C0, s20;
	[tilespmem:$0x1FD90] =	vst v1;
	v1 =	vor.u32 s23, v0  }
0x20: {  	s25 =	sor.u32 $0x1D0, s20;
	[tilespmem:$0x1FDA0] =	vst v1;
	v1 =	vor.u32 s24, v0  }
0x21: {  	s26 =	sor.u32 $0x1E0, s20;
	[tilespmem:$0x1FDB0] =	vst v1;
	v1 =	vor.u32 s25, v0  }
0x22: {  	s28 =	sor.u32 $0x1F0, s20;
	[tilespmem:$0x1FDC0] =	vst v1;
	v1 =	vor.u32 s26, v0  }
0x23: {  	s29 =	sor.u32 $0x200, s20;
	[tilespmem:$0x1FDD0] =	vst v1;
	v1 =	vor.u32 s28, v0  }
0x24: {  	s30 =	sor.u32 $0x210, s20;
	[tilespmem:$0x1FDE0] =	vst v1;
	v1 =	vor.u32 s29, v0  }
0x25: {  	s31 =	sor.u32 $0x220, s20;
	[tilespmem:$0x1FDF0] =	vst v1;
	v1 =	vor.u32 s30, v0  }
0x26: {  	s14 =	sor.u32 $0x230, s20;
	[tilespmem:$0x1FE00] =	vst v1;
	v1 =	vor.u32 s31, v0  }
0x27: {  	s15 =	sor.u32 $0x240, s20;
	[tilespmem:$0x1FE10] =	vst v1;
	v1 =	vor.u32 s14, v0  }
0x28: {  	s16 =	sor.u32 $0x250, s20;
	[tilespmem:$0x1FE20] =	vst v1;
	v1 =	vor.u32 s15, v0  }
0x29: {  	s18 =	sor.u32 $0x260, s20;
	[tilespmem:$0x1FE30] =	vst v1;
	v1 =	vor.u32 s16, v0  }
0x2a: {  	s19 =	sor.u32 $0x270, s20;
	[tilespmem:$0x1FE40] =	vst v1;
	v1 =	vor.u32 s18, v0  }
0x2b: {  	s21 =	sor.u32 $0x280, s20;
	[tilespmem:$0x1FE50] =	vst v1;
	v1 =	vor.u32 s19, v0  }
0x2c: {  	s22 =	sor.u32 $0x290, s20;
	[tilespmem:$0x1FE60] =	vst v1;
	v1 =	vor.u32 s21, v0  }
0x2d: {  	s23 =	sor.u32 $0x2A0, s20;
	[tilespmem:$0x1FE70] =	vst v1;
	v1 =	vor.u32 s22, v0  }
0x2e: {  	s24 =	sor.u32 $0x2B0, s20;
	[tilespmem:$0x1FE80] =	vst v1;
	v1 =	vor.u32 s23, v0  }
0x2f: {  	s25 =	sor.u32 $0x2C0, s20;
	[tilespmem:$0x1FE90] =	vst v1;
	v1 =	vor.u32 s24, v0  }
0x30: {  	s24 =	sor.u32 $0x390, s20;
	[tilespmem:$0x1FEA0] =	vst v1;
	v1 =	vor.u32 s25, v0  }
0x31: {  	s26 =	sor.u32 $0x2D0, s20;
	v2 =	vor.u32 s24, v0;
	[tilespmem:$0x1FEB0] =	vst v1  }
0x32: {  	s25 =	sor.u32 $0x3A0, s20;
	v1 =	vor.u32 s26, v0;
	[tilespmem:$0x1FF80] =	vst v2  }
0x33: {  	s28 =	sor.u32 $0x2E0, s20;
	v2 =	vor.u32 s25, v0;
	[tilespmem:$0x1FEC0] =	vst v1  }
0x34: {  	s26 =	sor.u32 $0x3B0, s20;
	v1 =	vor.u32 s28, v0;
	[tilespmem:$0x1FF90] =	vst v2  }
0x35: {  	s29 =	sor.u32 $0x2F0, s20;
	v2 =	vor.u32 s26, v0;
	[tilespmem:$0x1FED0] =	vst v1  }
0x36: {  	s28 =	sor.u32 $0x3C0, s20;
	v1 =	vor.u32 s29, v0;
	[tilespmem:$0x1FFA0] =	vst v2  }
0x37: {  	s30 =	sor.u32 $0x300, s20;
	v2 =	vor.u32 s28, v0;
	[tilespmem:$0x1FEE0] =	vst v1  }
0x38: {  	s31 =	sor.u32 $0x310, s20;
	v1 =	vor.u32 s30, v0;
	[tilespmem:$0x1FFB0] =	vst v2  }
0x39: {  	s15 =	sor.u32 $0x320, s20;
	[tilespmem:$0x1FEF0] =	vst v1;
	v1 =	vor.u32 s31, v0  }
0x3a: {  	s16 =	sor.u32 $0x330, s20;
	[tilespmem:$0x1FF00] =	vst v1;
	v1 =	vor.u32 s15, v0  }
0x3b: {  	s15 =	sor.u32 $0x3D0, s20;
	[tilespmem:$0x1FF10] =	vst v1;
	v1 =	vor.u32 s16, v0  }
0x3c: {  	s18 =	sor.u32 $0x340, s20;
	v2 =	vor.u32 s15, v0;
	[tilespmem:$0x1FF20] =	vst v1  }
0x3d: {  	s29 =	sor.u32 $0x3E0, s20;
	v1 =	vor.u32 s18, v0;
	[tilespmem:$0x1FFC0] =	vst v2  }
0x3e: {  	s19 =	sor.u32 $0x350, s20;
	v2 =	vor.u32 s29, v0;
	[tilespmem:$0x1FF30] =	vst v1  }
0x3f: {  	s1 =	ssub.s32 $0x2, s2;
	s21 =	sor.u32 $0x360, s20;
	v1 =	vor.u32 s19, v0;
	[tilespmem:$0x1FFD0] =	vst v2  }
0x40: {  	s2 =	sor.u32 s17, s2;
	s3 =	sshrl.u32 s1, $0x1;
	s22 =	sor.u32 $0x370, s20;
	[tilespmem:$0x1FF40] =	vst v1;
	v1 =	vor.u32 s21, v0  }
.Ltmp0:
0x41: {  	p0 =	sne.s32 s2, $0x0;
	s23 =	sor.u32 $0x380, s20;
	[tilespmem:$0x1FF50] =	vst v1;
	v1 =	vor.u32 s22, v0;
	(pc) =	sbr.rel .LBB2_1-.Ltmp0, $4  }
0x42: {  	s2 =	simm.s32 $0x0;
	[dreg:$0x7] =	wrdreg s20;
	s30 =	sshrl.u32 s9, $0x3;
	[tilespmem:$0x1FF60] =	vst v1;
	v1 =	vor.u32 s23, v0  }
0x43: {  	s1 =	ssub.s32 s1, s3;
	s12 =	simm.s32 $0x10D80;
	s0 =	sadd.s32 s0, s30;
	[tilespmem:$0x1FF70] =	vst v1;
	v1 =	vmov s17  }
0x44: {  	s31 =	smax.u32 s1, $0x1;
	[dreg:$0x8] =	wrdreg s0;
	s16 =	sor.u32 $0x3F0, s20;
	[tilespmem:$0x1FFE0] =	vst v1;
	v1 =	vadd.s32 $0x1, v1  }
0x45: {  	s14 =	simm.s32 $0x80;
	[dreg:$0x9] =	wrdreg s31;
	v57 =	vor.u32 s16, v0;
	v2 =	vimm.f32 $0.0e+00;
	s17 =	simm.s32 $0x500;
	[tilespmem:$0x1FFF0] =	vst v1;
	v1 =	vor.u32 s20, v0  }
.LBB2_13:
0x46: {  	s0 =	simm.s32 $0x2  }
0x47: {  	_ =	swait.ge [sflag:s0], $0x8000  }
0x48: {  	[sflag:s0] =	ssyncset.done $0x0  }
0x49: {  	s1 =	simm.s32 $0x3;
	[sflag:s0] =	ssyncadd.s32 $0xFFFF8000  }
0x4a: {  	_ =	swait.ge [sflag:s1], $0x8000  }
0x4b: {  	s2 =	rddreg [dreg:$0xa]  }
0x4c: {  	s31 =	rddreg [dreg:$0x9];
	s2 =	sadd.s32 $0x1, s2  }
0x4d: {  	p1 =	sne.s32 s2, s31  }
.Ltmp1:
0x4e: {  	_ = 	snop;
	(pc) =	sbr.rel @!p1 .LBB2_14-.Ltmp1, $3  }
0x4f: {  	_ =	sdelay $0x1  }
0x50: {  	[sflag:s1] =	ssyncset.done $0x0  }
0x51: {  	s20 =	rddreg [dreg:$0x7];
	[sflag:s1] =	ssyncadd.s32 $0xFFFF8000  }
.LBB2_1:
0x52: {  	[dreg:$0xa] =	wrdreg s2  }
0x53: {  	s0 =	rddreg [dreg:$0x2]  }
0x54: {  	[tilespmem:s12], [sflag:$0x1] =	stream.linear.gather [hbm4b:s0+s6], $0x4400, $0x38;
	[tilespmem:$0x1D180] =	vst v63  }
0x55: {  	v3 =	vadd.s32 $0x1, v0;
	s1 =	rddreg [dreg:$0x1];
	s3 =	simm.s32 $0x4  }
0x56: {  	[tilespmem:s6], [sflag:$0x4] =	stream.linear.gather [hbm4b:s1+s6], $0x80, $0x38;
	[tilespmem:$0x1D180] =	vst v63  }
0x57: {  	_ =	swait.ge [sflag:s3], $0x80  }
0x58: {  	[sflag:s3] =	ssyncset.done $0x0  }
0x59: {  	[sflag:s3] =	ssyncadd.s32 $0xFFFFFF80  }
0x5a: {  	v3 =	vld.idx.msk [tilespmem:v3+s6+$0x0], $0xffff  }
0x5b: {  	v4 =	vld @!p0 [tilespmem:$0x0];
	_ =	sdelay $0x4  }
0x5c: {  	v3 =	vsub.s32 @!p0 v3, v4  }
0x5d: {  	vm0 =	vlt.s32 @!p0 v3, $0x800  }
0x5e: {  	v3 =	vnsel @!p0 vm0, $0x800, v3  }
0x5f: {  	v3 =	vxor.u32 @!p0 $0x80000000, v3  }
0x60: {  	(xrf0) =	vmax.scan.msk.u32 @!p0 $0xffff, v3;
	_ =	sdelay $0x5  }
0x61: {  	v3, _, _ =	vpop @!p0 (xrf0)  }
0x62: {  	(v2sf) =	vpush @!p0 v3, $0xF;
	_ =	sdelay $0xe  }
0x63: {  	s0 =	spop @!p0 (v2sf)  }
0x64: {  	s0 =	sxor.u32 @!p0 $0x80000000, s0  }
0x65: {  	v3 =	vmov @!p0 s0  }
0x66: {  	s1 =	simm.s32 @!p0 $0xD00;
	s2 =	rddreg [dreg:$0x5];
	s0 =	simm.s32 @!p0 $0x0;
	[tilespmem:$0xD00] =	vst @!p0 v3  }
0x67: {  	[hbm4b:s2+s0] =	stream.linear.scatter @!p0 [tilespmem:s1], [sflag:$0x4], $0x80, $0x38;
	[tilespmem:$0x1D180] =	vst v63  }
0x68: {  	s0 =	simm.s32 @!p0 $0x4  }
0x69: {  	_ =	swait.ge @!p0 [sflag:s0], $0x80  }
0x6a: {  	v3 =	vld [tilespmem:$0x1FFE0];
	_ =	sdelay $0x5  }
0x6b: {  	[sflag:s0] =	ssyncset.done @!p0 $0x0  }
0x6c: {  	[sflag:s0] =	ssyncadd.s32 @!p0 $0xFFFFFF80  }
0x6d: {  	v4 =	vld.idx.msk [tilespmem:v3+s6+$0x0], $0xffff;
	_ =	sdelay $0x4  }
0x6e: {  	v3 =	vxor.u32 $0x80000000, v4  }
0x6f: {  	(xrf0) =	vmax.scan.msk.u32 $0xffff, v3;
	_ =	sdelay $0x5  }
0x70: {  	v3, _, _ =	vpop (xrf0)  }
0x71: {  	(v2sf) =	vpush v3, $0xF;
	_ =	sdelay $0xe  }
0x72: {  	s2 =	spop (v2sf)  }
0x73: {  	s0 =	sadd.s32 s2, s20  }
0x74: {  	s0 =	sadd.s32 $0x80000000, s0  }
0x75: {  	v6 =	vld [tilespmem:$0x1FFF0];
	p1 =	slt.s32 s0, $0x3BF8  }
0x76: {  	s0 =	simm.s32 @!p1 $0x3BF8  }
0x77: {  	s5 =	sand.u32 $0xFFFFFFF8, s0  }
0x78: {  	v3 =	vmov s5  }
0x79: {  	v3 =	vsub.s32 $0x0, v3  }
0x7a: {  	v5 =	vbroadcast v3, $0x0  }
0x7b: {  	s7 =	rddreg [dreg:$0x0];
	s0 =	sshrl.u32 s0, $0x3;
	v3 =	vadd.s32 v1, v4  }
0x7c: {  	s0 =	sadd.s32 s7, s0;
	v3 =	vadd.s32 v5, v3  }
0x7d: {  	v6 =	vld.idx.msk [tilespmem:v6+s6+$0x0], $0xffff;
	[tilespmem:s14], [sflag:$0x4] =	stream.linear.gather [hbm4b:s0+s6], $0x408, $0x38;
	vm8 =	vgt.s32 v3, $0x0  }
0x7e: {  	_ =	swait.ge [sflag:s3], $0x408;
	v3 =	vnsel vm8, $0x0, v3  }
0x7f: {  	v9 =	vld [tilespmem:$0x1FC00];
	v3 =	vmin.u32 v3, $0x407;
	_ =	sdelay $0x2  }
0x80: {  	[sflag:s3] =	ssyncset.done $0x0  }
0x81: {  	[sflag:s3] =	ssyncadd.s32 $0xFFFFFBF8  }
0x82: {  	v7 =	vld.idx.msk [tilespmem:v3+s14+$0x0], $0xffff;
	v3 =	vadd.s32 v9, v4  }
0x83: {  	v3 =	vadd.s32 v5, v3  }
0x84: {  	v6 =	vsub.s32 v6, v4;
	vm9 =	vgt.s32 v3, $0x0  }
0x85: {  	vm10 =	vlt.s32 v6, $0x800;
	v35 =	vld [tilespmem:$0x1FC10];
	v8 =	vnsel vm9, $0x0, v3  }
0x86: {  	v3 =	vnsel vm10, $0x800, v6;
	v33 =	vmin.u32 v8, $0x407  }
0x87: {  	vm0 =	vlt.s32 v1, v3  }
0x88: {  	v7 =	vshll.u32 v7, $0x9;
	v34 =	vsel vm0, $0x3F800000, v2  }
0x89: {  	v7 =	vnsel vm0, $0x4200, v7;
	[tilespmem:$0x900] =	vst v34  }
0x8a: {  	v36 =	vadd.s32 v35, v4;
	[tilespmem:$0x500] =	vst v7  }
0x8b: {  	v7 =	vadd.s32 v5, v36;
	v6 =	vld.idx.msk [tilespmem:v33+s14+$0x0], $0xffff  }
0x8c: {  	vm11 =	vgt.s32 v7, $0x0  }
0x8d: {  	v38 =	vld [tilespmem:$0x1FC20];
	v7 =	vnsel vm11, $0x0, v7  }
0x8e: {  	v7 =	vmin.u32 v7, $0x407  }
0x8f: {  	vm12 =	vlt.s32 v9, v3  }
0x90: {  	v37 =	vsel vm12, $0x3F800000, v2;
	v6 =	vshll.u32 v6, $0x9  }
0x91: {  	[tilespmem:$0x910] =	vst v37;
	v6 =	vnsel vm12, $0x4200, v6  }
0x92: {  	v39 =	vadd.s32 v38, v4;
	[tilespmem:$0x510] =	vst v6  }
0x93: {  	v6 =	vld.idx.msk [tilespmem:v7+s14+$0x0], $0xffff;
	v7 =	vadd.s32 v5, v39  }
0x94: {  	vm13 =	vgt.s32 v7, $0x0  }
0x95: {  	v41 =	vld [tilespmem:$0x1FC30];
	v7 =	vnsel vm13, $0x0, v7  }
0x96: {  	v7 =	vmin.u32 v7, $0x407  }
0x97: {  	vm14 =	vlt.s32 v35, v3  }
0x98: {  	v40 =	vsel vm14, $0x3F800000, v2;
	v6 =	vshll.u32 v6, $0x9  }
0x99: {  	[tilespmem:$0x920] =	vst v40;
	v6 =	vnsel vm14, $0x4200, v6  }
0x9a: {  	v42 =	vadd.s32 v41, v4;
	[tilespmem:$0x520] =	vst v6  }
0x9b: {  	v6 =	vld.idx.msk [tilespmem:v7+s14+$0x0], $0xffff;
	v7 =	vadd.s32 v5, v42  }
0x9c: {  	vm15 =	vgt.s32 v7, $0x0  }
0x9d: {  	v44 =	vld [tilespmem:$0x1FC40];
	v7 =	vnsel vm15, $0x0, v7  }
0x9e: {  	v7 =	vmin.u32 v7, $0x407  }
0x9f: {  	vm4 =	vlt.s32 v38, v3  }
0xa0: {  	v43 =	vsel vm4, $0x3F800000, v2;
	v6 =	vshll.u32 v6, $0x9  }
0xa1: {  	[tilespmem:$0x930] =	vst v43;
	v6 =	vnsel vm4, $0x4200, v6  }
0xa2: {  	v45 =	vadd.s32 v44, v4;
	[tilespmem:$0x530] =	vst v6  }
0xa3: {  	v6 =	vld.idx.msk [tilespmem:v7+s14+$0x0], $0xffff;
	v7 =	vadd.s32 v5, v45  }
0xa4: {  	vm5 =	vgt.s32 v7, $0x0  }
0xa5: {  	v47 =	vld [tilespmem:$0x1FC50];
	v7 =	vnsel vm5, $0x0, v7  }
0xa6: {  	v7 =	vmin.u32 v7, $0x407  }
0xa7: {  	vm6 =	vlt.s32 v41, v3  }
0xa8: {  	v46 =	vsel vm6, $0x3F800000, v2;
	v6 =	vshll.u32 v6, $0x9  }
0xa9: {  	[tilespmem:$0x940] =	vst v46;
	v6 =	vnsel vm6, $0x4200, v6  }
0xaa: {  	v48 =	vadd.s32 v47, v4;
	[tilespmem:$0x540] =	vst v6  }
0xab: {  	v6 =	vld.idx.msk [tilespmem:v7+s14+$0x0], $0xffff;
	v7 =	vadd.s32 v5, v48  }
0xac: {  	vm7 =	vgt.s32 v7, $0x0  }
0xad: {  	v50 =	vld [tilespmem:$0x1FC60];
	v7 =	vnsel vm7, $0x0, v7  }
0xae: {  	v7 =	vmin.u32 v7, $0x407  }
0xaf: {  	vm8 =	vlt.s32 v44, v3  }
0xb0: {  	v49 =	vsel vm8, $0x3F800000, v2;
	v6 =	vshll.u32 v6, $0x9  }
0xb1: {  	[tilespmem:$0x950] =	vst v49;
	v6 =	vnsel vm8, $0x4200, v6  }
0xb2: {  	v51 =	vadd.s32 v50, v4;
	[tilespmem:$0x550] =	vst v6  }
0xb3: {  	v6 =	vld.idx.msk [tilespmem:v7+s14+$0x0], $0xffff;
	v7 =	vadd.s32 v5, v51  }
0xb4: {  	vm9 =	vgt.s32 v7, $0x0  }
0xb5: {  	v53 =	vld [tilespmem:$0x1FC70];
	v7 =	vnsel vm9, $0x0, v7  }
0xb6: {  	v7 =	vmin.u32 v7, $0x407  }
0xb7: {  	vm10 =	vlt.s32 v47, v3  }
0xb8: {  	v52 =	vsel vm10, $0x3F800000, v2;
	v6 =	vshll.u32 v6, $0x9  }
0xb9: {  	[tilespmem:$0x960] =	vst v52;
	v6 =	vnsel vm10, $0x4200, v6  }
0xba: {  	v54 =	vadd.s32 v53, v4;
	[tilespmem:$0x560] =	vst v6  }
0xbb: {  	v6 =	vld.idx.msk [tilespmem:v7+s14+$0x0], $0xffff;
	v7 =	vadd.s32 v5, v54  }
0xbc: {  	vm11 =	vgt.s32 v7, $0x0  }
0xbd: {  	v56 =	vld [tilespmem:$0x1FC80];
	v7 =	vnsel vm11, $0x0, v7  }
0xbe: {  	v7 =	vmin.u32 v7, $0x407  }
0xbf: {  	vm12 =	vlt.s32 v50, v3  }
0xc0: {  	v55 =	vsel vm12, $0x3F800000, v2;
	v6 =	vshll.u32 v6, $0x9  }
0xc1: {  	[tilespmem:$0x970] =	vst v55;
	v6 =	vnsel vm12, $0x4200, v6  }
0xc2: {  	v58 =	vadd.s32 v56, v4;
	[tilespmem:$0x570] =	vst v6  }
0xc3: {  	v6 =	vld.idx.msk [tilespmem:v7+s14+$0x0], $0xffff;
	v7 =	vadd.s32 v5, v58  }
0xc4: {  	vm13 =	vgt.s32 v7, $0x0  }
0xc5: {  	v60 =	vld [tilespmem:$0x1FC90];
	v7 =	vnsel vm13, $0x0, v7  }
0xc6: {  	v7 =	vmin.u32 v7, $0x407  }
0xc7: {  	vm14 =	vlt.s32 v53, v3  }
0xc8: {  	v59 =	vsel vm14, $0x3F800000, v2;
	v6 =	vshll.u32 v6, $0x9  }
0xc9: {  	[tilespmem:$0x980] =	vst v59;
	v6 =	vnsel vm14, $0x4200, v6  }
0xca: {  	v61 =	vadd.s32 v60, v4;
	[tilespmem:$0x580] =	vst v6  }
0xcb: {  	v6 =	vld.idx.msk [tilespmem:v7+s14+$0x0], $0xffff;
	v7 =	vadd.s32 v5, v61  }
0xcc: {  	vm15 =	vgt.s32 v7, $0x0  }
0xcd: {  	v63 =	vld [tilespmem:$0x1FCA0];
	v7 =	vnsel vm15, $0x0, v7  }
0xce: {  	v7 =	vmin.u32 v7, $0x407  }
0xcf: {  	vm4 =	vlt.s32 v56, v3  }
0xd0: {  	v62 =	vsel vm4, $0x3F800000, v2;
	v6 =	vshll.u32 v6, $0x9  }
0xd1: {  	[tilespmem:$0x990] =	vst v62;
	v6 =	vnsel vm4, $0x4200, v6  }
0xd2: {  	v12 =	vadd.s32 v63, v4;
	[tilespmem:$0x590] =	vst v6  }
0xd3: {  	v6 =	vld.idx.msk [tilespmem:v7+s14+$0x0], $0xffff;
	v7 =	vadd.s32 v5, v12  }
0xd4: {  	vm5 =	vgt.s32 v7, $0x0  }
0xd5: {  	v14 =	vld [tilespmem:$0x1FCB0];
	v7 =	vnsel vm5, $0x0, v7  }
0xd6: {  	v7 =	vmin.u32 v7, $0x407  }
0xd7: {  	vm6 =	vlt.s32 v60, v3  }
0xd8: {  	v13 =	vsel vm6, $0x3F800000, v2;
	v6 =	vshll.u32 v6, $0x9  }
0xd9: {  	[tilespmem:$0x9A0] =	vst v13;
	v6 =	vnsel vm6, $0x4200, v6  }
0xda: {  	v15 =	vadd.s32 v14, v4;
	[tilespmem:$0x5A0] =	vst v6  }
0xdb: {  	v6 =	vld.idx.msk [tilespmem:v7+s14+$0x0], $0xffff;
	v7 =	vadd.s32 v5, v15  }
0xdc: {  	vm7 =	vgt.s32 v7, $0x0  }
0xdd: {  	v17 =	vld [tilespmem:$0x1FCC0];
	v7 =	vnsel vm7, $0x0, v7  }
0xde: {  	v7 =	vmin.u32 v7, $0x407  }
0xdf: {  	vm8 =	vlt.s32 v63, v3  }
0xe0: {  	v16 =	vsel vm8, $0x3F800000, v2;
	v6 =	vshll.u32 v6, $0x9  }
0xe1: {  	[tilespmem:$0x9B0] =	vst v16;
	v6 =	vnsel vm8, $0x4200, v6  }
0xe2: {  	v18 =	vadd.s32 v17, v4;
	[tilespmem:$0x5B0] =	vst v6  }
0xe3: {  	v6 =	vld.idx.msk [tilespmem:v7+s14+$0x0], $0xffff;
	v7 =	vadd.s32 v5, v18  }
0xe4: {  	vm9 =	vgt.s32 v7, $0x0  }
0xe5: {  	v20 =	vld [tilespmem:$0x1FCD0];
	v7 =	vnsel vm9, $0x0, v7  }
0xe6: {  	v7 =	vmin.u32 v7, $0x407  }
0xe7: {  	vm10 =	vlt.s32 v14, v3  }
0xe8: {  	v19 =	vsel vm10, $0x3F800000, v2;
	v6 =	vshll.u32 v6, $0x9  }
0xe9: {  	[tilespmem:$0x9C0] =	vst v19;
	v6 =	vnsel vm10, $0x4200, v6  }
0xea: {  	v21 =	vadd.s32 v20, v4;
	[tilespmem:$0x5C0] =	vst v6  }
0xeb: {  	v6 =	vld.idx.msk [tilespmem:v7+s14+$0x0], $0xffff;
	v7 =	vadd.s32 v5, v21  }
0xec: {  	vm11 =	vgt.s32 v7, $0x0  }
0xed: {  	v23 =	vld [tilespmem:$0x1FCE0];
	v7 =	vnsel vm11, $0x0, v7  }
0xee: {  	v7 =	vmin.u32 v7, $0x407  }
0xef: {  	vm12 =	vlt.s32 v17, v3  }
0xf0: {  	v22 =	vsel vm12, $0x3F800000, v2;
	v6 =	vshll.u32 v6, $0x9  }
0xf1: {  	[tilespmem:$0x9D0] =	vst v22;
	v6 =	vnsel vm12, $0x4200, v6  }
0xf2: {  	v24 =	vadd.s32 v23, v4;
	[tilespmem:$0x5D0] =	vst v6  }
0xf3: {  	v6 =	vld.idx.msk [tilespmem:v7+s14+$0x0], $0xffff;
	v7 =	vadd.s32 v5, v24  }
0xf4: {  	vm13 =	vgt.s32 v7, $0x0  }
0xf5: {  	v26 =	vld [tilespmem:$0x1FCF0];
	v7 =	vnsel vm13, $0x0, v7  }
0xf6: {  	v7 =	vmin.u32 v7, $0x407  }
0xf7: {  	vm14 =	vlt.s32 v20, v3  }
0xf8: {  	v25 =	vsel vm14, $0x3F800000, v2;
	v6 =	vshll.u32 v6, $0x9  }
0xf9: {  	[tilespmem:$0x9E0] =	vst v25;
	v6 =	vnsel vm14, $0x4200, v6  }
0xfa: {  	v27 =	vadd.s32 v26, v4;
	[tilespmem:$0x5E0] =	vst v6  }
0xfb: {  	v6 =	vld.idx.msk [tilespmem:v7+s14+$0x0], $0xffff;
	v7 =	vadd.s32 v5, v27  }
0xfc: {  	vm15 =	vgt.s32 v7, $0x0  }
0xfd: {  	v29 =	vld [tilespmem:$0x1FD00];
	v7 =	vnsel vm15, $0x0, v7  }
0xfe: {  	v7 =	vmin.u32 v7, $0x407  }
0xff: {  	vm4 =	vlt.s32 v23, v3  }
0x100: {  	v28 =	vsel vm4, $0x3F800000, v2;
	v6 =	vshll.u32 v6, $0x9  }
0x101: {  	[tilespmem:$0x9F0] =	vst v28;
	v6 =	vnsel vm4, $0x4200, v6  }
0x102: {  	v30 =	vadd.s32 v29, v4;
	[tilespmem:$0x5F0] =	vst v6  }
0x103: {  	v6 =	vld.idx.msk [tilespmem:v7+s14+$0x0], $0xffff;
	v7 =	vadd.s32 v5, v30  }
0x104: {  	vm5 =	vgt.s32 v7, $0x0  }
0x105: {  	v32 =	vld [tilespmem:$0x1FD10];
	v7 =	vnsel vm5, $0x0, v7  }
0x106: {  	v7 =	vmin.u32 v7, $0x407  }
0x107: {  	vm6 =	vlt.s32 v26, v3  }
0x108: {  	v31 =	vsel vm6, $0x3F800000, v2;
	v6 =	vshll.u32 v6, $0x9  }
0x109: {  	[tilespmem:$0xA00] =	vst v31;
	v6 =	vnsel vm6, $0x4200, v6  }
0x10a: {  	v33 =	vadd.s32 v32, v4;
	[tilespmem:$0x600] =	vst v6  }
0x10b: {  	v6 =	vld.idx.msk [tilespmem:v7+s14+$0x0], $0xffff;
	v7 =	vadd.s32 v5, v33  }
0x10c: {  	vm7 =	vgt.s32 v7, $0x0  }
0x10d: {  	v35 =	vld [tilespmem:$0x1FD20];
	v7 =	vnsel vm7, $0x0, v7  }
0x10e: {  	v7 =	vmin.u32 v7, $0x407  }
0x10f: {  	vm8 =	vlt.s32 v29, v3  }
0x110: {  	v34 =	vsel vm8, $0x3F800000, v2;
	v6 =	vshll.u32 v6, $0x9  }
0x111: {  	[tilespmem:$0xA10] =	vst v34;
	v6 =	vnsel vm8, $0x4200, v6  }
0x112: {  	v36 =	vadd.s32 v35, v4;
	[tilespmem:$0x610] =	vst v6  }
0x113: {  	v6 =	vld.idx.msk [tilespmem:v7+s14+$0x0], $0xffff;
	v7 =	vadd.s32 v5, v36  }
0x114: {  	vm9 =	vgt.s32 v7, $0x0  }
0x115: {  	v38 =	vld [tilespmem:$0x1FD30];
	v7 =	vnsel vm9, $0x0, v7  }
0x116: {  	v7 =	vmin.u32 v7, $0x407  }
0x117: {  	vm10 =	vlt.s32 v32, v3  }
0x118: {  	v37 =	vsel vm10, $0x3F800000, v2;
	v6 =	vshll.u32 v6, $0x9  }
0x119: {  	[tilespmem:$0xA20] =	vst v37;
	v6 =	vnsel vm10, $0x4200, v6  }
0x11a: {  	v39 =	vadd.s32 v38, v4;
	[tilespmem:$0x620] =	vst v6  }
0x11b: {  	v6 =	vld.idx.msk [tilespmem:v7+s14+$0x0], $0xffff;
	v7 =	vadd.s32 v5, v39  }
0x11c: {  	vm11 =	vgt.s32 v7, $0x0  }
0x11d: {  	v41 =	vld [tilespmem:$0x1FD40];
	v7 =	vnsel vm11, $0x0, v7  }
0x11e: {  	v7 =	vmin.u32 v7, $0x407  }
0x11f: {  	vm12 =	vlt.s32 v35, v3  }
0x120: {  	v40 =	vsel vm12, $0x3F800000, v2;
	v6 =	vshll.u32 v6, $0x9  }
0x121: {  	[tilespmem:$0xA30] =	vst v40;
	v6 =	vnsel vm12, $0x4200, v6  }
0x122: {  	v42 =	vadd.s32 v41, v4;
	[tilespmem:$0x630] =	vst v6  }
0x123: {  	v6 =	vld.idx.msk [tilespmem:v7+s14+$0x0], $0xffff;
	v7 =	vadd.s32 v5, v42  }
0x124: {  	vm13 =	vgt.s32 v7, $0x0  }
0x125: {  	v44 =	vld [tilespmem:$0x1FD50];
	v7 =	vnsel vm13, $0x0, v7  }
0x126: {  	v7 =	vmin.u32 v7, $0x407  }
0x127: {  	vm14 =	vlt.s32 v38, v3  }
0x128: {  	v43 =	vsel vm14, $0x3F800000, v2;
	v6 =	vshll.u32 v6, $0x9  }
0x129: {  	[tilespmem:$0xA40] =	vst v43;
	v6 =	vnsel vm14, $0x4200, v6  }
0x12a: {  	v45 =	vadd.s32 v44, v4;
	[tilespmem:$0x640] =	vst v6  }
0x12b: {  	v6 =	vld.idx.msk [tilespmem:v7+s14+$0x0], $0xffff;
	v7 =	vadd.s32 v5, v45  }
0x12c: {  	vm15 =	vgt.s32 v7, $0x0  }
0x12d: {  	v47 =	vld [tilespmem:$0x1FD60];
	v7 =	vnsel vm15, $0x0, v7  }
0x12e: {  	v7 =	vmin.u32 v7, $0x407  }
0x12f: {  	vm4 =	vlt.s32 v41, v3  }
0x130: {  	v46 =	vsel vm4, $0x3F800000, v2;
	v6 =	vshll.u32 v6, $0x9  }
0x131: {  	[tilespmem:$0xA50] =	vst v46;
	v6 =	vnsel vm4, $0x4200, v6  }
0x132: {  	v48 =	vadd.s32 v47, v4;
	[tilespmem:$0x650] =	vst v6  }
0x133: {  	v6 =	vld.idx.msk [tilespmem:v7+s14+$0x0], $0xffff;
	v7 =	vadd.s32 v5, v48  }
0x134: {  	vm5 =	vgt.s32 v7, $0x0  }
0x135: {  	v50 =	vld [tilespmem:$0x1FD70];
	v7 =	vnsel vm5, $0x0, v7  }
0x136: {  	v7 =	vmin.u32 v7, $0x407  }
0x137: {  	vm6 =	vlt.s32 v44, v3  }
0x138: {  	v49 =	vsel vm6, $0x3F800000, v2;
	v6 =	vshll.u32 v6, $0x9  }
0x139: {  	[tilespmem:$0xA60] =	vst v49;
	v6 =	vnsel vm6, $0x4200, v6  }
0x13a: {  	v51 =	vadd.s32 v50, v4;
	[tilespmem:$0x660] =	vst v6  }
0x13b: {  	v6 =	vld.idx.msk [tilespmem:v7+s14+$0x0], $0xffff;
	v7 =	vadd.s32 v5, v51  }
0x13c: {  	vm7 =	vgt.s32 v7, $0x0  }
0x13d: {  	v53 =	vld [tilespmem:$0x1FD80];
	v7 =	vnsel vm7, $0x0, v7  }
0x13e: {  	v7 =	vmin.u32 v7, $0x407  }
0x13f: {  	vm8 =	vlt.s32 v47, v3  }
0x140: {  	v52 =	vsel vm8, $0x3F800000, v2;
	v6 =	vshll.u32 v6, $0x9  }
0x141: {  	[tilespmem:$0xA70] =	vst v52;
	v6 =	vnsel vm8, $0x4200, v6  }
0x142: {  	v54 =	vadd.s32 v53, v4;
	[tilespmem:$0x670] =	vst v6  }
0x143: {  	v6 =	vld.idx.msk [tilespmem:v7+s14+$0x0], $0xffff;
	v7 =	vadd.s32 v5, v54  }
0x144: {  	vm9 =	vgt.s32 v7, $0x0  }
0x145: {  	v56 =	vld [tilespmem:$0x1FD90];
	v7 =	vnsel vm9, $0x0, v7  }
0x146: {  	v7 =	vmin.u32 v7, $0x407  }
0x147: {  	vm10 =	vlt.s32 v50, v3  }
0x148: {  	v55 =	vsel vm10, $0x3F800000, v2;
	v6 =	vshll.u32 v6, $0x9  }
0x149: {  	[tilespmem:$0xA80] =	vst v55;
	v6 =	vnsel vm10, $0x4200, v6  }
0x14a: {  	v58 =	vadd.s32 v56, v4;
	[tilespmem:$0x680] =	vst v6  }
0x14b: {  	v6 =	vld.idx.msk [tilespmem:v7+s14+$0x0], $0xffff;
	v7 =	vadd.s32 v5, v58  }
0x14c: {  	vm11 =	vgt.s32 v7, $0x0  }
0x14d: {  	v60 =	vld [tilespmem:$0x1FDA0];
	v7 =	vnsel vm11, $0x0, v7  }
0x14e: {  	v7 =	vmin.u32 v7, $0x407  }
0x14f: {  	vm12 =	vlt.s32 v53, v3  }
0x150: {  	v59 =	vsel vm12, $0x3F800000, v2;
	v6 =	vshll.u32 v6, $0x9  }
0x151: {  	[tilespmem:$0xA90] =	vst v59;
	v6 =	vnsel vm12, $0x4200, v6  }
0x152: {  	v61 =	vadd.s32 v60, v4;
	[tilespmem:$0x690] =	vst v6  }
0x153: {  	v6 =	vld.idx.msk [tilespmem:v7+s14+$0x0], $0xffff;
	v7 =	vadd.s32 v5, v61  }
0x154: {  	vm13 =	vgt.s32 v7, $0x0  }
0x155: {  	v63 =	vld [tilespmem:$0x1FDB0];
	v7 =	vnsel vm13, $0x0, v7  }
0x156: {  	v7 =	vmin.u32 v7, $0x407  }
0x157: {  	vm14 =	vlt.s32 v56, v3  }
0x158: {  	v62 =	vsel vm14, $0x3F800000, v2;
	v6 =	vshll.u32 v6, $0x9  }
0x159: {  	[tilespmem:$0xAA0] =	vst v62;
	v6 =	vnsel vm14, $0x4200, v6  }
0x15a: {  	v12 =	vadd.s32 v63, v4;
	[tilespmem:$0x6A0] =	vst v6  }
0x15b: {  	v6 =	vld.idx.msk [tilespmem:v7+s14+$0x0], $0xffff;
	v7 =	vadd.s32 v5, v12  }
0x15c: {  	vm15 =	vgt.s32 v7, $0x0  }
0x15d: {  	v14 =	vld [tilespmem:$0x1FDC0];
	v7 =	vnsel vm15, $0x0, v7  }
0x15e: {  	v7 =	vmin.u32 v7, $0x407  }
0x15f: {  	vm4 =	vlt.s32 v60, v3  }
0x160: {  	v13 =	vsel vm4, $0x3F800000, v2;
	v6 =	vshll.u32 v6, $0x9  }
0x161: {  	[tilespmem:$0xAB0] =	vst v13;
	v6 =	vnsel vm4, $0x4200, v6  }
0x162: {  	v15 =	vadd.s32 v14, v4;
	[tilespmem:$0x6B0] =	vst v6  }
0x163: {  	v6 =	vld.idx.msk [tilespmem:v7+s14+$0x0], $0xffff;
	v7 =	vadd.s32 v5, v15  }
0x164: {  	vm5 =	vgt.s32 v7, $0x0  }
0x165: {  	v17 =	vld [tilespmem:$0x1FDD0];
	v7 =	vnsel vm5, $0x0, v7  }
0x166: {  	v7 =	vmin.u32 v7, $0x407  }
0x167: {  	vm6 =	vlt.s32 v63, v3  }
0x168: {  	v16 =	vsel vm6, $0x3F800000, v2;
	v6 =	vshll.u32 v6, $0x9  }
0x169: {  	[tilespmem:$0xAC0] =	vst v16;
	v6 =	vnsel vm6, $0x4200, v6  }
0x16a: {  	v18 =	vadd.s32 v17, v4;
	[tilespmem:$0x6C0] =	vst v6  }
0x16b: {  	v6 =	vld.idx.msk [tilespmem:v7+s14+$0x0], $0xffff;
	v7 =	vadd.s32 v5, v18  }
0x16c: {  	vm7 =	vgt.s32 v7, $0x0  }
0x16d: {  	v20 =	vld [tilespmem:$0x1FDE0];
	v7 =	vnsel vm7, $0x0, v7  }
0x16e: {  	v7 =	vmin.u32 v7, $0x407  }
0x16f: {  	vm8 =	vlt.s32 v14, v3  }
0x170: {  	v19 =	vsel vm8, $0x3F800000, v2;
	v6 =	vshll.u32 v6, $0x9  }
0x171: {  	[tilespmem:$0xAD0] =	vst v19;
	v6 =	vnsel vm8, $0x4200, v6  }
0x172: {  	v21 =	vadd.s32 v20, v4;
	[tilespmem:$0x6D0] =	vst v6  }
0x173: {  	v6 =	vld.idx.msk [tilespmem:v7+s14+$0x0], $0xffff;
	v7 =	vadd.s32 v5, v21  }
0x174: {  	vm9 =	vgt.s32 v7, $0x0  }
0x175: {  	v23 =	vld [tilespmem:$0x1FDF0];
	v7 =	vnsel vm9, $0x0, v7  }
0x176: {  	v7 =	vmin.u32 v7, $0x407  }
0x177: {  	vm10 =	vlt.s32 v17, v3  }
0x178: {  	v22 =	vsel vm10, $0x3F800000, v2;
	v6 =	vshll.u32 v6, $0x9  }
0x179: {  	[tilespmem:$0xAE0] =	vst v22;
	v6 =	vnsel vm10, $0x4200, v6  }
0x17a: {  	v24 =	vadd.s32 v23, v4;
	[tilespmem:$0x6E0] =	vst v6  }
0x17b: {  	v6 =	vld.idx.msk [tilespmem:v7+s14+$0x0], $0xffff;
	v7 =	vadd.s32 v5, v24  }
0x17c: {  	vm11 =	vgt.s32 v7, $0x0  }
0x17d: {  	v26 =	vld [tilespmem:$0x1FE00];
	v7 =	vnsel vm11, $0x0, v7  }
0x17e: {  	v7 =	vmin.u32 v7, $0x407  }
0x17f: {  	vm12 =	vlt.s32 v20, v3  }
0x180: {  	v25 =	vsel vm12, $0x3F800000, v2;
	v6 =	vshll.u32 v6, $0x9  }
0x181: {  	[tilespmem:$0xAF0] =	vst v25;
	v6 =	vnsel vm12, $0x4200, v6  }
0x182: {  	v27 =	vadd.s32 v26, v4;
	[tilespmem:$0x6F0] =	vst v6  }
0x183: {  	v6 =	vld.idx.msk [tilespmem:v7+s14+$0x0], $0xffff;
	v7 =	vadd.s32 v5, v27  }
0x184: {  	vm13 =	vgt.s32 v7, $0x0  }
0x185: {  	v29 =	vld [tilespmem:$0x1FE10];
	v7 =	vnsel vm13, $0x0, v7  }
0x186: {  	v7 =	vmin.u32 v7, $0x407  }
0x187: {  	vm14 =	vlt.s32 v23, v3  }
0x188: {  	v28 =	vsel vm14, $0x3F800000, v2;
	v6 =	vshll.u32 v6, $0x9  }
0x189: {  	[tilespmem:$0xB00] =	vst v28;
	v6 =	vnsel vm14, $0x4200, v6  }
0x18a: {  	v30 =	vadd.s32 v29, v4;
	[tilespmem:$0x700] =	vst v6  }
0x18b: {  	v6 =	vld.idx.msk [tilespmem:v7+s14+$0x0], $0xffff;
	v7 =	vadd.s32 v5, v30  }
0x18c: {  	vm15 =	vgt.s32 v7, $0x0  }
0x18d: {  	v32 =	vld [tilespmem:$0x1FE20];
	v7 =	vnsel vm15, $0x0, v7  }
0x18e: {  	v7 =	vmin.u32 v7, $0x407  }
0x18f: {  	vm4 =	vlt.s32 v26, v3  }
0x190: {  	v31 =	vsel vm4, $0x3F800000, v2;
	v6 =	vshll.u32 v6, $0x9  }
0x191: {  	[tilespmem:$0xB10] =	vst v31;
	v6 =	vnsel vm4, $0x4200, v6  }
0x192: {  	v33 =	vadd.s32 v32, v4;
	[tilespmem:$0x710] =	vst v6  }
0x193: {  	v6 =	vld.idx.msk [tilespmem:v7+s14+$0x0], $0xffff;
	v7 =	vadd.s32 v5, v33  }
0x194: {  	vm5 =	vgt.s32 v7, $0x0  }
0x195: {  	v35 =	vld [tilespmem:$0x1FE30];
	v7 =	vnsel vm5, $0x0, v7  }
0x196: {  	v7 =	vmin.u32 v7, $0x407  }
0x197: {  	vm6 =	vlt.s32 v29, v3  }
0x198: {  	v34 =	vsel vm6, $0x3F800000, v2;
	v6 =	vshll.u32 v6, $0x9  }
0x199: {  	[tilespmem:$0xB20] =	vst v34;
	v6 =	vnsel vm6, $0x4200, v6  }
0x19a: {  	v36 =	vadd.s32 v35, v4;
	[tilespmem:$0x720] =	vst v6  }
0x19b: {  	v6 =	vld.idx.msk [tilespmem:v7+s14+$0x0], $0xffff;
	v7 =	vadd.s32 v5, v36  }
0x19c: {  	vm7 =	vgt.s32 v7, $0x0  }
0x19d: {  	v38 =	vld [tilespmem:$0x1FE40];
	v7 =	vnsel vm7, $0x0, v7  }
0x19e: {  	v7 =	vmin.u32 v7, $0x407  }
0x19f: {  	vm8 =	vlt.s32 v32, v3  }
0x1a0: {  	v37 =	vsel vm8, $0x3F800000, v2;
	v6 =	vshll.u32 v6, $0x9  }
0x1a1: {  	[tilespmem:$0xB30] =	vst v37;
	v6 =	vnsel vm8, $0x4200, v6  }
0x1a2: {  	v39 =	vadd.s32 v38, v4;
	[tilespmem:$0x730] =	vst v6  }
0x1a3: {  	v6 =	vld.idx.msk [tilespmem:v7+s14+$0x0], $0xffff;
	v7 =	vadd.s32 v5, v39  }
0x1a4: {  	vm9 =	vgt.s32 v7, $0x0  }
0x1a5: {  	v41 =	vld [tilespmem:$0x1FE50];
	v7 =	vnsel vm9, $0x0, v7  }
0x1a6: {  	v7 =	vmin.u32 v7, $0x407  }
0x1a7: {  	vm10 =	vlt.s32 v35, v3  }
0x1a8: {  	v40 =	vsel vm10, $0x3F800000, v2;
	v6 =	vshll.u32 v6, $0x9  }
0x1a9: {  	[tilespmem:$0xB40] =	vst v40;
	v6 =	vnsel vm10, $0x4200, v6  }
0x1aa: {  	v42 =	vadd.s32 v41, v4;
	[tilespmem:$0x740] =	vst v6  }
0x1ab: {  	v6 =	vld.idx.msk [tilespmem:v7+s14+$0x0], $0xffff;
	v7 =	vadd.s32 v5, v42  }
0x1ac: {  	vm11 =	vgt.s32 v7, $0x0  }
0x1ad: {  	v44 =	vld [tilespmem:$0x1FE60];
	v7 =	vnsel vm11, $0x0, v7  }
0x1ae: {  	v7 =	vmin.u32 v7, $0x407  }
0x1af: {  	vm12 =	vlt.s32 v38, v3  }
0x1b0: {  	v43 =	vsel vm12, $0x3F800000, v2;
	v6 =	vshll.u32 v6, $0x9  }
0x1b1: {  	[tilespmem:$0xB50] =	vst v43;
	v6 =	vnsel vm12, $0x4200, v6  }
0x1b2: {  	v45 =	vadd.s32 v44, v4;
	[tilespmem:$0x750] =	vst v6  }
0x1b3: {  	v6 =	vld.idx.msk [tilespmem:v7+s14+$0x0], $0xffff;
	v7 =	vadd.s32 v5, v45  }
0x1b4: {  	vm13 =	vgt.s32 v7, $0x0  }
0x1b5: {  	v47 =	vld [tilespmem:$0x1FE70];
	v7 =	vnsel vm13, $0x0, v7  }
0x1b6: {  	v7 =	vmin.u32 v7, $0x407  }
0x1b7: {  	vm14 =	vlt.s32 v41, v3  }
0x1b8: {  	v46 =	vsel vm14, $0x3F800000, v2;
	v6 =	vshll.u32 v6, $0x9  }
0x1b9: {  	[tilespmem:$0xB60] =	vst v46;
	v6 =	vnsel vm14, $0x4200, v6  }
0x1ba: {  	v48 =	vadd.s32 v47, v4;
	[tilespmem:$0x760] =	vst v6  }
0x1bb: {  	v6 =	vld.idx.msk [tilespmem:v7+s14+$0x0], $0xffff;
	v7 =	vadd.s32 v5, v48  }
0x1bc: {  	vm15 =	vgt.s32 v7, $0x0  }
0x1bd: {  	v50 =	vld [tilespmem:$0x1FE80];
	v7 =	vnsel vm15, $0x0, v7  }
0x1be: {  	v7 =	vmin.u32 v7, $0x407  }
0x1bf: {  	vm4 =	vlt.s32 v44, v3  }
0x1c0: {  	v49 =	vsel vm4, $0x3F800000, v2;
	v6 =	vshll.u32 v6, $0x9  }
0x1c1: {  	[tilespmem:$0xB70] =	vst v49;
	v6 =	vnsel vm4, $0x4200, v6  }
0x1c2: {  	v51 =	vadd.s32 v50, v4;
	[tilespmem:$0x770] =	vst v6  }
0x1c3: {  	v6 =	vld.idx.msk [tilespmem:v7+s14+$0x0], $0xffff;
	v7 =	vadd.s32 v5, v51  }
0x1c4: {  	vm5 =	vgt.s32 v7, $0x0  }
0x1c5: {  	v53 =	vld [tilespmem:$0x1FE90];
	v7 =	vnsel vm5, $0x0, v7  }
0x1c6: {  	v7 =	vmin.u32 v7, $0x407  }
0x1c7: {  	vm6 =	vlt.s32 v47, v3  }
0x1c8: {  	v52 =	vsel vm6, $0x3F800000, v2;
	v6 =	vshll.u32 v6, $0x9  }
0x1c9: {  	[tilespmem:$0xB80] =	vst v52;
	v6 =	vnsel vm6, $0x4200, v6  }
0x1ca: {  	v54 =	vadd.s32 v53, v4;
	[tilespmem:$0x780] =	vst v6  }
0x1cb: {  	v6 =	vld.idx.msk [tilespmem:v7+s14+$0x0], $0xffff;
	v7 =	vadd.s32 v5, v54  }
0x1cc: {  	vm7 =	vgt.s32 v7, $0x0  }
0x1cd: {  	v56 =	vld [tilespmem:$0x1FEA0];
	v7 =	vnsel vm7, $0x0, v7  }
0x1ce: {  	v7 =	vmin.u32 v7, $0x407  }
0x1cf: {  	vm8 =	vlt.s32 v50, v3  }
0x1d0: {  	v55 =	vsel vm8, $0x3F800000, v2;
	v6 =	vshll.u32 v6, $0x9  }
0x1d1: {  	[tilespmem:$0xB90] =	vst v55;
	v6 =	vnsel vm8, $0x4200, v6  }
0x1d2: {  	v58 =	vadd.s32 v56, v4;
	[tilespmem:$0x790] =	vst v6  }
0x1d3: {  	v6 =	vld.idx.msk [tilespmem:v7+s14+$0x0], $0xffff;
	v7 =	vadd.s32 v5, v58  }
0x1d4: {  	vm9 =	vgt.s32 v7, $0x0  }
0x1d5: {  	v60 =	vld [tilespmem:$0x1FEB0];
	v7 =	vnsel vm9, $0x0, v7  }
0x1d6: {  	v7 =	vmin.u32 v7, $0x407  }
0x1d7: {  	vm10 =	vlt.s32 v53, v3  }
0x1d8: {  	v59 =	vsel vm10, $0x3F800000, v2;
	v6 =	vshll.u32 v6, $0x9  }
0x1d9: {  	[tilespmem:$0xBA0] =	vst v59;
	v6 =	vnsel vm10, $0x4200, v6  }
0x1da: {  	v61 =	vadd.s32 v60, v4;
	[tilespmem:$0x7A0] =	vst v6  }
0x1db: {  	v6 =	vld.idx.msk [tilespmem:v7+s14+$0x0], $0xffff;
	v7 =	vadd.s32 v5, v61  }
0x1dc: {  	vm11 =	vgt.s32 v7, $0x0  }
0x1dd: {  	v63 =	vld [tilespmem:$0x1FEC0];
	v7 =	vnsel vm11, $0x0, v7  }
0x1de: {  	v7 =	vmin.u32 v7, $0x407  }
0x1df: {  	vm12 =	vlt.s32 v56, v3  }
0x1e0: {  	v62 =	vsel vm12, $0x3F800000, v2;
	v6 =	vshll.u32 v6, $0x9  }
0x1e1: {  	[tilespmem:$0xBB0] =	vst v62;
	v6 =	vnsel vm12, $0x4200, v6  }
0x1e2: {  	v10 =	vadd.s32 v63, v4;
	[tilespmem:$0x7B0] =	vst v6  }
0x1e3: {  	v6 =	vld.idx.msk [tilespmem:v7+s14+$0x0], $0xffff;
	v7 =	vadd.s32 v5, v10  }
0x1e4: {  	vm13 =	vgt.s32 v7, $0x0  }
0x1e5: {  	v12 =	vld [tilespmem:$0x1FED0];
	v7 =	vnsel vm13, $0x0, v7  }
0x1e6: {  	v7 =	vmin.u32 v7, $0x407  }
0x1e7: {  	vm14 =	vlt.s32 v60, v3  }
0x1e8: {  	v11 =	vsel vm14, $0x3F800000, v2;
	v6 =	vshll.u32 v6, $0x9  }
0x1e9: {  	[tilespmem:$0xBC0] =	vst v11;
	v6 =	vnsel vm14, $0x4200, v6  }
0x1ea: {  	v13 =	vadd.s32 v12, v4;
	[tilespmem:$0x7C0] =	vst v6  }
0x1eb: {  	v6 =	vld.idx.msk [tilespmem:v7+s14+$0x0], $0xffff;
	v7 =	vadd.s32 v5, v13  }
0x1ec: {  	vm15 =	vgt.s32 v7, $0x0  }
0x1ed: {  	v15 =	vld [tilespmem:$0x1FEE0];
	v7 =	vnsel vm15, $0x0, v7  }
0x1ee: {  	v7 =	vmin.u32 v7, $0x407  }
0x1ef: {  	vm4 =	vlt.s32 v63, v3  }
0x1f0: {  	v14 =	vsel vm4, $0x3F800000, v2;
	v6 =	vshll.u32 v6, $0x9  }
0x1f1: {  	[tilespmem:$0xBD0] =	vst v14;
	v6 =	vnsel vm4, $0x4200, v6  }
0x1f2: {  	v16 =	vadd.s32 v15, v4;
	[tilespmem:$0x7D0] =	vst v6  }
0x1f3: {  	v6 =	vld.idx.msk [tilespmem:v7+s14+$0x0], $0xffff;
	v7 =	vadd.s32 v5, v16  }
0x1f4: {  	vm5 =	vgt.s32 v7, $0x0  }
0x1f5: {  	v18 =	vld [tilespmem:$0x1FEF0];
	v7 =	vnsel vm5, $0x0, v7  }
0x1f6: {  	v7 =	vmin.u32 v7, $0x407  }
0x1f7: {  	vm6 =	vlt.s32 v12, v3  }
0x1f8: {  	v17 =	vsel vm6, $0x3F800000, v2;
	v6 =	vshll.u32 v6, $0x9  }
0x1f9: {  	[tilespmem:$0xBE0] =	vst v17;
	v6 =	vnsel vm6, $0x4200, v6  }
0x1fa: {  	v19 =	vadd.s32 v18, v4;
	[tilespmem:$0x7E0] =	vst v6  }
0x1fb: {  	v6 =	vld.idx.msk [tilespmem:v7+s14+$0x0], $0xffff;
	v7 =	vadd.s32 v5, v19  }
0x1fc: {  	vm7 =	vgt.s32 v7, $0x0  }
0x1fd: {  	v21 =	vld [tilespmem:$0x1FF00];
	v7 =	vnsel vm7, $0x0, v7  }
0x1fe: {  	v7 =	vmin.u32 v7, $0x407  }
0x1ff: {  	vm8 =	vlt.s32 v15, v3  }
0x200: {  	v20 =	vsel vm8, $0x3F800000, v2;
	v6 =	vshll.u32 v6, $0x9  }
0x201: {  	[tilespmem:$0xBF0] =	vst v20;
	v6 =	vnsel vm8, $0x4200, v6  }
0x202: {  	v22 =	vadd.s32 v21, v4;
	[tilespmem:$0x7F0] =	vst v6  }
0x203: {  	v6 =	vld.idx.msk [tilespmem:v7+s14+$0x0], $0xffff;
	v7 =	vadd.s32 v5, v22  }
0x204: {  	vm9 =	vgt.s32 v7, $0x0  }
0x205: {  	v24 =	vld [tilespmem:$0x1FF10];
	v7 =	vnsel vm9, $0x0, v7  }
0x206: {  	v7 =	vmin.u32 v7, $0x407  }
0x207: {  	vm10 =	vlt.s32 v18, v3  }
0x208: {  	v23 =	vsel vm10, $0x3F800000, v2;
	v6 =	vshll.u32 v6, $0x9  }
0x209: {  	[tilespmem:$0xC00] =	vst v23;
	v6 =	vnsel vm10, $0x4200, v6  }
0x20a: {  	v25 =	vadd.s32 v24, v4;
	[tilespmem:$0x800] =	vst v6  }
0x20b: {  	v6 =	vld.idx.msk [tilespmem:v7+s14+$0x0], $0xffff;
	v7 =	vadd.s32 v5, v25  }
0x20c: {  	vm11 =	vgt.s32 v7, $0x0  }
0x20d: {  	v27 =	vld [tilespmem:$0x1FF20];
	v7 =	vnsel vm11, $0x0, v7  }
0x20e: {  	v7 =	vmin.u32 v7, $0x407  }
0x20f: {  	vm12 =	vlt.s32 v21, v3  }
0x210: {  	v26 =	vsel vm12, $0x3F800000, v2;
	v6 =	vshll.u32 v6, $0x9  }
0x211: {  	[tilespmem:$0xC10] =	vst v26;
	v6 =	vnsel vm12, $0x4200, v6  }
0x212: {  	v28 =	vadd.s32 v27, v4;
	[tilespmem:$0x810] =	vst v6  }
0x213: {  	v6 =	vld.idx.msk [tilespmem:v7+s14+$0x0], $0xffff;
	v7 =	vadd.s32 v5, v28  }
0x214: {  	vm13 =	vgt.s32 v7, $0x0  }
0x215: {  	v30 =	vld [tilespmem:$0x1FF30];
	v7 =	vnsel vm13, $0x0, v7  }
0x216: {  	v7 =	vmin.u32 v7, $0x407  }
0x217: {  	vm14 =	vlt.s32 v24, v3  }
0x218: {  	v29 =	vsel vm14, $0x3F800000, v2;
	v6 =	vshll.u32 v6, $0x9  }
0x219: {  	[tilespmem:$0xC20] =	vst v29;
	v6 =	vnsel vm14, $0x4200, v6  }
0x21a: {  	v31 =	vadd.s32 v30, v4;
	[tilespmem:$0x820] =	vst v6  }
0x21b: {  	v6 =	vld.idx.msk [tilespmem:v7+s14+$0x0], $0xffff;
	v7 =	vadd.s32 v5, v31  }
0x21c: {  	vm15 =	vgt.s32 v7, $0x0  }
0x21d: {  	v33 =	vld [tilespmem:$0x1FF40];
	v7 =	vnsel vm15, $0x0, v7  }
0x21e: {  	v7 =	vmin.u32 v7, $0x407  }
0x21f: {  	vm4 =	vlt.s32 v27, v3  }
0x220: {  	v32 =	vsel vm4, $0x3F800000, v2;
	v6 =	vshll.u32 v6, $0x9  }
0x221: {  	[tilespmem:$0xC30] =	vst v32;
	v6 =	vnsel vm4, $0x4200, v6  }
0x222: {  	v34 =	vadd.s32 v33, v4;
	[tilespmem:$0x830] =	vst v6  }
0x223: {  	v6 =	vld.idx.msk [tilespmem:v7+s14+$0x0], $0xffff;
	v7 =	vadd.s32 v5, v34  }
0x224: {  	vm5 =	vgt.s32 v7, $0x0  }
0x225: {  	v36 =	vld [tilespmem:$0x1FF50];
	v7 =	vnsel vm5, $0x0, v7  }
0x226: {  	v7 =	vmin.u32 v7, $0x407  }
0x227: {  	vm6 =	vlt.s32 v30, v3  }
0x228: {  	v35 =	vsel vm6, $0x3F800000, v2;
	v6 =	vshll.u32 v6, $0x9  }
0x229: {  	[tilespmem:$0xC40] =	vst v35;
	v6 =	vnsel vm6, $0x4200, v6  }
0x22a: {  	v37 =	vadd.s32 v36, v4;
	[tilespmem:$0x840] =	vst v6  }
0x22b: {  	v6 =	vld.idx.msk [tilespmem:v7+s14+$0x0], $0xffff;
	v7 =	vadd.s32 v5, v37  }
0x22c: {  	vm7 =	vgt.s32 v7, $0x0  }
0x22d: {  	v39 =	vld [tilespmem:$0x1FF60];
	v7 =	vnsel vm7, $0x0, v7  }
0x22e: {  	v7 =	vmin.u32 v7, $0x407  }
0x22f: {  	vm8 =	vlt.s32 v33, v3  }
0x230: {  	v38 =	vsel vm8, $0x3F800000, v2;
	v6 =	vshll.u32 v6, $0x9  }
0x231: {  	[tilespmem:$0xC50] =	vst v38;
	v6 =	vnsel vm8, $0x4200, v6  }
0x232: {  	v40 =	vadd.s32 v39, v4;
	[tilespmem:$0x850] =	vst v6  }
0x233: {  	v6 =	vld.idx.msk [tilespmem:v7+s14+$0x0], $0xffff;
	v7 =	vadd.s32 v5, v40  }
0x234: {  	vm9 =	vgt.s32 v7, $0x0  }
0x235: {  	v42 =	vld [tilespmem:$0x1FF70];
	v7 =	vnsel vm9, $0x0, v7  }
0x236: {  	v7 =	vmin.u32 v7, $0x407  }
0x237: {  	vm10 =	vlt.s32 v36, v3  }
0x238: {  	v41 =	vsel vm10, $0x3F800000, v2;
	v6 =	vshll.u32 v6, $0x9  }
0x239: {  	[tilespmem:$0xC60] =	vst v41;
	v6 =	vnsel vm10, $0x4200, v6  }
0x23a: {  	v43 =	vadd.s32 v42, v4;
	[tilespmem:$0x860] =	vst v6  }
0x23b: {  	v6 =	vld.idx.msk [tilespmem:v7+s14+$0x0], $0xffff;
	v7 =	vadd.s32 v5, v43  }
0x23c: {  	vm11 =	vgt.s32 v7, $0x0  }
0x23d: {  	v45 =	vld [tilespmem:$0x1FF80];
	v7 =	vnsel vm11, $0x0, v7  }
0x23e: {  	v7 =	vmin.u32 v7, $0x407  }
0x23f: {  	vm12 =	vlt.s32 v39, v3  }
0x240: {  	v44 =	vsel vm12, $0x3F800000, v2;
	v6 =	vshll.u32 v6, $0x9  }
0x241: {  	[tilespmem:$0xC70] =	vst v44;
	v6 =	vnsel vm12, $0x4200, v6  }
0x242: {  	v46 =	vadd.s32 v45, v4;
	[tilespmem:$0x870] =	vst v6  }
0x243: {  	v6 =	vld.idx.msk [tilespmem:v7+s14+$0x0], $0xffff;
	v7 =	vadd.s32 v5, v46  }
0x244: {  	vm13 =	vgt.s32 v7, $0x0  }
0x245: {  	v48 =	vld [tilespmem:$0x1FF90];
	v7 =	vnsel vm13, $0x0, v7  }
0x246: {  	v7 =	vmin.u32 v7, $0x407  }
0x247: {  	vm14 =	vlt.s32 v42, v3  }
0x248: {  	v47 =	vsel vm14, $0x3F800000, v2;
	v6 =	vshll.u32 v6, $0x9  }
0x249: {  	[tilespmem:$0xC80] =	vst v47;
	v6 =	vnsel vm14, $0x4200, v6  }
0x24a: {  	v49 =	vadd.s32 v48, v4;
	[tilespmem:$0x880] =	vst v6  }
0x24b: {  	v6 =	vld.idx.msk [tilespmem:v7+s14+$0x0], $0xffff;
	v7 =	vadd.s32 v5, v49  }
0x24c: {  	vm15 =	vgt.s32 v7, $0x0  }
0x24d: {  	v51 =	vld [tilespmem:$0x1FFA0];
	v7 =	vnsel vm15, $0x0, v7  }
0x24e: {  	v7 =	vmin.u32 v7, $0x407  }
0x24f: {  	vm4 =	vlt.s32 v45, v3  }
0x250: {  	v50 =	vsel vm4, $0x3F800000, v2;
	v6 =	vshll.u32 v6, $0x9  }
0x251: {  	[tilespmem:$0xC90] =	vst v50;
	v6 =	vnsel vm4, $0x4200, v6  }
0x252: {  	v52 =	vadd.s32 v51, v4;
	[tilespmem:$0x890] =	vst v6  }
0x253: {  	v6 =	vld.idx.msk [tilespmem:v7+s14+$0x0], $0xffff;
	v7 =	vadd.s32 v5, v52  }
0x254: {  	vm5 =	vgt.s32 v7, $0x0  }
0x255: {  	v54 =	vld [tilespmem:$0x1FFB0];
	v7 =	vnsel vm5, $0x0, v7  }
0x256: {  	v7 =	vmin.u32 v7, $0x407  }
0x257: {  	vm6 =	vlt.s32 v48, v3  }
0x258: {  	v53 =	vsel vm6, $0x3F800000, v2;
	v6 =	vshll.u32 v6, $0x9  }
0x259: {  	[tilespmem:$0xCA0] =	vst v53;
	v6 =	vnsel vm6, $0x4200, v6  }
0x25a: {  	v55 =	vadd.s32 v54, v4;
	[tilespmem:$0x8A0] =	vst v6  }
0x25b: {  	v6 =	vld.idx.msk [tilespmem:v7+s14+$0x0], $0xffff;
	v7 =	vadd.s32 v5, v55  }
0x25c: {  	vm7 =	vgt.s32 v7, $0x0  }
0x25d: {  	v58 =	vld [tilespmem:$0x1FFC0];
	v7 =	vnsel vm7, $0x0, v7  }
0x25e: {  	v7 =	vmin.u32 v7, $0x407  }
0x25f: {  	vm8 =	vlt.s32 v51, v3  }
0x260: {  	v56 =	vsel vm8, $0x3F800000, v2;
	v6 =	vshll.u32 v6, $0x9  }
0x261: {  	[tilespmem:$0xCB0] =	vst v56;
	v6 =	vnsel vm8, $0x4200, v6  }
0x262: {  	v59 =	vadd.s32 v58, v4;
	[tilespmem:$0x8B0] =	vst v6  }
0x263: {  	v6 =	vld.idx.msk [tilespmem:v7+s14+$0x0], $0xffff;
	v7 =	vadd.s32 v5, v59  }
0x264: {  	vm9 =	vgt.s32 v7, $0x0  }
0x265: {  	v61 =	vld [tilespmem:$0x1FFD0];
	v7 =	vnsel vm9, $0x0, v7  }
0x266: {  	v7 =	vmin.u32 v7, $0x407  }
0x267: {  	vm10 =	vlt.s32 v54, v3  }
0x268: {  	v60 =	vsel vm10, $0x3F800000, v2;
	v6 =	vshll.u32 v6, $0x9  }
0x269: {  	[tilespmem:$0xCC0] =	vst v60;
	v6 =	vnsel vm10, $0x4200, v6  }
0x26a: {  	v62 =	vadd.s32 v61, v4;
	[tilespmem:$0x8C0] =	vst v6  }
0x26b: {  	v6 =	vld.idx.msk [tilespmem:v7+s14+$0x0], $0xffff;
	v7 =	vadd.s32 v5, v62  }
0x26c: {  	vm11 =	vgt.s32 v7, $0x0  }
0x26d: {  	v7 =	vnsel vm11, $0x0, v7  }
0x26e: {  	v7 =	vmin.u32 v7, $0x407  }
0x26f: {  	vm12 =	vlt.s32 v58, v3  }
0x270: {  	v63 =	vsel vm12, $0x3F800000, v2;
	v6 =	vshll.u32 v6, $0x9  }
0x271: {  	[tilespmem:$0xCD0] =	vst v63;
	v6 =	vnsel vm12, $0x4200, v6  }
0x272: {  	[tilespmem:$0x8D0] =	vst v6  }
0x273: {  	v4 =	vadd.s32 v57, v4;
	v6 =	vld.idx.msk [tilespmem:v7+s14+$0x0], $0xffff  }
0x274: {  	v4 =	vadd.s32 v5, v4  }
0x275: {  	vm13 =	vgt.s32 v4, $0x0  }
0x276: {  	v4 =	vnsel vm13, $0x0, v4  }
0x277: {  	v4 =	vmin.u32 v4, $0x407  }
0x278: {  	vm14 =	vlt.s32 v61, v3;
	v5 =	vshll.u32 v6, $0x9  }
0x279: {  	v5 =	vnsel vm14, $0x4200, v5  }
0x27a: {  	[tilespmem:$0x8E0] =	vst v5;
	v5 =	vsel vm14, $0x3F800000, v2  }
0x27b: {  	[tilespmem:$0xCE0] =	vst v5  }
0x27c: {  	v4 =	vld.idx.msk [tilespmem:v4+s14+$0x0], $0xffff;
	_ =	sdelay $0x4  }
0x27d: {  	vm15 =	vlt.s32 v57, v3;
	v4 =	vshll.u32 v4, $0x9  }
0x27e: {  	v4 =	vnsel vm15, $0x4200, v4  }
0x27f: {  	[tilespmem:$0x8F0] =	vst v4;
	v4 =	vsel vm15, $0x3F800000, v2  }
0x280: {  	s10 =	simm.s32 $0x900;
	s8 =	rddreg [dreg:$0x8];
	[tilespmem:$0xCF0] =	vst v4  }
0x281: {  	[hbm4b:s8+s6] =	stream.linear.scatter [tilespmem:s10], [sflag:$0x4], $0x400, $0x38;
	[tilespmem:$0x1D180] =	vst v63  }
0x282: {  	_ =	swait.ge [sflag:s3], $0x400  }
0x283: {  	s11 =	sand.u32 $0x7000, s6;
	s13 =	sand.u32 $0x300, s6;
	[sflag:s3] =	ssyncset.done $0x0  }
0x284: {  	s0 =	sor.u32 s13, s11;
	[sflag:s3] =	ssyncadd.s32 $0xFFFFFC00  }
0x285: {  	[tilespmem:s0+$0x15180] =	vst v2;
	s0 =	sadd.s32 $0x15180, s0  }
0x286: {  	[tilespmem:s0+$0x80] =	vst v2  }
0x287: {  	[tilespmem:s0+$0x90] =	vst v2  }
0x288: {  	[tilespmem:s0+$0xA0] =	vst v2  }
0x289: {  	[tilespmem:s0+$0xB0] =	vst v2  }
0x28a: {  	[tilespmem:s0+$0xC0] =	vst v2  }
0x28b: {  	[tilespmem:s0+$0xD0] =	vst v2  }
0x28c: {  	[tilespmem:s0+$0xE0] =	vst v2  }
0x28d: {  	[tilespmem:s0+$0xF0] =	vst v2  }
0x28e: {  	[tilespmem:s0+$0x480] =	vst v2  }
0x28f: {  	[tilespmem:s0+$0x490] =	vst v2  }
0x290: {  	[tilespmem:s0+$0x4A0] =	vst v2  }
0x291: {  	[tilespmem:s0+$0x4B0] =	vst v2  }
0x292: {  	[tilespmem:s0+$0x4C0] =	vst v2  }
0x293: {  	[tilespmem:s0+$0x4D0] =	vst v2  }
0x294: {  	[tilespmem:s0+$0x4E0] =	vst v2  }
0x295: {  	[tilespmem:s0+$0x4F0] =	vst v2  }
0x296: {  	[tilespmem:s0+$0x880] =	vst v2  }
0x297: {  	[tilespmem:s0+$0x890] =	vst v2  }
0x298: {  	[tilespmem:s0+$0x8A0] =	vst v2  }
0x299: {  	[tilespmem:s0+$0x8B0] =	vst v2  }
0x29a: {  	[tilespmem:s0+$0x8C0] =	vst v2  }
0x29b: {  	[tilespmem:s0+$0x8D0] =	vst v2  }
0x29c: {  	[tilespmem:s0+$0x8E0] =	vst v2  }
0x29d: {  	[tilespmem:s0+$0x8F0] =	vst v2  }
0x29e: {  	[tilespmem:s0+$0x10] =	vst v2  }
0x29f: {  	[tilespmem:s0+$0x20] =	vst v2  }
0x2a0: {  	[tilespmem:s0+$0x30] =	vst v2  }
0x2a1: {  	[tilespmem:s0+$0x40] =	vst v2  }
0x2a2: {  	[tilespmem:s0+$0x50] =	vst v2  }
0x2a3: {  	[tilespmem:s0+$0x60] =	vst v2  }
0x2a4: {  	[tilespmem:s0+$0x70] =	vst v2  }
0x2a5: {  	[tilespmem:s0+$0x400] =	vst v2  }
0x2a6: {  	[tilespmem:s0+$0x410] =	vst v2  }
0x2a7: {  	[tilespmem:s0+$0x420] =	vst v2  }
0x2a8: {  	[tilespmem:s0+$0x430] =	vst v2  }
0x2a9: {  	[tilespmem:s0+$0x440] =	vst v2  }
0x2aa: {  	[tilespmem:s0+$0x450] =	vst v2  }
0x2ab: {  	[tilespmem:s0+$0x460] =	vst v2  }
0x2ac: {  	s15 =	sand.u32 $0x3, s6;
	[tilespmem:s0+$0x470] =	vst v2  }
0x2ad: {  	s1 =	sshll.u32 s15, $0x8;
	[tilespmem:s0+$0x800] =	vst v2  }
0x2ae: {  	s1 =	sadd.s32 $0x0, s1;
	[tilespmem:s0+$0x810] =	vst v2  }
0x2af: {  	s16 =	sadd.s32 $0x80, s1;
	[tilespmem:s0+$0x820] =	vst v2  }
0x2b0: {  	s18 =	sor.u32 $0xC00, s16;
	[tilespmem:s0+$0x830] =	vst v2  }
0x2b1: {  	s26 =	sor.u32 $0xC00, s1;
	[tilespmem:s18+$0x15180] =	vst v2  }
0x2b2: {  	s19 =	sor.u32 $0xC10, s16;
	[tilespmem:s26+$0x15180] =	vst v2  }
0x2b3: {  	[tilespmem:s19+$0x15180] =	vst v2  }
0x2b4: {  	[tilespmem:s0+$0x840] =	vst v2  }
0x2b5: {  	[tilespmem:s0+$0x850] =	vst v2  }
0x2b6: {  	[tilespmem:s0+$0x860] =	vst v2  }
0x2b7: {  	s21 =	sor.u32 $0xC20, s16;
	[tilespmem:s0+$0x870] =	vst v2  }
0x2b8: {  	s28 =	sor.u32 $0xC10, s1;
	[tilespmem:s21+$0x15180] =	vst v2  }
0x2b9: {  	s22 =	sor.u32 $0xC30, s16;
	[tilespmem:s28+$0x15180] =	vst v2  }
0x2ba: {  	s29 =	sor.u32 $0xC20, s1;
	[tilespmem:s22+$0x15180] =	vst v2  }
0x2bb: {  	s23 =	sor.u32 $0xC40, s16;
	[tilespmem:s29+$0x15180] =	vst v2  }
0x2bc: {  	s30 =	sor.u32 $0xC30, s1;
	[tilespmem:s23+$0x15180] =	vst v2  }
0x2bd: {  	s24 =	sor.u32 $0xC50, s16;
	[tilespmem:s30+$0x15180] =	vst v2  }
0x2be: {  	s31 =	sor.u32 $0xC40, s1;
	[tilespmem:s24+$0x15180] =	vst v2  }
0x2bf: {  	s25 =	sor.u32 $0xC60, s16;
	[tilespmem:s31+$0x15180] =	vst v2  }
0x2c0: {  	s2 =	sor.u32 $0xC70, s16;
	s5 =	sor.u32 $0xC50, s1;
	[tilespmem:s25+$0x15180] =	vst v2  }
0x2c1: {  	s7 =	sor.u32 $0xC70, s1;
	s8 =	sor.u32 $0xC60, s1;
	s1 =	simm.s32 $0x100;
	[tilespmem:s5+$0x15180] =	vst v2  }
0x2c2: {  	s3 =	simm.s32 $0x0;
	s0 =	simm.s32 $0x0;
	[tilespmem:s2+$0x15180] =	vst v2;
	s2 =	simm.s32 $0x400  }
.LBB2_2:
0x2c3: {  	s5 =	sand.u32 $0x7000, s2;
	s10 =	sand.u32 $0x300, s1;
	[tilespmem:s8+$0x15180] =	vst v2  }
0x2c4: {  	s5 =	sor.u32 s10, s5;
	[tilespmem:s7+$0x15180] =	vst v2  }
0x2c5: {  	[tilespmem:s5+$0x15180] =	vst v2;
	s5 =	sadd.s32 $0x15180, s5  }
0x2c6: {  	[tilespmem:s5+$0x80] =	vst v2  }
0x2c7: {  	[tilespmem:s5+$0x90] =	vst v2  }
0x2c8: {  	[tilespmem:s5+$0xA0] =	vst v2  }
0x2c9: {  	[tilespmem:s5+$0xB0] =	vst v2  }
0x2ca: {  	[tilespmem:s5+$0xC0] =	vst v2  }
0x2cb: {  	[tilespmem:s5+$0xD0] =	vst v2  }
0x2cc: {  	[tilespmem:s5+$0xE0] =	vst v2  }
0x2cd: {  	[tilespmem:s5+$0xF0] =	vst v2  }
0x2ce: {  	[tilespmem:s5+$0x480] =	vst v2  }
0x2cf: {  	[tilespmem:s5+$0x490] =	vst v2  }
0x2d0: {  	[tilespmem:s5+$0x4A0] =	vst v2  }
0x2d1: {  	[tilespmem:s5+$0x4B0] =	vst v2  }
0x2d2: {  	[tilespmem:s5+$0x4C0] =	vst v2  }
0x2d3: {  	[tilespmem:s5+$0x4D0] =	vst v2  }
0x2d4: {  	[tilespmem:s5+$0x4E0] =	vst v2  }
0x2d5: {  	[tilespmem:s5+$0x4F0] =	vst v2  }
0x2d6: {  	[tilespmem:s5+$0x880] =	vst v2  }
0x2d7: {  	[tilespmem:s5+$0x890] =	vst v2  }
0x2d8: {  	s3 =	sadd.s32 $0x1, s3;
	[tilespmem:s5+$0x8A0] =	vst v2  }
0x2d9: {  	s7 =	sand.u32 $0x3, s3;
	[tilespmem:s5+$0x8B0] =	vst v2  }
0x2da: {  	s7 =	sshll.u32 s7, $0x8;
	[tilespmem:s5+$0x8C0] =	vst v2  }
0x2db: {  	s7 =	sadd.s32 s7, s2;
	[tilespmem:s5+$0x8D0] =	vst v2  }
0x2dc: {  	s19 =	sor.u32 $0xC00, s7;
	s10 =	sor.u32 $0xC10, s7;
	s21 =	sadd.s32 $0x80, s7;
	[tilespmem:s5+$0x8E0] =	vst v2  }
0x2dd: {  	s15 =	sor.u32 $0xC20, s7;
	s11 =	sor.u32 $0xC30, s7;
	s8 =	sor.u32 $0xC00, s21;
	[tilespmem:s5+$0x8F0] =	vst v2  }
0x2de: {  	s18 =	sor.u32 $0xC40, s7;
	s16 =	sor.u32 $0xC50, s7;
	s22 =	sor.u32 $0xC10, s21;
	[tilespmem:s8+$0x15180] =	vst v2  }
0x2df: {  	s8 =	sor.u32 $0xC60, s7;
	s7 =	sor.u32 $0xC70, s7;
	[tilespmem:s22+$0x15180] =	vst v2;
	s22 =	sor.u32 $0xC20, s21  }
0x2e0: {  	s0 =	sadd.s32 $0x2, s0;
	[tilespmem:s22+$0x15180] =	vst v2;
	s22 =	sor.u32 $0xC30, s21  }
0x2e1: {  	p1 =	slt.u32 s0, $0x3E;
	[tilespmem:s22+$0x15180] =	vst v2;
	s22 =	sor.u32 $0xC40, s21  }
0x2e2: {  	[tilespmem:s22+$0x15180] =	vst v2;
	s22 =	sor.u32 $0xC50, s21  }
0x2e3: {  	[tilespmem:s22+$0x15180] =	vst v2;
	s22 =	sor.u32 $0xC60, s21  }
0x2e4: {  	s21 =	sor.u32 $0xC70, s21;
	[tilespmem:s22+$0x15180] =	vst v2  }
0x2e5: {  	[tilespmem:s21+$0x15180] =	vst v2  }
0x2e6: {  	[tilespmem:s5+$0x10] =	vst v2  }
0x2e7: {  	[tilespmem:s5+$0x20] =	vst v2  }
0x2e8: {  	[tilespmem:s5+$0x30] =	vst v2  }
0x2e9: {  	[tilespmem:s5+$0x40] =	vst v2  }
0x2ea: {  	[tilespmem:s5+$0x50] =	vst v2  }
0x2eb: {  	[tilespmem:s5+$0x60] =	vst v2  }
0x2ec: {  	[tilespmem:s5+$0x70] =	vst v2  }
0x2ed: {  	[tilespmem:s5+$0x400] =	vst v2  }
0x2ee: {  	[tilespmem:s5+$0x410] =	vst v2  }
0x2ef: {  	[tilespmem:s5+$0x420] =	vst v2  }
0x2f0: {  	[tilespmem:s5+$0x430] =	vst v2  }
0x2f1: {  	[tilespmem:s5+$0x440] =	vst v2  }
0x2f2: {  	[tilespmem:s5+$0x450] =	vst v2  }
0x2f3: {  	[tilespmem:s5+$0x460] =	vst v2  }
0x2f4: {  	[tilespmem:s5+$0x470] =	vst v2  }
0x2f5: {  	[tilespmem:s5+$0x800] =	vst v2  }
0x2f6: {  	[tilespmem:s5+$0x810] =	vst v2  }
0x2f7: {  	[tilespmem:s5+$0x820] =	vst v2  }
0x2f8: {  	[tilespmem:s5+$0x830] =	vst v2  }
0x2f9: {  	[tilespmem:s19+$0x15180] =	vst v2  }
0x2fa: {  	[tilespmem:s5+$0x840] =	vst v2  }
0x2fb: {  	[tilespmem:s5+$0x850] =	vst v2  }
0x2fc: {  	[tilespmem:s5+$0x860] =	vst v2  }
0x2fd: {  	[tilespmem:s5+$0x870] =	vst v2  }
.Ltmp2:
0x2fe: {  	[tilespmem:s10+$0x15180] =	vst v2;
	(pc) =	sbr.rel @p1 .LBB2_2-.Ltmp2, $4  }
0x2ff: {  	[tilespmem:s15+$0x15180] =	vst v2  }
0x300: {  	[tilespmem:s11+$0x15180] =	vst v2  }
0x301: {  	[tilespmem:s18+$0x15180] =	vst v2  }
0x302: {  	s1 =	sadd.s32 $0x100, s1;
	s2 =	sadd.s32 $0x400, s2;
	[tilespmem:s16+$0x15180] =	vst v2  }
0x303: {  	v3 =	vxor.u32 $0x80000000, v3  }
0x304: {  	(xrf0) =	vmax.scan.msk.u32 $0xffff, v3;
	_ =	sdelay $0x5  }
0x305: {  	v3, _, _ =	vpop (xrf0)  }
0x306: {  	(v2sf) =	vpush v3, $0xF;
	_ =	sdelay $0xe  }
0x307: {  	s0 =	spop (v2sf)  }
.Ltmp3:
0x308: {  	[tilespmem:s8+$0x15180] =	vst v2;
	s0 =	sxor.u32 $0x80000000, s0;
	(pc) =	sbr.rel .LBB2_4-.Ltmp3, $4  }
0x309: {  	s1 =	simm.s32 $0x1;
	[tilespmem:s7+$0x15180] =	vst v2;
	s0 =	ssub.s32 s0, s20  }
0x30a: {  	s22 =	simm.s32 $0x0;
	_ =	swait.ge [sflag:s1], $0x4400;
	p1 =	sgt.s32 s0, $0x0  }
0x30b: {  	s23 =	simm.s32 $0x0;
	[sflag:s1] =	ssyncset.done $0x0;
	s0 =	simm.s32 @!p1 $0x0  }
0x30c: {  	s24 =	simm.s32 $0x0;
	[sflag:s1] =	ssyncadd.s32 $0xFFFFBC00;
	s21 =	smin.u32 s0, $0x400  }
.LBB2_12:
0x30d: {  	s24 =	sadd.s32 $0x1, s24  }
0x30e: {  	p1 =	sne.s32 s24, $0x8  }
.Ltmp4:
0x30f: {  	_ = 	snop;
	(pc) =	sbr.rel @!p1 .LBB2_13-.Ltmp4, $4  }
0x310: {  	s0 =	sor.u32 s9, s26  }
0x311: {  	s0 =	sshll.u32 s0, $0x6  }
0x312: {  	s23 =	sadd.s32 $0x80, s23;
	s0 =	sadd.s32 s4, s0  }
0x313: {  	[hbm4b:s0+s6] =	stream.linear.scatter [tilespmem:s25], [sflag:$0x3], $0x8000, $0x38;
	[tilespmem:$0x1D180] =	vst v63  }
.LBB2_4:
0x314: {  	s26 =	sshll.u32 s24, $0x7  }
0x315: {  	p2 =	sge.u32 s26, s21  }
.Ltmp5:
0x316: {  	p1 =	seq.s32 s24, $0x0;
	(pc) =	sbr.rel @p2 .LBB2_8-.Ltmp5, $4  }
0x317: {  	s0 =	simm.s32 @!p1 $0x2  }
0x318: {  	_ =	swait.ge @!p1 [sflag:s0], $0x8000  }
0x319: {  	[sflag:s0] =	ssyncset.done @!p1 $0x0  }
0x31a: {  	s25 =	simm.s32 $0x15180;
	[sflag:s0] =	ssyncadd.s32 @!p1 $0xFFFF8000;
	s0 =	simm.s32 $0x15180  }
0x31b: {  	s0 =	sadd.s32 $0xFFFFFFFE, s23  }
0x31c: {  	s1 =	sadd.s32 $0x2, s0  }
0x31d: {  	v3 =	vmov s1  }
0x31e: {  	v3 =	vand.u32 $0xFFFFFFFE, v3  }
0x31f: {  	v3 =	vbroadcast v3, $0x0;
	_ =	sdelay $0x5  }
0x320: {  	v38 =	vld.idx.msk [tilespmem:v3+s17+$0x0], $0xffff;
	_ =	sdelay $0x2  }
0x321: {  	s0 =	sadd.s32 $0x3, s0  }
0x322: {  	v3 =	vmov s0  }
0x323: {  	v4 =	vadd.s32 v0, v38;
	_ =	sdelay $0x3  }
0x324: {  	v40 =	vld.idx.msk [tilespmem:v3+s17+$0x0], $0xffff  }
0x325: {  	v5 =	vor.u32 $0x10, v0;
	v3 =	vld.idx.msk [tilespmem:v4+s12+$0x0], $0xffff  }
0x326: {  	v4 =	vadd.s32 v5, v38  }
0x327: {  	s16 =	sand.u32 $0x7000, s22;
	s18 =	simm.s32 $0x0  }
0x328: {  	s1 =	sand.u32 $0x300, s18;
	s0 =	sor.u32 $0xD80, s16  }
0x329: {  	s5 =	sadd.s32 s1, s0  }
0x32a: {  	v7 =	vadd.s32 v0, v40;
	[tilespmem:s5+$0x0] =	vst v3  }
0x32b: {  	v6 =	vor.u32 $0x20, v0;
	v3 =	vld.idx.msk [tilespmem:v4+s12+$0x0], $0xffff  }
0x32c: {  	v4 =	vadd.s32 v6, v38;
	_ =	sdelay $0x2  }
0x32d: {  	v8 =	vld.idx.msk [tilespmem:v7+s12+$0x0], $0xffff  }
0x32e: {  	v9 =	vadd.s32 v5, v40;
	[tilespmem:s5+$0x10] =	vst v3  }
0x32f: {  	s19 =	simm.s32 $0x80;
	v7 =	vor.u32 $0x30, v0;
	v3 =	vld.idx.msk [tilespmem:v4+s12+$0x0], $0xffff  }
0x330: {  	s1 =	sand.u32 $0x380, s19;
	v4 =	vadd.s32 v7, v38  }
0x331: {  	s1 =	sadd.s32 s1, s0  }
0x332: {  	[tilespmem:s1+$0x0] =	vst v8  }
0x333: {  	v9 =	vld.idx.msk [tilespmem:v9+s12+$0x0], $0xffff  }
0x334: {  	v10 =	vadd.s32 v6, v40;
	[tilespmem:s5+$0x20] =	vst v3  }
0x335: {  	v8 =	vor.u32 $0x40, v0;
	v3 =	vld.idx.msk [tilespmem:v4+s12+$0x0], $0xffff  }
0x336: {  	v4 =	vadd.s32 v8, v38;
	_ =	sdelay $0x1  }
0x337: {  	[tilespmem:s1+$0x10] =	vst v9  }
0x338: {  	v10 =	vld.idx.msk [tilespmem:v10+s12+$0x0], $0xffff  }
0x339: {  	v11 =	vadd.s32 v7, v40;
	[tilespmem:s5+$0x30] =	vst v3  }
0x33a: {  	v9 =	vor.u32 $0x50, v0;
	v3 =	vld.idx.msk [tilespmem:v4+s12+$0x0], $0xffff  }
0x33b: {  	v4 =	vadd.s32 v9, v38;
	_ =	sdelay $0x1  }
0x33c: {  	[tilespmem:s1+$0x20] =	vst v10  }
0x33d: {  	v11 =	vld.idx.msk [tilespmem:v11+s12+$0x0], $0xffff  }
0x33e: {  	v12 =	vadd.s32 v8, v40;
	[tilespmem:s5+$0x40] =	vst v3  }
0x33f: {  	v10 =	vor.u32 $0x60, v0;
	v3 =	vld.idx.msk [tilespmem:v4+s12+$0x0], $0xffff  }
0x340: {  	v4 =	vadd.s32 v10, v38;
	_ =	sdelay $0x1  }
0x341: {  	[tilespmem:s1+$0x30] =	vst v11  }
0x342: {  	v11 =	vld.idx.msk [tilespmem:v12+s12+$0x0], $0xffff  }
0x343: {  	v13 =	vadd.s32 v9, v40;
	[tilespmem:s5+$0x50] =	vst v3  }
0x344: {  	v12 =	vor.u32 $0x70, v0;
	v3 =	vld.idx.msk [tilespmem:v4+s12+$0x0], $0xffff  }
0x345: {  	s20 =	sadd.s32 $0x0, s23;
	v4 =	vadd.s32 v12, v38  }
0x346: {  	s2 =	sadd.s32 $0x2, s20  }
0x347: {  	[tilespmem:s1+$0x40] =	vst v11;
	v11 =	vmov s2  }
0x348: {  	v14 =	vld.idx.msk [tilespmem:v13+s12+$0x0], $0xffff;
	v11 =	vand.u32 $0xFFFFFFFE, v11  }
0x349: {  	v15 =	vadd.s32 v10, v40;
	[tilespmem:s5+$0x60] =	vst v3;
	v3 =	vbroadcast v11, $0x0  }
0x34a: {  	v13 =	vor.u32 $0x80, v0;
	v4 =	vld.idx.msk [tilespmem:v4+s12+$0x0], $0xffff  }
0x34b: {  	s0 =	sadd.s32 $0x3, s20;
	v11 =	vadd.s32 v13, v38  }
0x34c: {  	v16 =	vmov s0  }
0x34d: {  	[tilespmem:s1+$0x50] =	vst v14  }
0x34e: {  	v15 =	vld.idx.msk [tilespmem:v15+s12+$0x0], $0xffff  }
0x34f: {  	v17 =	vadd.s32 v12, v40;
	v42 =	vld.idx.msk [tilespmem:v3+s17+$0x0], $0xffff;
	[tilespmem:s5+$0x70] =	vst v4  }
0x350: {  	v14 =	vor.u32 $0x90, v0;
	v3 =	vld.idx.msk [tilespmem:v11+s12+$0x0], $0xffff  }
0x351: {  	v41 =	vld.idx.msk [tilespmem:v16+s17+$0x0], $0xffff;
	v4 =	vadd.s32 v14, v38;
	_ =	sdelay $0x1  }
0x352: {  	[tilespmem:s1+$0x60] =	vst v15  }
0x353: {  	v11 =	vld.idx.msk [tilespmem:v17+s12+$0x0], $0xffff;
	v16 =	vadd.s32 v0, v42  }
0x354: {  	v17 =	vadd.s32 v13, v40;
	[tilespmem:s5+$0x400] =	vst v3  }
0x355: {  	v15 =	vor.u32 $0xA0, v0;
	v3 =	vadd.s32 v0, v41;
	v4 =	vld.idx.msk [tilespmem:v4+s12+$0x0], $0xffff  }
0x356: {  	v18 =	vadd.s32 v15, v38;
	_ =	sdelay $0x1  }
0x357: {  	[tilespmem:s1+$0x70] =	vst v11;
	v11 =	vld.idx.msk [tilespmem:v16+s12+$0x0], $0xffff  }
0x358: {  	s3 =	simm.s32 $0x400;
	v19 =	vadd.s32 v5, v42;
	v16 =	vld.idx.msk [tilespmem:v17+s12+$0x0], $0xffff  }
0x359: {  	s7 =	simm.s32 $0x100;
	s0 =	sand.u32 $0x7000, s3;
	v20 =	vadd.s32 v14, v40;
	v3 =	vld.idx.msk [tilespmem:v3+s12+$0x0], $0xffff;
	[tilespmem:s5+$0x410] =	vst v4  }
0x35a: {  	s0 =	sor.u32 $0xD80, s0;
	s2 =	sand.u32 $0x300, s7;
	v17 =	vor.u32 $0xB0, v0;
	v4 =	vadd.s32 v5, v41;
	v18 =	vld.idx.msk [tilespmem:v18+s12+$0x0], $0xffff  }
0x35b: {  	s3 =	simm.s32 $0x180;
	s2 =	sadd.s32 s2, s0;
	v21 =	vadd.s32 v17, v38  }
0x35c: {  	s3 =	sand.u32 $0x380, s3;
	[tilespmem:s2+$0x0] =	vst v11  }
0x35d: {  	s0 =	sadd.s32 s3, s0;
	[tilespmem:s1+$0x400] =	vst v16;
	v11 =	vld.idx.msk [tilespmem:v19+s12+$0x0], $0xffff  }
0x35e: {  	v16 =	vld.idx.msk [tilespmem:v20+s12+$0x0], $0xffff;
	[tilespmem:s0+$0x0] =	vst v3;
	v3 =	vadd.s32 v6, v42  }
0x35f: {  	v19 =	vadd.s32 v15, v40;
	v4 =	vld.idx.msk [tilespmem:v4+s12+$0x0], $0xffff;
	[tilespmem:s5+$0x420] =	vst v18  }
0x360: {  	v20 =	vadd.s32 v6, v41;
	v18 =	vor.u32 $0xC0, v0;
	v21 =	vld.idx.msk [tilespmem:v21+s12+$0x0], $0xffff  }
0x361: {  	v22 =	vadd.s32 v18, v38  }
0x362: {  	[tilespmem:s2+$0x10] =	vst v11  }
0x363: {  	[tilespmem:s1+$0x410] =	vst v16;
	v3 =	vld.idx.msk [tilespmem:v3+s12+$0x0], $0xffff  }
0x364: {  	v11 =	vld.idx.msk [tilespmem:v19+s12+$0x0], $0xffff;
	[tilespmem:s0+$0x10] =	vst v4;
	v4 =	vadd.s32 v7, v42  }
0x365: {  	v16 =	vadd.s32 v17, v40;
	v20 =	vld.idx.msk [tilespmem:v20+s12+$0x0], $0xffff;
	[tilespmem:s5+$0x430] =	vst v21  }
0x366: {  	v19 =	vor.u32 $0xD0, v0;
	v21 =	vadd.s32 v7, v41;
	v22 =	vld.idx.msk [tilespmem:v22+s12+$0x0], $0xffff  }
0x367: {  	v23 =	vadd.s32 v19, v38  }
0x368: {  	[tilespmem:s2+$0x20] =	vst v3  }
0x369: {  	[tilespmem:s1+$0x420] =	vst v11;
	v3 =	vld.idx.msk [tilespmem:v4+s12+$0x0], $0xffff  }
0x36a: {  	v11 =	vadd.s32 v8, v42;
	v4 =	vld.idx.msk [tilespmem:v16+s12+$0x0], $0xffff;
	[tilespmem:s0+$0x20] =	vst v20  }
0x36b: {  	v16 =	vadd.s32 v18, v40;
	v21 =	vld.idx.msk [tilespmem:v21+s12+$0x0], $0xffff;
	[tilespmem:s5+$0x440] =	vst v22  }
0x36c: {  	v20 =	vor.u32 $0xE0, v0;
	v22 =	vadd.s32 v8, v41;
	v23 =	vld.idx.msk [tilespmem:v23+s12+$0x0], $0xffff  }
0x36d: {  	v24 =	vadd.s32 v20, v38  }
0x36e: {  	[tilespmem:s2+$0x30] =	vst v3  }
0x36f: {  	[tilespmem:s1+$0x430] =	vst v4;
	v3 =	vld.idx.msk [tilespmem:v11+s12+$0x0], $0xffff  }
0x370: {  	v4 =	vld.idx.msk [tilespmem:v16+s12+$0x0], $0xffff;
	[tilespmem:s0+$0x30] =	vst v21;
	v11 =	vadd.s32 v9, v42  }
0x371: {  	v16 =	vadd.s32 v19, v40;
	v22 =	vld.idx.msk [tilespmem:v22+s12+$0x0], $0xffff;
	[tilespmem:s5+$0x450] =	vst v23  }
0x372: {  	v21 =	vor.u32 $0xF0, v0;
	v23 =	vadd.s32 v9, v41;
	v24 =	vld.idx.msk [tilespmem:v24+s12+$0x0], $0xffff  }
0x373: {  	v25 =	vadd.s32 v21, v38  }
0x374: {  	[tilespmem:s2+$0x40] =	vst v3  }
0x375: {  	[tilespmem:s1+$0x440] =	vst v4;
	v3 =	vld.idx.msk [tilespmem:v11+s12+$0x0], $0xffff  }
0x376: {  	v4 =	vld.idx.msk [tilespmem:v16+s12+$0x0], $0xffff;
	[tilespmem:s0+$0x40] =	vst v22;
	v11 =	vadd.s32 v10, v42  }
0x377: {  	v16 =	vadd.s32 v20, v40;
	v23 =	vld.idx.msk [tilespmem:v23+s12+$0x0], $0xffff;
	[tilespmem:s5+$0x460] =	vst v24  }
0x378: {  	v22 =	vor.u32 $0x100, v0;
	v24 =	vadd.s32 v10, v41;
	v25 =	vld.idx.msk [tilespmem:v25+s12+$0x0], $0xffff  }
0x379: {  	v26 =	vadd.s32 v22, v38  }
0x37a: {  	[tilespmem:s2+$0x50] =	vst v3  }
0x37b: {  	s8 =	sadd.s32 $0x2, s23;
	[tilespmem:s1+$0x450] =	vst v4;
	v3 =	vld.idx.msk [tilespmem:v11+s12+$0x0], $0xffff  }
0x37c: {  	s7 =	sadd.s32 $0x2, s8;
	v4 =	vld.idx.msk [tilespmem:v16+s12+$0x0], $0xffff;
	[tilespmem:s0+$0x50] =	vst v23;
	v11 =	vadd.s32 v12, v42  }
0x37d: {  	v16 =	vadd.s32 v21, v40;
	v24 =	vld.idx.msk [tilespmem:v24+s12+$0x0], $0xffff;
	[tilespmem:s5+$0x470] =	vst v25;
	v25 =	vmov s7  }
0x37e: {  	v27 =	vadd.s32 v12, v41;
	v23 =	vor.u32 $0x110, v0;
	v26 =	vld.idx.msk [tilespmem:v26+s12+$0x0], $0xffff;
	v25 =	vand.u32 $0xFFFFFFFE, v25  }
0x37f: {  	v28 =	vadd.s32 v23, v38;
	v25 =	vbroadcast v25, $0x0  }
0x380: {  	s3 =	sadd.s32 $0x3, s8;
	[tilespmem:s2+$0x60] =	vst v3  }
0x381: {  	[tilespmem:s1+$0x460] =	vst v4;
	v3 =	vmov s3;
	v11 =	vld.idx.msk [tilespmem:v11+s12+$0x0], $0xffff  }
0x382: {  	v29 =	vadd.s32 v13, v42;
	v16 =	vld.idx.msk [tilespmem:v16+s12+$0x0], $0xffff;
	[tilespmem:s0+$0x60] =	vst v24  }
0x383: {  	v30 =	vadd.s32 v22, v40;
	v27 =	vld.idx.msk [tilespmem:v27+s12+$0x0], $0xffff;
	[tilespmem:s5+$0x800] =	vst v26  }
0x384: {  	v24 =	vor.u32 $0x120, v0;
	v26 =	vld.idx.msk [tilespmem:v28+s12+$0x0], $0xffff  }
0x385: {  	v4 =	vld.idx.msk [tilespmem:v25+s17+$0x0], $0xffff;
	v25 =	vadd.s32 v24, v38  }
0x386: {  	v3 =	vld.idx.msk [tilespmem:v3+s17+$0x0], $0xffff;
	[tilespmem:s2+$0x70] =	vst v11  }
0x387: {  	v11 =	vadd.s32 v13, v41;
	[tilespmem:s1+$0x470] =	vst v16;
	v16 =	vld.idx.msk [tilespmem:v29+s12+$0x0], $0xffff  }
0x388: {  	v28 =	vld.idx.msk [tilespmem:v30+s12+$0x0], $0xffff;
	v29 =	vadd.s32 v14, v42  }
0x389: {  	v30 =	vadd.s32 v23, v40;
	[tilespmem:s5+$0x810] =	vst v26  }
0x38a: {  	v26 =	vld.idx.msk [tilespmem:v25+s12+$0x0], $0xffff;
	v31 =	vadd.s32 v0, v4;
	v25 =	vor.u32 $0x130, v0  }
0x38b: {  	[tilespmem:s0+$0x70] =	vst v27;
	v27 =	vadd.s32 v25, v38  }
0x38c: {  	v32 =	vadd.s32 v0, v3;
	v11 =	vld.idx.msk [tilespmem:v11+s12+$0x0], $0xffff;
	[tilespmem:s2+$0x400] =	vst v16  }
0x38d: {  	v16 =	vadd.s32 v14, v41;
	[tilespmem:s1+$0x800] =	vst v28;
	v28 =	vld.idx.msk [tilespmem:v29+s12+$0x0], $0xffff  }
0x38e: {  	v29 =	vld.idx.msk [tilespmem:v30+s12+$0x0], $0xffff;
	v30 =	vadd.s32 v15, v42  }
0x38f: {  	v33 =	vadd.s32 v24, v40;
	v31 =	vld.idx.msk [tilespmem:v31+s12+$0x0], $0xffff;
	[tilespmem:s5+$0x820] =	vst v26  }
0x390: {  	s10 =	simm.s32 $0x800;
	v34 =	vadd.s32 v5, v4;
	v26 =	vor.u32 $0x140, v0;
	v27 =	vld.idx.msk [tilespmem:v27+s12+$0x0], $0xffff  }
0x391: {  	s11 =	simm.s32 $0x200;
	s3 =	sand.u32 $0x7000, s10;
	[tilespmem:s0+$0x400] =	vst v11;
	v11 =	vld.idx.msk [tilespmem:v32+s12+$0x0], $0xffff;
	v47 =	vadd.s32 v26, v38  }
0x392: {  	s7 =	sand.u32 $0x300, s11;
	s8 =	sor.u32 $0xD80, s3;
	v35 =	vadd.s32 v5, v3;
	v16 =	vld.idx.msk [tilespmem:v16+s12+$0x0], $0xffff;
	[tilespmem:s2+$0x410] =	vst v28  }
0x393: {  	s10 =	simm.s32 $0x280;
	s3 =	sadd.s32 s7, s8;
	v28 =	vadd.s32 v15, v41;
	[tilespmem:s1+$0x810] =	vst v29;
	v29 =	vld.idx.msk [tilespmem:v30+s12+$0x0], $0xffff  }
0x394: {  	s13 =	sand.u32 $0x380, s10;
	v30 =	vld.idx.msk [tilespmem:v33+s12+$0x0], $0xffff;
	[tilespmem:s3+$0x0] =	vst v31;
	v31 =	vadd.s32 v17, v42  }
0x395: {  	s28 =	sadd.s32 s13, s8;
	v48 =	vadd.s32 v25, v40;
	v36 =	vld.idx.msk [tilespmem:v34+s12+$0x0], $0xffff;
	[tilespmem:s5+$0x830] =	vst v27  }
0x396: {  	[tilespmem:s28+$0x0] =	vst v11;
	v27 =	vadd.s32 v6, v4;
	v34 =	vor.u32 $0x150, v0;
	v11 =	vld.idx.msk [tilespmem:v47+s12+$0x0], $0xffff  }
0x397: {  	v49 =	vld.idx.msk [tilespmem:v35+s12+$0x0], $0xffff;
	[tilespmem:s0+$0x410] =	vst v16;
	v16 =	vadd.s32 v34, v38  }
0x398: {  	v50 =	vadd.s32 v6, v3;
	v28 =	vld.idx.msk [tilespmem:v28+s12+$0x0], $0xffff;
	[tilespmem:s2+$0x420] =	vst v29  }
0x399: {  	v29 =	vadd.s32 v17, v41;
	[tilespmem:s1+$0x820] =	vst v30;
	v31 =	vld.idx.msk [tilespmem:v31+s12+$0x0], $0xffff  }
0x39a: {  	v30 =	vadd.s32 v18, v42;
	v33 =	vld.idx.msk [tilespmem:v48+s12+$0x0], $0xffff;
	[tilespmem:s3+$0x10] =	vst v36  }
0x39b: {  	v37 =	vadd.s32 v26, v40;
	v27 =	vld.idx.msk [tilespmem:v27+s12+$0x0], $0xffff;
	[tilespmem:s5+$0x840] =	vst v11  }
0x39c: {  	v36 =	vor.u32 $0x160, v0;
	[tilespmem:s28+$0x10] =	vst v49;
	v11 =	vld.idx.msk [tilespmem:v16+s12+$0x0], $0xffff;
	v16 =	vadd.s32 v7, v4  }
0x39d: {  	v32 =	vld.idx.msk [tilespmem:v50+s12+$0x0], $0xffff;
	[tilespmem:s0+$0x420] =	vst v28;
	v28 =	vadd.s32 v36, v38  }
0x39e: {  	v51 =	vadd.s32 v7, v3;
	v29 =	vld.idx.msk [tilespmem:v29+s12+$0x0], $0xffff;
	[tilespmem:s2+$0x430] =	vst v31  }
0x39f: {  	v31 =	vadd.s32 v18, v41;
	[tilespmem:s1+$0x830] =	vst v33;
	v30 =	vld.idx.msk [tilespmem:v30+s12+$0x0], $0xffff  }
0x3a0: {  	v33 =	vld.idx.msk [tilespmem:v37+s12+$0x0], $0xffff;
	[tilespmem:s3+$0x20] =	vst v27;
	v27 =	vadd.s32 v19, v42  }
0x3a1: {  	v39 =	vadd.s32 v34, v40;
	v16 =	vld.idx.msk [tilespmem:v16+s12+$0x0], $0xffff;
	[tilespmem:s5+$0x850] =	vst v11  }
0x3a2: {  	v37 =	vor.u32 $0x170, v0;
	[tilespmem:s28+$0x20] =	vst v32;
	v11 =	vld.idx.msk [tilespmem:v28+s12+$0x0], $0xffff;
	v28 =	vadd.s32 v8, v4  }
0x3a3: {  	v32 =	vld.idx.msk [tilespmem:v51+s12+$0x0], $0xffff;
	[tilespmem:s0+$0x430] =	vst v29;
	v29 =	vadd.s32 v37, v38  }
0x3a4: {  	v43 =	vadd.s32 v8, v3;
	[tilespmem:s2+$0x440] =	vst v30;
	v30 =	vld.idx.msk [tilespmem:v31+s12+$0x0], $0xffff  }
0x3a5: {  	v31 =	vadd.s32 v19, v41;
	[tilespmem:s1+$0x840] =	vst v33;
	v27 =	vld.idx.msk [tilespmem:v27+s12+$0x0], $0xffff  }
0x3a6: {  	v33 =	vld.idx.msk [tilespmem:v39+s12+$0x0], $0xffff;
	[tilespmem:s3+$0x30] =	vst v16;
	v16 =	vadd.s32 v20, v42  }
0x3a7: {  	v52 =	vadd.s32 v36, v40;
	v28 =	vld.idx.msk [tilespmem:v28+s12+$0x0], $0xffff;
	[tilespmem:s5+$0x860] =	vst v11  }
0x3a8: {  	v35 =	vor.u32 $0x180, v0;
	[tilespmem:s28+$0x30] =	vst v32;
	v11 =	vld.idx.msk [tilespmem:v29+s12+$0x0], $0xffff;
	v29 =	vadd.s32 v9, v4  }
0x3a9: {  	v32 =	vld.idx.msk [tilespmem:v43+s12+$0x0], $0xffff;
	[tilespmem:s0+$0x440] =	vst v30;
	v30 =	vadd.s32 v35, v38  }
0x3aa: {  	v53 =	vadd.s32 v9, v3;
	[tilespmem:s2+$0x450] =	vst v27;
	v27 =	vld.idx.msk [tilespmem:v31+s12+$0x0], $0xffff  }
0x3ab: {  	v44 =	vadd.s32 v20, v41;
	[tilespmem:s1+$0x850] =	vst v33;
	v16 =	vld.idx.msk [tilespmem:v16+s12+$0x0], $0xffff  }
0x3ac: {  	v33 =	vld.idx.msk [tilespmem:v52+s12+$0x0], $0xffff;
	[tilespmem:s3+$0x40] =	vst v28;
	v28 =	vadd.s32 v21, v42  }
0x3ad: {  	v54 =	vadd.s32 v37, v40;
	v29 =	vld.idx.msk [tilespmem:v29+s12+$0x0], $0xffff;
	[tilespmem:s5+$0x870] =	vst v11  }
0x3ae: {  	v31 =	vor.u32 $0x190, v0;
	[tilespmem:s28+$0x40] =	vst v32;
	v11 =	vld.idx.msk [tilespmem:v30+s12+$0x0], $0xffff;
	v30 =	vadd.s32 v10, v4  }
0x3af: {  	s15 =	sand.u32 $0x3, s22;
	v32 =	vld.idx.msk [tilespmem:v53+s12+$0x0], $0xffff;
	[tilespmem:s0+$0x450] =	vst v27;
	v27 =	vadd.s32 v31, v38  }
0x3b0: {  	v55 =	vadd.s32 v10, v3;
	s5 =	sshll.u32 s15, $0x8;
	[tilespmem:s2+$0x460] =	vst v16;
	v16 =	vld.idx.msk [tilespmem:v44+s12+$0x0], $0xffff  }
0x3b1: {  	v56 =	vadd.s32 v21, v41;
	s5 =	sadd.s32 $0x0, s5;
	[tilespmem:s1+$0x860] =	vst v33;
	v45 =	vld.idx.msk [tilespmem:v28+s12+$0x0], $0xffff  }
0x3b2: {  	s16 =	sor.u32 $0xC00, s5;
	v33 =	vld.idx.msk [tilespmem:v54+s12+$0x0], $0xffff;
	[tilespmem:s3+$0x50] =	vst v29;
	v29 =	vadd.s32 v22, v42  }
0x3b3: {  	s18 =	sadd.s32 $0x4, s23;
	v58 =	vadd.s32 v35, v40;
	v30 =	vld.idx.msk [tilespmem:v30+s12+$0x0], $0xffff;
	[tilespmem:s16+$0xD80] =	vst v11  }
0x3b4: {  	s7 =	sadd.s32 $0x3, s18;
	[tilespmem:s28+$0x50] =	vst v32;
	v11 =	vld.idx.msk [tilespmem:v27+s12+$0x0], $0xffff;
	v27 =	vadd.s32 v12, v4  }
0x3b5: {  	s19 =	sadd.s32 $0x2, s18;
	v46 =	vmov s7;
	v28 =	vor.u32 $0x1A0, v0;
	v32 =	vld.idx.msk [tilespmem:v55+s12+$0x0], $0xffff;
	[tilespmem:s0+$0x460] =	vst v16  }
0x3b6: {  	v60 =	vmov s19;
	v16 =	vadd.s32 v28, v38;
	[tilespmem:s2+$0x470] =	vst v45;
	v44 =	vld.idx.msk [tilespmem:v56+s12+$0x0], $0xffff  }
0x3b7: {  	v61 =	vand.u32 $0xFFFFFFFE, v60;
	v59 =	vadd.s32 v12, v3;
	[tilespmem:s1+$0x870] =	vst v33;
	v29 =	vld.idx.msk [tilespmem:v29+s12+$0x0], $0xffff  }
0x3b8: {  	v47 =	vadd.s32 v22, v41;
	v33 =	vbroadcast v61, $0x0;
	v39 =	vld.idx.msk [tilespmem:v58+s12+$0x0], $0xffff;
	[tilespmem:s3+$0x60] =	vst v30  }
0x3b9: {  	s20 =	sor.u32 $0xC10, s5;
	v27 =	vld.idx.msk [tilespmem:v27+s12+$0x0], $0xffff  }
0x3ba: {  	v62 =	vadd.s32 v23, v42;
	[tilespmem:s20+$0xD80] =	vst v11;
	v11 =	vld.idx.msk [tilespmem:v46+s17+$0x0], $0xffff  }
0x3bb: {  	s7 =	sand.u32 $0x7, s22;
	v54 =	vadd.s32 v31, v40;
	[tilespmem:s28+$0x60] =	vst v32;
	v63 =	vld.idx.msk [tilespmem:v16+s12+$0x0], $0xffff  }
0x3bc: {  	v48 =	vadd.s32 v13, v4;
	s1 =	sshll.u32 s7, $0x7;
	v43 =	vld.idx.msk [tilespmem:v59+s12+$0x0], $0xffff;
	[tilespmem:s0+$0x470] =	vst v44  }
0x3bd: {  	v52 =	vadd.s32 v13, v3;
	s29 =	sadd.s32 $0x80, s1;
	v30 =	vor.u32 $0x1B0, v0;
	v47 =	vld.idx.msk [tilespmem:v47+s12+$0x0], $0xffff  }
0x3be: {  	s1 =	sor.u32 $0xC00, s29;
	[tilespmem:s2+$0x800] =	vst v29;
	v29 =	vadd.s32 v30, v38;
	v16 =	vld.idx.msk [tilespmem:v33+s17+$0x0], $0xffff  }
0x3bf: {  	v55 =	vadd.s32 v23, v41;
	[tilespmem:s1+$0xD80] =	vst v39;
	v53 =	vld.idx.msk [tilespmem:v62+s12+$0x0], $0xffff  }
0x3c0: {  	v44 =	vld.idx.msk [tilespmem:v54+s12+$0x0], $0xffff;
	[tilespmem:s3+$0x70] =	vst v27;
	v27 =	vadd.s32 v24, v42  }
0x3c1: {  	s8 =	sor.u32 $0xC20, s5;
	v49 =	vadd.s32 v0, v11;
	v48 =	vld.idx.msk [tilespmem:v48+s12+$0x0], $0xffff;
	[tilespmem:s28+$0x70] =	vst v43  }
0x3c2: {  	v56 =	vadd.s32 v14, v4;
	[tilespmem:s8+$0xD80] =	vst v63;
	v58 =	vld.idx.msk [tilespmem:v52+s12+$0x0], $0xffff  }
0x3c3: {  	v32 =	vld.idx.msk [tilespmem:v29+s12+$0x0], $0xffff;
	[tilespmem:s0+$0x800] =	vst v47;
	v61 =	vadd.s32 v0, v16  }
0x3c4: {  	v50 =	vadd.s32 v14, v3;
	v29 =	vor.u32 $0x1C0, v0;
	[tilespmem:s2+$0x810] =	vst v53;
	v33 =	vld.idx.msk [tilespmem:v55+s12+$0x0], $0xffff  }
0x3c5: {  	v59 =	vadd.s32 v29, v38;
	v60 =	vld.idx.msk [tilespmem:v27+s12+$0x0], $0xffff  }
0x3c6: {  	v63 =	vadd.s32 v24, v41;
	v49 =	vld.idx.msk [tilespmem:v49+s12+$0x0], $0xffff;
	[tilespmem:s3+$0x400] =	vst v48  }
0x3c7: {  	v62 =	vadd.s32 v25, v42;
	v43 =	vld.idx.msk [tilespmem:v56+s12+$0x0], $0xffff  }
0x3c8: {  	s30 =	simm.s32 $0xC00;
	s10 =	sor.u32 $0xC30, s5;
	v53 =	vadd.s32 v5, v11;
	[tilespmem:s28+$0x400] =	vst v58;
	v47 =	vld.idx.msk [tilespmem:v61+s12+$0x0], $0xffff  }
0x3c9: {  	s11 =	sand.u32 $0x7000, s30;
	s13 =	simm.s32 $0x300;
	s18 =	simm.s32 $0x380;
	v51 =	vadd.s32 v15, v4;
	[tilespmem:s10+$0xD80] =	vst v32;
	v48 =	vld.idx.msk [tilespmem:v50+s12+$0x0], $0xffff  }
0x3ca: {  	s7 =	sand.u32 $0x300, s13;
	s1 =	sor.u32 $0xD80, s11;
	s8 =	sand.u32 $0x380, s18;
	v27 =	vor.u32 $0x1D0, v0;
	v46 =	vld.idx.msk [tilespmem:v59+s12+$0x0], $0xffff;
	[tilespmem:s0+$0x810] =	vst v33;
	v59 =	vadd.s32 v5, v16  }
0x3cb: {  	s7 =	sadd.s32 s7, s1;
	s1 =	sadd.s32 s8, s1;
	v56 =	vadd.s32 v27, v38;
	[tilespmem:s2+$0x820] =	vst v60;
	v50 =	vld.idx.msk [tilespmem:v63+s12+$0x0], $0xffff  }
0x3cc: {  	v52 =	vadd.s32 v28, v40;
	[tilespmem:s1+$0x0] =	vst v49;
	v58 =	vld.idx.msk [tilespmem:v62+s12+$0x0], $0xffff  }
0x3cd: {  	v61 =	vadd.s32 v15, v3;
	v53 =	vld.idx.msk [tilespmem:v53+s12+$0x0], $0xffff;
	[tilespmem:s3+$0x410] =	vst v43  }
0x3ce: {  	s15 =	sor.u32 $0xC40, s5;
	v60 =	vadd.s32 v26, v42;
	v51 =	vld.idx.msk [tilespmem:v51+s12+$0x0], $0xffff;
	[tilespmem:s7+$0x0] =	vst v47  }
0x3cf: {  	s16 =	sor.u32 $0xC10, s29;
	v63 =	vadd.s32 v17, v4;
	[tilespmem:s15+$0xD80] =	vst v46;
	v33 =	vld.idx.msk [tilespmem:v59+s12+$0x0], $0xffff  }
0x3d0: {  	[tilespmem:s16+$0xD80] =	vst v44;
	v32 =	vor.u32 $0x1E0, v0;
	v59 =	vadd.s32 v6, v16;
	v62 =	vld.idx.msk [tilespmem:v56+s12+$0x0], $0xffff  }
0x3d1: {  	v47 =	vld.idx.msk [tilespmem:v52+s12+$0x0], $0xffff;
	[tilespmem:s28+$0x410] =	vst v48;
	v56 =	vadd.s32 v32, v38  }
0x3d2: {  	v46 =	vld.idx.msk [tilespmem:v61+s12+$0x0], $0xffff;
	[tilespmem:s2+$0x830] =	vst v58;
	v58 =	vadd.s32 v25, v41  }
0x3d3: {  	v61 =	vadd.s32 v6, v11;
	v43 =	vld.idx.msk [tilespmem:v60+s12+$0x0], $0xffff;
	[tilespmem:s3+$0x420] =	vst v51  }
0x3d4: {  	s19 =	sor.u32 $0xC50, s5;
	v60 =	vadd.s32 v34, v42;
	v45 =	vld.idx.msk [tilespmem:v63+s12+$0x0], $0xffff;
	[tilespmem:s7+$0x10] =	vst v33  }
0x3d5: {  	[tilespmem:s19+$0xD80] =	vst v62;
	v62 =	vadd.s32 v17, v3;
	v49 =	vld.idx.msk [tilespmem:v59+s12+$0x0], $0xffff  }
0x3d6: {  	[tilespmem:s0+$0x820] =	vst v50;
	v63 =	vadd.s32 v18, v4;
	v39 =	vld.idx.msk [tilespmem:v56+s12+$0x0], $0xffff  }
0x3d7: {  	[tilespmem:s1+$0x10] =	vst v53;
	v33 =	vor.u32 $0x1F0, v0;
	v52 =	vld.idx.msk [tilespmem:v58+s12+$0x0], $0xffff;
	v58 =	vadd.s32 v7, v16  }
0x3d8: {  	v51 =	vld.idx.msk [tilespmem:v61+s12+$0x0], $0xffff;
	v38 =	vadd.s32 v33, v38;
	[tilespmem:s2+$0x840] =	vst v43  }
0x3d9: {  	v54 =	vadd.s32 v26, v41;
	[tilespmem:s28+$0x420] =	vst v46;
	v48 =	vld.idx.msk [tilespmem:v60+s12+$0x0], $0xffff  }
0x3da: {  	v60 =	vadd.s32 v7, v11;
	[tilespmem:s3+$0x430] =	vst v45;
	v44 =	vld.idx.msk [tilespmem:v62+s12+$0x0], $0xffff  }
0x3db: {  	s20 =	sor.u32 $0xC60, s5;
	v59 =	vadd.s32 v36, v42;
	v50 =	vld.idx.msk [tilespmem:v63+s12+$0x0], $0xffff;
	[tilespmem:s7+$0x20] =	vst v49  }
0x3dc: {  	v61 =	vadd.s32 v18, v3;
	[tilespmem:s20+$0xD80] =	vst v39;
	v53 =	vld.idx.msk [tilespmem:v58+s12+$0x0], $0xffff  }
0x3dd: {  	v62 =	vadd.s32 v19, v4;
	[tilespmem:s0+$0x830] =	vst v52;
	v43 =	vld.idx.msk [tilespmem:v38+s12+$0x0], $0xffff  }
0x3de: {  	[tilespmem:s1+$0x20] =	vst v51;
	v58 =	vadd.s32 v8, v16;
	v63 =	vld.idx.msk [tilespmem:v54+s12+$0x0], $0xffff  }
0x3df: {  	v56 =	vadd.s32 v34, v41;
	[tilespmem:s2+$0x850] =	vst v48;
	v46 =	vld.idx.msk [tilespmem:v60+s12+$0x0], $0xffff  }
0x3e0: {  	v60 =	vadd.s32 v8, v11;
	v45 =	vld.idx.msk [tilespmem:v59+s12+$0x0], $0xffff;
	[tilespmem:s28+$0x430] =	vst v44  }
0x3e1: {  	v59 =	vadd.s32 v37, v42;
	[tilespmem:s3+$0x440] =	vst v50;
	v39 =	vld.idx.msk [tilespmem:v61+s12+$0x0], $0xffff  }
0x3e2: {  	v61 =	vadd.s32 v19, v3;
	v38 =	vld.idx.msk [tilespmem:v62+s12+$0x0], $0xffff;
	[tilespmem:s7+$0x30] =	vst v53  }
0x3e3: {  	v62 =	vadd.s32 v20, v4;
	[tilespmem:s0+$0x840] =	vst v63;
	v48 =	vld.idx.msk [tilespmem:v58+s12+$0x0], $0xffff  }
0x3e4: {  	v63 =	vadd.s32 v30, v40;
	v52 =	vld.idx.msk [tilespmem:v56+s12+$0x0], $0xffff;
	[tilespmem:s1+$0x30] =	vst v46  }
0x3e5: {  	v58 =	vadd.s32 v9, v16;
	[tilespmem:s2+$0x860] =	vst v45;
	v51 =	vld.idx.msk [tilespmem:v60+s12+$0x0], $0xffff  }
0x3e6: {  	v56 =	vadd.s32 v36, v41;
	v44 =	vld.idx.msk [tilespmem:v59+s12+$0x0], $0xffff;
	[tilespmem:s28+$0x440] =	vst v39  }
0x3e7: {  	s10 =	sor.u32 $0xC20, s29;
	v60 =	vadd.s32 v9, v11;
	[tilespmem:s3+$0x450] =	vst v38;
	v38 =	vld.idx.msk [tilespmem:v61+s12+$0x0], $0xffff  }
0x3e8: {  	[tilespmem:s10+$0xD80] =	vst v47;
	v59 =	vadd.s32 v35, v42;
	v49 =	vld.idx.msk [tilespmem:v62+s12+$0x0], $0xffff  }
0x3e9: {  	v61 =	vadd.s32 v20, v3;
	v62 =	vld.idx.msk [tilespmem:v63+s12+$0x0], $0xffff;
	[tilespmem:s7+$0x40] =	vst v48  }
0x3ea: {  	v63 =	vadd.s32 v21, v4;
	[tilespmem:s0+$0x850] =	vst v52;
	v46 =	vld.idx.msk [tilespmem:v58+s12+$0x0], $0xffff  }
0x3eb: {  	v45 =	vld.idx.msk [tilespmem:v56+s12+$0x0], $0xffff;
	v56 =	vadd.s32 v29, v40;
	[tilespmem:s1+$0x40] =	vst v51  }
0x3ec: {  	v58 =	vadd.s32 v37, v41;
	[tilespmem:s2+$0x870] =	vst v44;
	v50 =	vld.idx.msk [tilespmem:v60+s12+$0x0], $0xffff  }
0x3ed: {  	s11 =	simm.s32 $0x1;
	v39 =	vld.idx.msk [tilespmem:v59+s12+$0x0], $0xffff;
	v59 =	vadd.s32 v10, v16;
	[tilespmem:s28+$0x450] =	vst v38  }
0x3ee: {  	s13 =	sor.u32 $0xC30, s29;
	s2 =	sand.u32 $0x3, s11;
	v60 =	vadd.s32 v31, v42;
	[tilespmem:s3+$0x460] =	vst v49;
	v38 =	vld.idx.msk [tilespmem:v61+s12+$0x0], $0xffff  }
0x3ef: {  	s2 =	sshll.u32 s2, $0x8;
	[tilespmem:s13+$0xD80] =	vst v62;
	v61 =	vadd.s32 v10, v11;
	v48 =	vld.idx.msk [tilespmem:v63+s12+$0x0], $0xffff  }
0x3f0: {  	v62 =	vadd.s32 v21, v3;
	s10 =	sadd.s32 $0x400, s2;
	[tilespmem:s0+$0x860] =	vst v45;
	v63 =	vld.idx.msk [tilespmem:v56+s12+$0x0], $0xffff  }
0x3f1: {  	[tilespmem:s7+$0x50] =	vst v46;
	s2 =	sor.u32 $0xC00, s10;
	v56 =	vadd.s32 v22, v4;
	v44 =	vld.idx.msk [tilespmem:v58+s12+$0x0], $0xffff  }
0x3f2: {  	v58 =	vadd.s32 v27, v40;
	v51 =	vld.idx.msk [tilespmem:v59+s12+$0x0], $0xffff;
	[tilespmem:s2+$0xD80] =	vst v39  }
0x3f3: {  	[tilespmem:s1+$0x50] =	vst v50;
	v59 =	vadd.s32 v35, v41;
	v47 =	vld.idx.msk [tilespmem:v60+s12+$0x0], $0xffff  }
0x3f4: {  	v50 =	vadd.s32 v12, v16;
	v49 =	vld.idx.msk [tilespmem:v61+s12+$0x0], $0xffff;
	[tilespmem:s28+$0x460] =	vst v38  }
0x3f5: {  	s16 =	sor.u32 $0xC40, s29;
	s15 =	sadd.s32 $0x6, s23;
	v60 =	vadd.s32 v28, v42;
	[tilespmem:s3+$0x470] =	vst v48;
	v48 =	vld.idx.msk [tilespmem:v62+s12+$0x0], $0xffff  }
0x3f6: {  	s11 =	sadd.s32 $0x2, s15;
	s2 =	sadd.s32 $0x3, s15;
	v61 =	vadd.s32 v12, v11;
	v46 =	vld.idx.msk [tilespmem:v56+s12+$0x0], $0xffff;
	[tilespmem:s16+$0xD80] =	vst v63  }
0x3f7: {  	v62 =	vmov s11;
	v63 =	vmov s2;
	[tilespmem:s0+$0x870] =	vst v44;
	v44 =	vld.idx.msk [tilespmem:v58+s12+$0x0], $0xffff  }
0x3f8: {  	s18 =	sor.u32 $0xC10, s10;
	v45 =	vand.u32 $0xFFFFFFFE, v62;
	v58 =	vadd.s32 v23, v4;
	[tilespmem:s7+$0x60] =	vst v51;
	v53 =	vld.idx.msk [tilespmem:v59+s12+$0x0], $0xffff  }
0x3f9: {  	v59 =	vadd.s32 v22, v3;
	v45 =	vbroadcast v45, $0x0;
	v50 =	vld.idx.msk [tilespmem:v50+s12+$0x0], $0xffff;
	[tilespmem:s18+$0xD80] =	vst v47  }
0x3fa: {  	[tilespmem:s1+$0x60] =	vst v49;
	v47 =	vld.idx.msk [tilespmem:v60+s12+$0x0], $0xffff  }
0x3fb: {  	v60 =	vadd.s32 v13, v16;
	v52 =	vld.idx.msk [tilespmem:v61+s12+$0x0], $0xffff  }
0x3fc: {  	s0 =	simm.s32 $0x2;
	v38 =	vld.idx.msk [tilespmem:v63+s17+$0x0], $0xffff;
	[tilespmem:s3+$0x800] =	vst v46;
	v61 =	vadd.s32 v30, v42  }
0x3fd: {  	s19 =	sand.u32 $0x7, s0;
	[tilespmem:s28+$0x470] =	vst v48;
	v63 =	vadd.s32 v31, v41;
	v62 =	vld.idx.msk [tilespmem:v58+s12+$0x0], $0xffff  }
0x3fe: {  	v54 =	vadd.s32 v13, v11;
	s2 =	sshll.u32 s19, $0x7;
	v55 =	vld.idx.msk [tilespmem:v59+s12+$0x0], $0xffff  }
0x3ff: {  	s20 =	sor.u32 $0xC20, s10;
	s31 =	sadd.s32 $0x480, s2;
	v58 =	vadd.s32 v24, v4;
	v39 =	vld.idx.msk [tilespmem:v45+s17+$0x0], $0xffff;
	[tilespmem:s7+$0x70] =	vst v50  }
0x400: {  	s2 =	sor.u32 $0xC00, s31;
	v59 =	vadd.s32 v23, v3;
	v49 =	vld.idx.msk [tilespmem:v60+s12+$0x0], $0xffff;
	[tilespmem:s20+$0xD80] =	vst v47  }
0x401: {  	[tilespmem:s2+$0xD80] =	vst v53;
	v60 =	vadd.s32 v32, v40;
	v46 =	vld.idx.msk [tilespmem:v61+s12+$0x0], $0xffff  }
0x402: {  	[tilespmem:s1+$0x70] =	vst v52;
	v61 =	vadd.s32 v14, v16;
	v51 =	vld.idx.msk [tilespmem:v63+s12+$0x0], $0xffff  }
0x403: {  	v63 =	vadd.s32 v0, v38;
	v53 =	vld.idx.msk [tilespmem:v54+s12+$0x0], $0xffff;
	[tilespmem:s3+$0x810] =	vst v62  }
0x404: {  	s8 =	sor.u32 $0xC50, s29;
	v62 =	vadd.s32 v29, v42;
	v45 =	vld.idx.msk [tilespmem:v58+s12+$0x0], $0xffff;
	[tilespmem:s28+$0x800] =	vst v55  }
0x405: {  	[tilespmem:s8+$0xD80] =	vst v44;
	v58 =	vadd.s32 v0, v39;
	v50 =	vld.idx.msk [tilespmem:v59+s12+$0x0], $0xffff  }
0x406: {  	s5 =	sor.u32 $0xC70, s5;
	v59 =	vadd.s32 v25, v4;
	[tilespmem:s7+$0x400] =	vst v49;
	v47 =	vld.idx.msk [tilespmem:v60+s12+$0x0], $0xffff  }
0x407: {  	[tilespmem:s5+$0xD80] =	vst v43;
	s11 =	sor.u32 $0xC30, s10;
	v60 =	vadd.s32 v14, v11;
	v52 =	vld.idx.msk [tilespmem:v61+s12+$0x0], $0xffff  }
0x408: {  	s13 =	sor.u32 $0xC10, s31;
	[tilespmem:s11+$0xD80] =	vst v46;
	v61 =	vadd.s32 v24, v3;
	v48 =	vld.idx.msk [tilespmem:v63+s12+$0x0], $0xffff  }
0x409: {  	[tilespmem:s13+$0xD80] =	vst v51;
	v46 =	vld.idx.msk [tilespmem:v62+s12+$0x0], $0xffff;
	v62 =	vadd.s32 v15, v16  }
0x40a: {  	v63 =	vadd.s32 v27, v42;
	[tilespmem:s3+$0x820] =	vst v45;
	v44 =	vld.idx.msk [tilespmem:v58+s12+$0x0], $0xffff  }
0x40b: {  	[tilespmem:s1+$0x400] =	vst v53;
	v58 =	vadd.s32 v28, v41;
	v49 =	vld.idx.msk [tilespmem:v59+s12+$0x0], $0xffff  }
0x40c: {  	s16 =	simm.s32 $0x1000;
	[tilespmem:s28+$0x810] =	vst v50;
	v59 =	vadd.s32 v5, v39;
	v51 =	vld.idx.msk [tilespmem:v60+s12+$0x0], $0xffff  }
0x40d: {  	s15 =	sand.u32 $0x7000, s16;
	s18 =	simm.s32 $0x400;
	s19 =	sor.u32 $0xC40, s10;
	v60 =	vadd.s32 v26, v4;
	[tilespmem:s7+$0x410] =	vst v52;
	v43 =	vld.idx.msk [tilespmem:v61+s12+$0x0], $0xffff  }
0x40e: {  	s15 =	sor.u32 $0xD80, s15;
	s5 =	sand.u32 $0x300, s18;
	s20 =	sor.u32 $0xC60, s29;
	v61 =	vadd.s32 v5, v38;
	v53 =	vld.idx.msk [tilespmem:v62+s12+$0x0], $0xffff;
	[tilespmem:s19+$0xD80] =	vst v46  }
0x40f: {  	s18 =	simm.s32 $0x480;
	s2 =	sadd.s32 s5, s15;
	[tilespmem:s20+$0xD80] =	vst v47;
	v62 =	vadd.s32 v15, v11;
	v45 =	vld.idx.msk [tilespmem:v63+s12+$0x0], $0xffff  }
0x410: {  	s13 =	sand.u32 $0x380, s18;
	v63 =	vadd.s32 v17, v16;
	[tilespmem:s2+$0x0] =	vst v44;
	v47 =	vld.idx.msk [tilespmem:v58+s12+$0x0], $0xffff  }
0x411: {  	s5 =	sadd.s32 s13, s15;
	[tilespmem:s3+$0x830] =	vst v49;
	v58 =	vadd.s32 v32, v42;
	v50 =	vld.idx.msk [tilespmem:v59+s12+$0x0], $0xffff  }
0x412: {  	[tilespmem:s5+$0x0] =	vst v48;
	v59 =	vadd.s32 v25, v3;
	v48 =	vld.idx.msk [tilespmem:v60+s12+$0x0], $0xffff  }
0x413: {  	v60 =	vadd.s32 v6, v39;
	[tilespmem:s1+$0x410] =	vst v51;
	v55 =	vld.idx.msk [tilespmem:v61+s12+$0x0], $0xffff  }
0x414: {  	s19 =	sor.u32 $0xC50, s10;
	v61 =	vadd.s32 v34, v4;
	[tilespmem:s7+$0x420] =	vst v53;
	v46 =	vld.idx.msk [tilespmem:v62+s12+$0x0], $0xffff  }
0x415: {  	v62 =	vadd.s32 v6, v38;
	v44 =	vld.idx.msk [tilespmem:v63+s12+$0x0], $0xffff;
	[tilespmem:s19+$0xD80] =	vst v45  }
0x416: {  	[tilespmem:s28+$0x820] =	vst v43;
	v63 =	vadd.s32 v17, v11;
	v43 =	vld.idx.msk [tilespmem:v58+s12+$0x0], $0xffff  }
0x417: {  	v58 =	vadd.s32 v18, v16;
	[tilespmem:s2+$0x10] =	vst v50;
	v59 =	vld.idx.msk [tilespmem:v59+s12+$0x0], $0xffff  }
0x418: {  	v40 =	vadd.s32 v33, v40;
	[tilespmem:s3+$0x840] =	vst v48;
	v52 =	vld.idx.msk [tilespmem:v60+s12+$0x0], $0xffff  }
0x419: {  	v42 =	vadd.s32 v33, v42;
	[tilespmem:s5+$0x10] =	vst v55;
	v51 =	vld.idx.msk [tilespmem:v61+s12+$0x0], $0xffff  }
0x41a: {  	v60 =	vadd.s32 v26, v3;
	v53 =	vld.idx.msk [tilespmem:v62+s12+$0x0], $0xffff;
	[tilespmem:s1+$0x420] =	vst v46  }
0x41b: {  	s20 =	sor.u32 $0xC60, s10;
	v61 =	vadd.s32 v7, v39;
	[tilespmem:s7+$0x430] =	vst v44;
	v62 =	vld.idx.msk [tilespmem:v63+s12+$0x0], $0xffff  }
0x41c: {  	v63 =	vadd.s32 v36, v4;
	v49 =	vld.idx.msk [tilespmem:v58+s12+$0x0], $0xffff;
	[tilespmem:s20+$0xD80] =	vst v43  }
0x41d: {  	v56 =	vadd.s32 v7, v38;
	v43 =	vld.idx.msk [tilespmem:v40+s12+$0x0], $0xffff;
	[tilespmem:s28+$0x830] =	vst v59  }
0x41e: {  	v58 =	vadd.s32 v18, v11;
	v42 =	vld.idx.msk [tilespmem:v42+s12+$0x0], $0xffff;
	[tilespmem:s2+$0x20] =	vst v52  }
0x41f: {  	v59 =	vadd.s32 v19, v16;
	v48 =	vld.idx.msk [tilespmem:v60+s12+$0x0], $0xffff;
	[tilespmem:s3+$0x850] =	vst v51  }
0x420: {  	v60 =	vadd.s32 v34, v3;
	v52 =	vld.idx.msk [tilespmem:v61+s12+$0x0], $0xffff;
	[tilespmem:s5+$0x20] =	vst v53  }
0x421: {  	v61 =	vadd.s32 v8, v39;
	v45 =	vld.idx.msk [tilespmem:v63+s12+$0x0], $0xffff;
	[tilespmem:s1+$0x430] =	vst v62  }
0x422: {  	s10 =	sor.u32 $0xC70, s10;
	v46 =	vld.idx.msk [tilespmem:v56+s12+$0x0], $0xffff;
	v62 =	vadd.s32 v37, v4;
	[tilespmem:s7+$0x440] =	vst v49  }
0x423: {  	v63 =	vadd.s32 v8, v38;
	v44 =	vld.idx.msk [tilespmem:v58+s12+$0x0], $0xffff;
	[tilespmem:s10+$0xD80] =	vst v42  }
0x424: {  	v58 =	vadd.s32 v19, v11;
	v50 =	vld.idx.msk [tilespmem:v59+s12+$0x0], $0xffff;
	[tilespmem:s28+$0x840] =	vst v48  }
0x425: {  	v59 =	vadd.s32 v20, v16;
	[tilespmem:s2+$0x30] =	vst v52;
	v48 =	vld.idx.msk [tilespmem:v60+s12+$0x0], $0xffff  }
0x426: {  	v51 =	vadd.s32 v30, v41;
	v52 =	vld.idx.msk [tilespmem:v61+s12+$0x0], $0xffff;
	[tilespmem:s3+$0x860] =	vst v45  }
0x427: {  	v60 =	vadd.s32 v36, v3;
	[tilespmem:s5+$0x30] =	vst v46;
	v61 =	vld.idx.msk [tilespmem:v62+s12+$0x0], $0xffff  }
0x428: {  	v62 =	vadd.s32 v9, v39;
	v63 =	vld.idx.msk [tilespmem:v63+s12+$0x0], $0xffff;
	[tilespmem:s1+$0x440] =	vst v44  }
0x429: {  	s11 =	sor.u32 $0xC20, s31;
	v56 =	vadd.s32 v35, v4;
	[tilespmem:s7+$0x450] =	vst v50;
	v42 =	vld.idx.msk [tilespmem:v58+s12+$0x0], $0xffff  }
0x42a: {  	[tilespmem:s11+$0xD80] =	vst v47;
	v58 =	vadd.s32 v9, v38;
	v40 =	vld.idx.msk [tilespmem:v59+s12+$0x0], $0xffff  }
0x42b: {  	v59 =	vadd.s32 v20, v11;
	[tilespmem:s28+$0x850] =	vst v48;
	v48 =	vld.idx.msk [tilespmem:v51+s12+$0x0], $0xffff  }
0x42c: {  	v51 =	vadd.s32 v21, v16;
	[tilespmem:s2+$0x40] =	vst v52;
	v45 =	vld.idx.msk [tilespmem:v60+s12+$0x0], $0xffff  }
0x42d: {  	v60 =	vadd.s32 v29, v41;
	v49 =	vld.idx.msk [tilespmem:v62+s12+$0x0], $0xffff;
	[tilespmem:s3+$0x870] =	vst v61  }
0x42e: {  	v61 =	vadd.s32 v37, v3;
	[tilespmem:s5+$0x40] =	vst v63;
	v62 =	vld.idx.msk [tilespmem:v56+s12+$0x0], $0xffff  }
0x42f: {  	s15 =	simm.s32 $0x2;
	v63 =	vadd.s32 v10, v39;
	v55 =	vld.idx.msk [tilespmem:v58+s12+$0x0], $0xffff;
	[tilespmem:s1+$0x450] =	vst v42  }
0x430: {  	s13 =	sand.u32 $0x3, s15;
	s19 =	sor.u32 $0xC30, s31;
	v56 =	vadd.s32 v31, v4;
	[tilespmem:s7+$0x460] =	vst v40;
	v58 =	vld.idx.msk [tilespmem:v59+s12+$0x0], $0xffff  }
0x431: {  	s3 =	sshll.u32 s13, $0x8;
	v59 =	vadd.s32 v10, v38;
	v51 =	vld.idx.msk [tilespmem:v51+s12+$0x0], $0xffff;
	[tilespmem:s19+$0xD80] =	vst v48  }
0x432: {  	v53 =	vadd.s32 v12, v38;
	v50 =	vadd.s32 v21, v11;
	s3 =	sadd.s32 $0x800, s3;
	[tilespmem:s28+$0x860] =	vst v45;
	v48 =	vld.idx.msk [tilespmem:v60+s12+$0x0], $0xffff  }
0x433: {  	v44 =	vadd.s32 v27, v41;
	v52 =	vadd.s32 v22, v16;
	s20 =	sor.u32 $0xC00, s3;
	[tilespmem:s2+$0x50] =	vst v49;
	v47 =	vld.idx.msk [tilespmem:v61+s12+$0x0], $0xffff  }
0x434: {  	v42 =	vadd.s32 v32, v41;
	v40 =	vadd.s32 v33, v41;
	v54 =	vld.idx.msk [tilespmem:v63+s12+$0x0], $0xffff;
	[tilespmem:s20+$0xD80] =	vst v62  }
0x435: {  	v41 =	vadd.s32 v31, v3;
	v45 =	vadd.s32 v35, v3;
	[tilespmem:s5+$0x50] =	vst v55;
	v46 =	vld.idx.msk [tilespmem:v56+s12+$0x0], $0xffff  }
0x436: {  	s11 =	simm.s32 $0x480;
	s10 =	simm.s32 $0x1000;
	s19 =	simm.s32 $0x8;
	v49 =	vadd.s32 v22, v11;
	v56 =	vadd.s32 v12, v39;
	v55 =	vld.idx.msk [tilespmem:v59+s12+$0x0], $0xffff;
	[tilespmem:s1+$0x460] =	vst v58  }
.LBB2_6:
0x437: {  	s8 =	sadd.s32 s19, s23;
	s19 =	sadd.s32 $0x2, s19;
	[tilespmem:s7+$0x470] =	vst v51;
	v51 =	vld.idx.msk [tilespmem:v50+s12+$0x0], $0xffff;
	v58 =	vadd.s32 v28, v4;
	v50 =	vadd.s32 v28, v3;
	s13 =	sor.u32 $0xC40, s31  }
0x438: {  	s20 =	sadd.s32 $0x2, s8;
	s8 =	sadd.s32 $0x3, s8;
	p2 =	slt.u32 s19, $0x3E;
	v52 =	vld.idx.msk [tilespmem:v52+s12+$0x0], $0xffff;
	[tilespmem:s13+$0xD80] =	vst v48  }
0x439: {  	v48 =	vmov s20;
	v59 =	vmov s8;
	[tilespmem:s28+$0x870] =	vst v47;
	v44 =	vld.idx.msk [tilespmem:v44+s12+$0x0], $0xffff;
	s28 =	smov.u32 s1;
	s1 =	smov.u32 s5  }
0x43a: {  	v60 =	vadd.s32 v23, v11;
	s5 =	sor.u32 $0xC10, s3;
	v47 =	vand.u32 $0xFFFFFFFE, v48;
	[tilespmem:s2+$0x60] =	vst v54;
	v54 =	vadd.s32 v23, v16;
	v45 =	vld.idx.msk [tilespmem:v45+s12+$0x0], $0xffff  }
0x43b: {  	s0 =	sadd.s32 $0x2, s0;
	v47 =	vbroadcast v47, $0x0;
	v56 =	vld.idx.msk [tilespmem:v56+s12+$0x0], $0xffff;
	[tilespmem:s5+$0xD80] =	vst v46  }
0x43c: {  	s5 =	sand.u32 $0x7, s0;
	[tilespmem:s1+$0x60] =	vst v55;
	v55 =	vld.idx.msk [tilespmem:v58+s12+$0x0], $0xffff  }
0x43d: {  	v61 =	vadd.s32 v13, v38;
	s11 =	sadd.s32 $0x400, s11;
	v58 =	vadd.s32 v13, v39;
	s5 =	sshll.u32 s5, $0x7;
	v53 =	vld.idx.msk [tilespmem:v53+s12+$0x0], $0xffff;
	[tilespmem:s28+$0x470] =	vst v51  }
0x43e: {  	s8 =	sor.u32 $0xC50, s31;
	v46 =	vadd.s32 v30, v3;
	s5 =	sadd.s32 s5, s11;
	v51 =	vadd.s32 v30, v4;
	v48 =	vld.idx.msk [tilespmem:v59+s17+$0x0], $0xffff;
	[tilespmem:s7+$0x800] =	vst v52  }
0x43f: {  	s13 =	sor.u32 $0xC00, s5;
	v52 =	vld.idx.msk [tilespmem:v54+s12+$0x0], $0xffff;
	[tilespmem:s8+$0xD80] =	vst v44  }
0x440: {  	v44 =	vld.idx.msk [tilespmem:v49+s12+$0x0], $0xffff;
	[tilespmem:s13+$0xD80] =	vst v45  }
0x441: {  	s8 =	sor.u32 $0xC20, s3;
	v49 =	vadd.s32 v24, v11;
	v45 =	vld.idx.msk [tilespmem:v47+s17+$0x0], $0xffff;
	[tilespmem:s2+$0x70] =	vst v56;
	v47 =	vadd.s32 v24, v16  }
0x442: {  	v54 =	vld.idx.msk [tilespmem:v58+s12+$0x0], $0xffff;
	[tilespmem:s8+$0xD80] =	vst v55  }
0x443: {  	s8 =	sor.u32 $0xC70, s29;
	s29 =	smov.u32 s31;
	s31 =	smov.u32 s5;
	[tilespmem:s1+$0x70] =	vst v53;
	v51 =	vld.idx.msk [tilespmem:v51+s12+$0x0], $0xffff  }
0x444: {  	v55 =	vadd.s32 v14, v39;
	v53 =	vadd.s32 v0, v48;
	v56 =	vld.idx.msk [tilespmem:v61+s12+$0x0], $0xffff;
	[tilespmem:s8+$0xD80] =	vst v43  }
0x445: {  	v43 =	vadd.s32 v14, v38;
	[tilespmem:s7+$0x810] =	vst v52;
	v52 =	vadd.s32 v29, v4;
	v41 =	vld.idx.msk [tilespmem:v41+s12+$0x0], $0xffff  }
0x446: {  	v58 =	vld.idx.msk [tilespmem:v47+s12+$0x0], $0xffff;
	[tilespmem:s28+$0x800] =	vst v44;
	v47 =	vadd.s32 v29, v3  }
0x447: {  	v44 =	vadd.s32 v0, v45;
	v59 =	vld.idx.msk [tilespmem:v60+s12+$0x0], $0xffff  }
0x448: {  	s5 =	sor.u32 $0xC30, s3;
	v60 =	vadd.s32 v25, v11;
	[tilespmem:s2+$0x400] =	vst v54;
	v54 =	vadd.s32 v25, v16;
	v42 =	vld.idx.msk [tilespmem:v42+s12+$0x0], $0xffff  }
0x449: {  	v55 =	vld.idx.msk [tilespmem:v55+s12+$0x0], $0xffff;
	[tilespmem:s5+$0xD80] =	vst v51  }
0x44a: {  	s5 =	sor.u32 $0xC10, s31;
	[tilespmem:s1+$0x400] =	vst v56;
	v51 =	vld.idx.msk [tilespmem:v52+s12+$0x0], $0xffff  }
0x44b: {  	v56 =	vadd.s32 v15, v38;
	v52 =	vld.idx.msk [tilespmem:v53+s12+$0x0], $0xffff;
	v53 =	vadd.s32 v15, v39;
	[tilespmem:s5+$0xD80] =	vst v41  }
0x44c: {  	v41 =	vld.idx.msk [tilespmem:v44+s12+$0x0], $0xffff;
	[tilespmem:s7+$0x820] =	vst v58;
	v58 =	vadd.s32 v27, v4;
	v44 =	vadd.s32 v27, v3  }
0x44d: {  	s5 =	sor.u32 $0xC60, s29;
	v54 =	vld.idx.msk [tilespmem:v54+s12+$0x0], $0xffff;
	[tilespmem:s28+$0x810] =	vst v59  }
0x44e: {  	s18 =	sadd.s32 $0x100, s18;
	s16 =	sadd.s32 $0x400, s16;
	v61 =	vadd.s32 v5, v48;
	v59 =	vadd.s32 v5, v45;
	v43 =	vld.idx.msk [tilespmem:v43+s12+$0x0], $0xffff;
	[tilespmem:s5+$0xD80] =	vst v42  }
0x44f: {  	v62 =	vadd.s32 v26, v11;
	s13 =	sor.u32 $0xC40, s3;
	s8 =	sadd.s32 $0xFFFFFF80, s18;
	s5 =	sand.u32 $0x7000, s16;
	[tilespmem:s2+$0x410] =	vst v55;
	v55 =	vadd.s32 v26, v16;
	v49 =	vld.idx.msk [tilespmem:v49+s12+$0x0], $0xffff  }
0x450: {  	s20 =	sand.u32 $0x380, s18;
	s8 =	sand.u32 $0x300, s8;
	s5 =	sor.u32 $0xD80, s5;
	v53 =	vld.idx.msk [tilespmem:v53+s12+$0x0], $0xffff;
	[tilespmem:s13+$0xD80] =	vst v51  }
0x451: {  	s8 =	sadd.s32 s8, s5;
	s5 =	sadd.s32 s20, s5;
	v51 =	vld.idx.msk [tilespmem:v58+s12+$0x0], $0xffff  }
0x452: {  	v58 =	vadd.s32 v17, v38;
	[tilespmem:s8+$0x0] =	vst v41;
	v41 =	vadd.s32 v17, v39;
	v50 =	vld.idx.msk [tilespmem:v50+s12+$0x0], $0xffff  }
0x453: {  	v42 =	vadd.s32 v32, v3;
	v59 =	vld.idx.msk [tilespmem:v59+s12+$0x0], $0xffff;
	[tilespmem:s7+$0x830] =	vst v54;
	v54 =	vadd.s32 v32, v4  }
0x454: {  	[tilespmem:s5+$0x0] =	vst v52;
	v52 =	vld.idx.msk [tilespmem:v55+s12+$0x0], $0xffff  }
0x455: {  	v63 =	vadd.s32 v6, v48;
	v55 =	vadd.s32 v6, v45;
	v61 =	vld.idx.msk [tilespmem:v61+s12+$0x0], $0xffff;
	[tilespmem:s1+$0x410] =	vst v43  }
0x456: {  	s13 =	sor.u32 $0xC50, s3;
	[tilespmem:s2+$0x420] =	vst v53;
	v43 =	vld.idx.msk [tilespmem:v56+s12+$0x0], $0xffff;
	v53 =	vadd.s32 v34, v16;
	v56 =	vadd.s32 v34, v11  }
0x457: {  	v41 =	vld.idx.msk [tilespmem:v41+s12+$0x0], $0xffff;
	[tilespmem:s13+$0xD80] =	vst v51  }
0x458: {  	[tilespmem:s28+$0x820] =	vst v49;
	v49 =	vld.idx.msk [tilespmem:v54+s12+$0x0], $0xffff  }
0x459: {  	v51 =	vadd.s32 v18, v39;
	v54 =	vadd.s32 v18, v38;
	[tilespmem:s8+$0x10] =	vst v59;
	v59 =	vld.idx.msk [tilespmem:v60+s12+$0x0], $0xffff  }
0x45a: {  	v60 =	vadd.s32 v33, v3;
	v3 =	vmov v11;
	v55 =	vld.idx.msk [tilespmem:v55+s12+$0x0], $0xffff;
	[tilespmem:s7+$0x840] =	vst v52;
	v52 =	vadd.s32 v33, v4  }
0x45b: {  	v11 =	vmovc v38;
	v38 =	vmov v48;
	v4 =	vmov v16;
	v16 =	vmov v39;
	[tilespmem:s5+$0x10] =	vst v61;
	v53 =	vld.idx.msk [tilespmem:v53+s12+$0x0], $0xffff  }
0x45c: {  	v48 =	vadd.s32 v7, v45;
	v61 =	vld.idx.msk [tilespmem:v63+s12+$0x0], $0xffff;
	v63 =	vadd.s32 v7, v38;
	[tilespmem:s1+$0x420] =	vst v43  }
0x45d: {  	s13 =	sor.u32 $0xC60, s3;
	v39 =	vmov v45;
	v43 =	vadd.s32 v36, v4;
	[tilespmem:s2+$0x430] =	vst v41;
	v41 =	vld.idx.msk [tilespmem:v58+s12+$0x0], $0xffff;
	v58 =	vadd.s32 v36, v3  }
0x45e: {  	v45 =	vld.idx.msk [tilespmem:v51+s12+$0x0], $0xffff;
	[tilespmem:s13+$0xD80] =	vst v49  }
0x45f: {  	[tilespmem:s28+$0x830] =	vst v59;
	v49 =	vld.idx.msk [tilespmem:v52+s12+$0x0], $0xffff  }
0x460: {  	v51 =	vadd.s32 v19, v16;
	v52 =	vadd.s32 v19, v11;
	[tilespmem:s8+$0x20] =	vst v55;
	v55 =	vld.idx.msk [tilespmem:v62+s12+$0x0], $0xffff  }
0x461: {  	v48 =	vld.idx.msk [tilespmem:v48+s12+$0x0], $0xffff;
	[tilespmem:s7+$0x850] =	vst v53  }
0x462: {  	[tilespmem:s5+$0x20] =	vst v61;
	v53 =	vld.idx.msk [tilespmem:v43+s12+$0x0], $0xffff  }
0x463: {  	v59 =	vadd.s32 v8, v39;
	v62 =	vadd.s32 v8, v38;
	v61 =	vld.idx.msk [tilespmem:v63+s12+$0x0], $0xffff;
	[tilespmem:s1+$0x430] =	vst v41  }
0x464: {  	s3 =	sor.u32 $0xC70, s3;
	[tilespmem:s2+$0x440] =	vst v45;
	v41 =	vld.idx.msk [tilespmem:v54+s12+$0x0], $0xffff;
	v45 =	vadd.s32 v37, v4;
	v54 =	vadd.s32 v37, v3  }
0x465: {  	v51 =	vld.idx.msk [tilespmem:v51+s12+$0x0], $0xffff;
	[tilespmem:s3+$0xD80] =	vst v49  }
0x466: {  	[tilespmem:s28+$0x840] =	vst v55;
	v43 =	vld.idx.msk [tilespmem:v40+s12+$0x0], $0xffff;
	v40 =	vmov v60  }
0x467: {  	v49 =	vadd.s32 v20, v11;
	[tilespmem:s8+$0x30] =	vst v48;
	v48 =	vadd.s32 v20, v16;
	v55 =	vld.idx.msk [tilespmem:v56+s12+$0x0], $0xffff  }
0x468: {  	v56 =	vld.idx.msk [tilespmem:v59+s12+$0x0], $0xffff;
	[tilespmem:s7+$0x860] =	vst v53  }
0x469: {  	[tilespmem:s5+$0x30] =	vst v61;
	v53 =	vld.idx.msk [tilespmem:v45+s12+$0x0], $0xffff  }
0x46a: {  	v59 =	vadd.s32 v9, v39;
	v61 =	vadd.s32 v9, v38;
	v60 =	vld.idx.msk [tilespmem:v62+s12+$0x0], $0xffff;
	[tilespmem:s1+$0x440] =	vst v41  }
0x46b: {  	s3 =	sor.u32 $0xC20, s31;
	v45 =	vadd.s32 v35, v3;
	[tilespmem:s2+$0x450] =	vst v51;
	v41 =	vld.idx.msk [tilespmem:v52+s12+$0x0], $0xffff;
	v51 =	vadd.s32 v35, v4  }
0x46c: {  	v48 =	vld.idx.msk [tilespmem:v48+s12+$0x0], $0xffff;
	[tilespmem:s3+$0xD80] =	vst v50  }
0x46d: {  	[tilespmem:s28+$0x850] =	vst v55;
	v46 =	vld.idx.msk [tilespmem:v46+s12+$0x0], $0xffff  }
0x46e: {  	v52 =	vadd.s32 v21, v16;
	v50 =	vadd.s32 v21, v11;
	[tilespmem:s8+$0x40] =	vst v56;
	v55 =	vld.idx.msk [tilespmem:v58+s12+$0x0], $0xffff  }
0x46f: {  	v56 =	vld.idx.msk [tilespmem:v59+s12+$0x0], $0xffff;
	[tilespmem:s7+$0x870] =	vst v53;
	s7 =	smov.u32 s2;
	s2 =	smov.u32 s8  }
0x470: {  	[tilespmem:s5+$0x40] =	vst v60;
	v53 =	vld.idx.msk [tilespmem:v51+s12+$0x0], $0xffff  }
0x471: {  	s15 =	sadd.s32 $0x1, s15;
	v58 =	vadd.s32 v10, v39;
	v60 =	vadd.s32 v10, v38;
	v59 =	vld.idx.msk [tilespmem:v61+s12+$0x0], $0xffff;
	[tilespmem:s1+$0x450] =	vst v41  }
0x472: {  	v62 =	vadd.s32 v31, v4;
	s3 =	sand.u32 $0x3, s15;
	s8 =	sor.u32 $0xC30, s31;
	v41 =	vadd.s32 v31, v3;
	[tilespmem:s7+$0x460] =	vst v48;
	v61 =	vld.idx.msk [tilespmem:v49+s12+$0x0], $0xffff  }
0x473: {  	s3 =	sshll.u32 s3, $0x8;
	v51 =	vld.idx.msk [tilespmem:v52+s12+$0x0], $0xffff;
	[tilespmem:s8+$0xD80] =	vst v46  }
.Ltmp6:
0x474: {  	s3 =	sadd.s32 s3, s30;
	s30 =	smov.u32 s10;
	[tilespmem:s28+$0x860] =	vst v55;
	v48 =	vld.idx.msk [tilespmem:v47+s12+$0x0], $0xffff;
	(pc) =	sbr.rel @p2 .LBB2_6-.Ltmp6, $4  }
0x475: {  	s10 =	smov.u32 s16;
	v49 =	vadd.s32 v22, v11;
	v52 =	vadd.s32 v22, v16;
	s8 =	sor.u32 $0xC00, s3;
	[tilespmem:s2+$0x50] =	vst v56;
	v47 =	vld.idx.msk [tilespmem:v54+s12+$0x0], $0xffff  }
0x476: {  	v54 =	vld.idx.msk [tilespmem:v58+s12+$0x0], $0xffff;
	[tilespmem:s8+$0xD80] =	vst v53  }
0x477: {  	[tilespmem:s5+$0x50] =	vst v59;
	v46 =	vld.idx.msk [tilespmem:v62+s12+$0x0], $0xffff  }
0x478: {  	v56 =	vadd.s32 v12, v39;
	v53 =	vadd.s32 v12, v38;
	v55 =	vld.idx.msk [tilespmem:v60+s12+$0x0], $0xffff;
	[tilespmem:s1+$0x460] =	vst v61  }
0x479: {  	_ =	sdelay $0x2  }
0x47a: {  	[tilespmem:s2+$0x60] =	vst v54  }
0x47b: {  	v5 =	vld.idx.msk [tilespmem:v56+s12+$0x0], $0xffff;
	[tilespmem:s5+$0x60] =	vst v55  }
0x47c: {  	v6 =	vadd.s32 v13, v39;
	v7 =	vld.idx.msk [tilespmem:v53+s12+$0x0], $0xffff  }
0x47d: {  	v8 =	vadd.s32 v13, v38;
	_ =	sdelay $0x2  }
0x47e: {  	[tilespmem:s2+$0x70] =	vst v5  }
0x47f: {  	v5 =	vld.idx.msk [tilespmem:v6+s12+$0x0], $0xffff;
	[tilespmem:s5+$0x70] =	vst v7  }
0x480: {  	v59 =	vadd.s32 v14, v39;
	v7 =	vld.idx.msk [tilespmem:v8+s12+$0x0], $0xffff  }
0x481: {  	v60 =	vadd.s32 v14, v38;
	_ =	sdelay $0x2  }
0x482: {  	[tilespmem:s2+$0x400] =	vst v5  }
0x483: {  	v5 =	vld.idx.msk [tilespmem:v59+s12+$0x0], $0xffff;
	[tilespmem:s5+$0x400] =	vst v7  }
0x484: {  	v61 =	vadd.s32 v15, v39;
	v7 =	vld.idx.msk [tilespmem:v60+s12+$0x0], $0xffff  }
0x485: {  	v62 =	vadd.s32 v15, v38;
	_ =	sdelay $0x2  }
0x486: {  	[tilespmem:s2+$0x410] =	vst v5  }
0x487: {  	v5 =	vld.idx.msk [tilespmem:v61+s12+$0x0], $0xffff;
	[tilespmem:s5+$0x410] =	vst v7  }
0x488: {  	v63 =	vadd.s32 v17, v39;
	v7 =	vld.idx.msk [tilespmem:v62+s12+$0x0], $0xffff  }
0x489: {  	v12 =	vadd.s32 v17, v38;
	_ =	sdelay $0x2  }
0x48a: {  	[tilespmem:s2+$0x420] =	vst v5  }
0x48b: {  	v5 =	vld.idx.msk [tilespmem:v63+s12+$0x0], $0xffff;
	[tilespmem:s5+$0x420] =	vst v7  }
0x48c: {  	v13 =	vadd.s32 v18, v39;
	v7 =	vld.idx.msk [tilespmem:v12+s12+$0x0], $0xffff  }
0x48d: {  	v14 =	vadd.s32 v18, v38;
	_ =	sdelay $0x2  }
0x48e: {  	[tilespmem:s2+$0x430] =	vst v5  }
0x48f: {  	v5 =	vld.idx.msk [tilespmem:v13+s12+$0x0], $0xffff;
	[tilespmem:s5+$0x430] =	vst v7  }
0x490: {  	v15 =	vadd.s32 v19, v39;
	v7 =	vld.idx.msk [tilespmem:v14+s12+$0x0], $0xffff  }
0x491: {  	v17 =	vadd.s32 v19, v38;
	_ =	sdelay $0x2  }
0x492: {  	[tilespmem:s2+$0x440] =	vst v5  }
0x493: {  	v5 =	vld.idx.msk [tilespmem:v15+s12+$0x0], $0xffff;
	[tilespmem:s5+$0x440] =	vst v7  }
0x494: {  	v18 =	vadd.s32 v20, v39;
	v7 =	vld.idx.msk [tilespmem:v17+s12+$0x0], $0xffff  }
0x495: {  	v19 =	vadd.s32 v20, v38;
	_ =	sdelay $0x2  }
0x496: {  	[tilespmem:s2+$0x450] =	vst v5  }
0x497: {  	v5 =	vld.idx.msk [tilespmem:v18+s12+$0x0], $0xffff;
	[tilespmem:s5+$0x450] =	vst v7  }
0x498: {  	v20 =	vadd.s32 v21, v39;
	v7 =	vld.idx.msk [tilespmem:v19+s12+$0x0], $0xffff  }
0x499: {  	v21 =	vadd.s32 v21, v38;
	_ =	sdelay $0x1  }
0x49a: {  	v53 =	vld.idx.msk [tilespmem:v50+s12+$0x0], $0xffff  }
0x49b: {  	[tilespmem:s2+$0x460] =	vst v5  }
0x49c: {  	v5 =	vld.idx.msk [tilespmem:v20+s12+$0x0], $0xffff;
	[tilespmem:s5+$0x460] =	vst v7  }
0x49d: {  	v9 =	vadd.s32 v22, v39;
	v7 =	vld.idx.msk [tilespmem:v21+s12+$0x0], $0xffff  }
0x49e: {  	v54 =	vadd.s32 v22, v38  }
0x49f: {  	[tilespmem:s1+$0x470] =	vst v53  }
0x4a0: {  	[tilespmem:s7+$0x470] =	vst v51;
	v6 =	vld.idx.msk [tilespmem:v49+s12+$0x0], $0xffff  }
0x4a1: {  	v10 =	vld.idx.msk [tilespmem:v52+s12+$0x0], $0xffff;
	v56 =	vadd.s32 v23, v11;
	[tilespmem:s2+$0x470] =	vst v5  }
0x4a2: {  	v12 =	vadd.s32 v23, v16;
	v5 =	vld.idx.msk [tilespmem:v9+s12+$0x0], $0xffff;
	[tilespmem:s5+$0x470] =	vst v7  }
0x4a3: {  	v55 =	vadd.s32 v23, v39;
	v8 =	vld.idx.msk [tilespmem:v54+s12+$0x0], $0xffff  }
0x4a4: {  	v58 =	vadd.s32 v23, v38  }
0x4a5: {  	[tilespmem:s1+$0x800] =	vst v6  }
0x4a6: {  	[tilespmem:s7+$0x800] =	vst v10;
	v6 =	vld.idx.msk [tilespmem:v56+s12+$0x0], $0xffff  }
0x4a7: {  	v61 =	vadd.s32 v24, v11;
	v12 =	vld.idx.msk [tilespmem:v12+s12+$0x0], $0xffff;
	[tilespmem:s2+$0x800] =	vst v5  }
0x4a8: {  	v59 =	vadd.s32 v24, v16;
	v5 =	vld.idx.msk [tilespmem:v55+s12+$0x0], $0xffff;
	[tilespmem:s5+$0x800] =	vst v8  }
0x4a9: {  	v60 =	vadd.s32 v24, v39;
	v62 =	vld.idx.msk [tilespmem:v58+s12+$0x0], $0xffff  }
0x4aa: {  	v63 =	vadd.s32 v24, v38  }
0x4ab: {  	[tilespmem:s1+$0x810] =	vst v6  }
0x4ac: {  	v6 =	vld.idx.msk [tilespmem:v61+s12+$0x0], $0xffff;
	[tilespmem:s7+$0x810] =	vst v12  }
0x4ad: {  	v12 =	vld.idx.msk [tilespmem:v59+s12+$0x0], $0xffff;
	v19 =	vadd.s32 v25, v11;
	[tilespmem:s2+$0x810] =	vst v5  }
0x4ae: {  	v17 =	vadd.s32 v25, v16;
	v5 =	vld.idx.msk [tilespmem:v60+s12+$0x0], $0xffff;
	[tilespmem:s5+$0x810] =	vst v62  }
0x4af: {  	v18 =	vadd.s32 v25, v39;
	v9 =	vld.idx.msk [tilespmem:v63+s12+$0x0], $0xffff  }
0x4b0: {  	v20 =	vadd.s32 v25, v38  }
0x4b1: {  	[tilespmem:s1+$0x820] =	vst v6  }
0x4b2: {  	[tilespmem:s7+$0x820] =	vst v12;
	v6 =	vld.idx.msk [tilespmem:v19+s12+$0x0], $0xffff  }
0x4b3: {  	v23 =	vadd.s32 v26, v11;
	v12 =	vld.idx.msk [tilespmem:v17+s12+$0x0], $0xffff;
	[tilespmem:s2+$0x820] =	vst v5  }
0x4b4: {  	v21 =	vadd.s32 v26, v16;
	v5 =	vld.idx.msk [tilespmem:v18+s12+$0x0], $0xffff;
	[tilespmem:s5+$0x820] =	vst v9  }
0x4b5: {  	v22 =	vadd.s32 v26, v39;
	v9 =	vld.idx.msk [tilespmem:v20+s12+$0x0], $0xffff  }
0x4b6: {  	v24 =	vadd.s32 v26, v38  }
0x4b7: {  	[tilespmem:s1+$0x830] =	vst v6  }
0x4b8: {  	[tilespmem:s7+$0x830] =	vst v12;
	v6 =	vld.idx.msk [tilespmem:v23+s12+$0x0], $0xffff  }
0x4b9: {  	v49 =	vadd.s32 v34, v11;
	v12 =	vld.idx.msk [tilespmem:v21+s12+$0x0], $0xffff;
	[tilespmem:s2+$0x830] =	vst v5  }
0x4ba: {  	v25 =	vadd.s32 v34, v16;
	v5 =	vld.idx.msk [tilespmem:v22+s12+$0x0], $0xffff;
	[tilespmem:s5+$0x830] =	vst v9  }
0x4bb: {  	v26 =	vadd.s32 v34, v39;
	v9 =	vld.idx.msk [tilespmem:v24+s12+$0x0], $0xffff  }
0x4bc: {  	v50 =	vadd.s32 v34, v38  }
0x4bd: {  	[tilespmem:s1+$0x840] =	vst v6  }
0x4be: {  	[tilespmem:s7+$0x840] =	vst v12;
	v6 =	vld.idx.msk [tilespmem:v49+s12+$0x0], $0xffff  }
0x4bf: {  	v53 =	vadd.s32 v36, v11;
	v12 =	vld.idx.msk [tilespmem:v25+s12+$0x0], $0xffff;
	[tilespmem:s2+$0x840] =	vst v5  }
0x4c0: {  	v51 =	vadd.s32 v36, v16;
	v5 =	vld.idx.msk [tilespmem:v26+s12+$0x0], $0xffff;
	[tilespmem:s5+$0x840] =	vst v9  }
0x4c1: {  	s8 =	sor.u32 $0xC40, s31;
	v52 =	vadd.s32 v36, v39;
	v9 =	vld.idx.msk [tilespmem:v50+s12+$0x0], $0xffff  }
0x4c2: {  	[tilespmem:s8+$0xD80] =	vst v48;
	v54 =	vadd.s32 v36, v38  }
0x4c3: {  	[tilespmem:s1+$0x850] =	vst v6  }
0x4c4: {  	v61 =	vadd.s32 v28, v4;
	[tilespmem:s7+$0x850] =	vst v12;
	v6 =	vld.idx.msk [tilespmem:v53+s12+$0x0], $0xffff  }
0x4c5: {  	v58 =	vadd.s32 v37, v11;
	v12 =	vld.idx.msk [tilespmem:v51+s12+$0x0], $0xffff;
	[tilespmem:s2+$0x850] =	vst v5  }
0x4c6: {  	v55 =	vadd.s32 v37, v16;
	v5 =	vld.idx.msk [tilespmem:v52+s12+$0x0], $0xffff;
	[tilespmem:s5+$0x850] =	vst v9  }
0x4c7: {  	s16 =	sor.u32 $0xC10, s3;
	[tilespmem:s28+$0x870] =	vst v47;
	v56 =	vadd.s32 v37, v39;
	v9 =	vld.idx.msk [tilespmem:v54+s12+$0x0], $0xffff  }
0x4c8: {  	[tilespmem:s16+$0xD80] =	vst v46;
	v60 =	vadd.s32 v37, v38  }
0x4c9: {  	v21 =	vld.idx.msk [tilespmem:v61+s12+$0x0], $0xffff;
	[tilespmem:s1+$0x860] =	vst v6  }
0x4ca: {  	[tilespmem:s7+$0x860] =	vst v12;
	v6 =	vld.idx.msk [tilespmem:v58+s12+$0x0], $0xffff  }
0x4cb: {  	v13 =	vld.idx.msk [tilespmem:v55+s12+$0x0], $0xffff;
	v20 =	vadd.s32 v35, v11;
	[tilespmem:s2+$0x860] =	vst v5  }
0x4cc: {  	s16 =	sor.u32 $0xC70, s29;
	v63 =	vadd.s32 v35, v16;
	v5 =	vld.idx.msk [tilespmem:v56+s12+$0x0], $0xffff;
	[tilespmem:s5+$0x860] =	vst v9  }
0x4cd: {  	s18 =	sadd.s32 $0x2, s0;
	s11 =	sadd.s32 $0x400, s11;
	s28 =	sor.u32 $0xC20, s3;
	[tilespmem:s16+$0xD80] =	vst v43;
	v19 =	vadd.s32 v35, v39;
	v9 =	vld.idx.msk [tilespmem:v60+s12+$0x0], $0xffff  }
0x4ce: {  	s13 =	sor.u32 $0xC50, s31;
	s20 =	sadd.s32 $0x1, s15;
	s0 =	sand.u32 $0x7, s18;
	[tilespmem:s28+$0xD80] =	vst v21;
	v62 =	vld.idx.msk [tilespmem:v45+s12+$0x0], $0xffff;
	v22 =	vadd.s32 v35, v38  }
0x4cf: {  	s15 =	sand.u32 $0x3, s20;
	s8 =	sadd.s32 $0x2, s18;
	s0 =	sshll.u32 s0, $0x7;
	v59 =	vld.idx.msk [tilespmem:v44+s12+$0x0], $0xffff;
	v23 =	vadd.s32 v30, v4;
	[tilespmem:s1+$0x870] =	vst v6  }
0x4d0: {  	s15 =	sshll.u32 s15, $0x8;
	s18 =	sand.u32 $0x7, s8;
	s0 =	sadd.s32 s0, s11;
	[tilespmem:s7+$0x870] =	vst v13;
	v6 =	vld.idx.msk [tilespmem:v20+s12+$0x0], $0xffff  }
0x4d1: {  	s11 =	sadd.s32 $0x400, s11;
	s19 =	sor.u32 $0xC00, s0;
	v34 =	vadd.s32 v31, v11;
	s7 =	sadd.s32 $0x1, s20;
	v24 =	vld.idx.msk [tilespmem:v63+s12+$0x0], $0xffff;
	[tilespmem:s2+$0x870] =	vst v5  }
0x4d2: {  	s29 =	sadd.s32 $0x400, s11;
	v25 =	vadd.s32 v31, v16;
	s1 =	sshll.u32 s18, $0x7;
	s7 =	sand.u32 $0x3, s7;
	v5 =	vld.idx.msk [tilespmem:v19+s12+$0x0], $0xffff;
	[tilespmem:s5+$0x870] =	vst v9  }
0x4d3: {  	[tilespmem:s19+$0xD80] =	vst v62;
	s20 =	sadd.s32 $0x2, s8;
	s1 =	sadd.s32 s1, s11;
	s19 =	sshll.u32 s7, $0x8;
	v26 =	vadd.s32 v31, v39;
	v9 =	vld.idx.msk [tilespmem:v22+s12+$0x0], $0xffff  }
0x4d4: {  	[tilespmem:s13+$0xD80] =	vst v59;
	v10 =	vld.idx.msk [tilespmem:v23+s12+$0x0], $0xffff;
	v35 =	vadd.s32 v31, v38;
	s7 =	sand.u32 $0x7, s20;
	s2 =	sadd.s32 s15, s30;
	s30 =	sor.u32 $0xC00, s1  }
0x4d5: {  	v51 =	vadd.s32 v29, v4;
	v37 =	vld.idx.msk [tilespmem:v41+s12+$0x0], $0xffff;
	s7 =	sshll.u32 s7, $0x7;
	s15 =	sor.u32 $0xC00, s2;
	[tilespmem:s30+$0xD80] =	vst v6;
	s5 =	sadd.s32 s19, s10  }
0x4d6: {  	v43 =	vadd.s32 v28, v3;
	s7 =	sadd.s32 s7, s29;
	[tilespmem:s15+$0xD80] =	vst v24;
	v45 =	vld.idx.msk [tilespmem:v34+s12+$0x0], $0xffff;
	s28 =	sor.u32 $0xC00, s5  }
0x4d7: {  	v47 =	vadd.s32 v28, v11;
	s11 =	sor.u32 $0xC00, s7;
	v36 =	vld.idx.msk [tilespmem:v25+s12+$0x0], $0xffff;
	[tilespmem:s28+$0xD80] =	vst v5  }
0x4d8: {  	s13 =	sor.u32 $0xC30, s3;
	v41 =	vadd.s32 v28, v16;
	v44 =	vld.idx.msk [tilespmem:v26+s12+$0x0], $0xffff;
	[tilespmem:s11+$0xD80] =	vst v9  }
0x4d9: {  	v46 =	vadd.s32 v28, v39;
	s16 =	sor.u32 $0xC10, s0;
	[tilespmem:s13+$0xD80] =	vst v10;
	v48 =	vld.idx.msk [tilespmem:v35+s12+$0x0], $0xffff  }
0x4da: {  	v61 =	vld.idx.msk [tilespmem:v51+s12+$0x0], $0xffff;
	[tilespmem:s16+$0xD80] =	vst v37;
	v50 =	vadd.s32 v28, v38;
	s19 =	sor.u32 $0xC10, s1  }
0x4db: {  	s15 =	sor.u32 $0xC10, s2;
	v5 =	vld.idx.msk [tilespmem:v43+s12+$0x0], $0xffff;
	[tilespmem:s19+$0xD80] =	vst v45  }
0x4dc: {  	v54 =	vadd.s32 v30, v3;
	s18 =	sor.u32 $0xC10, s5;
	[tilespmem:s15+$0xD80] =	vst v36;
	v56 =	vld.idx.msk [tilespmem:v47+s12+$0x0], $0xffff  }
0x4dd: {  	v59 =	vadd.s32 v30, v11;
	s20 =	sor.u32 $0xC10, s7;
	v52 =	vld.idx.msk [tilespmem:v41+s12+$0x0], $0xffff;
	[tilespmem:s18+$0xD80] =	vst v44  }
0x4de: {  	v53 =	vadd.s32 v30, v16;
	s16 =	sor.u32 $0xC40, s3;
	v55 =	vld.idx.msk [tilespmem:v46+s12+$0x0], $0xffff;
	[tilespmem:s20+$0xD80] =	vst v48  }
0x4df: {  	v58 =	vadd.s32 v30, v39;
	[tilespmem:s16+$0xD80] =	vst v61;
	s30 =	sor.u32 $0xC20, s0;
	v60 =	vld.idx.msk [tilespmem:v50+s12+$0x0], $0xffff  }
0x4e0: {  	v49 =	vld.idx.msk [tilespmem:v42+s12+$0x0], $0xffff;
	v62 =	vadd.s32 v30, v38;
	s13 =	sor.u32 $0xC20, s1;
	[tilespmem:s30+$0xD80] =	vst v5  }
0x4e1: {  	v63 =	vadd.s32 v27, v4;
	s29 =	sor.u32 $0xC20, s2;
	v6 =	vld.idx.msk [tilespmem:v54+s12+$0x0], $0xffff;
	[tilespmem:s13+$0xD80] =	vst v56  }
0x4e2: {  	v22 =	vadd.s32 v29, v3;
	s11 =	sor.u32 $0xC20, s5;
	[tilespmem:s29+$0xD80] =	vst v52;
	v24 =	vld.idx.msk [tilespmem:v59+s12+$0x0], $0xffff  }
0x4e3: {  	v26 =	vadd.s32 v29, v11;
	s15 =	sor.u32 $0xC20, s7;
	v20 =	vld.idx.msk [tilespmem:v53+s12+$0x0], $0xffff;
	[tilespmem:s11+$0xD80] =	vst v55  }
0x4e4: {  	v21 =	vadd.s32 v29, v16;
	s28 =	sor.u32 $0xC60, s31;
	v23 =	vld.idx.msk [tilespmem:v58+s12+$0x0], $0xffff;
	[tilespmem:s15+$0xD80] =	vst v60  }
0x4e5: {  	v25 =	vadd.s32 v29, v39;
	[tilespmem:s28+$0xD80] =	vst v49;
	s19 =	sor.u32 $0xC30, s0;
	v28 =	vld.idx.msk [tilespmem:v62+s12+$0x0], $0xffff  }
0x4e6: {  	v31 =	vadd.s32 v29, v38;
	v30 =	vld.idx.msk [tilespmem:v63+s12+$0x0], $0xffff;
	s28 =	sor.u32 $0xC30, s1;
	[tilespmem:s19+$0xD80] =	vst v6  }
0x4e7: {  	v34 =	vadd.s32 v32, v4;
	s18 =	sor.u32 $0xC30, s2;
	v7 =	vld.idx.msk [tilespmem:v22+s12+$0x0], $0xffff;
	[tilespmem:s28+$0xD80] =	vst v24  }
0x4e8: {  	v37 =	vadd.s32 v27, v3;
	s20 =	sor.u32 $0xC30, s5;
	[tilespmem:s18+$0xD80] =	vst v20;
	v42 =	vld.idx.msk [tilespmem:v26+s12+$0x0], $0xffff  }
0x4e9: {  	v44 =	vadd.s32 v27, v11;
	s29 =	sor.u32 $0xC30, s7;
	v35 =	vld.idx.msk [tilespmem:v21+s12+$0x0], $0xffff;
	[tilespmem:s20+$0xD80] =	vst v23  }
0x4ea: {  	v36 =	vadd.s32 v27, v16;
	s30 =	sor.u32 $0xC50, s3;
	v41 =	vld.idx.msk [tilespmem:v25+s12+$0x0], $0xffff;
	[tilespmem:s29+$0xD80] =	vst v28  }
0x4eb: {  	v43 =	vadd.s32 v27, v39;
	[tilespmem:s30+$0xD80] =	vst v30;
	s13 =	sor.u32 $0xC40, s0;
	v5 =	vld.idx.msk [tilespmem:v31+s12+$0x0], $0xffff  }
0x4ec: {  	s16 =	sor.u32 $0xC40, s1;
	v45 =	vadd.s32 v27, v38;
	v14 =	vld.idx.msk [tilespmem:v34+s12+$0x0], $0xffff;
	[tilespmem:s13+$0xD80] =	vst v7  }
0x4ed: {  	v46 =	vadd.s32 v33, v4;
	s11 =	sor.u32 $0xC40, s2;
	v8 =	vld.idx.msk [tilespmem:v37+s12+$0x0], $0xffff;
	[tilespmem:s16+$0xD80] =	vst v42  }
0x4ee: {  	v49 =	vadd.s32 v32, v3;
	s15 =	sor.u32 $0xC40, s5;
	[tilespmem:s11+$0xD80] =	vst v35;
	v51 =	vld.idx.msk [tilespmem:v44+s12+$0x0], $0xffff  }
0x4ef: {  	v53 =	vadd.s32 v32, v11;
	s18 =	sor.u32 $0xC40, s7;
	v47 =	vld.idx.msk [tilespmem:v36+s12+$0x0], $0xffff;
	[tilespmem:s15+$0xD80] =	vst v41  }
0x4f0: {  	v48 =	vadd.s32 v32, v16;
	s19 =	sor.u32 $0xC60, s3;
	v50 =	vld.idx.msk [tilespmem:v43+s12+$0x0], $0xffff;
	[tilespmem:s18+$0xD80] =	vst v5  }
0x4f1: {  	v52 =	vadd.s32 v32, v39;
	[tilespmem:s19+$0xD80] =	vst v14;
	s28 =	sor.u32 $0xC50, s0;
	v6 =	vld.idx.msk [tilespmem:v45+s12+$0x0], $0xffff  }
0x4f2: {  	v54 =	vadd.s32 v32, v38;
	s30 =	sor.u32 $0xC50, s1;
	v4 =	vld.idx.msk [tilespmem:v46+s12+$0x0], $0xffff;
	[tilespmem:s28+$0xD80] =	vst v8  }
0x4f3: {  	s20 =	sor.u32 $0xC50, s2;
	v9 =	vld.idx.msk [tilespmem:v49+s12+$0x0], $0xffff;
	[tilespmem:s30+$0xD80] =	vst v51  }
0x4f4: {  	v3 =	vadd.s32 v33, v3;
	s29 =	sor.u32 $0xC50, s5;
	[tilespmem:s20+$0xD80] =	vst v47;
	v5 =	vld.idx.msk [tilespmem:v53+s12+$0x0], $0xffff  }
0x4f5: {  	v59 =	vadd.s32 v33, v11;
	s11 =	sor.u32 $0xC50, s7;
	v55 =	vld.idx.msk [tilespmem:v48+s12+$0x0], $0xffff;
	[tilespmem:s29+$0xD80] =	vst v50  }
0x4f6: {  	v56 =	vadd.s32 v33, v16;
	s13 =	sor.u32 $0xC70, s3;
	v10 =	vld.idx.msk [tilespmem:v52+s12+$0x0], $0xffff;
	[tilespmem:s11+$0xD80] =	vst v6  }
0x4f7: {  	v58 =	vadd.s32 v33, v39;
	[tilespmem:s13+$0xD80] =	vst v4;
	s16 =	sor.u32 $0xC60, s0;
	v6 =	vld.idx.msk [tilespmem:v54+s12+$0x0], $0xffff  }
0x4f8: {  	v61 =	vadd.s32 v33, v38;
	s19 =	sor.u32 $0xC60, s1;
	v60 =	vld.idx.msk [tilespmem:v40+s12+$0x0], $0xffff;
	[tilespmem:s16+$0xD80] =	vst v9  }
0x4f9: {  	s15 =	sor.u32 $0xC60, s2;
	v3 =	vld.idx.msk [tilespmem:v3+s12+$0x0], $0xffff;
	[tilespmem:s19+$0xD80] =	vst v5  }
0x4fa: {  	s18 =	sor.u32 $0xC60, s5;
	[tilespmem:s15+$0xD80] =	vst v55;
	v4 =	vld.idx.msk [tilespmem:v59+s12+$0x0], $0xffff  }
0x4fb: {  	s20 =	sor.u32 $0xC60, s7;
	v62 =	vld.idx.msk [tilespmem:v56+s12+$0x0], $0xffff;
	[tilespmem:s18+$0xD80] =	vst v10  }
0x4fc: {  	s28 =	sor.u32 $0xC70, s31;
	v63 =	vld.idx.msk [tilespmem:v58+s12+$0x0], $0xffff;
	[tilespmem:s20+$0xD80] =	vst v6  }
0x4fd: {  	s0 =	sor.u32 $0xC70, s0;
	[tilespmem:s28+$0xD80] =	vst v60;
	v6 =	vld.idx.msk [tilespmem:v61+s12+$0x0], $0xffff  }
0x4fe: {  	s30 =	sor.u32 $0xC70, s1;
	[tilespmem:s0+$0xD80] =	vst v3  }
0x4ff: {  	s2 =	sor.u32 $0xC70, s2;
	[tilespmem:s30+$0xD80] =	vst v4  }
0x500: {  	s29 =	sor.u32 $0xC70, s5;
	[tilespmem:s2+$0xD80] =	vst v62  }
0x501: {  	s31 =	sor.u32 $0xC70, s7;
	[tilespmem:s29+$0xD80] =	vst v63  }
0x502: {  	s0 =	simm.s32 $0xD80;
	[tilespmem:s31+$0xD80] =	vst v6  }
.LBB2_8:
0x503: {  	s1 =	sor.u32 s9, s26  }
0x504: {  	s26 =	sor.u32 $0x40, s26;
	s1 =	sshll.u32 s1, $0x6  }
0x505: {  	p2 =	sge.u32 s26, s21;
	s1 =	sadd.s32 s4, s1  }
0x506: {  	[hbm4b:s1+s6] =	stream.linear.scatter [tilespmem:s0], [sflag:$0x2], $0x8000, $0x38;
	[tilespmem:$0x1D180] =	vst v63  }
.Ltmp7:
0x507: {  	_ = 	snop;
	(pc) =	sbr.rel @p2 .LBB2_12-.Ltmp7, $4  }
0x508: {  	s0 =	simm.s32 @!p1 $0x3  }
0x509: {  	_ =	swait.ge @!p1 [sflag:s0], $0x8000  }
0x50a: {  	[sflag:s0] =	ssyncset.done @!p1 $0x0  }
0x50b: {  	[sflag:s0] =	ssyncadd.s32 @!p1 $0xFFFF8000  }
0x50c: {  	s0 =	sadd.s32 $0xFFFFFFFE, s23  }
0x50d: {  	s1 =	sadd.s32 $0x42, s0  }
0x50e: {  	v3 =	vmov s1  }
0x50f: {  	v3 =	vand.u32 $0xFFFFFFFE, v3  }
0x510: {  	v3 =	vbroadcast v3, $0x0;
	_ =	sdelay $0x5  }
0x511: {  	v38 =	vld.idx.msk [tilespmem:v3+s17+$0x0], $0xffff;
	_ =	sdelay $0x2  }
0x512: {  	s0 =	sadd.s32 $0x43, s0  }
0x513: {  	v3 =	vmov s0  }
0x514: {  	v4 =	vadd.s32 v0, v38;
	_ =	sdelay $0x3  }
0x515: {  	v40 =	vld.idx.msk [tilespmem:v3+s17+$0x0], $0xffff  }
0x516: {  	v5 =	vor.u32 $0x10, v0;
	v3 =	vld.idx.msk [tilespmem:v4+s12+$0x0], $0xffff  }
0x517: {  	s1 =	simm.s32 $0x0;
	v4 =	vadd.s32 v5, v38  }
0x518: {  	s2 =	simm.s32 $0x0;
	s10 =	sand.u32 $0x7000, s1  }
0x519: {  	s2 =	sand.u32 $0x300, s2;
	s0 =	sor.u32 $0xD80, s10  }
0x51a: {  	s7 =	sadd.s32 s2, s0  }
0x51b: {  	v7 =	vadd.s32 v0, v40;
	[tilespmem:s7+$0x8000] =	vst v3  }
0x51c: {  	v6 =	vor.u32 $0x20, v0;
	v3 =	vld.idx.msk [tilespmem:v4+s12+$0x0], $0xffff  }
0x51d: {  	v4 =	vadd.s32 v6, v38;
	_ =	sdelay $0x2  }
0x51e: {  	v8 =	vld.idx.msk [tilespmem:v7+s12+$0x0], $0xffff  }
0x51f: {  	v9 =	vadd.s32 v5, v40;
	[tilespmem:s7+$0x8010] =	vst v3  }
0x520: {  	s11 =	simm.s32 $0x80;
	v7 =	vor.u32 $0x30, v0;
	v3 =	vld.idx.msk [tilespmem:v4+s12+$0x0], $0xffff  }
0x521: {  	s2 =	sand.u32 $0x380, s11;
	v4 =	vadd.s32 v7, v38  }
0x522: {  	s5 =	sadd.s32 s2, s0  }
0x523: {  	[tilespmem:s5+$0x8000] =	vst v8  }
0x524: {  	v9 =	vld.idx.msk [tilespmem:v9+s12+$0x0], $0xffff  }
0x525: {  	v10 =	vadd.s32 v6, v40;
	[tilespmem:s7+$0x8020] =	vst v3  }
0x526: {  	v8 =	vor.u32 $0x40, v0;
	v3 =	vld.idx.msk [tilespmem:v4+s12+$0x0], $0xffff  }
0x527: {  	v4 =	vadd.s32 v8, v38;
	_ =	sdelay $0x1  }
0x528: {  	[tilespmem:s5+$0x8010] =	vst v9  }
0x529: {  	v10 =	vld.idx.msk [tilespmem:v10+s12+$0x0], $0xffff  }
0x52a: {  	v11 =	vadd.s32 v7, v40;
	[tilespmem:s7+$0x8030] =	vst v3  }
0x52b: {  	v9 =	vor.u32 $0x50, v0;
	v3 =	vld.idx.msk [tilespmem:v4+s12+$0x0], $0xffff  }
0x52c: {  	v4 =	vadd.s32 v9, v38;
	_ =	sdelay $0x1  }
0x52d: {  	[tilespmem:s5+$0x8020] =	vst v10  }
0x52e: {  	v11 =	vld.idx.msk [tilespmem:v11+s12+$0x0], $0xffff  }
0x52f: {  	v12 =	vadd.s32 v8, v40;
	[tilespmem:s7+$0x8040] =	vst v3  }
0x530: {  	v10 =	vor.u32 $0x60, v0;
	v3 =	vld.idx.msk [tilespmem:v4+s12+$0x0], $0xffff  }
0x531: {  	v4 =	vadd.s32 v10, v38;
	_ =	sdelay $0x1  }
0x532: {  	[tilespmem:s5+$0x8030] =	vst v11  }
0x533: {  	v12 =	vld.idx.msk [tilespmem:v12+s12+$0x0], $0xffff  }
0x534: {  	v13 =	vadd.s32 v9, v40;
	[tilespmem:s7+$0x8050] =	vst v3  }
0x535: {  	v11 =	vor.u32 $0x70, v0;
	v3 =	vld.idx.msk [tilespmem:v4+s12+$0x0], $0xffff  }
0x536: {  	s13 =	sadd.s32 $0x0, s23;
	v4 =	vadd.s32 v11, v38  }
0x537: {  	s15 =	sadd.s32 $0x42, s13  }
0x538: {  	[tilespmem:s5+$0x8040] =	vst v12;
	v12 =	vmov s15  }
0x539: {  	v13 =	vld.idx.msk [tilespmem:v13+s12+$0x0], $0xffff;
	v12 =	vand.u32 $0xFFFFFFFE, v12  }
0x53a: {  	v14 =	vadd.s32 v10, v40;
	[tilespmem:s7+$0x8060] =	vst v3;
	v3 =	vbroadcast v12, $0x0  }
0x53b: {  	v12 =	vor.u32 $0x80, v0;
	v4 =	vld.idx.msk [tilespmem:v4+s12+$0x0], $0xffff  }
0x53c: {  	s0 =	sadd.s32 $0x43, s13;
	v15 =	vadd.s32 v12, v38  }
0x53d: {  	v16 =	vmov s0  }
0x53e: {  	[tilespmem:s5+$0x8050] =	vst v13  }
0x53f: {  	v14 =	vld.idx.msk [tilespmem:v14+s12+$0x0], $0xffff  }
0x540: {  	v17 =	vadd.s32 v11, v40;
	v42 =	vld.idx.msk [tilespmem:v3+s17+$0x0], $0xffff;
	[tilespmem:s7+$0x8070] =	vst v4  }
0x541: {  	v13 =	vor.u32 $0x90, v0;
	v3 =	vld.idx.msk [tilespmem:v15+s12+$0x0], $0xffff  }
0x542: {  	v41 =	vld.idx.msk [tilespmem:v16+s17+$0x0], $0xffff;
	v4 =	vadd.s32 v13, v38;
	_ =	sdelay $0x1  }
0x543: {  	[tilespmem:s5+$0x8060] =	vst v14  }
0x544: {  	v15 =	vld.idx.msk [tilespmem:v17+s12+$0x0], $0xffff;
	v16 =	vadd.s32 v0, v42  }
0x545: {  	v17 =	vadd.s32 v12, v40;
	[tilespmem:s7+$0x8400] =	vst v3  }
0x546: {  	v14 =	vor.u32 $0xA0, v0;
	v3 =	vadd.s32 v0, v41;
	v4 =	vld.idx.msk [tilespmem:v4+s12+$0x0], $0xffff  }
0x547: {  	v18 =	vadd.s32 v14, v38;
	_ =	sdelay $0x1  }
0x548: {  	[tilespmem:s5+$0x8070] =	vst v15;
	v16 =	vld.idx.msk [tilespmem:v16+s12+$0x0], $0xffff  }
0x549: {  	s16 =	simm.s32 $0x400;
	v19 =	vadd.s32 v5, v42;
	v17 =	vld.idx.msk [tilespmem:v17+s12+$0x0], $0xffff  }
0x54a: {  	s18 =	simm.s32 $0x100;
	s0 =	sand.u32 $0x7000, s16;
	v20 =	vadd.s32 v13, v40;
	v3 =	vld.idx.msk [tilespmem:v3+s12+$0x0], $0xffff;
	[tilespmem:s7+$0x8410] =	vst v4  }
0x54b: {  	s2 =	sand.u32 $0x300, s18;
	s0 =	sor.u32 $0xD80, s0;
	v15 =	vor.u32 $0xB0, v0;
	v4 =	vadd.s32 v5, v41;
	v18 =	vld.idx.msk [tilespmem:v18+s12+$0x0], $0xffff  }
0x54c: {  	s3 =	simm.s32 $0x180;
	s2 =	sadd.s32 s2, s0;
	v21 =	vadd.s32 v15, v38  }
0x54d: {  	s3 =	sand.u32 $0x380, s3;
	[tilespmem:s2+$0x8000] =	vst v16  }
0x54e: {  	s0 =	sadd.s32 s3, s0;
	[tilespmem:s5+$0x8400] =	vst v17;
	v16 =	vld.idx.msk [tilespmem:v19+s12+$0x0], $0xffff  }
0x54f: {  	v19 =	vld.idx.msk [tilespmem:v20+s12+$0x0], $0xffff;
	[tilespmem:s0+$0x8000] =	vst v3;
	v3 =	vadd.s32 v6, v42  }
0x550: {  	v20 =	vadd.s32 v14, v40;
	v4 =	vld.idx.msk [tilespmem:v4+s12+$0x0], $0xffff;
	[tilespmem:s7+$0x8420] =	vst v18  }
0x551: {  	v17 =	vor.u32 $0xC0, v0;
	v18 =	vadd.s32 v6, v41;
	v21 =	vld.idx.msk [tilespmem:v21+s12+$0x0], $0xffff  }
0x552: {  	v22 =	vadd.s32 v17, v38  }
0x553: {  	[tilespmem:s2+$0x8010] =	vst v16  }
0x554: {  	[tilespmem:s5+$0x8410] =	vst v19;
	v3 =	vld.idx.msk [tilespmem:v3+s12+$0x0], $0xffff  }
0x555: {  	v16 =	vld.idx.msk [tilespmem:v20+s12+$0x0], $0xffff;
	[tilespmem:s0+$0x8010] =	vst v4;
	v4 =	vadd.s32 v7, v42  }
0x556: {  	v19 =	vadd.s32 v15, v40;
	v20 =	vld.idx.msk [tilespmem:v18+s12+$0x0], $0xffff;
	[tilespmem:s7+$0x8430] =	vst v21  }
0x557: {  	v18 =	vor.u32 $0xD0, v0;
	v21 =	vadd.s32 v7, v41;
	v22 =	vld.idx.msk [tilespmem:v22+s12+$0x0], $0xffff  }
0x558: {  	v23 =	vadd.s32 v18, v38  }
0x559: {  	[tilespmem:s2+$0x8020] =	vst v3  }
0x55a: {  	[tilespmem:s5+$0x8420] =	vst v16;
	v3 =	vld.idx.msk [tilespmem:v4+s12+$0x0], $0xffff  }
0x55b: {  	v16 =	vadd.s32 v8, v42;
	v4 =	vld.idx.msk [tilespmem:v19+s12+$0x0], $0xffff;
	[tilespmem:s0+$0x8020] =	vst v20  }
0x55c: {  	v19 =	vadd.s32 v17, v40;
	v21 =	vld.idx.msk [tilespmem:v21+s12+$0x0], $0xffff;
	[tilespmem:s7+$0x8440] =	vst v22  }
0x55d: {  	v20 =	vor.u32 $0xE0, v0;
	v22 =	vadd.s32 v8, v41;
	v23 =	vld.idx.msk [tilespmem:v23+s12+$0x0], $0xffff  }
0x55e: {  	v24 =	vadd.s32 v20, v38  }
0x55f: {  	[tilespmem:s2+$0x8030] =	vst v3  }
0x560: {  	[tilespmem:s5+$0x8430] =	vst v4;
	v3 =	vld.idx.msk [tilespmem:v16+s12+$0x0], $0xffff  }
0x561: {  	v4 =	vld.idx.msk [tilespmem:v19+s12+$0x0], $0xffff;
	[tilespmem:s0+$0x8030] =	vst v21;
	v16 =	vadd.s32 v9, v42  }
0x562: {  	v19 =	vadd.s32 v18, v40;
	v22 =	vld.idx.msk [tilespmem:v22+s12+$0x0], $0xffff;
	[tilespmem:s7+$0x8450] =	vst v23  }
0x563: {  	v21 =	vor.u32 $0xF0, v0;
	v23 =	vadd.s32 v9, v41;
	v24 =	vld.idx.msk [tilespmem:v24+s12+$0x0], $0xffff  }
0x564: {  	v25 =	vadd.s32 v21, v38  }
0x565: {  	[tilespmem:s2+$0x8040] =	vst v3  }
0x566: {  	[tilespmem:s5+$0x8440] =	vst v4;
	v3 =	vld.idx.msk [tilespmem:v16+s12+$0x0], $0xffff  }
0x567: {  	v4 =	vld.idx.msk [tilespmem:v19+s12+$0x0], $0xffff;
	[tilespmem:s0+$0x8040] =	vst v22;
	v16 =	vadd.s32 v10, v42  }
0x568: {  	v19 =	vadd.s32 v20, v40;
	v23 =	vld.idx.msk [tilespmem:v23+s12+$0x0], $0xffff;
	[tilespmem:s7+$0x8460] =	vst v24  }
0x569: {  	v22 =	vor.u32 $0x100, v0;
	v24 =	vadd.s32 v10, v41;
	v25 =	vld.idx.msk [tilespmem:v25+s12+$0x0], $0xffff  }
0x56a: {  	v26 =	vadd.s32 v22, v38  }
0x56b: {  	[tilespmem:s2+$0x8050] =	vst v3  }
0x56c: {  	s19 =	sadd.s32 $0x2, s23;
	[tilespmem:s5+$0x8450] =	vst v4;
	v3 =	vld.idx.msk [tilespmem:v16+s12+$0x0], $0xffff  }
0x56d: {  	s8 =	sadd.s32 $0x42, s19;
	v4 =	vld.idx.msk [tilespmem:v19+s12+$0x0], $0xffff;
	[tilespmem:s0+$0x8050] =	vst v23;
	v16 =	vadd.s32 v11, v42  }
0x56e: {  	v19 =	vadd.s32 v21, v40;
	v24 =	vld.idx.msk [tilespmem:v24+s12+$0x0], $0xffff;
	[tilespmem:s7+$0x8470] =	vst v25;
	v25 =	vmov s8  }
0x56f: {  	v27 =	vadd.s32 v11, v41;
	v23 =	vor.u32 $0x110, v0;
	v26 =	vld.idx.msk [tilespmem:v26+s12+$0x0], $0xffff;
	v25 =	vand.u32 $0xFFFFFFFE, v25  }
0x570: {  	v28 =	vadd.s32 v23, v38;
	v25 =	vbroadcast v25, $0x0  }
0x571: {  	s3 =	sadd.s32 $0x43, s19;
	[tilespmem:s2+$0x8060] =	vst v3  }
0x572: {  	[tilespmem:s5+$0x8460] =	vst v4;
	v3 =	vmov s3;
	v16 =	vld.idx.msk [tilespmem:v16+s12+$0x0], $0xffff  }
0x573: {  	v29 =	vadd.s32 v12, v42;
	v19 =	vld.idx.msk [tilespmem:v19+s12+$0x0], $0xffff;
	[tilespmem:s0+$0x8060] =	vst v24  }
0x574: {  	v30 =	vadd.s32 v22, v40;
	v27 =	vld.idx.msk [tilespmem:v27+s12+$0x0], $0xffff;
	[tilespmem:s7+$0x8800] =	vst v26  }
0x575: {  	v24 =	vor.u32 $0x120, v0;
	v26 =	vld.idx.msk [tilespmem:v28+s12+$0x0], $0xffff  }
0x576: {  	v4 =	vld.idx.msk [tilespmem:v25+s17+$0x0], $0xffff;
	v25 =	vadd.s32 v24, v38  }
0x577: {  	v3 =	vld.idx.msk [tilespmem:v3+s17+$0x0], $0xffff;
	[tilespmem:s2+$0x8070] =	vst v16  }
0x578: {  	v16 =	vadd.s32 v12, v41;
	[tilespmem:s5+$0x8470] =	vst v19;
	v19 =	vld.idx.msk [tilespmem:v29+s12+$0x0], $0xffff  }
0x579: {  	v28 =	vld.idx.msk [tilespmem:v30+s12+$0x0], $0xffff;
	v29 =	vadd.s32 v13, v42  }
0x57a: {  	v30 =	vadd.s32 v23, v40;
	[tilespmem:s7+$0x8810] =	vst v26  }
0x57b: {  	v26 =	vld.idx.msk [tilespmem:v25+s12+$0x0], $0xffff;
	v31 =	vadd.s32 v0, v4;
	v25 =	vor.u32 $0x130, v0  }
0x57c: {  	[tilespmem:s0+$0x8070] =	vst v27;
	v27 =	vadd.s32 v25, v38  }
0x57d: {  	v32 =	vadd.s32 v0, v3;
	v16 =	vld.idx.msk [tilespmem:v16+s12+$0x0], $0xffff;
	[tilespmem:s2+$0x8400] =	vst v19  }
0x57e: {  	v19 =	vadd.s32 v13, v41;
	[tilespmem:s5+$0x8800] =	vst v28;
	v28 =	vld.idx.msk [tilespmem:v29+s12+$0x0], $0xffff  }
0x57f: {  	v29 =	vld.idx.msk [tilespmem:v30+s12+$0x0], $0xffff;
	v30 =	vadd.s32 v14, v42  }
0x580: {  	v33 =	vadd.s32 v24, v40;
	v31 =	vld.idx.msk [tilespmem:v31+s12+$0x0], $0xffff;
	[tilespmem:s7+$0x8820] =	vst v26  }
0x581: {  	s20 =	simm.s32 $0x800;
	v34 =	vadd.s32 v5, v4;
	v26 =	vor.u32 $0x140, v0;
	v27 =	vld.idx.msk [tilespmem:v27+s12+$0x0], $0xffff  }
0x582: {  	s25 =	simm.s32 $0x200;
	s3 =	sand.u32 $0x7000, s20;
	[tilespmem:s0+$0x8400] =	vst v16;
	v16 =	vld.idx.msk [tilespmem:v32+s12+$0x0], $0xffff;
	v53 =	vadd.s32 v26, v38  }
0x583: {  	s8 =	sand.u32 $0x300, s25;
	s10 =	sor.u32 $0xD80, s3;
	v35 =	vadd.s32 v5, v3;
	v19 =	vld.idx.msk [tilespmem:v19+s12+$0x0], $0xffff;
	[tilespmem:s2+$0x8410] =	vst v28  }
0x584: {  	s11 =	simm.s32 $0x280;
	s3 =	sadd.s32 s8, s10;
	v28 =	vadd.s32 v14, v41;
	[tilespmem:s5+$0x8810] =	vst v29;
	v30 =	vld.idx.msk [tilespmem:v30+s12+$0x0], $0xffff  }
0x585: {  	s31 =	sand.u32 $0x380, s11;
	v33 =	vld.idx.msk [tilespmem:v33+s12+$0x0], $0xffff;
	[tilespmem:s3+$0x8000] =	vst v31;
	v31 =	vadd.s32 v15, v42  }
0x586: {  	s25 =	sadd.s32 s31, s10;
	v36 =	vadd.s32 v25, v40;
	v34 =	vld.idx.msk [tilespmem:v34+s12+$0x0], $0xffff;
	[tilespmem:s7+$0x8830] =	vst v27  }
0x587: {  	v29 =	vor.u32 $0x150, v0;
	[tilespmem:s25+$0x8000] =	vst v16;
	v27 =	vadd.s32 v6, v4;
	v16 =	vld.idx.msk [tilespmem:v53+s12+$0x0], $0xffff  }
0x588: {  	v54 =	vld.idx.msk [tilespmem:v35+s12+$0x0], $0xffff;
	[tilespmem:s0+$0x8410] =	vst v19;
	v19 =	vadd.s32 v29, v38  }
0x589: {  	v55 =	vadd.s32 v6, v3;
	v28 =	vld.idx.msk [tilespmem:v28+s12+$0x0], $0xffff;
	[tilespmem:s2+$0x8420] =	vst v30  }
0x58a: {  	v30 =	vadd.s32 v15, v41;
	[tilespmem:s5+$0x8820] =	vst v33;
	v31 =	vld.idx.msk [tilespmem:v31+s12+$0x0], $0xffff  }
0x58b: {  	v56 =	vadd.s32 v17, v42;
	v36 =	vld.idx.msk [tilespmem:v36+s12+$0x0], $0xffff;
	[tilespmem:s3+$0x8010] =	vst v34  }
0x58c: {  	v37 =	vadd.s32 v26, v40;
	v27 =	vld.idx.msk [tilespmem:v27+s12+$0x0], $0xffff;
	[tilespmem:s7+$0x8840] =	vst v16  }
0x58d: {  	v33 =	vor.u32 $0x160, v0;
	[tilespmem:s25+$0x8010] =	vst v54;
	v16 =	vld.idx.msk [tilespmem:v19+s12+$0x0], $0xffff;
	v19 =	vadd.s32 v7, v4  }
0x58e: {  	v32 =	vld.idx.msk [tilespmem:v55+s12+$0x0], $0xffff;
	[tilespmem:s0+$0x8420] =	vst v28;
	v28 =	vadd.s32 v33, v38  }
0x58f: {  	v39 =	vadd.s32 v7, v3;
	v30 =	vld.idx.msk [tilespmem:v30+s12+$0x0], $0xffff;
	[tilespmem:s2+$0x8430] =	vst v31  }
0x590: {  	v31 =	vadd.s32 v17, v41;
	[tilespmem:s5+$0x8830] =	vst v36;
	v34 =	vld.idx.msk [tilespmem:v56+s12+$0x0], $0xffff  }
0x591: {  	v36 =	vld.idx.msk [tilespmem:v37+s12+$0x0], $0xffff;
	[tilespmem:s3+$0x8020] =	vst v27;
	v27 =	vadd.s32 v18, v42  }
0x592: {  	v58 =	vadd.s32 v29, v40;
	v19 =	vld.idx.msk [tilespmem:v19+s12+$0x0], $0xffff;
	[tilespmem:s7+$0x8850] =	vst v16  }
0x593: {  	v35 =	vor.u32 $0x170, v0;
	[tilespmem:s25+$0x8020] =	vst v32;
	v16 =	vld.idx.msk [tilespmem:v28+s12+$0x0], $0xffff;
	v28 =	vadd.s32 v8, v4  }
0x594: {  	v32 =	vld.idx.msk [tilespmem:v39+s12+$0x0], $0xffff;
	[tilespmem:s0+$0x8430] =	vst v30;
	v30 =	vadd.s32 v35, v38  }
0x595: {  	v59 =	vadd.s32 v8, v3;
	v60 =	vld.idx.msk [tilespmem:v31+s12+$0x0], $0xffff;
	[tilespmem:s2+$0x8440] =	vst v34  }
0x596: {  	v43 =	vadd.s32 v18, v41;
	[tilespmem:s5+$0x8840] =	vst v36;
	v27 =	vld.idx.msk [tilespmem:v27+s12+$0x0], $0xffff  }
0x597: {  	v36 =	vld.idx.msk [tilespmem:v58+s12+$0x0], $0xffff;
	[tilespmem:s3+$0x8030] =	vst v19;
	v19 =	vadd.s32 v20, v42  }
0x598: {  	v61 =	vadd.s32 v33, v40;
	v28 =	vld.idx.msk [tilespmem:v28+s12+$0x0], $0xffff;
	[tilespmem:s7+$0x8860] =	vst v16  }
0x599: {  	v31 =	vor.u32 $0x180, v0;
	[tilespmem:s25+$0x8030] =	vst v32;
	v16 =	vld.idx.msk [tilespmem:v30+s12+$0x0], $0xffff;
	v30 =	vadd.s32 v9, v4  }
0x59a: {  	v62 =	vadd.s32 v31, v38;
	v32 =	vld.idx.msk [tilespmem:v59+s12+$0x0], $0xffff;
	[tilespmem:s0+$0x8440] =	vst v60  }
0x59b: {  	v63 =	vadd.s32 v9, v3;
	[tilespmem:s2+$0x8450] =	vst v27;
	v27 =	vld.idx.msk [tilespmem:v43+s12+$0x0], $0xffff  }
0x59c: {  	v48 =	vadd.s32 v20, v41;
	[tilespmem:s5+$0x8850] =	vst v36;
	v19 =	vld.idx.msk [tilespmem:v19+s12+$0x0], $0xffff  }
0x59d: {  	v49 =	vadd.s32 v21, v42;
	v37 =	vld.idx.msk [tilespmem:v61+s12+$0x0], $0xffff;
	[tilespmem:s3+$0x8040] =	vst v28  }
0x59e: {  	v44 =	vadd.s32 v35, v40;
	v30 =	vld.idx.msk [tilespmem:v30+s12+$0x0], $0xffff;
	[tilespmem:s7+$0x8870] =	vst v16  }
0x59f: {  	v50 =	vadd.s32 v10, v4;
	v28 =	vor.u32 $0x190, v0;
	[tilespmem:s25+$0x8040] =	vst v32;
	v16 =	vld.idx.msk [tilespmem:v62+s12+$0x0], $0xffff  }
0x5a0: {  	s10 =	sand.u32 $0x3, s1;
	v51 =	vld.idx.msk [tilespmem:v63+s12+$0x0], $0xffff;
	[tilespmem:s0+$0x8450] =	vst v27;
	v27 =	vadd.s32 v28, v38  }
0x5a1: {  	v52 =	vadd.s32 v10, v3;
	s7 =	sshll.u32 s10, $0x8;
	[tilespmem:s2+$0x8460] =	vst v19;
	v19 =	vld.idx.msk [tilespmem:v48+s12+$0x0], $0xffff  }
0x5a2: {  	v53 =	vadd.s32 v21, v41;
	s7 =	sadd.s32 $0x0, s7;
	[tilespmem:s5+$0x8860] =	vst v37;
	v36 =	vld.idx.msk [tilespmem:v49+s12+$0x0], $0xffff  }
0x5a3: {  	s10 =	sor.u32 $0x8C00, s7;
	v37 =	vld.idx.msk [tilespmem:v44+s12+$0x0], $0xffff;
	[tilespmem:s3+$0x8050] =	vst v30;
	v30 =	vadd.s32 v22, v42  }
0x5a4: {  	s11 =	sadd.s32 $0x4, s23;
	v54 =	vadd.s32 v31, v40;
	v32 =	vld.idx.msk [tilespmem:v50+s12+$0x0], $0xffff;
	[tilespmem:s10+$0xD80] =	vst v16  }
0x5a5: {  	v55 =	vadd.s32 v11, v4;
	s7 =	sadd.s32 $0x43, s11;
	[tilespmem:s25+$0x8050] =	vst v51;
	v16 =	vld.idx.msk [tilespmem:v27+s12+$0x0], $0xffff  }
0x5a6: {  	v46 =	vmov s7;
	v27 =	vor.u32 $0x1A0, v0;
	v39 =	vld.idx.msk [tilespmem:v52+s12+$0x0], $0xffff;
	[tilespmem:s0+$0x8460] =	vst v19  }
0x5a7: {  	v19 =	vadd.s32 v27, v38;
	[tilespmem:s2+$0x8470] =	vst v36;
	v56 =	vld.idx.msk [tilespmem:v53+s12+$0x0], $0xffff  }
0x5a8: {  	s13 =	sadd.s32 $0x42, s11;
	v45 =	vadd.s32 v11, v3;
	[tilespmem:s5+$0x8870] =	vst v37;
	v58 =	vld.idx.msk [tilespmem:v30+s12+$0x0], $0xffff  }
0x5a9: {  	v60 =	vadd.s32 v22, v41;
	v30 =	vmov s13;
	v37 =	vld.idx.msk [tilespmem:v54+s12+$0x0], $0xffff;
	[tilespmem:s3+$0x8060] =	vst v32  }
0x5aa: {  	v59 =	vadd.s32 v23, v42;
	v30 =	vand.u32 $0xFFFFFFFE, v30;
	v34 =	vld.idx.msk [tilespmem:v55+s12+$0x0], $0xffff  }
0x5ab: {  	s1 =	sand.u32 $0x7, s1;
	v49 =	vadd.s32 v28, v40;
	v47 =	vbroadcast v30, $0x0;
	[tilespmem:s10+$0xD90] =	vst v16;
	v16 =	vld.idx.msk [tilespmem:v46+s17+$0x0], $0xffff  }
0x5ac: {  	s1 =	sshll.u32 s1, $0x7;
	[tilespmem:s25+$0x8060] =	vst v39;
	v61 =	vld.idx.msk [tilespmem:v19+s12+$0x0], $0xffff  }
0x5ad: {  	s1 =	sadd.s32 $0x80, s1;
	v48 =	vadd.s32 v12, v4;
	v30 =	vor.u32 $0x1B0, v0;
	v45 =	vld.idx.msk [tilespmem:v45+s12+$0x0], $0xffff;
	[tilespmem:s0+$0x8470] =	vst v56  }
0x5ae: {  	s28 =	sor.u32 $0x8C00, s1;
	v62 =	vadd.s32 v30, v38;
	[tilespmem:s2+$0x8800] =	vst v58;
	v44 =	vld.idx.msk [tilespmem:v60+s12+$0x0], $0xffff  }
0x5af: {  	v63 =	vadd.s32 v12, v3;
	[tilespmem:s28+$0xD80] =	vst v37;
	v52 =	vld.idx.msk [tilespmem:v59+s12+$0x0], $0xffff  }
0x5b0: {  	v54 =	vadd.s32 v23, v41;
	v36 =	vld.idx.msk [tilespmem:v49+s12+$0x0], $0xffff  }
0x5b1: {  	v53 =	vadd.s32 v24, v42;
	[tilespmem:s3+$0x8070] =	vst v34;
	v19 =	vld.idx.msk [tilespmem:v47+s17+$0x0], $0xffff  }
0x5b2: {  	v58 =	vadd.s32 v0, v16;
	v48 =	vld.idx.msk [tilespmem:v48+s12+$0x0], $0xffff;
	[tilespmem:s10+$0xDA0] =	vst v61  }
0x5b3: {  	v32 =	vor.u32 $0x1C0, v0;
	v55 =	vadd.s32 v13, v4;
	[tilespmem:s25+$0x8070] =	vst v45;
	v39 =	vld.idx.msk [tilespmem:v62+s12+$0x0], $0xffff  }
0x5b4: {  	v56 =	vadd.s32 v32, v38;
	v37 =	vld.idx.msk [tilespmem:v63+s12+$0x0], $0xffff;
	[tilespmem:s0+$0x8800] =	vst v44  }
0x5b5: {  	[tilespmem:s2+$0x8810] =	vst v52;
	v47 =	vld.idx.msk [tilespmem:v54+s12+$0x0], $0xffff;
	v52 =	vadd.s32 v27, v40  }
0x5b6: {  	v59 =	vld.idx.msk [tilespmem:v53+s12+$0x0], $0xffff;
	v60 =	vadd.s32 v0, v19  }
0x5b7: {  	v61 =	vadd.s32 v25, v42;
	v46 =	vld.idx.msk [tilespmem:v58+s12+$0x0], $0xffff;
	[tilespmem:s3+$0x8400] =	vst v48  }
0x5b8: {  	v50 =	vadd.s32 v13, v3;
	v43 =	vld.idx.msk [tilespmem:v55+s12+$0x0], $0xffff;
	[tilespmem:s10+$0xDB0] =	vst v39  }
0x5b9: {  	v62 =	vadd.s32 v24, v41;
	[tilespmem:s28+$0xD90] =	vst v36;
	v45 =	vld.idx.msk [tilespmem:v56+s12+$0x0], $0xffff  }
0x5ba: {  	v51 =	vadd.s32 v14, v4;
	v34 =	vor.u32 $0x1D0, v0;
	v52 =	vld.idx.msk [tilespmem:v52+s12+$0x0], $0xffff  }
0x5bb: {  	v63 =	vadd.s32 v34, v38;
	[tilespmem:s2+$0x8820] =	vst v59;
	v44 =	vld.idx.msk [tilespmem:v60+s12+$0x0], $0xffff  }
0x5bc: {  	s1 =	simm.s32 $0xC00;
	[tilespmem:s25+$0x8400] =	vst v37;
	v56 =	vld.idx.msk [tilespmem:v61+s12+$0x0], $0xffff;
	v61 =	vadd.s32 v5, v16  }
0x5bd: {  	s18 =	simm.s32 $0x380;
	s16 =	simm.s32 $0x300;
	s15 =	sand.u32 $0x7000, s1;
	v58 =	vadd.s32 v5, v19;
	[tilespmem:s0+$0x8810] =	vst v47;
	v59 =	vld.idx.msk [tilespmem:v50+s12+$0x0], $0xffff  }
0x5be: {  	s19 =	sand.u32 $0x380, s18;
	s7 =	sand.u32 $0x300, s16;
	s5 =	sor.u32 $0xD80, s15;
	v39 =	vld.idx.msk [tilespmem:v62+s12+$0x0], $0xffff;
	v60 =	vadd.s32 v26, v42;
	[tilespmem:s3+$0x8410] =	vst v43  }
0x5bf: {  	s29 =	sadd.s32 s7, s5;
	s7 =	sadd.s32 s19, s5;
	v62 =	vadd.s32 v14, v3;
	v51 =	vld.idx.msk [tilespmem:v51+s12+$0x0], $0xffff;
	[tilespmem:s10+$0xDC0] =	vst v45  }
0x5c0: {  	v53 =	vadd.s32 v25, v41;
	[tilespmem:s7+$0x8000] =	vst v46;
	v49 =	vld.idx.msk [tilespmem:v63+s12+$0x0], $0xffff  }
0x5c1: {  	v36 =	vor.u32 $0x1E0, v0;
	v63 =	vadd.s32 v15, v4;
	[tilespmem:s29+$0x8000] =	vst v44;
	v50 =	vld.idx.msk [tilespmem:v61+s12+$0x0], $0xffff  }
0x5c2: {  	[tilespmem:s2+$0x8830] =	vst v56;
	v56 =	vadd.s32 v36, v38;
	v47 =	vld.idx.msk [tilespmem:v58+s12+$0x0], $0xffff  }
0x5c3: {  	[tilespmem:s25+$0x8410] =	vst v59;
	v43 =	vld.idx.msk [tilespmem:v60+s12+$0x0], $0xffff;
	v60 =	vadd.s32 v6, v16  }
0x5c4: {  	[tilespmem:s0+$0x8820] =	vst v39;
	v45 =	vld.idx.msk [tilespmem:v62+s12+$0x0], $0xffff;
	v58 =	vadd.s32 v6, v19  }
0x5c5: {  	v59 =	vadd.s32 v29, v42;
	v53 =	vld.idx.msk [tilespmem:v53+s12+$0x0], $0xffff;
	[tilespmem:s3+$0x8420] =	vst v51  }
0x5c6: {  	v61 =	vadd.s32 v15, v3;
	v44 =	vld.idx.msk [tilespmem:v63+s12+$0x0], $0xffff;
	[tilespmem:s10+$0xDD0] =	vst v49  }
0x5c7: {  	v63 =	vadd.s32 v17, v4;
	v62 =	vld.idx.msk [tilespmem:v56+s12+$0x0], $0xffff;
	[tilespmem:s7+$0x8010] =	vst v50  }
0x5c8: {  	v54 =	vadd.s32 v26, v41;
	v37 =	vor.u32 $0x1F0, v0;
	[tilespmem:s29+$0x8010] =	vst v47;
	v51 =	vld.idx.msk [tilespmem:v60+s12+$0x0], $0xffff  }
0x5c9: {  	v38 =	vadd.s32 v37, v38;
	[tilespmem:s2+$0x8840] =	vst v43;
	v46 =	vld.idx.msk [tilespmem:v58+s12+$0x0], $0xffff  }
0x5ca: {  	[tilespmem:s25+$0x8420] =	vst v45;
	v48 =	vld.idx.msk [tilespmem:v59+s12+$0x0], $0xffff;
	v59 =	vadd.s32 v7, v16  }
0x5cb: {  	v56 =	vadd.s32 v7, v19;
	[tilespmem:s3+$0x8430] =	vst v44;
	v44 =	vld.idx.msk [tilespmem:v61+s12+$0x0], $0xffff  }
0x5cc: {  	[tilespmem:s0+$0x8830] =	vst v53;
	v58 =	vadd.s32 v33, v42;
	v47 =	vld.idx.msk [tilespmem:v63+s12+$0x0], $0xffff  }
0x5cd: {  	v60 =	vadd.s32 v17, v3;
	[tilespmem:s10+$0xDE0] =	vst v62;
	v62 =	vld.idx.msk [tilespmem:v54+s12+$0x0], $0xffff  }
0x5ce: {  	v61 =	vadd.s32 v18, v4;
	v43 =	vld.idx.msk [tilespmem:v38+s12+$0x0], $0xffff;
	[tilespmem:s7+$0x8020] =	vst v51  }
0x5cf: {  	v63 =	vadd.s32 v29, v41;
	[tilespmem:s29+$0x8020] =	vst v46;
	v49 =	vld.idx.msk [tilespmem:v59+s12+$0x0], $0xffff  }
0x5d0: {  	[tilespmem:s2+$0x8850] =	vst v48;
	v59 =	vadd.s32 v8, v16;
	v50 =	vld.idx.msk [tilespmem:v56+s12+$0x0], $0xffff  }
0x5d1: {  	v45 =	vld.idx.msk [tilespmem:v58+s12+$0x0], $0xffff;
	v56 =	vadd.s32 v8, v19;
	[tilespmem:s25+$0x8430] =	vst v44  }
0x5d2: {  	v58 =	vadd.s32 v35, v42;
	[tilespmem:s3+$0x8440] =	vst v47;
	v39 =	vld.idx.msk [tilespmem:v60+s12+$0x0], $0xffff  }
0x5d3: {  	v60 =	vadd.s32 v18, v3;
	v38 =	vld.idx.msk [tilespmem:v61+s12+$0x0], $0xffff;
	[tilespmem:s0+$0x8840] =	vst v62  }
0x5d4: {  	v61 =	vadd.s32 v20, v4;
	v62 =	vld.idx.msk [tilespmem:v63+s12+$0x0], $0xffff;
	[tilespmem:s7+$0x8030] =	vst v49  }
0x5d5: {  	v63 =	vadd.s32 v30, v40;
	[tilespmem:s29+$0x8030] =	vst v50;
	v51 =	vld.idx.msk [tilespmem:v59+s12+$0x0], $0xffff  }
0x5d6: {  	[tilespmem:s2+$0x8860] =	vst v45;
	v48 =	vld.idx.msk [tilespmem:v56+s12+$0x0], $0xffff;
	v56 =	vadd.s32 v33, v41  }
0x5d7: {  	v44 =	vld.idx.msk [tilespmem:v58+s12+$0x0], $0xffff;
	v58 =	vadd.s32 v9, v19;
	[tilespmem:s25+$0x8440] =	vst v39  }
0x5d8: {  	v59 =	vadd.s32 v31, v42;
	[tilespmem:s3+$0x8450] =	vst v38;
	v38 =	vld.idx.msk [tilespmem:v60+s12+$0x0], $0xffff  }
0x5d9: {  	[tilespmem:s28+$0xDA0] =	vst v52;
	v60 =	vadd.s32 v9, v16;
	v46 =	vld.idx.msk [tilespmem:v61+s12+$0x0], $0xffff  }
0x5da: {  	v61 =	vadd.s32 v20, v3;
	[tilespmem:s0+$0x8850] =	vst v62;
	v62 =	vld.idx.msk [tilespmem:v63+s12+$0x0], $0xffff  }
0x5db: {  	v63 =	vadd.s32 v21, v4;
	[tilespmem:s29+$0x8040] =	vst v48;
	v45 =	vld.idx.msk [tilespmem:v56+s12+$0x0], $0xffff  }
0x5dc: {  	v56 =	vadd.s32 v32, v40;
	[tilespmem:s2+$0x8870] =	vst v44;
	v49 =	vld.idx.msk [tilespmem:v58+s12+$0x0], $0xffff  }
0x5dd: {  	[tilespmem:s7+$0x8040] =	vst v51;
	v58 =	vadd.s32 v35, v41;
	v39 =	vld.idx.msk [tilespmem:v59+s12+$0x0], $0xffff  }
0x5de: {  	s20 =	simm.s32 $0x1;
	v59 =	vadd.s32 v10, v19;
	v47 =	vld.idx.msk [tilespmem:v60+s12+$0x0], $0xffff;
	[tilespmem:s25+$0x8450] =	vst v38  }
0x5df: {  	s2 =	sand.u32 $0x3, s20;
	v60 =	vadd.s32 v28, v42;
	[tilespmem:s3+$0x8460] =	vst v46;
	v38 =	vld.idx.msk [tilespmem:v61+s12+$0x0], $0xffff  }
0x5e0: {  	s2 =	sshll.u32 s2, $0x8;
	v61 =	vadd.s32 v10, v16;
	[tilespmem:s28+$0xDB0] =	vst v62;
	v48 =	vld.idx.msk [tilespmem:v63+s12+$0x0], $0xffff  }
0x5e1: {  	v62 =	vadd.s32 v21, v3;
	s2 =	sadd.s32 $0x400, s2;
	[tilespmem:s0+$0x8860] =	vst v45;
	v63 =	vld.idx.msk [tilespmem:v56+s12+$0x0], $0xffff  }
0x5e2: {  	s31 =	sor.u32 $0x8C00, s2;
	v56 =	vadd.s32 v22, v4;
	[tilespmem:s29+$0x8050] =	vst v49;
	v44 =	vld.idx.msk [tilespmem:v58+s12+$0x0], $0xffff  }
0x5e3: {  	v58 =	vadd.s32 v34, v40;
	[tilespmem:s31+$0xD80] =	vst v39;
	v51 =	vld.idx.msk [tilespmem:v59+s12+$0x0], $0xffff  }
0x5e4: {  	[tilespmem:s7+$0x8050] =	vst v47;
	v59 =	vadd.s32 v31, v41;
	v46 =	vld.idx.msk [tilespmem:v60+s12+$0x0], $0xffff  }
0x5e5: {  	s5 =	sadd.s32 $0x6, s23;
	v47 =	vadd.s32 v11, v19;
	v52 =	vld.idx.msk [tilespmem:v61+s12+$0x0], $0xffff;
	[tilespmem:s25+$0x8460] =	vst v38  }
0x5e6: {  	s8 =	sadd.s32 $0x42, s5;
	v60 =	vadd.s32 v27, v42;
	[tilespmem:s3+$0x8470] =	vst v48;
	v48 =	vld.idx.msk [tilespmem:v62+s12+$0x0], $0xffff  }
0x5e7: {  	s2 =	sadd.s32 $0x43, s5;
	v61 =	vadd.s32 v11, v16;
	v62 =	vmov s8;
	v49 =	vld.idx.msk [tilespmem:v56+s12+$0x0], $0xffff;
	[tilespmem:s28+$0xDC0] =	vst v63  }
0x5e8: {  	v45 =	vand.u32 $0xFFFFFFFE, v62;
	v63 =	vmov s2;
	[tilespmem:s0+$0x8870] =	vst v44;
	v44 =	vld.idx.msk [tilespmem:v58+s12+$0x0], $0xffff  }
0x5e9: {  	v45 =	vbroadcast v45, $0x0;
	v58 =	vadd.s32 v23, v4;
	[tilespmem:s29+$0x8060] =	vst v51;
	v53 =	vld.idx.msk [tilespmem:v59+s12+$0x0], $0xffff  }
0x5ea: {  	[tilespmem:s31+$0xD90] =	vst v46;
	v47 =	vld.idx.msk [tilespmem:v47+s12+$0x0], $0xffff  }
0x5eb: {  	v59 =	vadd.s32 v22, v3;
	[tilespmem:s7+$0x8060] =	vst v52;
	v46 =	vld.idx.msk [tilespmem:v60+s12+$0x0], $0xffff  }
0x5ec: {  	v60 =	vadd.s32 v12, v19;
	v50 =	vld.idx.msk [tilespmem:v61+s12+$0x0], $0xffff  }
0x5ed: {  	v61 =	vadd.s32 v30, v42;
	v38 =	vld.idx.msk [tilespmem:v63+s17+$0x0], $0xffff;
	[tilespmem:s3+$0x8800] =	vst v49  }
0x5ee: {  	v54 =	vadd.s32 v12, v16;
	s0 =	simm.s32 $0x2;
	v62 =	vld.idx.msk [tilespmem:v58+s12+$0x0], $0xffff  }
0x5ef: {  	s13 =	sand.u32 $0x7, s0;
	[tilespmem:s25+$0x8470] =	vst v48;
	v63 =	vadd.s32 v28, v41;
	v39 =	vld.idx.msk [tilespmem:v45+s17+$0x0], $0xffff  }
0x5f0: {  	s2 =	sshll.u32 s13, $0x7;
	v58 =	vadd.s32 v24, v4;
	v55 =	vld.idx.msk [tilespmem:v59+s12+$0x0], $0xffff;
	[tilespmem:s29+$0x8070] =	vst v47  }
0x5f1: {  	s2 =	sadd.s32 $0x480, s2;
	v59 =	vadd.s32 v23, v3;
	[tilespmem:s31+$0xDA0] =	vst v46;
	v52 =	vld.idx.msk [tilespmem:v60+s12+$0x0], $0xffff  }
0x5f2: {  	s30 =	sor.u32 $0x8C00, s2;
	[tilespmem:s7+$0x8070] =	vst v50;
	v60 =	vadd.s32 v36, v40;
	v49 =	vld.idx.msk [tilespmem:v61+s12+$0x0], $0xffff  }
0x5f3: {  	[tilespmem:s30+$0xD80] =	vst v53;
	v61 =	vadd.s32 v13, v19;
	v53 =	vld.idx.msk [tilespmem:v54+s12+$0x0], $0xffff  }
0x5f4: {  	v51 =	vld.idx.msk [tilespmem:v63+s12+$0x0], $0xffff;
	v63 =	vadd.s32 v0, v38;
	[tilespmem:s3+$0x8810] =	vst v62  }
0x5f5: {  	v62 =	vadd.s32 v32, v42;
	v45 =	vld.idx.msk [tilespmem:v58+s12+$0x0], $0xffff;
	[tilespmem:s25+$0x8800] =	vst v55  }
0x5f6: {  	[tilespmem:s28+$0xDD0] =	vst v44;
	v58 =	vadd.s32 v0, v39;
	v47 =	vld.idx.msk [tilespmem:v59+s12+$0x0], $0xffff  }
0x5f7: {  	v59 =	vadd.s32 v25, v4;
	[tilespmem:s29+$0x8400] =	vst v52;
	v46 =	vld.idx.msk [tilespmem:v60+s12+$0x0], $0xffff  }
0x5f8: {  	[tilespmem:s10+$0xDF0] =	vst v43;
	v60 =	vadd.s32 v13, v16;
	v50 =	vld.idx.msk [tilespmem:v61+s12+$0x0], $0xffff  }
0x5f9: {  	v54 =	vadd.s32 v27, v41;
	[tilespmem:s31+$0xDB0] =	vst v49;
	v49 =	vld.idx.msk [tilespmem:v63+s12+$0x0], $0xffff  }
0x5fa: {  	[tilespmem:s7+$0x8400] =	vst v53;
	v61 =	vadd.s32 v24, v3;
	v48 =	vld.idx.msk [tilespmem:v62+s12+$0x0], $0xffff  }
0x5fb: {  	v62 =	vadd.s32 v14, v19;
	v44 =	vld.idx.msk [tilespmem:v58+s12+$0x0], $0xffff;
	[tilespmem:s3+$0x8820] =	vst v45  }
0x5fc: {  	v63 =	vadd.s32 v34, v42;
	[tilespmem:s30+$0xD90] =	vst v51;
	v58 =	vld.idx.msk [tilespmem:v59+s12+$0x0], $0xffff  }
0x5fd: {  	s16 =	simm.s32 $0x1000;
	[tilespmem:s25+$0x8810] =	vst v47;
	v59 =	vadd.s32 v5, v39;
	v52 =	vld.idx.msk [tilespmem:v60+s12+$0x0], $0xffff  }
0x5fe: {  	s18 =	simm.s32 $0x400;
	s15 =	sand.u32 $0x7000, s16;
	v60 =	vadd.s32 v26, v4;
	[tilespmem:s28+$0xDE0] =	vst v46;
	v46 =	vld.idx.msk [tilespmem:v54+s12+$0x0], $0xffff  }
0x5ff: {  	s19 =	sor.u32 $0xD80, s15;
	s5 =	sand.u32 $0x300, s18;
	[tilespmem:s29+$0x8410] =	vst v50;
	v43 =	vld.idx.msk [tilespmem:v61+s12+$0x0], $0xffff;
	v61 =	vadd.s32 v5, v38  }
0x600: {  	s18 =	simm.s32 $0x480;
	s2 =	sadd.s32 s5, s19;
	v40 =	vadd.s32 v37, v40;
	v53 =	vld.idx.msk [tilespmem:v62+s12+$0x0], $0xffff;
	[tilespmem:s31+$0xDC0] =	vst v48  }
0x601: {  	s20 =	sand.u32 $0x380, s18;
	v62 =	vadd.s32 v14, v16;
	v45 =	vld.idx.msk [tilespmem:v63+s12+$0x0], $0xffff;
	[tilespmem:s2+$0x8000] =	vst v44  }
0x602: {  	s5 =	sadd.s32 s20, s19;
	v63 =	vadd.s32 v15, v19;
	v47 =	vld.idx.msk [tilespmem:v59+s12+$0x0], $0xffff;
	[tilespmem:s3+$0x8830] =	vst v58  }
0x603: {  	[tilespmem:s5+$0x8000] =	vst v49;
	v58 =	vadd.s32 v36, v42;
	v49 =	vld.idx.msk [tilespmem:v60+s12+$0x0], $0xffff  }
0x604: {  	v59 =	vadd.s32 v25, v3;
	[tilespmem:s7+$0x8410] =	vst v52;
	v55 =	vld.idx.msk [tilespmem:v61+s12+$0x0], $0xffff  }
0x605: {  	v60 =	vadd.s32 v6, v39;
	[tilespmem:s25+$0x8820] =	vst v43;
	v43 =	vld.idx.msk [tilespmem:v40+s12+$0x0], $0xffff  }
0x606: {  	v61 =	vadd.s32 v29, v4;
	[tilespmem:s29+$0x8420] =	vst v53;
	v48 =	vld.idx.msk [tilespmem:v62+s12+$0x0], $0xffff  }
0x607: {  	v53 =	vadd.s32 v6, v38;
	v44 =	vld.idx.msk [tilespmem:v63+s12+$0x0], $0xffff;
	[tilespmem:s31+$0xDD0] =	vst v45  }
0x608: {  	v62 =	vadd.s32 v15, v16;
	v63 =	vld.idx.msk [tilespmem:v58+s12+$0x0], $0xffff;
	[tilespmem:s2+$0x8010] =	vst v47  }
0x609: {  	v58 =	vadd.s32 v17, v19;
	v59 =	vld.idx.msk [tilespmem:v59+s12+$0x0], $0xffff;
	[tilespmem:s3+$0x8840] =	vst v49  }
0x60a: {  	v42 =	vadd.s32 v37, v42;
	v50 =	vld.idx.msk [tilespmem:v60+s12+$0x0], $0xffff;
	[tilespmem:s5+$0x8010] =	vst v55  }
0x60b: {  	v60 =	vadd.s32 v26, v3;
	v52 =	vld.idx.msk [tilespmem:v61+s12+$0x0], $0xffff;
	[tilespmem:s7+$0x8420] =	vst v48  }
0x60c: {  	v61 =	vadd.s32 v7, v39;
	v53 =	vld.idx.msk [tilespmem:v53+s12+$0x0], $0xffff;
	[tilespmem:s29+$0x8430] =	vst v44  }
0x60d: {  	v44 =	vld.idx.msk [tilespmem:v62+s12+$0x0], $0xffff;
	v62 =	vadd.s32 v33, v4;
	[tilespmem:s31+$0xDE0] =	vst v63  }
0x60e: {  	v56 =	vadd.s32 v7, v38;
	v47 =	vld.idx.msk [tilespmem:v58+s12+$0x0], $0xffff;
	[tilespmem:s25+$0x8830] =	vst v59  }
0x60f: {  	v58 =	vadd.s32 v17, v16;
	v42 =	vld.idx.msk [tilespmem:v42+s12+$0x0], $0xffff;
	[tilespmem:s2+$0x8020] =	vst v50  }
0x610: {  	v59 =	vadd.s32 v18, v19;
	v49 =	vld.idx.msk [tilespmem:v60+s12+$0x0], $0xffff;
	[tilespmem:s3+$0x8850] =	vst v52  }
0x611: {  	v60 =	vadd.s32 v29, v3;
	v63 =	vld.idx.msk [tilespmem:v61+s12+$0x0], $0xffff;
	[tilespmem:s5+$0x8020] =	vst v53  }
0x612: {  	v61 =	vadd.s32 v8, v39;
	v45 =	vld.idx.msk [tilespmem:v62+s12+$0x0], $0xffff;
	[tilespmem:s7+$0x8430] =	vst v44  }
0x613: {  	v48 =	vld.idx.msk [tilespmem:v56+s12+$0x0], $0xffff;
	v62 =	vadd.s32 v35, v4;
	[tilespmem:s29+$0x8440] =	vst v47  }
0x614: {  	v44 =	vld.idx.msk [tilespmem:v58+s12+$0x0], $0xffff;
	v58 =	vadd.s32 v8, v38;
	[tilespmem:s31+$0xDF0] =	vst v42  }
0x615: {  	v50 =	vld.idx.msk [tilespmem:v59+s12+$0x0], $0xffff;
	v59 =	vadd.s32 v18, v16;
	[tilespmem:s25+$0x8840] =	vst v49  }
0x616: {  	[tilespmem:s2+$0x8030] =	vst v63;
	v63 =	vadd.s32 v20, v19;
	v49 =	vld.idx.msk [tilespmem:v60+s12+$0x0], $0xffff  }
0x617: {  	v51 =	vadd.s32 v30, v41;
	v56 =	vld.idx.msk [tilespmem:v61+s12+$0x0], $0xffff;
	[tilespmem:s3+$0x8860] =	vst v45  }
0x618: {  	v60 =	vadd.s32 v33, v3;
	[tilespmem:s5+$0x8030] =	vst v48;
	v47 =	vld.idx.msk [tilespmem:v62+s12+$0x0], $0xffff  }
0x619: {  	v61 =	vadd.s32 v9, v39;
	v62 =	vld.idx.msk [tilespmem:v58+s12+$0x0], $0xffff;
	[tilespmem:s7+$0x8440] =	vst v44  }
0x61a: {  	v58 =	vadd.s32 v31, v4;
	[tilespmem:s29+$0x8450] =	vst v50;
	v42 =	vld.idx.msk [tilespmem:v59+s12+$0x0], $0xffff  }
0x61b: {  	[tilespmem:s30+$0xDA0] =	vst v46;
	v59 =	vadd.s32 v9, v38;
	v40 =	vld.idx.msk [tilespmem:v63+s12+$0x0], $0xffff  }
0x61c: {  	v63 =	vadd.s32 v20, v16;
	[tilespmem:s25+$0x8850] =	vst v49;
	v49 =	vld.idx.msk [tilespmem:v51+s12+$0x0], $0xffff  }
0x61d: {  	v51 =	vadd.s32 v21, v19;
	[tilespmem:s2+$0x8040] =	vst v56;
	v45 =	vld.idx.msk [tilespmem:v60+s12+$0x0], $0xffff  }
0x61e: {  	v52 =	vadd.s32 v32, v41;
	v54 =	vld.idx.msk [tilespmem:v61+s12+$0x0], $0xffff;
	[tilespmem:s3+$0x8870] =	vst v47  }
0x61f: {  	v60 =	vadd.s32 v35, v3;
	[tilespmem:s5+$0x8040] =	vst v62;
	v61 =	vld.idx.msk [tilespmem:v58+s12+$0x0], $0xffff  }
0x620: {  	s10 =	simm.s32 $0x2;
	v62 =	vadd.s32 v10, v39;
	v56 =	vld.idx.msk [tilespmem:v59+s12+$0x0], $0xffff;
	[tilespmem:s7+$0x8450] =	vst v42  }
0x621: {  	s31 =	sand.u32 $0x3, s10;
	[tilespmem:s29+$0x8460] =	vst v40;
	v58 =	vld.idx.msk [tilespmem:v63+s12+$0x0], $0xffff;
	v63 =	vadd.s32 v28, v4  }
0x622: {  	s3 =	sshll.u32 s31, $0x8;
	v59 =	vadd.s32 v10, v38;
	[tilespmem:s30+$0xDB0] =	vst v49;
	v51 =	vld.idx.msk [tilespmem:v51+s12+$0x0], $0xffff  }
0x623: {  	v53 =	vadd.s32 v11, v38;
	v50 =	vadd.s32 v21, v16;
	s3 =	sadd.s32 $0x800, s3;
	[tilespmem:s25+$0x8860] =	vst v45;
	v48 =	vld.idx.msk [tilespmem:v52+s12+$0x0], $0xffff  }
0x624: {  	v44 =	vadd.s32 v34, v41;
	s3 =	sor.u32 $0x8C00, s3;
	v52 =	vadd.s32 v22, v19;
	[tilespmem:s2+$0x8050] =	vst v54;
	v47 =	vld.idx.msk [tilespmem:v60+s12+$0x0], $0xffff  }
0x625: {  	v42 =	vadd.s32 v36, v41;
	v40 =	vadd.s32 v37, v41;
	v54 =	vld.idx.msk [tilespmem:v62+s12+$0x0], $0xffff;
	[tilespmem:s3+$0xD80] =	vst v61  }
0x626: {  	v41 =	vadd.s32 v28, v3;
	v45 =	vadd.s32 v31, v3;
	[tilespmem:s5+$0x8050] =	vst v56;
	v46 =	vld.idx.msk [tilespmem:v63+s12+$0x0], $0xffff  }
0x627: {  	s11 =	simm.s32 $0x480;
	s15 =	simm.s32 $0x1000;
	s19 =	simm.s32 $0x8;
	v49 =	vadd.s32 v22, v16;
	v56 =	vadd.s32 v11, v39;
	v55 =	vld.idx.msk [tilespmem:v59+s12+$0x0], $0xffff;
	[tilespmem:s7+$0x8460] =	vst v58  }
.LBB2_10:
0x628: {  	s8 =	sadd.s32 s19, s23;
	s19 =	sadd.s32 $0x2, s19;
	[tilespmem:s29+$0x8470] =	vst v51;
	v51 =	vld.idx.msk [tilespmem:v50+s12+$0x0], $0xffff;
	v58 =	vadd.s32 v27, v4;
	v50 =	vadd.s32 v27, v3  }
0x629: {  	s13 =	sadd.s32 $0x42, s8;
	s8 =	sadd.s32 $0x43, s8;
	p1 =	slt.u32 s19, $0x3E;
	v52 =	vld.idx.msk [tilespmem:v52+s12+$0x0], $0xffff;
	[tilespmem:s30+$0xDC0] =	vst v48  }
0x62a: {  	v48 =	vmov s13;
	v59 =	vmov s8;
	[tilespmem:s25+$0x8870] =	vst v47;
	v44 =	vld.idx.msk [tilespmem:v44+s12+$0x0], $0xffff;
	s25 =	smov.u32 s7;
	s7 =	smov.u32 s5  }
0x62b: {  	v60 =	vadd.s32 v23, v16;
	v47 =	vand.u32 $0xFFFFFFFE, v48;
	[tilespmem:s2+$0x8060] =	vst v54;
	v54 =	vadd.s32 v23, v19;
	v45 =	vld.idx.msk [tilespmem:v45+s12+$0x0], $0xffff  }
0x62c: {  	s0 =	sadd.s32 $0x2, s0;
	v47 =	vbroadcast v47, $0x0;
	v56 =	vld.idx.msk [tilespmem:v56+s12+$0x0], $0xffff;
	[tilespmem:s3+$0xD90] =	vst v46  }
0x62d: {  	s5 =	sand.u32 $0x7, s0;
	[tilespmem:s7+$0x8060] =	vst v55;
	v55 =	vld.idx.msk [tilespmem:v58+s12+$0x0], $0xffff  }
0x62e: {  	v61 =	vadd.s32 v12, v38;
	s11 =	sadd.s32 $0x400, s11;
	s5 =	sshll.u32 s5, $0x7;
	v58 =	vadd.s32 v12, v39;
	v53 =	vld.idx.msk [tilespmem:v53+s12+$0x0], $0xffff;
	[tilespmem:s25+$0x8470] =	vst v51  }
0x62f: {  	s5 =	sadd.s32 s5, s11;
	v46 =	vadd.s32 v30, v3;
	v51 =	vadd.s32 v30, v4;
	v48 =	vld.idx.msk [tilespmem:v59+s17+$0x0], $0xffff;
	[tilespmem:s29+$0x8800] =	vst v52  }
0x630: {  	s5 =	sor.u32 $0x8C00, s5;
	v52 =	vld.idx.msk [tilespmem:v54+s12+$0x0], $0xffff;
	[tilespmem:s30+$0xDD0] =	vst v44  }
0x631: {  	v44 =	vld.idx.msk [tilespmem:v49+s12+$0x0], $0xffff;
	[tilespmem:s5+$0xD80] =	vst v45  }
0x632: {  	v49 =	vadd.s32 v24, v16;
	v45 =	vld.idx.msk [tilespmem:v47+s17+$0x0], $0xffff;
	[tilespmem:s2+$0x8070] =	vst v56;
	v47 =	vadd.s32 v24, v19  }
0x633: {  	v54 =	vld.idx.msk [tilespmem:v58+s12+$0x0], $0xffff;
	[tilespmem:s3+$0xDA0] =	vst v55  }
0x634: {  	[tilespmem:s7+$0x8070] =	vst v53;
	v51 =	vld.idx.msk [tilespmem:v51+s12+$0x0], $0xffff  }
0x635: {  	v55 =	vadd.s32 v13, v39;
	v53 =	vadd.s32 v0, v48;
	v56 =	vld.idx.msk [tilespmem:v61+s12+$0x0], $0xffff;
	[tilespmem:s28+$0xDF0] =	vst v43;
	s28 =	smov.u32 s30;
	s30 =	smov.u32 s5  }
0x636: {  	v43 =	vadd.s32 v13, v38;
	[tilespmem:s29+$0x8810] =	vst v52;
	v52 =	vadd.s32 v32, v4;
	v41 =	vld.idx.msk [tilespmem:v41+s12+$0x0], $0xffff  }
0x637: {  	v58 =	vld.idx.msk [tilespmem:v47+s12+$0x0], $0xffff;
	[tilespmem:s25+$0x8800] =	vst v44;
	v47 =	vadd.s32 v32, v3  }
0x638: {  	v44 =	vadd.s32 v0, v45;
	v59 =	vld.idx.msk [tilespmem:v60+s12+$0x0], $0xffff  }
0x639: {  	v60 =	vadd.s32 v25, v16;
	[tilespmem:s2+$0x8400] =	vst v54;
	v54 =	vadd.s32 v25, v19;
	v42 =	vld.idx.msk [tilespmem:v42+s12+$0x0], $0xffff  }
0x63a: {  	v55 =	vld.idx.msk [tilespmem:v55+s12+$0x0], $0xffff;
	[tilespmem:s3+$0xDB0] =	vst v51  }
0x63b: {  	[tilespmem:s7+$0x8400] =	vst v56;
	v51 =	vld.idx.msk [tilespmem:v52+s12+$0x0], $0xffff  }
0x63c: {  	v56 =	vadd.s32 v14, v38;
	v52 =	vld.idx.msk [tilespmem:v53+s12+$0x0], $0xffff;
	v53 =	vadd.s32 v14, v39;
	[tilespmem:s30+$0xD90] =	vst v41  }
0x63d: {  	v41 =	vld.idx.msk [tilespmem:v44+s12+$0x0], $0xffff;
	[tilespmem:s29+$0x8820] =	vst v58;
	v58 =	vadd.s32 v34, v4;
	v44 =	vadd.s32 v34, v3  }
0x63e: {  	v54 =	vld.idx.msk [tilespmem:v54+s12+$0x0], $0xffff;
	[tilespmem:s25+$0x8810] =	vst v59  }
0x63f: {  	s18 =	sadd.s32 $0x100, s18;
	s16 =	sadd.s32 $0x400, s16;
	v61 =	vadd.s32 v5, v48;
	v59 =	vadd.s32 v5, v45;
	v43 =	vld.idx.msk [tilespmem:v43+s12+$0x0], $0xffff;
	[tilespmem:s28+$0xDE0] =	vst v42  }
0x640: {  	v62 =	vadd.s32 v26, v16;
	s8 =	sadd.s32 $0xFFFFFF80, s18;
	s13 =	sand.u32 $0x380, s18;
	s5 =	sand.u32 $0x7000, s16;
	[tilespmem:s2+$0x8410] =	vst v55;
	v55 =	vadd.s32 v26, v19;
	v49 =	vld.idx.msk [tilespmem:v49+s12+$0x0], $0xffff  }
0x641: {  	s8 =	sand.u32 $0x300, s8;
	s5 =	sor.u32 $0xD80, s5;
	v53 =	vld.idx.msk [tilespmem:v53+s12+$0x0], $0xffff;
	[tilespmem:s3+$0xDC0] =	vst v51  }
0x642: {  	s8 =	sadd.s32 s8, s5;
	s5 =	sadd.s32 s13, s5;
	v51 =	vld.idx.msk [tilespmem:v58+s12+$0x0], $0xffff  }
0x643: {  	v58 =	vadd.s32 v15, v38;
	[tilespmem:s8+$0x8000] =	vst v41;
	v41 =	vadd.s32 v15, v39;
	v50 =	vld.idx.msk [tilespmem:v50+s12+$0x0], $0xffff  }
0x644: {  	v42 =	vadd.s32 v36, v3;
	v59 =	vld.idx.msk [tilespmem:v59+s12+$0x0], $0xffff;
	[tilespmem:s29+$0x8830] =	vst v54;
	v54 =	vadd.s32 v36, v4  }
0x645: {  	[tilespmem:s5+$0x8000] =	vst v52;
	v52 =	vld.idx.msk [tilespmem:v55+s12+$0x0], $0xffff  }
0x646: {  	v63 =	vadd.s32 v6, v48;
	v55 =	vadd.s32 v6, v45;
	v61 =	vld.idx.msk [tilespmem:v61+s12+$0x0], $0xffff;
	[tilespmem:s7+$0x8410] =	vst v43  }
0x647: {  	[tilespmem:s2+$0x8420] =	vst v53;
	v43 =	vld.idx.msk [tilespmem:v56+s12+$0x0], $0xffff;
	v53 =	vadd.s32 v29, v19;
	v56 =	vadd.s32 v29, v16  }
0x648: {  	v41 =	vld.idx.msk [tilespmem:v41+s12+$0x0], $0xffff;
	[tilespmem:s3+$0xDD0] =	vst v51  }
0x649: {  	[tilespmem:s25+$0x8820] =	vst v49;
	v49 =	vld.idx.msk [tilespmem:v54+s12+$0x0], $0xffff  }
0x64a: {  	v51 =	vadd.s32 v17, v39;
	v54 =	vadd.s32 v17, v38;
	[tilespmem:s8+$0x8010] =	vst v59;
	v59 =	vld.idx.msk [tilespmem:v60+s12+$0x0], $0xffff  }
0x64b: {  	v60 =	vadd.s32 v37, v3;
	v3 =	vmov v16;
	v55 =	vld.idx.msk [tilespmem:v55+s12+$0x0], $0xffff;
	[tilespmem:s29+$0x8840] =	vst v52;
	v52 =	vadd.s32 v37, v4  }
0x64c: {  	v16 =	vmovc v38;
	v38 =	vmov v48;
	v4 =	vmov v19;
	v19 =	vmov v39;
	[tilespmem:s5+$0x8010] =	vst v61;
	v53 =	vld.idx.msk [tilespmem:v53+s12+$0x0], $0xffff  }
0x64d: {  	v48 =	vadd.s32 v7, v45;
	v61 =	vld.idx.msk [tilespmem:v63+s12+$0x0], $0xffff;
	v63 =	vadd.s32 v7, v38;
	[tilespmem:s7+$0x8420] =	vst v43  }
0x64e: {  	v39 =	vmov v45;
	v43 =	vadd.s32 v33, v4;
	[tilespmem:s2+$0x8430] =	vst v41;
	v41 =	vld.idx.msk [tilespmem:v58+s12+$0x0], $0xffff;
	v58 =	vadd.s32 v33, v3  }
0x64f: {  	v45 =	vld.idx.msk [tilespmem:v51+s12+$0x0], $0xffff;
	[tilespmem:s3+$0xDE0] =	vst v49  }
0x650: {  	[tilespmem:s25+$0x8830] =	vst v59;
	v49 =	vld.idx.msk [tilespmem:v52+s12+$0x0], $0xffff  }
0x651: {  	v51 =	vadd.s32 v18, v19;
	v52 =	vadd.s32 v18, v16;
	[tilespmem:s8+$0x8020] =	vst v55;
	v55 =	vld.idx.msk [tilespmem:v62+s12+$0x0], $0xffff  }
0x652: {  	v48 =	vld.idx.msk [tilespmem:v48+s12+$0x0], $0xffff;
	[tilespmem:s29+$0x8850] =	vst v53  }
0x653: {  	[tilespmem:s5+$0x8020] =	vst v61;
	v53 =	vld.idx.msk [tilespmem:v43+s12+$0x0], $0xffff  }
0x654: {  	v59 =	vadd.s32 v8, v39;
	v62 =	vadd.s32 v8, v38;
	v61 =	vld.idx.msk [tilespmem:v63+s12+$0x0], $0xffff;
	[tilespmem:s7+$0x8430] =	vst v41  }
0x655: {  	[tilespmem:s2+$0x8440] =	vst v45;
	v41 =	vld.idx.msk [tilespmem:v54+s12+$0x0], $0xffff;
	v45 =	vadd.s32 v35, v4;
	v54 =	vadd.s32 v35, v3  }
0x656: {  	v51 =	vld.idx.msk [tilespmem:v51+s12+$0x0], $0xffff;
	[tilespmem:s3+$0xDF0] =	vst v49  }
0x657: {  	[tilespmem:s25+$0x8840] =	vst v55;
	v43 =	vld.idx.msk [tilespmem:v40+s12+$0x0], $0xffff;
	v40 =	vmov v60  }
0x658: {  	v49 =	vadd.s32 v20, v16;
	[tilespmem:s8+$0x8030] =	vst v48;
	v48 =	vadd.s32 v20, v19;
	v55 =	vld.idx.msk [tilespmem:v56+s12+$0x0], $0xffff  }
0x659: {  	v56 =	vld.idx.msk [tilespmem:v59+s12+$0x0], $0xffff;
	[tilespmem:s29+$0x8860] =	vst v53  }
0x65a: {  	[tilespmem:s5+$0x8030] =	vst v61;
	v53 =	vld.idx.msk [tilespmem:v45+s12+$0x0], $0xffff  }
0x65b: {  	v59 =	vadd.s32 v9, v39;
	v61 =	vadd.s32 v9, v38;
	v60 =	vld.idx.msk [tilespmem:v62+s12+$0x0], $0xffff;
	[tilespmem:s7+$0x8440] =	vst v41  }
0x65c: {  	v45 =	vadd.s32 v31, v3;
	[tilespmem:s2+$0x8450] =	vst v51;
	v41 =	vld.idx.msk [tilespmem:v52+s12+$0x0], $0xffff;
	v51 =	vadd.s32 v31, v4  }
0x65d: {  	v48 =	vld.idx.msk [tilespmem:v48+s12+$0x0], $0xffff;
	[tilespmem:s30+$0xDA0] =	vst v50  }
0x65e: {  	[tilespmem:s25+$0x8850] =	vst v55;
	v46 =	vld.idx.msk [tilespmem:v46+s12+$0x0], $0xffff  }
0x65f: {  	v52 =	vadd.s32 v21, v19;
	v50 =	vadd.s32 v21, v16;
	[tilespmem:s8+$0x8040] =	vst v56;
	v55 =	vld.idx.msk [tilespmem:v58+s12+$0x0], $0xffff  }
0x660: {  	v56 =	vld.idx.msk [tilespmem:v59+s12+$0x0], $0xffff;
	[tilespmem:s29+$0x8870] =	vst v53;
	s29 =	smov.u32 s2;
	s2 =	smov.u32 s8  }
0x661: {  	[tilespmem:s5+$0x8040] =	vst v60;
	v53 =	vld.idx.msk [tilespmem:v51+s12+$0x0], $0xffff  }
0x662: {  	s10 =	sadd.s32 $0x1, s10;
	v58 =	vadd.s32 v10, v39;
	v60 =	vadd.s32 v10, v38;
	v59 =	vld.idx.msk [tilespmem:v61+s12+$0x0], $0xffff;
	[tilespmem:s7+$0x8450] =	vst v41  }
0x663: {  	s3 =	sand.u32 $0x3, s10;
	v62 =	vadd.s32 v28, v4;
	v41 =	vadd.s32 v28, v3;
	[tilespmem:s29+$0x8460] =	vst v48;
	v61 =	vld.idx.msk [tilespmem:v49+s12+$0x0], $0xffff  }
0x664: {  	s3 =	sshll.u32 s3, $0x8;
	v51 =	vld.idx.msk [tilespmem:v52+s12+$0x0], $0xffff;
	[tilespmem:s30+$0xDB0] =	vst v46  }
.Ltmp8:
0x665: {  	s3 =	sadd.s32 s3, s1;
	s1 =	smov.u32 s15;
	[tilespmem:s25+$0x8860] =	vst v55;
	v48 =	vld.idx.msk [tilespmem:v47+s12+$0x0], $0xffff;
	(pc) =	sbr.rel @p1 .LBB2_10-.Ltmp8, $4  }
0x666: {  	s15 =	smov.u32 s16;
	s3 =	sor.u32 $0x8C00, s3;
	v49 =	vadd.s32 v22, v16;
	v52 =	vadd.s32 v22, v19;
	[tilespmem:s2+$0x8050] =	vst v56;
	v47 =	vld.idx.msk [tilespmem:v54+s12+$0x0], $0xffff  }
0x667: {  	v54 =	vld.idx.msk [tilespmem:v58+s12+$0x0], $0xffff;
	[tilespmem:s3+$0xD80] =	vst v53  }
0x668: {  	[tilespmem:s5+$0x8050] =	vst v59;
	v46 =	vld.idx.msk [tilespmem:v62+s12+$0x0], $0xffff  }
0x669: {  	v56 =	vadd.s32 v11, v39;
	v53 =	vadd.s32 v11, v38;
	v55 =	vld.idx.msk [tilespmem:v60+s12+$0x0], $0xffff;
	[tilespmem:s7+$0x8460] =	vst v61  }
0x66a: {  	_ =	sdelay $0x2  }
0x66b: {  	[tilespmem:s2+$0x8060] =	vst v54  }
0x66c: {  	v5 =	vld.idx.msk [tilespmem:v56+s12+$0x0], $0xffff;
	[tilespmem:s5+$0x8060] =	vst v55  }
0x66d: {  	v6 =	vadd.s32 v12, v39;
	v7 =	vld.idx.msk [tilespmem:v53+s12+$0x0], $0xffff  }
0x66e: {  	v8 =	vadd.s32 v12, v38;
	_ =	sdelay $0x2  }
0x66f: {  	[tilespmem:s2+$0x8070] =	vst v5  }
0x670: {  	v5 =	vld.idx.msk [tilespmem:v6+s12+$0x0], $0xffff;
	[tilespmem:s5+$0x8070] =	vst v7  }
0x671: {  	v58 =	vadd.s32 v13, v39;
	v7 =	vld.idx.msk [tilespmem:v8+s12+$0x0], $0xffff  }
0x672: {  	v59 =	vadd.s32 v13, v38;
	_ =	sdelay $0x2  }
0x673: {  	[tilespmem:s2+$0x8400] =	vst v5  }
0x674: {  	v5 =	vld.idx.msk [tilespmem:v58+s12+$0x0], $0xffff;
	[tilespmem:s5+$0x8400] =	vst v7  }
0x675: {  	v60 =	vadd.s32 v14, v39;
	v7 =	vld.idx.msk [tilespmem:v59+s12+$0x0], $0xffff  }
0x676: {  	v61 =	vadd.s32 v14, v38;
	_ =	sdelay $0x2  }
0x677: {  	[tilespmem:s2+$0x8410] =	vst v5  }
0x678: {  	v5 =	vld.idx.msk [tilespmem:v60+s12+$0x0], $0xffff;
	[tilespmem:s5+$0x8410] =	vst v7  }
0x679: {  	v62 =	vadd.s32 v15, v39;
	v7 =	vld.idx.msk [tilespmem:v61+s12+$0x0], $0xffff  }
0x67a: {  	v63 =	vadd.s32 v15, v38;
	_ =	sdelay $0x2  }
0x67b: {  	[tilespmem:s2+$0x8420] =	vst v5  }
0x67c: {  	v5 =	vld.idx.msk [tilespmem:v62+s12+$0x0], $0xffff;
	[tilespmem:s5+$0x8420] =	vst v7  }
0x67d: {  	v12 =	vadd.s32 v17, v39;
	v7 =	vld.idx.msk [tilespmem:v63+s12+$0x0], $0xffff  }
0x67e: {  	v13 =	vadd.s32 v17, v38;
	_ =	sdelay $0x2  }
0x67f: {  	[tilespmem:s2+$0x8430] =	vst v5  }
0x680: {  	v5 =	vld.idx.msk [tilespmem:v12+s12+$0x0], $0xffff;
	[tilespmem:s5+$0x8430] =	vst v7  }
0x681: {  	v14 =	vadd.s32 v18, v39;
	v7 =	vld.idx.msk [tilespmem:v13+s12+$0x0], $0xffff  }
0x682: {  	v15 =	vadd.s32 v18, v38;
	_ =	sdelay $0x2  }
0x683: {  	[tilespmem:s2+$0x8440] =	vst v5  }
0x684: {  	v5 =	vld.idx.msk [tilespmem:v14+s12+$0x0], $0xffff;
	[tilespmem:s5+$0x8440] =	vst v7  }
0x685: {  	v17 =	vadd.s32 v20, v39;
	v7 =	vld.idx.msk [tilespmem:v15+s12+$0x0], $0xffff  }
0x686: {  	v18 =	vadd.s32 v20, v38;
	_ =	sdelay $0x2  }
0x687: {  	[tilespmem:s2+$0x8450] =	vst v5  }
0x688: {  	v5 =	vld.idx.msk [tilespmem:v17+s12+$0x0], $0xffff;
	[tilespmem:s5+$0x8450] =	vst v7  }
0x689: {  	v20 =	vadd.s32 v21, v39;
	v7 =	vld.idx.msk [tilespmem:v18+s12+$0x0], $0xffff  }
0x68a: {  	v21 =	vadd.s32 v21, v38;
	_ =	sdelay $0x2  }
0x68b: {  	v53 =	vld.idx.msk [tilespmem:v50+s12+$0x0], $0xffff;
	[tilespmem:s2+$0x8460] =	vst v5  }
0x68c: {  	v5 =	vld.idx.msk [tilespmem:v20+s12+$0x0], $0xffff;
	[tilespmem:s5+$0x8460] =	vst v7  }
0x68d: {  	v9 =	vadd.s32 v22, v39;
	v7 =	vld.idx.msk [tilespmem:v21+s12+$0x0], $0xffff  }
0x68e: {  	[tilespmem:s29+$0x8470] =	vst v51;
	v54 =	vadd.s32 v22, v38  }
0x68f: {  	v10 =	vld.idx.msk [tilespmem:v52+s12+$0x0], $0xffff  }
0x690: {  	v11 =	vadd.s32 v23, v19;
	[tilespmem:s7+$0x8470] =	vst v53  }
0x691: {  	v6 =	vld.idx.msk [tilespmem:v49+s12+$0x0], $0xffff;
	[tilespmem:s2+$0x8470] =	vst v5  }
0x692: {  	v56 =	vadd.s32 v23, v16;
	v5 =	vld.idx.msk [tilespmem:v9+s12+$0x0], $0xffff;
	[tilespmem:s5+$0x8470] =	vst v7  }
0x693: {  	v55 =	vadd.s32 v23, v39;
	v8 =	vld.idx.msk [tilespmem:v54+s12+$0x0], $0xffff  }
0x694: {  	[tilespmem:s29+$0x8800] =	vst v10;
	v58 =	vadd.s32 v23, v38  }
0x695: {  	v11 =	vld.idx.msk [tilespmem:v11+s12+$0x0], $0xffff  }
0x696: {  	[tilespmem:s7+$0x8800] =	vst v6;
	v59 =	vadd.s32 v24, v19  }
0x697: {  	v6 =	vld.idx.msk [tilespmem:v56+s12+$0x0], $0xffff;
	[tilespmem:s2+$0x8800] =	vst v5  }
0x698: {  	v61 =	vadd.s32 v24, v16;
	v5 =	vld.idx.msk [tilespmem:v55+s12+$0x0], $0xffff;
	[tilespmem:s5+$0x8800] =	vst v8  }
0x699: {  	v60 =	vadd.s32 v24, v39;
	v62 =	vld.idx.msk [tilespmem:v58+s12+$0x0], $0xffff  }
0x69a: {  	[tilespmem:s29+$0x8810] =	vst v11;
	v63 =	vadd.s32 v24, v38  }
0x69b: {  	v11 =	vld.idx.msk [tilespmem:v59+s12+$0x0], $0xffff  }
0x69c: {  	[tilespmem:s7+$0x8810] =	vst v6;
	v17 =	vadd.s32 v25, v19  }
0x69d: {  	v6 =	vld.idx.msk [tilespmem:v61+s12+$0x0], $0xffff;
	[tilespmem:s2+$0x8810] =	vst v5  }
0x69e: {  	v20 =	vadd.s32 v25, v16;
	v5 =	vld.idx.msk [tilespmem:v60+s12+$0x0], $0xffff;
	[tilespmem:s5+$0x8810] =	vst v62  }
0x69f: {  	v18 =	vadd.s32 v25, v39;
	v9 =	vld.idx.msk [tilespmem:v63+s12+$0x0], $0xffff  }
0x6a0: {  	[tilespmem:s29+$0x8820] =	vst v11;
	v21 =	vadd.s32 v25, v38  }
0x6a1: {  	v11 =	vld.idx.msk [tilespmem:v17+s12+$0x0], $0xffff  }
0x6a2: {  	v22 =	vadd.s32 v26, v19;
	[tilespmem:s7+$0x8820] =	vst v6  }
0x6a3: {  	v6 =	vld.idx.msk [tilespmem:v20+s12+$0x0], $0xffff;
	[tilespmem:s2+$0x8820] =	vst v5  }
0x6a4: {  	v24 =	vadd.s32 v26, v16;
	v5 =	vld.idx.msk [tilespmem:v18+s12+$0x0], $0xffff;
	[tilespmem:s5+$0x8820] =	vst v9  }
0x6a5: {  	v23 =	vadd.s32 v26, v39;
	v9 =	vld.idx.msk [tilespmem:v21+s12+$0x0], $0xffff  }
0x6a6: {  	v25 =	vadd.s32 v26, v38;
	[tilespmem:s29+$0x8830] =	vst v11  }
0x6a7: {  	v11 =	vld.idx.msk [tilespmem:v22+s12+$0x0], $0xffff  }
0x6a8: {  	v26 =	vadd.s32 v29, v19;
	[tilespmem:s7+$0x8830] =	vst v6  }
0x6a9: {  	v6 =	vld.idx.msk [tilespmem:v24+s12+$0x0], $0xffff;
	[tilespmem:s2+$0x8830] =	vst v5  }
0x6aa: {  	v50 =	vadd.s32 v29, v16;
	v5 =	vld.idx.msk [tilespmem:v23+s12+$0x0], $0xffff;
	[tilespmem:s5+$0x8830] =	vst v9  }
0x6ab: {  	v49 =	vadd.s32 v29, v39;
	v9 =	vld.idx.msk [tilespmem:v25+s12+$0x0], $0xffff  }
0x6ac: {  	v51 =	vadd.s32 v29, v38;
	[tilespmem:s29+$0x8840] =	vst v11  }
0x6ad: {  	v11 =	vld.idx.msk [tilespmem:v26+s12+$0x0], $0xffff  }
0x6ae: {  	v52 =	vadd.s32 v33, v19;
	[tilespmem:s7+$0x8840] =	vst v6  }
0x6af: {  	v6 =	vld.idx.msk [tilespmem:v50+s12+$0x0], $0xffff;
	[tilespmem:s2+$0x8840] =	vst v5  }
0x6b0: {  	v54 =	vadd.s32 v33, v16;
	v5 =	vld.idx.msk [tilespmem:v49+s12+$0x0], $0xffff;
	[tilespmem:s5+$0x8840] =	vst v9  }
0x6b1: {  	v53 =	vadd.s32 v33, v39;
	v9 =	vld.idx.msk [tilespmem:v51+s12+$0x0], $0xffff  }
0x6b2: {  	v55 =	vadd.s32 v33, v38;
	[tilespmem:s29+$0x8850] =	vst v11  }
0x6b3: {  	[tilespmem:s30+$0xDC0] =	vst v48;
	v11 =	vld.idx.msk [tilespmem:v52+s12+$0x0], $0xffff  }
0x6b4: {  	v56 =	vadd.s32 v35, v19;
	[tilespmem:s7+$0x8850] =	vst v6  }
0x6b5: {  	v6 =	vld.idx.msk [tilespmem:v54+s12+$0x0], $0xffff;
	[tilespmem:s2+$0x8850] =	vst v5  }
0x6b6: {  	v59 =	vadd.s32 v35, v16;
	v5 =	vld.idx.msk [tilespmem:v53+s12+$0x0], $0xffff;
	[tilespmem:s5+$0x8850] =	vst v9  }
0x6b7: {  	[tilespmem:s28+$0xDF0] =	vst v43;
	v58 =	vadd.s32 v35, v39;
	v9 =	vld.idx.msk [tilespmem:v55+s12+$0x0], $0xffff  }
0x6b8: {  	v61 =	vadd.s32 v35, v38;
	[tilespmem:s29+$0x8860] =	vst v11  }
0x6b9: {  	[tilespmem:s25+$0x8870] =	vst v47;
	v12 =	vld.idx.msk [tilespmem:v56+s12+$0x0], $0xffff  }
0x6ba: {  	v60 =	vld.idx.msk [tilespmem:v44+s12+$0x0], $0xffff;
	v18 =	vadd.s32 v31, v19;
	[tilespmem:s7+$0x8860] =	vst v6  }
0x6bb: {  	v62 =	vadd.s32 v27, v4;
	v6 =	vld.idx.msk [tilespmem:v59+s12+$0x0], $0xffff;
	[tilespmem:s2+$0x8860] =	vst v5  }
0x6bc: {  	v21 =	vadd.s32 v31, v16;
	v5 =	vld.idx.msk [tilespmem:v58+s12+$0x0], $0xffff;
	[tilespmem:s5+$0x8860] =	vst v9  }
0x6bd: {  	s8 =	sadd.s32 $0x2, s0;
	[tilespmem:s3+$0xD90] =	vst v46;
	v20 =	vadd.s32 v31, v39;
	v9 =	vld.idx.msk [tilespmem:v61+s12+$0x0], $0xffff  }
0x6be: {  	s11 =	sadd.s32 $0x400, s11;
	s10 =	sadd.s32 $0x1, s10;
	s0 =	sand.u32 $0x7, s8;
	v63 =	vld.idx.msk [tilespmem:v45+s12+$0x0], $0xffff;
	[tilespmem:s29+$0x8870] =	vst v12;
	v23 =	vadd.s32 v31, v38  }
0x6bf: {  	s13 =	sand.u32 $0x3, s10;
	s8 =	sadd.s32 $0x2, s8;
	s16 =	sadd.s32 $0x1, s10;
	[tilespmem:s30+$0xDD0] =	vst v60;
	v25 =	vld.idx.msk [tilespmem:v18+s12+$0x0], $0xffff  }
0x6c0: {  	s18 =	sadd.s32 $0x400, s11;
	s0 =	sshll.u32 s0, $0x7;
	s13 =	sshll.u32 s13, $0x8;
	v26 =	vadd.s32 v28, v19;
	v22 =	vld.idx.msk [tilespmem:v62+s12+$0x0], $0xffff;
	[tilespmem:s7+$0x8870] =	vst v6  }
0x6c1: {  	s0 =	sadd.s32 s0, s11;
	s1 =	sadd.s32 s13, s1;
	s13 =	sand.u32 $0x7, s8;
	v24 =	vadd.s32 v30, v4;
	v6 =	vld.idx.msk [tilespmem:v21+s12+$0x0], $0xffff;
	[tilespmem:s2+$0x8870] =	vst v5  }
0x6c2: {  	s8 =	sadd.s32 $0x2, s8;
	s0 =	sor.u32 $0x8C00, s0;
	s1 =	sor.u32 $0x8C00, s1;
	v31 =	vadd.s32 v28, v16;
	v5 =	vld.idx.msk [tilespmem:v20+s12+$0x0], $0xffff;
	[tilespmem:s5+$0x8870] =	vst v9  }
0x6c3: {  	s25 =	sand.u32 $0x7, s8;
	v29 =	vadd.s32 v28, v39;
	[tilespmem:s0+$0xD80] =	vst v63;
	s7 =	sand.u32 $0x3, s16;
	s2 =	sshll.u32 s13, $0x7;
	v9 =	vld.idx.msk [tilespmem:v23+s12+$0x0], $0xffff  }
0x6c4: {  	v33 =	vadd.s32 v28, v38;
	v43 =	vld.idx.msk [tilespmem:v41+s12+$0x0], $0xffff;
	s29 =	sadd.s32 $0x400, s18;
	s7 =	sshll.u32 s7, $0x8;
	[tilespmem:s1+$0xD80] =	vst v25;
	s19 =	sadd.s32 s2, s18  }
0x6c5: {  	[tilespmem:s3+$0xDA0] =	vst v22;
	s20 =	sadd.s32 s7, s15;
	s7 =	sshll.u32 s25, $0x7;
	v35 =	vld.idx.msk [tilespmem:v26+s12+$0x0], $0xffff;
	s31 =	sor.u32 $0x8C00, s19  }
0x6c6: {  	v44 =	vadd.s32 v27, v19;
	v10 =	vld.idx.msk [tilespmem:v24+s12+$0x0], $0xffff;
	s7 =	sadd.s32 s7, s29;
	s2 =	sor.u32 $0x8C00, s20;
	[tilespmem:s31+$0xD80] =	vst v6  }
0x6c7: {  	v45 =	vadd.s32 v27, v3;
	s7 =	sor.u32 $0x8C00, s7;
	v47 =	vld.idx.msk [tilespmem:v31+s12+$0x0], $0xffff;
	[tilespmem:s2+$0xD80] =	vst v5  }
0x6c8: {  	v49 =	vadd.s32 v27, v16;
	v46 =	vld.idx.msk [tilespmem:v29+s12+$0x0], $0xffff;
	[tilespmem:s7+$0xD80] =	vst v9  }
0x6c9: {  	v48 =	vadd.s32 v27, v39;
	[tilespmem:s0+$0xD90] =	vst v43;
	v50 =	vld.idx.msk [tilespmem:v33+s12+$0x0], $0xffff  }
0x6ca: {  	v52 =	vadd.s32 v27, v38;
	v51 =	vld.idx.msk [tilespmem:v42+s12+$0x0], $0xffff;
	[tilespmem:s1+$0xD90] =	vst v35  }
0x6cb: {  	[tilespmem:s3+$0xDB0] =	vst v10;
	v53 =	vadd.s32 v32, v4;
	v54 =	vld.idx.msk [tilespmem:v44+s12+$0x0], $0xffff  }
0x6cc: {  	v55 =	vadd.s32 v30, v19;
	v5 =	vld.idx.msk [tilespmem:v45+s12+$0x0], $0xffff;
	[tilespmem:s31+$0xD90] =	vst v47  }
0x6cd: {  	v56 =	vadd.s32 v30, v3;
	v59 =	vld.idx.msk [tilespmem:v49+s12+$0x0], $0xffff;
	[tilespmem:s2+$0xD90] =	vst v46  }
0x6ce: {  	v61 =	vadd.s32 v30, v16;
	v58 =	vld.idx.msk [tilespmem:v48+s12+$0x0], $0xffff;
	[tilespmem:s7+$0xD90] =	vst v50  }
0x6cf: {  	v60 =	vadd.s32 v30, v39;
	[tilespmem:s30+$0xDE0] =	vst v51;
	v62 =	vld.idx.msk [tilespmem:v52+s12+$0x0], $0xffff  }
0x6d0: {  	v18 =	vadd.s32 v30, v38;
	v63 =	vld.idx.msk [tilespmem:v53+s12+$0x0], $0xffff;
	[tilespmem:s1+$0xDA0] =	vst v54  }
0x6d1: {  	v21 =	vld.idx.msk [tilespmem:v55+s12+$0x0], $0xffff;
	v20 =	vadd.s32 v34, v4;
	[tilespmem:s0+$0xDA0] =	vst v5  }
0x6d2: {  	v22 =	vadd.s32 v32, v19;
	v6 =	vld.idx.msk [tilespmem:v56+s12+$0x0], $0xffff;
	[tilespmem:s31+$0xDA0] =	vst v59  }
0x6d3: {  	v23 =	vadd.s32 v32, v3;
	v25 =	vld.idx.msk [tilespmem:v61+s12+$0x0], $0xffff;
	[tilespmem:s2+$0xDA0] =	vst v58  }
0x6d4: {  	v27 =	vadd.s32 v32, v16;
	v24 =	vld.idx.msk [tilespmem:v60+s12+$0x0], $0xffff;
	[tilespmem:s7+$0xDA0] =	vst v62  }
0x6d5: {  	v26 =	vadd.s32 v32, v39;
	[tilespmem:s3+$0xDC0] =	vst v63;
	v28 =	vld.idx.msk [tilespmem:v18+s12+$0x0], $0xffff  }
0x6d6: {  	v30 =	vadd.s32 v32, v38;
	[tilespmem:s1+$0xDB0] =	vst v21;
	v29 =	vld.idx.msk [tilespmem:v20+s12+$0x0], $0xffff  }
0x6d7: {  	v32 =	vld.idx.msk [tilespmem:v22+s12+$0x0], $0xffff;
	v31 =	vadd.s32 v36, v4;
	[tilespmem:s0+$0xDB0] =	vst v6  }
0x6d8: {  	v33 =	vadd.s32 v34, v19;
	v7 =	vld.idx.msk [tilespmem:v23+s12+$0x0], $0xffff;
	[tilespmem:s31+$0xDB0] =	vst v25  }
0x6d9: {  	v35 =	vadd.s32 v34, v3;
	v42 =	vld.idx.msk [tilespmem:v27+s12+$0x0], $0xffff;
	[tilespmem:s2+$0xDB0] =	vst v24  }
0x6da: {  	v44 =	vadd.s32 v34, v16;
	v41 =	vld.idx.msk [tilespmem:v26+s12+$0x0], $0xffff;
	[tilespmem:s7+$0xDB0] =	vst v28  }
0x6db: {  	v43 =	vadd.s32 v34, v39;
	[tilespmem:s3+$0xDD0] =	vst v29;
	v5 =	vld.idx.msk [tilespmem:v30+s12+$0x0], $0xffff  }
0x6dc: {  	v45 =	vadd.s32 v34, v38;
	[tilespmem:s1+$0xDC0] =	vst v32;
	v13 =	vld.idx.msk [tilespmem:v31+s12+$0x0], $0xffff  }
0x6dd: {  	v46 =	vadd.s32 v37, v4;
	v47 =	vld.idx.msk [tilespmem:v33+s12+$0x0], $0xffff;
	[tilespmem:s0+$0xDC0] =	vst v7  }
0x6de: {  	v48 =	vadd.s32 v36, v19;
	v8 =	vld.idx.msk [tilespmem:v35+s12+$0x0], $0xffff;
	[tilespmem:s31+$0xDC0] =	vst v42  }
0x6df: {  	v49 =	vadd.s32 v36, v3;
	v51 =	vld.idx.msk [tilespmem:v44+s12+$0x0], $0xffff;
	[tilespmem:s2+$0xDC0] =	vst v41  }
0x6e0: {  	v53 =	vadd.s32 v36, v16;
	v50 =	vld.idx.msk [tilespmem:v43+s12+$0x0], $0xffff;
	[tilespmem:s7+$0xDC0] =	vst v5  }
0x6e1: {  	v52 =	vadd.s32 v36, v39;
	[tilespmem:s3+$0xDE0] =	vst v13;
	v6 =	vld.idx.msk [tilespmem:v45+s12+$0x0], $0xffff  }
0x6e2: {  	v54 =	vadd.s32 v36, v38;
	v4 =	vld.idx.msk [tilespmem:v46+s12+$0x0], $0xffff;
	[tilespmem:s1+$0xDD0] =	vst v47  }
0x6e3: {  	v55 =	vld.idx.msk [tilespmem:v48+s12+$0x0], $0xffff;
	[tilespmem:s0+$0xDD0] =	vst v8  }
0x6e4: {  	v56 =	vadd.s32 v37, v19;
	v9 =	vld.idx.msk [tilespmem:v49+s12+$0x0], $0xffff;
	[tilespmem:s31+$0xDD0] =	vst v51  }
0x6e5: {  	v3 =	vadd.s32 v37, v3;
	v5 =	vld.idx.msk [tilespmem:v53+s12+$0x0], $0xffff;
	[tilespmem:s2+$0xDD0] =	vst v50  }
0x6e6: {  	v59 =	vadd.s32 v37, v16;
	v10 =	vld.idx.msk [tilespmem:v52+s12+$0x0], $0xffff;
	[tilespmem:s7+$0xDD0] =	vst v6  }
0x6e7: {  	v58 =	vadd.s32 v37, v39;
	[tilespmem:s3+$0xDF0] =	vst v4;
	v6 =	vld.idx.msk [tilespmem:v54+s12+$0x0], $0xffff  }
0x6e8: {  	v61 =	vadd.s32 v37, v38;
	v60 =	vld.idx.msk [tilespmem:v40+s12+$0x0], $0xffff;
	[tilespmem:s1+$0xDE0] =	vst v55  }
0x6e9: {  	v62 =	vld.idx.msk [tilespmem:v56+s12+$0x0], $0xffff;
	[tilespmem:s0+$0xDE0] =	vst v9  }
0x6ea: {  	v3 =	vld.idx.msk [tilespmem:v3+s12+$0x0], $0xffff;
	[tilespmem:s31+$0xDE0] =	vst v5  }
0x6eb: {  	v4 =	vld.idx.msk [tilespmem:v59+s12+$0x0], $0xffff;
	[tilespmem:s2+$0xDE0] =	vst v10  }
0x6ec: {  	v63 =	vld.idx.msk [tilespmem:v58+s12+$0x0], $0xffff;
	[tilespmem:s7+$0xDE0] =	vst v6  }
0x6ed: {  	[tilespmem:s30+$0xDF0] =	vst v60;
	v6 =	vld.idx.msk [tilespmem:v61+s12+$0x0], $0xffff  }
.Ltmp9:
0x6ee: {  	[tilespmem:s1+$0xDF0] =	vst v62;
	(pc) =	sbr.rel .LBB2_12-.Ltmp9, $4  }
0x6ef: {  	[tilespmem:s0+$0xDF0] =	vst v3  }
0x6f0: {  	[tilespmem:s31+$0xDF0] =	vst v4  }
0x6f1: {  	[tilespmem:s2+$0xDF0] =	vst v63  }
0x6f2: {  	s25 =	simm.s32 $0x8D80;
	[tilespmem:s7+$0xDF0] =	vst v6  }
.LBB2_14:
0x6f3: {  	_ =	sfence.sel $0x180000  }
0x6f4: {  	[bflag:$0x0] =	sbarrier.arrive $0xFFFF  }
0x6f5: {  	_ =	strace $0x90000047  }
0x6f6: {  	s0 =	stileid.u32;
	[bflag:$0x2] =	sbarrier.arrive $0xFFFF  }
0x6f7: {  	p0 =	sne.s32 s0, $0x0;
	s0 =	rddreg [dreg:$0x6]  }
0x6f8: {  	s0 =	sadd.s32 @!p0 $0x100000, s0  }
0x6f9: {  	[sflag:s0] =	ssyncadd.tile.s32 @!p0 $0x1;
	_ =	shalt  }
.Lfunc_end2:
_tile_overlayer_lowered:
.L_overlay_start_2:
0x6fa: {  	(tag) =	ssettag $0x2  }
0x6fb: {  	s0 =	rddreg [dreg:$0x0];
	s2 =	stileid.u32  }
0x6fc: {  	s1 =	rddreg [dreg:$0x1];
	p0 =	sne.s32 s2, $0x0  }
0x6fd: {  	s3 =	rddreg [dreg:$0x2];
	[bflag:$0x3] =	sbarrier.arrive $0xFFFF;
	s2 =	simm.s32 @!p0 $0x1C04  }
0x6fe: {  	[timem:s3], [sflag:s2] =	dma.local @!p0 [hbm:s0], s1  }
0x6ff: {  	s0 =	simm.s32 @!p0 $0x4  }
0x700: {  	_ =	swait.ge @!p0 [sflag:s0], s1  }
0x701: {  	s1 =	ssub.s32 @!p0 $0x0, s1;
	[sflag:s0] =	ssyncset.done @!p0 $0x0  }
0x702: {  	[sflag:s0] =	ssyncadd.s32 @!p0 s1  }
0x703: {  	[bflag:$0x3] =	sbarrier.arrive $0xFFFF  }
0x704: {  	_ =	shalt  }

</sc_bundles>
